<compile_context>
chip_gen: v7x
topology: tpu7x:2x2x1
jax: 0.10.2.dev20260603
libtpu: 0.0.44.dev20260713+nightly
codegen_flags: <defaults>
</compile_context>

<pallas_src>
import functools

import jax
import jax.numpy as jnp
from jax import lax
from jax.experimental import pallas as pl
from jax.experimental.pallas import tpu as pltpu
from jax.experimental.pallas import tpu_sc as plsc

N = 320000
S = 10000
C = 64
NW = 32
Q = N // NW
T = 400
NT = Q // T
TD = 400
NTD = Q // TD
NEG = -3.0e38

_SC_PARAMS = pltpu.CompilerParams(use_tc_tiling_on_sc=False)
_MESH = dict(core_axis_name="c", subcore_axis_name="s")


def _mm_kernel(x_ref, w_ref, o_ref, ps_ref, pq_ref):
    i = pl.program_id(0)
    xw = lax.dot_general(x_ref[...], w_ref[...], (((1,), (1,)), ((), ())),
                         preferred_element_type=jnp.float32)
    o_ref[...] = xw

    @pl.when(i == 0)
    def _():
        ps_ref[...] = jnp.zeros_like(ps_ref)
        pq_ref[...] = jnp.zeros_like(pq_ref)

    ps_ref[...] += jnp.sum(xw, axis=0, keepdims=True)
    pq_ref[...] += jnp.sum(xw * xw, axis=0, keepdims=True)


def _matmul_stats(inputs, W):
    R = 512
    return pl.pallas_call(
        _mm_kernel,
        grid=(N // R,),
        in_specs=[
            pl.BlockSpec((R, 128), lambda i: (i, 0)),
            pl.BlockSpec((C, 128), lambda i: (0, 0)),
        ],
        out_specs=[
            pl.BlockSpec((R, C), lambda i: (i, 0)),
            pl.BlockSpec((1, C), lambda i: (0, 0)),
            pl.BlockSpec((1, C), lambda i: (0, 0)),
        ],
        out_shape=[
            jax.ShapeDtypeStruct((N, C), jnp.float32),
            jax.ShapeDtypeStruct((1, C), jnp.float32),
            jax.ShapeDtypeStruct((1, C), jnp.float32),
        ],
    )(inputs, W)


def _scan_kernel(x_hbm, ids_hbm, sc_hbm, sh_hbm, pw_hbm, a_hbm, hyb_ref,
                 parts_hbm, xv, ids_s, ids_sh, ssum, smax, scnt, sid, scv,
                 shv, pwv, av, fbuf, drain, sem):
    w = lax.axis_index("s") * 2 + lax.axis_index("c")
    base = w * Q

    pltpu.sync_copy(sc_hbm, scv)
    pltpu.sync_copy(sh_hbm, shv)
    pltpu.sync_copy(pw_hbm, pwv)
    pltpu.sync_copy(a_hbm, av)
    sc = [scv[pl.ds(16 * c, 16)] for c in range(4)]
    sh = [shv[pl.ds(16 * c, 16)] for c in range(4)]
    pw = [pwv[pl.ds(16 * c, 16)] for c in range(4)]
    avec = av[...]
    bvec = 1.0 - avec
    zero16 = jnp.zeros((16,), jnp.float32)
    neg16 = jnp.full((16,), NEG, jnp.float32)

    def save_entry(e, ksum, kmax, kcnt, kidf):
        for c in range(4):
            fbuf[pl.ds(16 * c, 16)] = ksum[c]
        pltpu.sync_copy(fbuf, parts_hbm.at[pl.ds((w * 2 + e) * 192, 64)])
        for c in range(4):
            fbuf[pl.ds(16 * c, 16)] = kmax[c]
        pltpu.sync_copy(fbuf, parts_hbm.at[pl.ds((w * 2 + e) * 192 + 64, 64)])
        fbuf[pl.ds(0, 16)] = kcnt
        fbuf[pl.ds(16, 16)] = kidf
        fbuf[pl.ds(32, 16)] = zero16
        fbuf[pl.ds(48, 16)] = zero16
        pltpu.sync_copy(fbuf, parts_hbm.at[pl.ds((w * 2 + e) * 192 + 128, 64)])

    def tile_body(t, carry):
        prev, flag, cnt_s, s0, s1, s2, s3, m0, m1, m2, m3 = carry
        accs = [s0, s1, s2, s3]
        accm = [m0, m1, m2, m3]
        r0 = base + t * T
        pltpu.sync_copy(x_hbm.at[pl.ds(r0 * C, T * C)], xv)
        pltpu.sync_copy(ids_hbm.at[pl.ds(r0, T)], ids_sh.at[w])
        pltpu.sync_copy(ids_sh.at[w], ids_s)
        prev = jnp.where(t == 0, ids_s[0], prev)
        cursor = jnp.int32(0)

        def row(r, gc):
            prev, cursor, cnt_s, s0, s1, s2, s3, m0, m1, m2, m3 = gc
            accs = [s0, s1, s2, s3]
            accm = [m0, m1, m2, m3]
            rid = ids_s[r]
            same = rid == prev
            diff = jnp.logical_not(same)

            @pl.when(diff)
            def _():
                for c in range(4):
                    ssum[pl.ds(cursor * C + 16 * c, 16)] = accs[c]
                    smax[pl.ds(cursor * C + 16 * c, 16)] = accm[c]
                scnt[pl.ds(cursor * 16, 16)] = jnp.full((16,), cnt_s,
                                                        jnp.float32)
                sid[pl.ds(cursor * 16, 16)] = jnp.full((16,), prev, jnp.int32)

            cursor = jnp.where(same, cursor, cursor + 1)
            for c in range(4):
                xc = xv[pl.ds(r * C + 16 * c, 16)]
                tc = xc * sc[c] + sh[c]
                yc = jnp.maximum(tc, pw[c] * tc)
                accs[c] = jnp.where(same, accs[c] + yc, yc)
                accm[c] = jnp.maximum(jnp.where(same, accm[c], neg16), yc)
            cnt_s = jnp.where(same, cnt_s + 1.0, 1.0)
            prev = rid
            return (prev, cursor, cnt_s) + tuple(accs) + tuple(accm)

        gc = (prev, cursor, cnt_s) + tuple(accs) + tuple(accm)
        gc = lax.fori_loop(0, T, row, gc, unroll=8)
        prev, cursor, cnt_s = gc[0], gc[1], gc[2]
        accs, accm = list(gc[3:7]), list(gc[7:11])

        ncomp = cursor
        do_save = jnp.logical_and(flag == 1, ncomp > 0)

        @pl.when(do_save)
        def _():
            k0sum = [ssum[pl.ds(16 * c, 16)] for c in range(4)]
            k0max = [smax[pl.ds(16 * c, 16)] for c in range(4)]
            k0cnt = scnt[pl.ds(0, 16)]
            k0idf = sid[pl.ds(0, 16)].astype(jnp.float32)
            save_entry(0, k0sum, k0max, k0cnt, k0idf)

        lo = jnp.where(do_save, 1, 0)
        flag = jnp.where(ncomp > 0, 0, flag)

        def slot_fn(k, nio):
            cn = scnt[pl.ds(k * 16, 16)]
            inv = bvec / jnp.maximum(cn, 1.0)
            for c in range(4):
                h = (smax[pl.ds(k * C + 16 * c, 16)] * avec
                     + ssum[pl.ds(k * C + 16 * c, 16)] * inv)
                ssum[pl.ds(k * C + 16 * c, 16)] = h
            tgt = sid[pl.ds(k * 16, 16)][0]
            pltpu.async_copy(ssum.at[pl.ds(k * C, C)],
                             hyb_ref.at[pl.ds(tgt * C, C)], sem)
            return nio + 1

        nissued = lax.fori_loop(lo, ncomp, slot_fn, jnp.int32(0))

        def drain_fn(k, _):
            pltpu.make_async_copy(parts_hbm.at[pl.ds(0, C)], drain, sem).wait()
            return 0

        lax.fori_loop(0, nissued, drain_fn, 0)
        return (prev, flag, cnt_s) + tuple(accs) + tuple(accm)

    init = (jnp.int32(-1), jnp.int32(1), jnp.float32(0.0),
            zero16, zero16, zero16, zero16, neg16, neg16, neg16, neg16)
    carry = lax.fori_loop(0, NT, tile_body, init)
    prev, flag, cnt_s = carry[0], carry[1], carry[2]
    accs, accm = list(carry[3:7]), list(carry[7:11])
    cnt16 = jnp.full((16,), cnt_s, jnp.float32)
    pidf = jnp.full((16,), prev, jnp.int32).astype(jnp.float32)

    @pl.when(flag == 1)
    def _():
        save_entry(0, accs, accm, cnt16, pidf)
        save_entry(1, accs, accm, cnt16, jnp.full((16,), -1.0, jnp.float32))

    @pl.when(flag == 0)
    def _():
        save_entry(1, accs, accm, cnt16, pidf)


def _run_scan(x_flat, ids, scale, shift, pw, a16, hyb_ref):
    f = functools.partial(
        pl.kernel,
        out_type=jax.ShapeDtypeStruct((NW * 2 * 192,), jnp.float32),
        mesh=plsc.VectorSubcoreMesh(**_MESH),
        compiler_params=_SC_PARAMS,
        scratch_types=[
            pltpu.VMEM((T * C,), jnp.float32),
            pltpu.SMEM((T,), jnp.int32),
            pltpu.VMEM_SHARED((NW, T), jnp.int32),
            pltpu.VMEM(((T + 1) * C,), jnp.float32),
            pltpu.VMEM(((T + 1) * C,), jnp.float32),
            pltpu.VMEM(((T + 1) * 16,), jnp.float32),
            pltpu.VMEM(((T + 1) * 16,), jnp.int32),
            pltpu.VMEM((C,), jnp.float32),
            pltpu.VMEM((C,), jnp.float32),
            pltpu.VMEM((C,), jnp.float32),
            pltpu.VMEM((16,), jnp.float32),
            pltpu.VMEM((C,), jnp.float32),
            pltpu.VMEM((C,), jnp.float32),
            pltpu.SemaphoreType.DMA,
        ],
    )(_scan_kernel)
    return f(x_flat, ids, scale, shift, pw, a16, hyb_ref)


def _merge_kernel(parts_hbm, a_hbm, hyb_ref, dummy_out, pv, av, wbuf, sem):
    w = lax.axis_index("s") * 2 + lax.axis_index("c")

    @pl.when(w == 0)
    def _():
        pltpu.sync_copy(parts_hbm, pv)
        pltpu.sync_copy(a_hbm, av)
        avec = av[...]
        bvec = 1.0 - avec
        neg16 = jnp.full((16,), NEG, jnp.float32)
        zero16 = jnp.zeros((16,), jnp.float32)

        def flush(gidf_v, gcnt, gs, gm):
            inv = bvec / jnp.maximum(gcnt, 1.0)
            for c in range(4):
                wbuf[pl.ds(16 * c, 16)] = gm[c] * avec + gs[c] * inv
            gid = gidf_v[0].astype(jnp.int32)
            pltpu.sync_copy(wbuf, hyb_ref.at[pl.ds(gid * C, C)])

        def body(i, carry):
            gidf_v, gcnt, g0, g1, g2, g3, h0, h1, h2, h3 = carry
            gs = [g0, g1, g2, g3]
            gm = [h0, h1, h2, h3]
            cn = pv[pl.ds(i * 192 + 128, 16)]
            idf_v = pv[pl.ds(i * 192 + 144, 16)]
            idf = idf_v[0]
            gidf = gidf_v[0]
            valid = idf >= 0.0
            same = jnp.logical_and(valid, idf == gidf)
            start = jnp.logical_and(valid, jnp.logical_not(same))

            @pl.when(jnp.logical_and(start, gidf >= 0.0))
            def _():
                flush(gidf_v, gcnt, gs, gm)

            nsum = []
            nmax = []
            for c in range(4):
                es = pv[pl.ds(i * 192 + 16 * c, 16)]
                em = pv[pl.ds(i * 192 + 64 + 16 * c, 16)]
                nsum.append(jnp.where(same, gs[c] + es,
                                      jnp.where(valid, es, gs[c])))
                nmax.append(jnp.where(same, jnp.maximum(gm[c], em),
                                      jnp.where(valid, em, gm[c])))
            ncnt = jnp.where(same, gcnt + cn, jnp.where(valid, cn, gcnt))
            ngid = jnp.where(valid, idf_v, gidf_v)
            return (ngid, ncnt) + tuple(nsum) + tuple(nmax)

        init = (jnp.full((16,), -1.0, jnp.float32), zero16,
                zero16, zero16, zero16, zero16, neg16, neg16, neg16, neg16)
        carry = lax.fori_loop(0, NW * 2, body, init)
        gidf_v, gcnt = carry[0], carry[1]
        gs, gm = list(carry[2:6]), list(carry[6:10])

        @pl.when(gidf_v[0] >= 0.0)
        def _():
            flush(gidf_v, gcnt, gs, gm)

        pltpu.sync_copy(av, dummy_out)


def _run_merge(parts, a16, hyb_ref):
    f = functools.partial(
        pl.kernel,
        out_type=jax.ShapeDtypeStruct((16,), jnp.float32),
        mesh=plsc.VectorSubcoreMesh(**_MESH),
        compiler_params=_SC_PARAMS,
        scratch_types=[
            pltpu.VMEM((NW * 2 * 192,), jnp.float32),
            pltpu.VMEM((16,), jnp.float32),
            pltpu.VMEM((C,), jnp.float32),
            pltpu.SemaphoreType.DMA,
        ],
    )(_merge_kernel)
    return f(parts, a16, hyb_ref)


def _gather_kernel(hyb_hbm, ids_hbm, dummy, out_hbm, idxv, rows, sem):
    w = lax.axis_index("s") * 2 + lax.axis_index("c")
    base = w * Q
    del dummy

    def tile(t, _):
        r0 = base + t * TD
        pltpu.sync_copy(ids_hbm.at[pl.ds(r0, TD)], idxv)
        cps = []
        for (o, L) in ((0, 128), (128, 128), (256, 128), (384, 16)):
            cps.append(pltpu.async_copy(
                hyb_hbm.at[idxv.at[pl.ds(o, L)]],
                rows.at[pl.ds(o, L)], sem))
        for cp in cps:
            cp.wait()
        pltpu.sync_copy(rows, out_hbm.at[pl.ds(r0, TD)])
        return 0

    lax.fori_loop(0, NTD, tile, 0)


def _run_gather(hyb2d, ids, dummy):
    f = functools.partial(
        pl.kernel,
        out_type=jax.ShapeDtypeStruct((N, C), jnp.float32),
        mesh=plsc.VectorSubcoreMesh(**_MESH),
        compiler_params=_SC_PARAMS,
        scratch_types=[
            pltpu.VMEM((TD,), jnp.int32),
            pltpu.VMEM((TD, C), jnp.float32),
            pltpu.SemaphoreType.DMA,
        ],
    )(_gather_kernel)
    return f(hyb2d, ids, dummy)


def _fin_kernel(x_ref, h_ref, sc_ref, sh_ref, pw_ref, o_ref):
    y = x_ref[...] * sc_ref[...] + sh_ref[...]
    y = jnp.where(y > 0, y, pw_ref[...] * y)
    o_ref[...] = jnp.concatenate([y, h_ref[...]], axis=1)


def _finish(x, hyb_exp, scale, shift, pw):
    R = 512
    return pl.pallas_call(
        _fin_kernel,
        grid=(N // R,),
        in_specs=[
            pl.BlockSpec((R, C), lambda i: (i, 0)),
            pl.BlockSpec((R, C), lambda i: (i, 0)),
            pl.BlockSpec((1, C), lambda i: (0, 0)),
            pl.BlockSpec((1, C), lambda i: (0, 0)),
            pl.BlockSpec((1, C), lambda i: (0, 0)),
        ],
        out_specs=pl.BlockSpec((R, 2 * C), lambda i: (i, 0)),
        out_shape=jax.ShapeDtypeStruct((N, 2 * C), jnp.float32),
    )(x, hyb_exp, scale.reshape(1, C), shift.reshape(1, C), pw.reshape(1, C))


def kernel(inputs, unq_inv, W, gamma, beta, prelu_w, alpha):
    x, psum, psumsq = _matmul_stats(inputs, W)
    mean = psum[0] / N
    var = psumsq[0] / N - mean * mean
    scale = gamma * lax.rsqrt(var + 1e-3)
    shift = beta - mean * scale
    a = jax.nn.sigmoid(alpha)
    a16 = jnp.full((16,), a, jnp.float32)

    hyb_ref = jax.new_ref(jnp.zeros(((S + 8) * C,), jnp.float32))
    parts = _run_scan(x.reshape(N * C), unq_inv, scale, shift, prelu_w, a16,
                      hyb_ref)
    dummy = _run_merge(parts, a16, hyb_ref)
    hyb2d = hyb_ref[...].reshape(S + 8, C)
    hyb_exp = _run_gather(hyb2d, unq_inv, dummy)
    return _finish(x, hyb_exp, scale, shift, prelu_w)

# --- scband reference (transcript-rebuilt; emitter-appended) ---
"""Pipeline reference for scband-pfnlayer-63977832841496 (READ-ONLY COPY).

The authoritative reference and input builder live on the scoring server;
editing this copy changes nothing except your own understanding.
"""

import jax, jax.numpy as jnp
import numpy as np

N = 320000
NUM_SEG = 10000
IN_C = 128
UNITS = 64  # out_channels // 2 since last_layer=False


def setup_inputs(seed: int = 0) -> dict:
    key = jax.random.key(seed)
    k1, k2, k3 = jax.random.split(key, 3)
    inputs = jax.random.normal(k1, (N, IN_C), dtype=jnp.float32)
    unq_inv = jnp.sort(jax.random.randint(k2, (N,), 0, NUM_SEG, dtype=jnp.int32))
    W = jax.random.normal(k3, (UNITS, IN_C), dtype=jnp.float32) * (1.0 / np.sqrt(IN_C))
    gamma = jnp.ones((UNITS,), jnp.float32)
    beta = jnp.zeros((UNITS,), jnp.float32)
    prelu_w = jnp.full((UNITS,), 0.25, jnp.float32)
    alpha = jnp.array(0.0, jnp.float32)
    return {"inputs": inputs, "unq_inv": unq_inv, "W": W, "gamma": gamma,
            "beta": beta, "prelu_w": prelu_w, "alpha": alpha}


def reference(inputs, unq_inv, W, gamma, beta, prelu_w, alpha):
    # linear (no bias)
    x = inputs @ W.T
    # BatchNorm1d in training mode (batch stats), eps=0.001
    mean = jnp.mean(x, axis=0)
    var = jnp.var(x, axis=0)
    x = (x - mean) / jnp.sqrt(var + 1e-3) * gamma + beta
    # PReLU with per-channel weight
    x = jnp.where(x > 0, x, prelu_w * x)
    # scatter_max over segments
    feat_max = jax.ops.segment_max(x, unq_inv, num_segments=NUM_SEG)
    counts = jax.ops.segment_sum(jnp.ones((x.shape[0],), jnp.float32), unq_inv, num_segments=NUM_SEG)
    feat_max = jnp.where(counts[:, None] > 0, feat_max, 0.0)
    # scatter_mean over segments
    feat_sum = jax.ops.segment_sum(x, unq_inv, num_segments=NUM_SEG)
    feat_mean = feat_sum / jnp.clip(counts, 1.0)[:, None]
    a = jax.nn.sigmoid(alpha)
    feat_hybrid = a * feat_max + (1.0 - a) * feat_mean
    # last_layer=False -> concat pointwise features with gathered hybrid features
    return jnp.concatenate([x, feat_hybrid[unq_inv]], axis=1)

if __name__ == "__main__":
    import jax
    _d = setup_inputs()
    print(jax.jit(kernel)(*tuple(_d.values())))

</pallas_src>

<mosaic_0001>
#map = affine_map<(d0, d1) -> (0)>
module attributes {stable_mosaic.version = 14 : i64} {
  func.func @new_body(%arg0: i32, %arg1: i32, %arg2: memref<12288xf32, #tpu.memory_space<hbm>>, %arg3: memref<16xf32, #tpu.memory_space<hbm>>, %arg4: memref<640512xf32, #tpu.memory_space<hbm>>, %arg5: memref<16xf32, #tpu.memory_space<hbm>>, %arg6: memref<640512xf32, #tpu.memory_space<hbm>>, %arg7: memref<12288xf32, #tpu.memory_space<vmem>>, %arg8: memref<16xf32, #tpu.memory_space<vmem>>, %arg9: memref<64xf32, #tpu.memory_space<vmem>>, %arg10: memref<!tpu.dma_semaphore, #tpu.memory_space<semaphore_mem>>) attributes {dimension_semantics = [#tpu.dimension_semantics<core_parallel>, #tpu.dimension_semantics<subcore_parallel>], iteration_bounds = array<i64: 2, 16>, scalar_prefetch = 0 : i64, scratch_operands = 4 : i64, tpu.core_type = #tpu.core_type<sc_vector_subcore>, window_params = [{transform_indices = #map}, {transform_indices = #map}, {transform_indices = #map}, {transform_indices = #map}, {transform_indices = #map}]} {
    %mul3A = arith.constant 2 : i32
    %mul3A_0 = arith.muli %arg1, %mul3A : i32
    %add3A = arith.addi %mul3A_0, %arg0 : i32
    %eq3A = arith.constant 0 : i32
    %eq3A_1 = arith.cmpi eq, %add3A, %eq3A : i32
    %convert_element_type3A = arith.extui %eq3A_1 : i1 to i32
    %cond3A = arith.constant 0 : i32
    %cond3A_2 = arith.cmpi ne, %convert_element_type3A, %cond3A : i32
    scf.if %cond3A_2 {
      "tpu.region"() ({
        %run_scoped3A = tpu.sem_alloc : memref<!tpu.dma_semaphore, #tpu.memory_space<semaphore_mem>>
        tpu.enqueue_dma source(%arg2 : memref<12288xf32, #tpu.memory_space<hbm>>) target(%arg7 : memref<12288xf32, #tpu.memory_space<vmem>>) target_semaphore(%run_scoped3A : memref<!tpu.dma_semaphore, #tpu.memory_space<semaphore_mem>>)
        tpu.wait_dma2 semaphore(%run_scoped3A : memref<!tpu.dma_semaphore, #tpu.memory_space<semaphore_mem>>) src(%arg2 : memref<12288xf32, #tpu.memory_space<hbm>>) dst(%arg7 : memref<12288xf32, #tpu.memory_space<vmem>>)
        tpu.yield
      }) : () -> ()
      "tpu.region"() ({
        %run_scoped3A = tpu.sem_alloc : memref<!tpu.dma_semaphore, #tpu.memory_space<semaphore_mem>>
        tpu.enqueue_dma source(%arg3 : memref<16xf32, #tpu.memory_space<hbm>>) target(%arg8 : memref<16xf32, #tpu.memory_space<vmem>>) target_semaphore(%run_scoped3A : memref<!tpu.dma_semaphore, #tpu.memory_space<semaphore_mem>>)
        tpu.wait_dma2 semaphore(%run_scoped3A : memref<!tpu.dma_semaphore, #tpu.memory_space<semaphore_mem>>) src(%arg3 : memref<16xf32, #tpu.memory_space<hbm>>) dst(%arg8 : memref<16xf32, #tpu.memory_space<vmem>>)
        tpu.yield
      }) : () -> ()
      %get3A = arith.constant 0 : index
      %get3A_3 = tpu.vector_load %arg8[%get3A] {strides = array<i32>} : memref<16xf32, #tpu.memory_space<vmem>>, vector<16xf32>,
      %get3A_4 = vector.shape_cast %get3A_3 : vector<16xf32> to vector<16xf32>
      %sub3A = arith.constant 1.000000e+00 : f32
      %sub3A_5 = vector.broadcast %sub3A : f32 to vector<16xf32>
      %sub3A_6 = arith.subf %sub3A_5, %get3A_4 : vector<16xf32>
      %broadcast_in_dim3A = arith.constant -3.000000e+38 : f32
      %broadcast_in_dim3A_7 = vector.broadcast %broadcast_in_dim3A : f32 to vector<16xf32>
      %broadcast_in_dim3A_8 = arith.constant 0.000000e+00 : f32
      %broadcast_in_dim3A_9 = vector.broadcast %broadcast_in_dim3A_8 : f32 to vector<16xf32>
      %broadcast_in_dim3A_10 = arith.constant -1.000000e+00 : f32
      %broadcast_in_dim3A_11 = vector.broadcast %broadcast_in_dim3A_10 : f32 to vector<16xf32>
      %scan3A = arith.constant 0 : i32
      %scan3A_12 = arith.constant 64 : i32
      %scan3A_13 = arith.addi %scan3A, %scan3A_12 : i32
      %scan3A_14 = arith.constant 1 : i32
      %scan3A_15:10 = scf.for %scan3A_21 = %scan3A to %scan3A_13 step %scan3A_14 iter_args(%scan3A_22 = %broadcast_in_dim3A_11, %scan3A_23 = %broadcast_in_dim3A_9, %scan3A_24 = %broadcast_in_dim3A_9, %scan3A_25 = %broadcast_in_dim3A_9, %scan3A_26 = %broadcast_in_dim3A_9, %scan3A_27 = %broadcast_in_dim3A_9, %scan3A_28 = %broadcast_in_dim3A_7, %scan3A_29 = %broadcast_in_dim3A_7, %scan3A_30 = %broadcast_in_dim3A_7, %scan3A_31 = %broadcast_in_dim3A_7) -> (vector<16xf32>, vector<16xf32>, vector<16xf32>, vector<16xf32>, vector<16xf32>, vector<16xf32>, vector<16xf32>, vector<16xf32>, vector<16xf32>, vector<16xf32>)  : i32 {
        %mul3A_32 = arith.constant 192 : i32
        %mul3A_33 = arith.muli %scan3A_21, %mul3A_32 : i32
        %add3A_34 = arith.constant 128 : i32
        %add3A_35 = arith.addi %mul3A_33, %add3A_34 : i32
        %get3A_36 = arith.index_cast %add3A_35 : i32 to index
        %get3A_37 = tpu.vector_load %arg7[%get3A_36] {strides = array<i32>} : memref<12288xf32, #tpu.memory_space<vmem>>, vector<16xf32>,
        %get3A_38 = vector.shape_cast %get3A_37 : vector<16xf32> to vector<16xf32>
        %mul3A_39 = arith.constant 192 : i32
        %mul3A_40 = arith.muli %scan3A_21, %mul3A_39 : i32
        %add3A_41 = arith.constant 144 : i32
        %add3A_42 = arith.addi %mul3A_40, %add3A_41 : i32
        %get3A_43 = arith.index_cast %add3A_42 : i32 to index
        %get3A_44 = tpu.vector_load %arg7[%get3A_43] {strides = array<i32>} : memref<12288xf32, #tpu.memory_space<vmem>>, vector<16xf32>,
        %get3A_45 = vector.shape_cast %get3A_44 : vector<16xf32> to vector<16xf32>
        %slice3A_46 = vector.extract_strided_slice %get3A_45 {offsets = [0], sizes = [1], strides = [1]} : vector<16xf32> to vector<1xf32>
        %squeeze3A_47 = vector.extract %slice3A_46[0] : f32 from vector<1xf32>
        %slice3A_48 = vector.extract_strided_slice %scan3A_22 {offsets = [0], sizes = [1], strides = [1]} : vector<16xf32> to vector<1xf32>
        %squeeze3A_49 = vector.extract %slice3A_48[0] : f32 from vector<1xf32>
        %ge3A_50 = arith.constant 0.000000e+00 : f32
        %ge3A_51 = arith.cmpf oge, %squeeze3A_47, %ge3A_50 : f32
        %eq3A_52 = arith.cmpf oeq, %squeeze3A_47, %squeeze3A_49 : f32
        %and3A = arith.andi %ge3A_51, %eq3A_52 : i1
        %not3A = arith.constant true
        %not3A_53 = arith.xori %and3A, %not3A : i1
        %and3A_54 = arith.andi %ge3A_51, %not3A_53 : i1
        %ge3A_55 = arith.constant 0.000000e+00 : f32
        %ge3A_56 = arith.cmpf oge, %squeeze3A_49, %ge3A_55 : f32
        %and3A_57 = arith.andi %and3A_54, %ge3A_56 : i1
        %convert_element_type3A_58 = arith.extui %and3A_57 : i1 to i32
        %cond3A_59 = arith.constant 0 : i32
        %cond3A_60 = arith.cmpi ne, %convert_element_type3A_58, %cond3A_59 : i32
        scf.if %cond3A_60 {
          %max3A_151 = arith.constant 1.000000e+00 : f32
          %max3A_152 = vector.broadcast %max3A_151 : f32 to vector<16xf32>
          %max3A_153 = arith.maximumf %scan3A_23, %max3A_152 : vector<16xf32>
          %div3A = arith.divf %sub3A_6, %max3A_153 : vector<16xf32>
          %mul3A_154 = arith.mulf %scan3A_28, %get3A_4 : vector<16xf32>
          %mul3A_155 = arith.mulf %scan3A_24, %div3A : vector<16xf32>
          %add3A_156 = arith.addf %mul3A_154, %mul3A_155 : vector<16xf32>
          %swap3A = arith.constant 0 : index
          %swap3A_157 = tpu.vector_load %arg9[%swap3A] {strides = array<i32>} : memref<64xf32, #tpu.memory_space<vmem>>, vector<16xf32>,
          %swap3A_158 = vector.shape_cast %swap3A_157 : vector<16xf32> to vector<16xf32>
          %swap3A_159 = vector.shape_cast %add3A_156 : vector<16xf32> to vector<16xf32>
          tpu.vector_store %arg9[%swap3A], %swap3A_159 {strides = array<i32>} : memref<64xf32, #tpu.memory_space<vmem>>, vector<16xf32>,
          %mul3A_160 = arith.mulf %scan3A_29, %get3A_4 : vector<16xf32>
          %mul3A_161 = arith.mulf %scan3A_25, %div3A : vector<16xf32>
          %add3A_162 = arith.addf %mul3A_160, %mul3A_161 : vector<16xf32>
          %swap3A_163 = arith.constant 16 : index
          %swap3A_164 = tpu.vector_load %arg9[%swap3A_163] {strides = array<i32>} : memref<64xf32, #tpu.memory_space<vmem>>, vector<16xf32>,
          %swap3A_165 = vector.shape_cast %swap3A_164 : vector<16xf32> to vector<16xf32>
          %swap3A_166 = vector.shape_cast %add3A_162 : vector<16xf32> to vector<16xf32>
          tpu.vector_store %arg9[%swap3A_163], %swap3A_166 {strides = array<i32>} : memref<64xf32, #tpu.memory_space<vmem>>, vector<16xf32>,
          %mul3A_167 = arith.mulf %scan3A_30, %get3A_4 : vector<16xf32>
          %mul3A_168 = arith.mulf %scan3A_26, %div3A : vector<16xf32>
          %add3A_169 = arith.addf %mul3A_167, %mul3A_168 : vector<16xf32>
          %swap3A_170 = arith.constant 32 : index
          %swap3A_171 = tpu.vector_load %arg9[%swap3A_170] {strides = array<i32>} : memref<64xf32, #tpu.memory_space<vmem>>, vector<16xf32>,
          %swap3A_172 = vector.shape_cast %swap3A_171 : vector<16xf32> to vector<16xf32>
          %swap3A_173 = vector.shape_cast %add3A_169 : vector<16xf32> to vector<16xf32>
          tpu.vector_store %arg9[%swap3A_170], %swap3A_173 {strides = array<i32>} : memref<64xf32, #tpu.memory_space<vmem>>, vector<16xf32>,
          %mul3A_174 = arith.mulf %scan3A_31, %get3A_4 : vector<16xf32>
          %mul3A_175 = arith.mulf %scan3A_27, %div3A : vector<16xf32>
          %add3A_176 = arith.addf %mul3A_174, %mul3A_175 : vector<16xf32>
          %swap3A_177 = arith.constant 48 : index
          %swap3A_178 = tpu.vector_load %arg9[%swap3A_177] {strides = array<i32>} : memref<64xf32, #tpu.memory_space<vmem>>, vector<16xf32>,
          %swap3A_179 = vector.shape_cast %swap3A_178 : vector<16xf32> to vector<16xf32>
          %swap3A_180 = vector.shape_cast %add3A_176 : vector<16xf32> to vector<16xf32>
          tpu.vector_store %arg9[%swap3A_177], %swap3A_180 {strides = array<i32>} : memref<64xf32, #tpu.memory_space<vmem>>, vector<16xf32>,
          %slice3A_181 = vector.extract_strided_slice %scan3A_22 {offsets = [0], sizes = [1], strides = [1]} : vector<16xf32> to vector<1xf32>
          %squeeze3A_182 = vector.extract %slice3A_181[0] : f32 from vector<1xf32>
          %convert_element_type3A_183 = arith.fptosi %squeeze3A_182 : f32 to i32
          %mul3A_184 = arith.constant 64 : i32
          %mul3A_185 = arith.muli %convert_element_type3A_183, %mul3A_184 : i32
          "tpu.region"() ({
            %run_scoped3A = tpu.sem_alloc : memref<!tpu.dma_semaphore, #tpu.memory_space<semaphore_mem>>
            %dma_start3A = tpu.memref_slice %arg4[%mul3A_185] : memref<640512xf32, #tpu.memory_space<hbm>> -> memref<64xf32, #tpu.memory_space<hbm>>
            %dma_start3A_186 = tpu.memref_slice %arg4[%mul3A_185] : memref<640512xf32, #tpu.memory_space<hbm>> -> memref<64xf32, #tpu.memory_space<hbm>>
            tpu.enqueue_dma source(%arg9 : memref<64xf32, #tpu.memory_space<vmem>>) target(%dma_start3A_186 : memref<64xf32, #tpu.memory_space<hbm>>) target_semaphore(%run_scoped3A : memref<!tpu.dma_semaphore, #tpu.memory_space<semaphore_mem>>)
            %dma_wait3A = tpu.memref_slice %arg4[%mul3A_185] : memref<640512xf32, #tpu.memory_space<hbm>> -> memref<64xf32, #tpu.memory_space<hbm>>
            %dma_wait3A_187 = tpu.memref_slice %arg4[%mul3A_185] : memref<640512xf32, #tpu.memory_space<hbm>> -> memref<64xf32, #tpu.memory_space<hbm>>
            tpu.wait_dma2 semaphore(%run_scoped3A : memref<!tpu.dma_semaphore, #tpu.memory_space<semaphore_mem>>) src(%arg9 : memref<64xf32, #tpu.memory_space<vmem>>) dst(%dma_wait3A_187 : memref<64xf32, #tpu.memory_space<hbm>>)
            tpu.yield
          }) : () -> ()
        } else {
        }
        %mul3A_61 = arith.constant 192 : i32
        %mul3A_62 = arith.muli %scan3A_21, %mul3A_61 : i32
        %add3A_63 = arith.constant 0 : i32
        %add3A_64 = arith.addi %mul3A_62, %add3A_63 : i32
        %get3A_65 = arith.index_cast %add3A_64 : i32 to index
        %get3A_66 = tpu.vector_load %arg7[%get3A_65] {strides = array<i32>} : memref<12288xf32, #tpu.memory_space<vmem>>, vector<16xf32>,
        %get3A_67 = vector.shape_cast %get3A_66 : vector<16xf32> to vector<16xf32>
        %mul3A_68 = arith.constant 192 : i32
        %mul3A_69 = arith.muli %scan3A_21, %mul3A_68 : i32
        %add3A_70 = arith.constant 64 : i32
        %add3A_71 = arith.addi %mul3A_69, %add3A_70 : i32
        %add3A_72 = arith.constant 0 : i32
        %add3A_73 = arith.addi %add3A_71, %add3A_72 : i32
        %get3A_74 = arith.index_cast %add3A_73 : i32 to index
        %get3A_75 = tpu.vector_load %arg7[%get3A_74] {strides = array<i32>} : memref<12288xf32, #tpu.memory_space<vmem>>, vector<16xf32>,
        %get3A_76 = vector.shape_cast %get3A_75 : vector<16xf32> to vector<16xf32>
        %add3A_77 = arith.addf %scan3A_24, %get3A_67 : vector<16xf32>
        %select_n3A = arith.select %ge3A_51, %get3A_67, %scan3A_24 : vector<16xf32>
        %select_n3A_78 = arith.select %and3A, %add3A_77, %select_n3A : vector<16xf32>
        %max3A = arith.maximumf %scan3A_28, %get3A_76 : vector<16xf32>
        %select_n3A_79 = arith.select %ge3A_51, %get3A_76, %scan3A_28 : vector<16xf32>
        %select_n3A_80 = arith.select %and3A, %max3A, %select_n3A_79 : vector<16xf32>
        %mul3A_81 = arith.constant 192 : i32
        %mul3A_82 = arith.muli %scan3A_21, %mul3A_81 : i32
        %add3A_83 = arith.constant 16 : i32
        %add3A_84 = arith.addi %mul3A_82, %add3A_83 : i32
        %get3A_85 = arith.index_cast %add3A_84 : i32 to index
        %get3A_86 = tpu.vector_load %arg7[%get3A_85] {strides = array<i32>} : memref<12288xf32, #tpu.memory_space<vmem>>, vector<16xf32>,
        %get3A_87 = vector.shape_cast %get3A_86 : vector<16xf32> to vector<16xf32>
        %mul3A_88 = arith.constant 192 : i32
        %mul3A_89 = arith.muli %scan3A_21, %mul3A_88 : i32
        %add3A_90 = arith.constant 64 : i32
        %add3A_91 = arith.addi %mul3A_89, %add3A_90 : i32
        %add3A_92 = arith.constant 16 : i32
        %add3A_93 = arith.addi %add3A_91, %add3A_92 : i32
        %get3A_94 = arith.index_cast %add3A_93 : i32 to index
        %get3A_95 = tpu.vector_load %arg7[%get3A_94] {strides = array<i32>} : memref<12288xf32, #tpu.memory_space<vmem>>, vector<16xf32>,
        %get3A_96 = vector.shape_cast %get3A_95 : vector<16xf32> to vector<16xf32>
        %add3A_97 = arith.addf %scan3A_25, %get3A_87 : vector<16xf32>
        %select_n3A_98 = arith.select %ge3A_51, %get3A_87, %scan3A_25 : vector<16xf32>
        %select_n3A_99 = arith.select %and3A, %add3A_97, %select_n3A_98 : vector<16xf32>
        %max3A_100 = arith.maximumf %scan3A_29, %get3A_96 : vector<16xf32>
        %select_n3A_101 = arith.select %ge3A_51, %get3A_96, %scan3A_29 : vector<16xf32>
        %select_n3A_102 = arith.select %and3A, %max3A_100, %select_n3A_101 : vector<16xf32>
        %mul3A_103 = arith.constant 192 : i32
        %mul3A_104 = arith.muli %scan3A_21, %mul3A_103 : i32
        %add3A_105 = arith.constant 32 : i32
        %add3A_106 = arith.addi %mul3A_104, %add3A_105 : i32
        %get3A_107 = arith.index_cast %add3A_106 : i32 to index
        %get3A_108 = tpu.vector_load %arg7[%get3A_107] {strides = array<i32>} : memref<12288xf32, #tpu.memory_space<vmem>>, vector<16xf32>,
        %get3A_109 = vector.shape_cast %get3A_108 : vector<16xf32> to vector<16xf32>
        %mul3A_110 = arith.constant 192 : i32
        %mul3A_111 = arith.muli %scan3A_21, %mul3A_110 : i32
        %add3A_112 = arith.constant 64 : i32
        %add3A_113 = arith.addi %mul3A_111, %add3A_112 : i32
        %add3A_114 = arith.constant 32 : i32
        %add3A_115 = arith.addi %add3A_113, %add3A_114 : i32
        %get3A_116 = arith.index_cast %add3A_115 : i32 to index
        %get3A_117 = tpu.vector_load %arg7[%get3A_116] {strides = array<i32>} : memref<12288xf32, #tpu.memory_space<vmem>>, vector<16xf32>,
        %get3A_118 = vector.shape_cast %get3A_117 : vector<16xf32> to vector<16xf32>
        %add3A_119 = arith.addf %scan3A_26, %get3A_109 : vector<16xf32>
        %select_n3A_120 = arith.select %ge3A_51, %get3A_109, %scan3A_26 : vector<16xf32>
        %select_n3A_121 = arith.select %and3A, %add3A_119, %select_n3A_120 : vector<16xf32>
        %max3A_122 = arith.maximumf %scan3A_30, %get3A_118 : vector<16xf32>
        %select_n3A_123 = arith.select %ge3A_51, %get3A_118, %scan3A_30 : vector<16xf32>
        %select_n3A_124 = arith.select %and3A, %max3A_122, %select_n3A_123 : vector<16xf32>
        %mul3A_125 = arith.constant 192 : i32
        %mul3A_126 = arith.muli %scan3A_21, %mul3A_125 : i32
        %add3A_127 = arith.constant 48 : i32
        %add3A_128 = arith.addi %mul3A_126, %add3A_127 : i32
        %get3A_129 = arith.index_cast %add3A_128 : i32 to index
        %get3A_130 = tpu.vector_load %arg7[%get3A_129] {strides = array<i32>} : memref<12288xf32, #tpu.memory_space<vmem>>, vector<16xf32>,
        %get3A_131 = vector.shape_cast %get3A_130 : vector<16xf32> to vector<16xf32>
        %mul3A_132 = arith.constant 192 : i32
        %mul3A_133 = arith.muli %scan3A_21, %mul3A_132 : i32
        %add3A_134 = arith.constant 64 : i32
        %add3A_135 = arith.addi %mul3A_133, %add3A_134 : i32
        %add3A_136 = arith.constant 48 : i32
        %add3A_137 = arith.addi %add3A_135, %add3A_136 : i32
        %get3A_138 = arith.index_cast %add3A_137 : i32 to index
        %get3A_139 = tpu.vector_load %arg7[%get3A_138] {strides = array<i32>} : memref<12288xf32, #tpu.memory_space<vmem>>, vector<16xf32>,
        %get3A_140 = vector.shape_cast %get3A_139 : vector<16xf32> to vector<16xf32>
        %add3A_141 = arith.addf %scan3A_27, %get3A_131 : vector<16xf32>
        %select_n3A_142 = arith.select %ge3A_51, %get3A_131, %scan3A_27 : vector<16xf32>
        %select_n3A_143 = arith.select %and3A, %add3A_141, %select_n3A_142 : vector<16xf32>
        %max3A_144 = arith.maximumf %scan3A_31, %get3A_140 : vector<16xf32>
        %select_n3A_145 = arith.select %ge3A_51, %get3A_140, %scan3A_31 : vector<16xf32>
        %select_n3A_146 = arith.select %and3A, %max3A_144, %select_n3A_145 : vector<16xf32>
        %add3A_147 = arith.addf %scan3A_23, %get3A_38 : vector<16xf32>
        %select_n3A_148 = arith.select %ge3A_51, %get3A_38, %scan3A_23 : vector<16xf32>
        %select_n3A_149 = arith.select %and3A, %add3A_147, %select_n3A_148 : vector<16xf32>
        %select_n3A_150 = arith.select %ge3A_51, %get3A_45, %scan3A_22 : vector<16xf32>
        scf.yield %select_n3A_150, %select_n3A_149, %select_n3A_78, %select_n3A_99, %select_n3A_121, %select_n3A_143, %select_n3A_80, %select_n3A_102, %select_n3A_124, %select_n3A_146 : vector<16xf32>, vector<16xf32>, vector<16xf32>, vector<16xf32>, vector<16xf32>, vector<16xf32>, vector<16xf32>, vector<16xf32>, vector<16xf32>, vector<16xf32>
      }
      %scan3A_16 = arith.constant 64 : i32
      %slice3A = vector.extract_strided_slice %scan3A_15#0 {offsets = [0], sizes = [1], strides = [1]} : vector<16xf32> to vector<1xf32>
      %squeeze3A = vector.extract %slice3A[0] : f32 from vector<1xf32>
      %ge3A = arith.constant 0.000000e+00 : f32
      %ge3A_17 = arith.cmpf oge, %squeeze3A, %ge3A : f32
      %convert_element_type3A_18 = arith.extui %ge3A_17 : i1 to i32
      %cond3A_19 = arith.constant 0 : i32
      %cond3A_20 = arith.cmpi ne, %convert_element_type3A_18, %cond3A_19 : i32
      scf.if %cond3A_20 {
        %max3A = arith.constant 1.000000e+00 : f32
        %max3A_21 = vector.broadcast %max3A : f32 to vector<16xf32>
        %max3A_22 = arith.maximumf %scan3A_15#1, %max3A_21 : vector<16xf32>
        %div3A = arith.divf %sub3A_6, %max3A_22 : vector<16xf32>
        %mul3A_23 = arith.mulf %scan3A_15#6, %get3A_4 : vector<16xf32>
        %mul3A_24 = arith.mulf %scan3A_15#2, %div3A : vector<16xf32>
        %add3A_25 = arith.addf %mul3A_23, %mul3A_24 : vector<16xf32>
        %swap3A = arith.constant 0 : index
        %swap3A_26 = tpu.vector_load %arg9[%swap3A] {strides = array<i32>} : memref<64xf32, #tpu.memory_space<vmem>>, vector<16xf32>,
        %swap3A_27 = vector.shape_cast %swap3A_26 : vector<16xf32> to vector<16xf32>
        %swap3A_28 = vector.shape_cast %add3A_25 : vector<16xf32> to vector<16xf32>
        tpu.vector_store %arg9[%swap3A], %swap3A_28 {strides = array<i32>} : memref<64xf32, #tpu.memory_space<vmem>>, vector<16xf32>,
        %mul3A_29 = arith.mulf %scan3A_15#7, %get3A_4 : vector<16xf32>
        %mul3A_30 = arith.mulf %scan3A_15#3, %div3A : vector<16xf32>
        %add3A_31 = arith.addf %mul3A_29, %mul3A_30 : vector<16xf32>
        %swap3A_32 = arith.constant 16 : index
        %swap3A_33 = tpu.vector_load %arg9[%swap3A_32] {strides = array<i32>} : memref<64xf32, #tpu.memory_space<vmem>>, vector<16xf32>,
        %swap3A_34 = vector.shape_cast %swap3A_33 : vector<16xf32> to vector<16xf32>
        %swap3A_35 = vector.shape_cast %add3A_31 : vector<16xf32> to vector<16xf32>
        tpu.vector_store %arg9[%swap3A_32], %swap3A_35 {strides = array<i32>} : memref<64xf32, #tpu.memory_space<vmem>>, vector<16xf32>,
        %mul3A_36 = arith.mulf %scan3A_15#8, %get3A_4 : vector<16xf32>
        %mul3A_37 = arith.mulf %scan3A_15#4, %div3A : vector<16xf32>
        %add3A_38 = arith.addf %mul3A_36, %mul3A_37 : vector<16xf32>
        %swap3A_39 = arith.constant 32 : index
        %swap3A_40 = tpu.vector_load %arg9[%swap3A_39] {strides = array<i32>} : memref<64xf32, #tpu.memory_space<vmem>>, vector<16xf32>,
        %swap3A_41 = vector.shape_cast %swap3A_40 : vector<16xf32> to vector<16xf32>
        %swap3A_42 = vector.shape_cast %add3A_38 : vector<16xf32> to vector<16xf32>
        tpu.vector_store %arg9[%swap3A_39], %swap3A_42 {strides = array<i32>} : memref<64xf32, #tpu.memory_space<vmem>>, vector<16xf32>,
        %mul3A_43 = arith.mulf %scan3A_15#9, %get3A_4 : vector<16xf32>
        %mul3A_44 = arith.mulf %scan3A_15#5, %div3A : vector<16xf32>
        %add3A_45 = arith.addf %mul3A_43, %mul3A_44 : vector<16xf32>
        %swap3A_46 = arith.constant 48 : index
        %swap3A_47 = tpu.vector_load %arg9[%swap3A_46] {strides = array<i32>} : memref<64xf32, #tpu.memory_space<vmem>>, vector<16xf32>,
        %swap3A_48 = vector.shape_cast %swap3A_47 : vector<16xf32> to vector<16xf32>
        %swap3A_49 = vector.shape_cast %add3A_45 : vector<16xf32> to vector<16xf32>
        tpu.vector_store %arg9[%swap3A_46], %swap3A_49 {strides = array<i32>} : memref<64xf32, #tpu.memory_space<vmem>>, vector<16xf32>,
        %slice3A_50 = vector.extract_strided_slice %scan3A_15#0 {offsets = [0], sizes = [1], strides = [1]} : vector<16xf32> to vector<1xf32>
        %squeeze3A_51 = vector.extract %slice3A_50[0] : f32 from vector<1xf32>
        %convert_element_type3A_52 = arith.fptosi %squeeze3A_51 : f32 to i32
        %mul3A_53 = arith.constant 64 : i32
        %mul3A_54 = arith.muli %convert_element_type3A_52, %mul3A_53 : i32
        "tpu.region"() ({
          %run_scoped3A = tpu.sem_alloc : memref<!tpu.dma_semaphore, #tpu.memory_space<semaphore_mem>>
          %dma_start3A = tpu.memref_slice %arg4[%mul3A_54] : memref<640512xf32, #tpu.memory_space<hbm>> -> memref<64xf32, #tpu.memory_space<hbm>>
          %dma_start3A_55 = tpu.memref_slice %arg4[%mul3A_54] : memref<640512xf32, #tpu.memory_space<hbm>> -> memref<64xf32, #tpu.memory_space<hbm>>
          tpu.enqueue_dma source(%arg9 : memref<64xf32, #tpu.memory_space<vmem>>) target(%dma_start3A_55 : memref<64xf32, #tpu.memory_space<hbm>>) target_semaphore(%run_scoped3A : memref<!tpu.dma_semaphore, #tpu.memory_space<semaphore_mem>>)
          %dma_wait3A = tpu.memref_slice %arg4[%mul3A_54] : memref<640512xf32, #tpu.memory_space<hbm>> -> memref<64xf32, #tpu.memory_space<hbm>>
          %dma_wait3A_56 = tpu.memref_slice %arg4[%mul3A_54] : memref<640512xf32, #tpu.memory_space<hbm>> -> memref<64xf32, #tpu.memory_space<hbm>>
          tpu.wait_dma2 semaphore(%run_scoped3A : memref<!tpu.dma_semaphore, #tpu.memory_space<semaphore_mem>>) src(%arg9 : memref<64xf32, #tpu.memory_space<vmem>>) dst(%dma_wait3A_56 : memref<64xf32, #tpu.memory_space<hbm>>)
          tpu.yield
        }) : () -> ()
      } else {
      }
      "tpu.region"() ({
        %run_scoped3A = tpu.sem_alloc : memref<!tpu.dma_semaphore, #tpu.memory_space<semaphore_mem>>
        tpu.enqueue_dma source(%arg8 : memref<16xf32, #tpu.memory_space<vmem>>) target(%arg5 : memref<16xf32, #tpu.memory_space<hbm>>) target_semaphore(%run_scoped3A : memref<!tpu.dma_semaphore, #tpu.memory_space<semaphore_mem>>)
        tpu.wait_dma2 semaphore(%run_scoped3A : memref<!tpu.dma_semaphore, #tpu.memory_space<semaphore_mem>>) src(%arg8 : memref<16xf32, #tpu.memory_space<vmem>>) dst(%arg5 : memref<16xf32, #tpu.memory_space<hbm>>)
        tpu.yield
      }) : () -> ()
    } else {
    }
    return
  }
}

#map = affine_map<(d0, d1) -> (0)>
module attributes {stable_mosaic.version = 14 : i64} {
  func.func @new_body(%arg0: i32, %arg1: i32, %arg2: memref<20480000xf32, #tpu.memory_space<hbm>>, %arg3: memref<320000xi32, #tpu.memory_space<hbm>>, %arg4: memref<64xf32, #tpu.memory_space<hbm>>, %arg5: memref<64xf32, #tpu.memory_space<hbm>>, %arg6: memref<64xf32, #tpu.memory_space<hbm>>, %arg7: memref<16xf32, #tpu.memory_space<hbm>>, %arg8: memref<640512xf32, #tpu.memory_space<hbm>>, %arg9: memref<12288xf32, #tpu.memory_space<hbm>>, %arg10: memref<640512xf32, #tpu.memory_space<hbm>>, %arg11: memref<25600xf32, #tpu.memory_space<vmem>>, %arg12: memref<400xi32, #tpu.memory_space<smem>>, %arg13: memref<32x400xi32, #tpu.memory_space<vmem_shared>>, %arg14: memref<25664xf32, #tpu.memory_space<vmem>>, %arg15: memref<25664xf32, #tpu.memory_space<vmem>>, %arg16: memref<6416xf32, #tpu.memory_space<vmem>>, %arg17: memref<6416xi32, #tpu.memory_space<vmem>>, %arg18: memref<64xf32, #tpu.memory_space<vmem>>, %arg19: memref<64xf32, #tpu.memory_space<vmem>>, %arg20: memref<64xf32, #tpu.memory_space<vmem>>, %arg21: memref<16xf32, #tpu.memory_space<vmem>>, %arg22: memref<64xf32, #tpu.memory_space<vmem>>, %arg23: memref<64xf32, #tpu.memory_space<vmem>>, %arg24: memref<!tpu.dma_semaphore, #tpu.memory_space<semaphore_mem>>) attributes {dimension_semantics = [#tpu.dimension_semantics<core_parallel>, #tpu.dimension_semantics<subcore_parallel>], iteration_bounds = array<i64: 2, 16>, scalar_prefetch = 0 : i64, scratch_operands = 14 : i64, tpu.core_type = #tpu.core_type<sc_vector_subcore>, window_params = [{transform_indices = #map}, {transform_indices = #map}, {transform_indices = #map}, {transform_indices = #map}, {transform_indices = #map}, {transform_indices = #map}, {transform_indices = #map}, {transform_indices = #map}, {transform_indices = #map}]} {
    %mul3A = arith.constant 2 : i32
    %mul3A_0 = arith.muli %arg1, %mul3A : i32
    %add3A = arith.addi %mul3A_0, %arg0 : i32
    %mul3A_1 = arith.constant 10000 : i32
    %mul3A_2 = arith.muli %add3A, %mul3A_1 : i32
    "tpu.region"() ({
      %run_scoped3A = tpu.sem_alloc : memref<!tpu.dma_semaphore, #tpu.memory_space<semaphore_mem>>
      tpu.enqueue_dma source(%arg4 : memref<64xf32, #tpu.memory_space<hbm>>) target(%arg18 : memref<64xf32, #tpu.memory_space<vmem>>) target_semaphore(%run_scoped3A : memref<!tpu.dma_semaphore, #tpu.memory_space<semaphore_mem>>)
      tpu.wait_dma2 semaphore(%run_scoped3A : memref<!tpu.dma_semaphore, #tpu.memory_space<semaphore_mem>>) src(%arg4 : memref<64xf32, #tpu.memory_space<hbm>>) dst(%arg18 : memref<64xf32, #tpu.memory_space<vmem>>)
      tpu.yield
    }) : () -> ()
    "tpu.region"() ({
      %run_scoped3A = tpu.sem_alloc : memref<!tpu.dma_semaphore, #tpu.memory_space<semaphore_mem>>
      tpu.enqueue_dma source(%arg5 : memref<64xf32, #tpu.memory_space<hbm>>) target(%arg19 : memref<64xf32, #tpu.memory_space<vmem>>) target_semaphore(%run_scoped3A : memref<!tpu.dma_semaphore, #tpu.memory_space<semaphore_mem>>)
      tpu.wait_dma2 semaphore(%run_scoped3A : memref<!tpu.dma_semaphore, #tpu.memory_space<semaphore_mem>>) src(%arg5 : memref<64xf32, #tpu.memory_space<hbm>>) dst(%arg19 : memref<64xf32, #tpu.memory_space<vmem>>)
      tpu.yield
    }) : () -> ()
    "tpu.region"() ({
      %run_scoped3A = tpu.sem_alloc : memref<!tpu.dma_semaphore, #tpu.memory_space<semaphore_mem>>
      tpu.enqueue_dma source(%arg6 : memref<64xf32, #tpu.memory_space<hbm>>) target(%arg20 : memref<64xf32, #tpu.memory_space<vmem>>) target_semaphore(%run_scoped3A : memref<!tpu.dma_semaphore, #tpu.memory_space<semaphore_mem>>)
      tpu.wait_dma2 semaphore(%run_scoped3A : memref<!tpu.dma_semaphore, #tpu.memory_space<semaphore_mem>>) src(%arg6 : memref<64xf32, #tpu.memory_space<hbm>>) dst(%arg20 : memref<64xf32, #tpu.memory_space<vmem>>)
      tpu.yield
    }) : () -> ()
    "tpu.region"() ({
      %run_scoped3A = tpu.sem_alloc : memref<!tpu.dma_semaphore, #tpu.memory_space<semaphore_mem>>
      tpu.enqueue_dma source(%arg7 : memref<16xf32, #tpu.memory_space<hbm>>) target(%arg21 : memref<16xf32, #tpu.memory_space<vmem>>) target_semaphore(%run_scoped3A : memref<!tpu.dma_semaphore, #tpu.memory_space<semaphore_mem>>)
      tpu.wait_dma2 semaphore(%run_scoped3A : memref<!tpu.dma_semaphore, #tpu.memory_space<semaphore_mem>>) src(%arg7 : memref<16xf32, #tpu.memory_space<hbm>>) dst(%arg21 : memref<16xf32, #tpu.memory_space<vmem>>)
      tpu.yield
    }) : () -> ()
    %get3A = arith.constant 0 : index
    %get3A_3 = tpu.vector_load %arg18[%get3A] {strides = array<i32>} : memref<64xf32, #tpu.memory_space<vmem>>, vector<16xf32>,
    %get3A_4 = vector.shape_cast %get3A_3 : vector<16xf32> to vector<16xf32>
    %get3A_5 = arith.constant 16 : index
    %get3A_6 = tpu.vector_load %arg18[%get3A_5] {strides = array<i32>} : memref<64xf32, #tpu.memory_space<vmem>>, vector<16xf32>,
    %get3A_7 = vector.shape_cast %get3A_6 : vector<16xf32> to vector<16xf32>
    %get3A_8 = arith.constant 32 : index
    %get3A_9 = tpu.vector_load %arg18[%get3A_8] {strides = array<i32>} : memref<64xf32, #tpu.memory_space<vmem>>, vector<16xf32>,
    %get3A_10 = vector.shape_cast %get3A_9 : vector<16xf32> to vector<16xf32>
    %get3A_11 = arith.constant 48 : index
    %get3A_12 = tpu.vector_load %arg18[%get3A_11] {strides = array<i32>} : memref<64xf32, #tpu.memory_space<vmem>>, vector<16xf32>,
    %get3A_13 = vector.shape_cast %get3A_12 : vector<16xf32> to vector<16xf32>
    %get3A_14 = arith.constant 0 : index
    %get3A_15 = tpu.vector_load %arg19[%get3A_14] {strides = array<i32>} : memref<64xf32, #tpu.memory_space<vmem>>, vector<16xf32>,
    %get3A_16 = vector.shape_cast %get3A_15 : vector<16xf32> to vector<16xf32>
    %get3A_17 = arith.constant 16 : index
    %get3A_18 = tpu.vector_load %arg19[%get3A_17] {strides = array<i32>} : memref<64xf32, #tpu.memory_space<vmem>>, vector<16xf32>,
    %get3A_19 = vector.shape_cast %get3A_18 : vector<16xf32> to vector<16xf32>
    %get3A_20 = arith.constant 32 : index
    %get3A_21 = tpu.vector_load %arg19[%get3A_20] {strides = array<i32>} : memref<64xf32, #tpu.memory_space<vmem>>, vector<16xf32>,
    %get3A_22 = vector.shape_cast %get3A_21 : vector<16xf32> to vector<16xf32>
    %get3A_23 = arith.constant 48 : index
    %get3A_24 = tpu.vector_load %arg19[%get3A_23] {strides = array<i32>} : memref<64xf32, #tpu.memory_space<vmem>>, vector<16xf32>,
    %get3A_25 = vector.shape_cast %get3A_24 : vector<16xf32> to vector<16xf32>
    %get3A_26 = arith.constant 0 : index
    %get3A_27 = tpu.vector_load %arg20[%get3A_26] {strides = array<i32>} : memref<64xf32, #tpu.memory_space<vmem>>, vector<16xf32>,
    %get3A_28 = vector.shape_cast %get3A_27 : vector<16xf32> to vector<16xf32>
    %get3A_29 = arith.constant 16 : index
    %get3A_30 = tpu.vector_load %arg20[%get3A_29] {strides = array<i32>} : memref<64xf32, #tpu.memory_space<vmem>>, vector<16xf32>,
    %get3A_31 = vector.shape_cast %get3A_30 : vector<16xf32> to vector<16xf32>
    %get3A_32 = arith.constant 32 : index
    %get3A_33 = tpu.vector_load %arg20[%get3A_32] {strides = array<i32>} : memref<64xf32, #tpu.memory_space<vmem>>, vector<16xf32>,
    %get3A_34 = vector.shape_cast %get3A_33 : vector<16xf32> to vector<16xf32>
    %get3A_35 = arith.constant 48 : index
    %get3A_36 = tpu.vector_load %arg20[%get3A_35] {strides = array<i32>} : memref<64xf32, #tpu.memory_space<vmem>>, vector<16xf32>,
    %get3A_37 = vector.shape_cast %get3A_36 : vector<16xf32> to vector<16xf32>
    %get3A_38 = arith.constant 0 : index
    %get3A_39 = tpu.vector_load %arg21[%get3A_38] {strides = array<i32>} : memref<16xf32, #tpu.memory_space<vmem>>, vector<16xf32>,
    %get3A_40 = vector.shape_cast %get3A_39 : vector<16xf32> to vector<16xf32>
    %sub3A = arith.constant 1.000000e+00 : f32
    %sub3A_41 = vector.broadcast %sub3A : f32 to vector<16xf32>
    %sub3A_42 = arith.subf %sub3A_41, %get3A_40 : vector<16xf32>
    %broadcast_in_dim3A = arith.constant 0.000000e+00 : f32
    %broadcast_in_dim3A_43 = vector.broadcast %broadcast_in_dim3A : f32 to vector<16xf32>
    %broadcast_in_dim3A_44 = arith.constant -3.000000e+38 : f32
    %broadcast_in_dim3A_45 = vector.broadcast %broadcast_in_dim3A_44 : f32 to vector<16xf32>
    %scan3A = arith.constant -1 : i32
    %scan3A_46 = arith.constant 1 : i32
    %scan3A_47 = arith.constant 0.000000e+00 : f32
    %scan3A_48 = arith.constant 0 : i32
    %scan3A_49 = arith.constant 25 : i32
    %scan3A_50 = arith.addi %scan3A_48, %scan3A_49 : i32
    %scan3A_51 = arith.constant 1 : i32
    %scan3A_52:11 = scf.for %scan3A_64 = %scan3A_48 to %scan3A_50 step %scan3A_51 iter_args(%scan3A_65 = %scan3A, %scan3A_66 = %scan3A_46, %scan3A_67 = %scan3A_47, %scan3A_68 = %broadcast_in_dim3A_43, %scan3A_69 = %broadcast_in_dim3A_43, %scan3A_70 = %broadcast_in_dim3A_43, %scan3A_71 = %broadcast_in_dim3A_43, %scan3A_72 = %broadcast_in_dim3A_45, %scan3A_73 = %broadcast_in_dim3A_45, %scan3A_74 = %broadcast_in_dim3A_45, %scan3A_75 = %broadcast_in_dim3A_45) -> (i32, i32, f32, vector<16xf32>, vector<16xf32>, vector<16xf32>, vector<16xf32>, vector<16xf32>, vector<16xf32>, vector<16xf32>, vector<16xf32>)  : i32 {
      %mul3A_76 = arith.constant 400 : i32
      %mul3A_77 = arith.muli %scan3A_64, %mul3A_76 : i32
      %add3A_78 = arith.addi %mul3A_2, %mul3A_77 : i32
      %mul3A_79 = arith.constant 64 : i32
      %mul3A_80 = arith.muli %add3A_78, %mul3A_79 : i32
      "tpu.region"() ({
        %run_scoped3A = tpu.sem_alloc : memref<!tpu.dma_semaphore, #tpu.memory_space<semaphore_mem>>
        %dma_start3A = tpu.memref_slice %arg2[%mul3A_80] : memref<20480000xf32, #tpu.memory_space<hbm>> -> memref<25600xf32, #tpu.memory_space<hbm>>
        %dma_start3A_127 = tpu.memref_slice %arg2[%mul3A_80] : memref<20480000xf32, #tpu.memory_space<hbm>> -> memref<25600xf32, #tpu.memory_space<hbm>>
        tpu.enqueue_dma source(%dma_start3A_127 : memref<25600xf32, #tpu.memory_space<hbm>>) target(%arg11 : memref<25600xf32, #tpu.memory_space<vmem>>) target_semaphore(%run_scoped3A : memref<!tpu.dma_semaphore, #tpu.memory_space<semaphore_mem>>)
        %dma_wait3A = tpu.memref_slice %arg2[%mul3A_80] : memref<20480000xf32, #tpu.memory_space<hbm>> -> memref<25600xf32, #tpu.memory_space<hbm>>
        %dma_wait3A_128 = tpu.memref_slice %arg2[%mul3A_80] : memref<20480000xf32, #tpu.memory_space<hbm>> -> memref<25600xf32, #tpu.memory_space<hbm>>
        tpu.wait_dma2 semaphore(%run_scoped3A : memref<!tpu.dma_semaphore, #tpu.memory_space<semaphore_mem>>) src(%dma_wait3A_128 : memref<25600xf32, #tpu.memory_space<hbm>>) dst(%arg11 : memref<25600xf32, #tpu.memory_space<vmem>>)
        tpu.yield
      }) : () -> ()
      "tpu.region"() ({
        %run_scoped3A = tpu.sem_alloc : memref<!tpu.dma_semaphore, #tpu.memory_space<semaphore_mem>>
        %dma_start3A = arith.constant 0 : i32
        %dma_start3A_127 = tpu.memref_slice %arg13[%add3A, %dma_start3A] : memref<32x400xi32, #tpu.memory_space<vmem_shared>> -> memref<1x400xi32, #tpu.memory_space<vmem_shared>>
        %dma_start3A_128 = tpu.memref_squeeze %dma_start3A_127 : memref<1x400xi32, #tpu.memory_space<vmem_shared>> -> memref<400xi32, #tpu.memory_space<vmem_shared>>
        %dma_start3A_129 = tpu.memref_slice %arg3[%add3A_78] : memref<320000xi32, #tpu.memory_space<hbm>> -> memref<400xi32, #tpu.memory_space<hbm>>
        tpu.enqueue_dma source(%dma_start3A_129 : memref<400xi32, #tpu.memory_space<hbm>>) target(%dma_start3A_128 : memref<400xi32, #tpu.memory_space<vmem_shared>>) target_semaphore(%run_scoped3A : memref<!tpu.dma_semaphore, #tpu.memory_space<semaphore_mem>>)
        %dma_wait3A = arith.constant 0 : i32
        %dma_wait3A_130 = tpu.memref_slice %arg13[%add3A, %dma_wait3A] : memref<32x400xi32, #tpu.memory_space<vmem_shared>> -> memref<1x400xi32, #tpu.memory_space<vmem_shared>>
        %dma_wait3A_131 = tpu.memref_squeeze %dma_wait3A_130 : memref<1x400xi32, #tpu.memory_space<vmem_shared>> -> memref<400xi32, #tpu.memory_space<vmem_shared>>
        %dma_wait3A_132 = tpu.memref_slice %arg3[%add3A_78] : memref<320000xi32, #tpu.memory_space<hbm>> -> memref<400xi32, #tpu.memory_space<hbm>>
        tpu.wait_dma2 semaphore(%run_scoped3A : memref<!tpu.dma_semaphore, #tpu.memory_space<semaphore_mem>>) src(%dma_wait3A_132 : memref<400xi32, #tpu.memory_space<hbm>>) dst(%dma_wait3A_131 : memref<400xi32, #tpu.memory_space<vmem_shared>>)
        tpu.yield
      }) : () -> ()
      "tpu.region"() ({
        %run_scoped3A = tpu.sem_alloc : memref<!tpu.dma_semaphore, #tpu.memory_space<semaphore_mem>>
        %dma_start3A = arith.constant 0 : i32
        %dma_start3A_127 = tpu.memref_slice %arg13[%add3A, %dma_start3A] : memref<32x400xi32, #tpu.memory_space<vmem_shared>> -> memref<1x400xi32, #tpu.memory_space<vmem_shared>>
        %dma_start3A_128 = tpu.memref_squeeze %dma_start3A_127 : memref<1x400xi32, #tpu.memory_space<vmem_shared>> -> memref<400xi32, #tpu.memory_space<vmem_shared>>
        tpu.enqueue_dma source(%dma_start3A_128 : memref<400xi32, #tpu.memory_space<vmem_shared>>) target(%arg12 : memref<400xi32, #tpu.memory_space<smem>>) target_semaphore(%run_scoped3A : memref<!tpu.dma_semaphore, #tpu.memory_space<semaphore_mem>>)
        %dma_wait3A = arith.constant 0 : i32
        %dma_wait3A_129 = tpu.memref_slice %arg13[%add3A, %dma_wait3A] : memref<32x400xi32, #tpu.memory_space<vmem_shared>> -> memref<1x400xi32, #tpu.memory_space<vmem_shared>>
        %dma_wait3A_130 = tpu.memref_squeeze %dma_wait3A_129 : memref<1x400xi32, #tpu.memory_space<vmem_shared>> -> memref<400xi32, #tpu.memory_space<vmem_shared>>
        tpu.wait_dma2 semaphore(%run_scoped3A : memref<!tpu.dma_semaphore, #tpu.memory_space<semaphore_mem>>) src(%dma_wait3A_130 : memref<400xi32, #tpu.memory_space<vmem_shared>>) dst(%arg12 : memref<400xi32, #tpu.memory_space<smem>>)
        tpu.yield
      }) : () -> ()
      %eq3A_81 = arith.constant 0 : i32
      %eq3A_82 = arith.cmpi eq, %scan3A_64, %eq3A_81 : i32
      %get3A_83 = arith.constant 0 : i32
      %get3A_84 = arith.index_cast %get3A_83 : i32 to index
      %get3A_85 = memref.load %arg12[%get3A_84] : memref<400xi32, #tpu.memory_space<smem>>
      %select_n3A = arith.select %eq3A_82, %get3A_85, %scan3A_65 : i32
      %scan3A_86 = arith.constant 0 : i32
      %scan3A_87 = arith.constant 0 : i32
      %scan3A_88 = arith.constant 400 : i32
      %scan3A_89 = arith.addi %scan3A_87, %scan3A_88 : i32
      %scan3A_90 = arith.constant 8 : i32
      %scan3A_91:11 = scf.for %scan3A_127 = %scan3A_87 to %scan3A_89 step %scan3A_90 iter_args(%scan3A_128 = %select_n3A, %scan3A_129 = %scan3A_86, %scan3A_130 = %scan3A_67, %scan3A_131 = %scan3A_68, %scan3A_132 = %scan3A_69, %scan3A_133 = %scan3A_70, %scan3A_134 = %scan3A_71, %scan3A_135 = %scan3A_72, %scan3A_136 = %scan3A_73, %scan3A_137 = %scan3A_74, %scan3A_138 = %scan3A_75) -> (i32, i32, f32, vector<16xf32>, vector<16xf32>, vector<16xf32>, vector<16xf32>, vector<16xf32>, vector<16xf32>, vector<16xf32>, vector<16xf32>)  : i32 {
        %get3A_139 = arith.index_cast %scan3A_127 : i32 to index
        %get3A_140 = memref.load %arg12[%get3A_139] : memref<400xi32, #tpu.memory_space<smem>>
        %eq3A_141 = arith.cmpi eq, %get3A_140, %scan3A_128 : i32
        %not3A = arith.constant true
        %not3A_142 = arith.xori %eq3A_141, %not3A : i1
        %convert_element_type3A_143 = arith.extui %not3A_142 : i1 to i32
        %cond3A_144 = arith.constant 0 : i32
        %cond3A_145 = arith.cmpi ne, %convert_element_type3A_143, %cond3A_144 : i32
        scf.if %cond3A_145 {
          %mul3A_751 = arith.constant 64 : i32
          %mul3A_752 = arith.muli %scan3A_129, %mul3A_751 : i32
          %add3A_753 = arith.constant 0 : i32
          %add3A_754 = arith.addi %mul3A_752, %add3A_753 : i32
          %swap3A = arith.index_cast %add3A_754 : i32 to index
          %swap3A_755 = tpu.vector_load %arg14[%swap3A] {strides = array<i32>} : memref<25664xf32, #tpu.memory_space<vmem>>, vector<16xf32>,
          %swap3A_756 = vector.shape_cast %swap3A_755 : vector<16xf32> to vector<16xf32>
          %swap3A_757 = vector.shape_cast %scan3A_131 : vector<16xf32> to vector<16xf32>
          tpu.vector_store %arg14[%swap3A], %swap3A_757 {strides = array<i32>} : memref<25664xf32, #tpu.memory_space<vmem>>, vector<16xf32>,
          %mul3A_758 = arith.constant 64 : i32
          %mul3A_759 = arith.muli %scan3A_129, %mul3A_758 : i32
          %add3A_760 = arith.constant 0 : i32
          %add3A_761 = arith.addi %mul3A_759, %add3A_760 : i32
          %swap3A_762 = arith.index_cast %add3A_761 : i32 to index
          %swap3A_763 = tpu.vector_load %arg15[%swap3A_762] {strides = array<i32>} : memref<25664xf32, #tpu.memory_space<vmem>>, vector<16xf32>,
          %swap3A_764 = vector.shape_cast %swap3A_763 : vector<16xf32> to vector<16xf32>
          %swap3A_765 = vector.shape_cast %scan3A_135 : vector<16xf32> to vector<16xf32>
          tpu.vector_store %arg15[%swap3A_762], %swap3A_765 {strides = array<i32>} : memref<25664xf32, #tpu.memory_space<vmem>>, vector<16xf32>,
          %mul3A_766 = arith.constant 64 : i32
          %mul3A_767 = arith.muli %scan3A_129, %mul3A_766 : i32
          %add3A_768 = arith.constant 16 : i32
          %add3A_769 = arith.addi %mul3A_767, %add3A_768 : i32
          %swap3A_770 = arith.index_cast %add3A_769 : i32 to index
          %swap3A_771 = tpu.vector_load %arg14[%swap3A_770] {strides = array<i32>} : memref<25664xf32, #tpu.memory_space<vmem>>, vector<16xf32>,
          %swap3A_772 = vector.shape_cast %swap3A_771 : vector<16xf32> to vector<16xf32>
          %swap3A_773 = vector.shape_cast %scan3A_132 : vector<16xf32> to vector<16xf32>
          tpu.vector_store %arg14[%swap3A_770], %swap3A_773 {strides = array<i32>} : memref<25664xf32, #tpu.memory_space<vmem>>, vector<16xf32>,
          %mul3A_774 = arith.constant 64 : i32
          %mul3A_775 = arith.muli %scan3A_129, %mul3A_774 : i32
          %add3A_776 = arith.constant 16 : i32
          %add3A_777 = arith.addi %mul3A_775, %add3A_776 : i32
          %swap3A_778 = arith.index_cast %add3A_777 : i32 to index
          %swap3A_779 = tpu.vector_load %arg15[%swap3A_778] {strides = array<i32>} : memref<25664xf32, #tpu.memory_space<vmem>>, vector<16xf32>,
          %swap3A_780 = vector.shape_cast %swap3A_779 : vector<16xf32> to vector<16xf32>
          %swap3A_781 = vector.shape_cast %scan3A_136 : vector<16xf32> to vector<16xf32>
          tpu.vector_store %arg15[%swap3A_778], %swap3A_781 {strides = array<i32>} : memref<25664xf32, #tpu.memory_space<vmem>>, vector<16xf32>,
          %mul3A_782 = arith.constant 64 : i32
          %mul3A_783 = arith.muli %scan3A_129, %mul3A_782 : i32
          %add3A_784 = arith.constant 32 : i32
          %add3A_785 = arith.addi %mul3A_783, %add3A_784 : i32
          %swap3A_786 = arith.index_cast %add3A_785 : i32 to index
          %swap3A_787 = tpu.vector_load %arg14[%swap3A_786] {strides = array<i32>} : memref<25664xf32, #tpu.memory_space<vmem>>, vector<16xf32>,
          %swap3A_788 = vector.shape_cast %swap3A_787 : vector<16xf32> to vector<16xf32>
          %swap3A_789 = vector.shape_cast %scan3A_133 : vector<16xf32> to vector<16xf32>
          tpu.vector_store %arg14[%swap3A_786], %swap3A_789 {strides = array<i32>} : memref<25664xf32, #tpu.memory_space<vmem>>, vector<16xf32>,
          %mul3A_790 = arith.constant 64 : i32
          %mul3A_791 = arith.muli %scan3A_129, %mul3A_790 : i32
          %add3A_792 = arith.constant 32 : i32
          %add3A_793 = arith.addi %mul3A_791, %add3A_792 : i32
          %swap3A_794 = arith.index_cast %add3A_793 : i32 to index
          %swap3A_795 = tpu.vector_load %arg15[%swap3A_794] {strides = array<i32>} : memref<25664xf32, #tpu.memory_space<vmem>>, vector<16xf32>,
          %swap3A_796 = vector.shape_cast %swap3A_795 : vector<16xf32> to vector<16xf32>
          %swap3A_797 = vector.shape_cast %scan3A_137 : vector<16xf32> to vector<16xf32>
          tpu.vector_store %arg15[%swap3A_794], %swap3A_797 {strides = array<i32>} : memref<25664xf32, #tpu.memory_space<vmem>>, vector<16xf32>,
          %mul3A_798 = arith.constant 64 : i32
          %mul3A_799 = arith.muli %scan3A_129, %mul3A_798 : i32
          %add3A_800 = arith.constant 48 : i32
          %add3A_801 = arith.addi %mul3A_799, %add3A_800 : i32
          %swap3A_802 = arith.index_cast %add3A_801 : i32 to index
          %swap3A_803 = tpu.vector_load %arg14[%swap3A_802] {strides = array<i32>} : memref<25664xf32, #tpu.memory_space<vmem>>, vector<16xf32>,
          %swap3A_804 = vector.shape_cast %swap3A_803 : vector<16xf32> to vector<16xf32>
          %swap3A_805 = vector.shape_cast %scan3A_134 : vector<16xf32> to vector<16xf32>
          tpu.vector_store %arg14[%swap3A_802], %swap3A_805 {strides = array<i32>} : memref<25664xf32, #tpu.memory_space<vmem>>, vector<16xf32>,
          %mul3A_806 = arith.constant 64 : i32
          %mul3A_807 = arith.muli %scan3A_129, %mul3A_806 : i32
          %add3A_808 = arith.constant 48 : i32
          %add3A_809 = arith.addi %mul3A_807, %add3A_808 : i32
          %swap3A_810 = arith.index_cast %add3A_809 : i32 to index
          %swap3A_811 = tpu.vector_load %arg15[%swap3A_810] {strides = array<i32>} : memref<25664xf32, #tpu.memory_space<vmem>>, vector<16xf32>,
          %swap3A_812 = vector.shape_cast %swap3A_811 : vector<16xf32> to vector<16xf32>
          %swap3A_813 = vector.shape_cast %scan3A_138 : vector<16xf32> to vector<16xf32>
          tpu.vector_store %arg15[%swap3A_810], %swap3A_813 {strides = array<i32>} : memref<25664xf32, #tpu.memory_space<vmem>>, vector<16xf32>,
          %broadcast_in_dim3A_814 = vector.broadcast %scan3A_130 : f32 to vector<16xf32>
          %mul3A_815 = arith.constant 16 : i32
          %mul3A_816 = arith.muli %scan3A_129, %mul3A_815 : i32
          %swap3A_817 = arith.index_cast %mul3A_816 : i32 to index
          %swap3A_818 = tpu.vector_load %arg16[%swap3A_817] {strides = array<i32>} : memref<6416xf32, #tpu.memory_space<vmem>>, vector<16xf32>,
          %swap3A_819 = vector.shape_cast %swap3A_818 : vector<16xf32> to vector<16xf32>
          %swap3A_820 = vector.shape_cast %broadcast_in_dim3A_814 : vector<16xf32> to vector<16xf32>
          tpu.vector_store %arg16[%swap3A_817], %swap3A_820 {strides = array<i32>} : memref<6416xf32, #tpu.memory_space<vmem>>, vector<16xf32>,
          %broadcast_in_dim3A_821 = vector.broadcast %scan3A_128 : i32 to vector<16xi32>
          %mul3A_822 = arith.constant 16 : i32
          %mul3A_823 = arith.muli %scan3A_129, %mul3A_822 : i32
          %swap3A_824 = arith.index_cast %mul3A_823 : i32 to index
          %swap3A_825 = tpu.vector_load %arg17[%swap3A_824] {strides = array<i32>} : memref<6416xi32, #tpu.memory_space<vmem>>, vector<16xi32>,
          %swap3A_826 = vector.shape_cast %swap3A_825 : vector<16xi32> to vector<16xi32>
          %swap3A_827 = vector.shape_cast %broadcast_in_dim3A_821 : vector<16xi32> to vector<16xi32>
          tpu.vector_store %arg17[%swap3A_824], %swap3A_827 {strides = array<i32>} : memref<6416xi32, #tpu.memory_space<vmem>>, vector<16xi32>,
        } else {
        }
        %add3A_146 = arith.constant 1 : i32
        %add3A_147 = arith.addi %scan3A_129, %add3A_146 : i32
        %select_n3A_148 = arith.select %eq3A_141, %scan3A_129, %add3A_147 : i32
        %mul3A_149 = arith.constant 64 : i32
        %mul3A_150 = arith.muli %scan3A_127, %mul3A_149 : i32
        %add3A_151 = arith.constant 0 : i32
        %add3A_152 = arith.addi %mul3A_150, %add3A_151 : i32
        %get3A_153 = arith.index_cast %add3A_152 : i32 to index
        %get3A_154 = tpu.vector_load %arg11[%get3A_153] {strides = array<i32>} : memref<25600xf32, #tpu.memory_space<vmem>>, vector<16xf32>,
        %get3A_155 = vector.shape_cast %get3A_154 : vector<16xf32> to vector<16xf32>
        %mul3A_156 = arith.mulf %get3A_155, %get3A_4 : vector<16xf32>
        %add3A_157 = arith.addf %mul3A_156, %get3A_16 : vector<16xf32>
        %mul3A_158 = arith.mulf %get3A_28, %add3A_157 : vector<16xf32>
        %max3A = arith.maximumf %add3A_157, %mul3A_158 : vector<16xf32>
        %add3A_159 = arith.addf %scan3A_131, %max3A : vector<16xf32>
        %select_n3A_160 = arith.select %eq3A_141, %add3A_159, %max3A : vector<16xf32>
        %select_n3A_161 = arith.select %eq3A_141, %scan3A_135, %broadcast_in_dim3A_45 : vector<16xf32>
        %max3A_162 = arith.maximumf %select_n3A_161, %max3A : vector<16xf32>
        %mul3A_163 = arith.constant 64 : i32
        %mul3A_164 = arith.muli %scan3A_127, %mul3A_163 : i32
        %add3A_165 = arith.constant 16 : i32
        %add3A_166 = arith.addi %mul3A_164, %add3A_165 : i32
        %get3A_167 = arith.index_cast %add3A_166 : i32 to index
        %get3A_168 = tpu.vector_load %arg11[%get3A_167] {strides = array<i32>} : memref<25600xf32, #tpu.memory_space<vmem>>, vector<16xf32>,
        %get3A_169 = vector.shape_cast %get3A_168 : vector<16xf32> to vector<16xf32>
        %mul3A_170 = arith.mulf %get3A_169, %get3A_7 : vector<16xf32>
        %add3A_171 = arith.addf %mul3A_170, %get3A_19 : vector<16xf32>
        %mul3A_172 = arith.mulf %get3A_31, %add3A_171 : vector<16xf32>
        %max3A_173 = arith.maximumf %add3A_171, %mul3A_172 : vector<16xf32>
        %add3A_174 = arith.addf %scan3A_132, %max3A_173 : vector<16xf32>
        %select_n3A_175 = arith.select %eq3A_141, %add3A_174, %max3A_173 : vector<16xf32>
        %select_n3A_176 = arith.select %eq3A_141, %scan3A_136, %broadcast_in_dim3A_45 : vector<16xf32>
        %max3A_177 = arith.maximumf %select_n3A_176, %max3A_173 : vector<16xf32>
        %mul3A_178 = arith.constant 64 : i32
        %mul3A_179 = arith.muli %scan3A_127, %mul3A_178 : i32
        %add3A_180 = arith.constant 32 : i32
        %add3A_181 = arith.addi %mul3A_179, %add3A_180 : i32
        %get3A_182 = arith.index_cast %add3A_181 : i32 to index
        %get3A_183 = tpu.vector_load %arg11[%get3A_182] {strides = array<i32>} : memref<25600xf32, #tpu.memory_space<vmem>>, vector<16xf32>,
        %get3A_184 = vector.shape_cast %get3A_183 : vector<16xf32> to vector<16xf32>
        %mul3A_185 = arith.mulf %get3A_184, %get3A_10 : vector<16xf32>
        %add3A_186 = arith.addf %mul3A_185, %get3A_22 : vector<16xf32>
        %mul3A_187 = arith.mulf %get3A_34, %add3A_186 : vector<16xf32>
        %max3A_188 = arith.maximumf %add3A_186, %mul3A_187 : vector<16xf32>
        %add3A_189 = arith.addf %scan3A_133, %max3A_188 : vector<16xf32>
        %select_n3A_190 = arith.select %eq3A_141, %add3A_189, %max3A_188 : vector<16xf32>
        %select_n3A_191 = arith.select %eq3A_141, %scan3A_137, %broadcast_in_dim3A_45 : vector<16xf32>
        %max3A_192 = arith.maximumf %select_n3A_191, %max3A_188 : vector<16xf32>
        %mul3A_193 = arith.constant 64 : i32
        %mul3A_194 = arith.muli %scan3A_127, %mul3A_193 : i32
        %add3A_195 = arith.constant 48 : i32
        %add3A_196 = arith.addi %mul3A_194, %add3A_195 : i32
        %get3A_197 = arith.index_cast %add3A_196 : i32 to index
        %get3A_198 = tpu.vector_load %arg11[%get3A_197] {strides = array<i32>} : memref<25600xf32, #tpu.memory_space<vmem>>, vector<16xf32>,
        %get3A_199 = vector.shape_cast %get3A_198 : vector<16xf32> to vector<16xf32>
        %mul3A_200 = arith.mulf %get3A_199, %get3A_13 : vector<16xf32>
        %add3A_201 = arith.addf %mul3A_200, %get3A_25 : vector<16xf32>
        %mul3A_202 = arith.mulf %get3A_37, %add3A_201 : vector<16xf32>
        %max3A_203 = arith.maximumf %add3A_201, %mul3A_202 : vector<16xf32>
        %add3A_204 = arith.addf %scan3A_134, %max3A_203 : vector<16xf32>
        %select_n3A_205 = arith.select %eq3A_141, %add3A_204, %max3A_203 : vector<16xf32>
        %select_n3A_206 = arith.select %eq3A_141, %scan3A_138, %broadcast_in_dim3A_45 : vector<16xf32>
        %max3A_207 = arith.maximumf %select_n3A_206, %max3A_203 : vector<16xf32>
        %add3A_208 = arith.constant 1.000000e+00 : f32
        %add3A_209 = arith.addf %scan3A_130, %add3A_208 : f32
        %jit3A_210 = arith.constant 1.000000e+00 : f32
        %select_n3A_211 = arith.select %eq3A_141, %add3A_209, %jit3A_210 : f32
        %scan3A_212 = arith.constant 1 : i32
        %scan3A_213 = arith.addi %scan3A_127, %scan3A_212 : i32
        %get3A_214 = arith.index_cast %scan3A_213 : i32 to index
        %get3A_215 = memref.load %arg12[%get3A_214] : memref<400xi32, #tpu.memory_space<smem>>
        %eq3A_216 = arith.cmpi eq, %get3A_215, %get3A_140 : i32
        %not3A_217 = arith.constant true
        %not3A_218 = arith.xori %eq3A_216, %not3A_217 : i1
        %convert_element_type3A_219 = arith.extui %not3A_218 : i1 to i32
        %cond3A_220 = arith.constant 0 : i32
        %cond3A_221 = arith.cmpi ne, %convert_element_type3A_219, %cond3A_220 : i32
        scf.if %cond3A_221 {
          %mul3A_751 = arith.constant 64 : i32
          %mul3A_752 = arith.muli %select_n3A_148, %mul3A_751 : i32
          %add3A_753 = arith.constant 0 : i32
          %add3A_754 = arith.addi %mul3A_752, %add3A_753 : i32
          %swap3A = arith.index_cast %add3A_754 : i32 to index
          %swap3A_755 = tpu.vector_load %arg14[%swap3A] {strides = array<i32>} : memref<25664xf32, #tpu.memory_space<vmem>>, vector<16xf32>,
          %swap3A_756 = vector.shape_cast %swap3A_755 : vector<16xf32> to vector<16xf32>
          %swap3A_757 = vector.shape_cast %select_n3A_160 : vector<16xf32> to vector<16xf32>
          tpu.vector_store %arg14[%swap3A], %swap3A_757 {strides = array<i32>} : memref<25664xf32, #tpu.memory_space<vmem>>, vector<16xf32>,
          %mul3A_758 = arith.constant 64 : i32
          %mul3A_759 = arith.muli %select_n3A_148, %mul3A_758 : i32
          %add3A_760 = arith.constant 0 : i32
          %add3A_761 = arith.addi %mul3A_759, %add3A_760 : i32
          %swap3A_762 = arith.index_cast %add3A_761 : i32 to index
          %swap3A_763 = tpu.vector_load %arg15[%swap3A_762] {strides = array<i32>} : memref<25664xf32, #tpu.memory_space<vmem>>, vector<16xf32>,
          %swap3A_764 = vector.shape_cast %swap3A_763 : vector<16xf32> to vector<16xf32>
          %swap3A_765 = vector.shape_cast %max3A_162 : vector<16xf32> to vector<16xf32>
          tpu.vector_store %arg15[%swap3A_762], %swap3A_765 {strides = array<i32>} : memref<25664xf32, #tpu.memory_space<vmem>>, vector<16xf32>,
          %mul3A_766 = arith.constant 64 : i32
          %mul3A_767 = arith.muli %select_n3A_148, %mul3A_766 : i32
          %add3A_768 = arith.constant 16 : i32
          %add3A_769 = arith.addi %mul3A_767, %add3A_768 : i32
          %swap3A_770 = arith.index_cast %add3A_769 : i32 to index
          %swap3A_771 = tpu.vector_load %arg14[%swap3A_770] {strides = array<i32>} : memref<25664xf32, #tpu.memory_space<vmem>>, vector<16xf32>,
          %swap3A_772 = vector.shape_cast %swap3A_771 : vector<16xf32> to vector<16xf32>
          %swap3A_773 = vector.shape_cast %select_n3A_175 : vector<16xf32> to vector<16xf32>
          tpu.vector_store %arg14[%swap3A_770], %swap3A_773 {strides = array<i32>} : memref<25664xf32, #tpu.memory_space<vmem>>, vector<16xf32>,
          %mul3A_774 = arith.constant 64 : i32
          %mul3A_775 = arith.muli %select_n3A_148, %mul3A_774 : i32
          %add3A_776 = arith.constant 16 : i32
          %add3A_777 = arith.addi %mul3A_775, %add3A_776 : i32
          %swap3A_778 = arith.index_cast %add3A_777 : i32 to index
          %swap3A_779 = tpu.vector_load %arg15[%swap3A_778] {strides = array<i32>} : memref<25664xf32, #tpu.memory_space<vmem>>, vector<16xf32>,
          %swap3A_780 = vector.shape_cast %swap3A_779 : vector<16xf32> to vector<16xf32>
          %swap3A_781 = vector.shape_cast %max3A_177 : vector<16xf32> to vector<16xf32>
          tpu.vector_store %arg15[%swap3A_778], %swap3A_781 {strides = array<i32>} : memref<25664xf32, #tpu.memory_space<vmem>>, vector<16xf32>,
          %mul3A_782 = arith.constant 64 : i32
          %mul3A_783 = arith.muli %select_n3A_148, %mul3A_782 : i32
          %add3A_784 = arith.constant 32 : i32
          %add3A_785 = arith.addi %mul3A_783, %add3A_784 : i32
          %swap3A_786 = arith.index_cast %add3A_785 : i32 to index
          %swap3A_787 = tpu.vector_load %arg14[%swap3A_786] {strides = array<i32>} : memref<25664xf32, #tpu.memory_space<vmem>>, vector<16xf32>,
          %swap3A_788 = vector.shape_cast %swap3A_787 : vector<16xf32> to vector<16xf32>
          %swap3A_789 = vector.shape_cast %select_n3A_190 : vector<16xf32> to vector<16xf32>
          tpu.vector_store %arg14[%swap3A_786], %swap3A_789 {strides = array<i32>} : memref<25664xf32, #tpu.memory_space<vmem>>, vector<16xf32>,
          %mul3A_790 = arith.constant 64 : i32
          %mul3A_791 = arith.muli %select_n3A_148, %mul3A_790 : i32
          %add3A_792 = arith.constant 32 : i32
          %add3A_793 = arith.addi %mul3A_791, %add3A_792 : i32
          %swap3A_794 = arith.index_cast %add3A_793 : i32 to index
          %swap3A_795 = tpu.vector_load %arg15[%swap3A_794] {strides = array<i32>} : memref<25664xf32, #tpu.memory_space<vmem>>, vector<16xf32>,
          %swap3A_796 = vector.shape_cast %swap3A_795 : vector<16xf32> to vector<16xf32>
          %swap3A_797 = vector.shape_cast %max3A_192 : vector<16xf32> to vector<16xf32>
          tpu.vector_store %arg15[%swap3A_794], %swap3A_797 {strides = array<i32>} : memref<25664xf32, #tpu.memory_space<vmem>>, vector<16xf32>,
          %mul3A_798 = arith.constant 64 : i32
          %mul3A_799 = arith.muli %select_n3A_148, %mul3A_798 : i32
          %add3A_800 = arith.constant 48 : i32
          %add3A_801 = arith.addi %mul3A_799, %add3A_800 : i32
          %swap3A_802 = arith.index_cast %add3A_801 : i32 to index
          %swap3A_803 = tpu.vector_load %arg14[%swap3A_802] {strides = array<i32>} : memref<25664xf32, #tpu.memory_space<vmem>>, vector<16xf32>,
          %swap3A_804 = vector.shape_cast %swap3A_803 : vector<16xf32> to vector<16xf32>
          %swap3A_805 = vector.shape_cast %select_n3A_205 : vector<16xf32> to vector<16xf32>
          tpu.vector_store %arg14[%swap3A_802], %swap3A_805 {strides = array<i32>} : memref<25664xf32, #tpu.memory_space<vmem>>, vector<16xf32>,
          %mul3A_806 = arith.constant 64 : i32
          %mul3A_807 = arith.muli %select_n3A_148, %mul3A_806 : i32
          %add3A_808 = arith.constant 48 : i32
          %add3A_809 = arith.addi %mul3A_807, %add3A_808 : i32
          %swap3A_810 = arith.index_cast %add3A_809 : i32 to index
          %swap3A_811 = tpu.vector_load %arg15[%swap3A_810] {strides = array<i32>} : memref<25664xf32, #tpu.memory_space<vmem>>, vector<16xf32>,
          %swap3A_812 = vector.shape_cast %swap3A_811 : vector<16xf32> to vector<16xf32>
          %swap3A_813 = vector.shape_cast %max3A_207 : vector<16xf32> to vector<16xf32>
          tpu.vector_store %arg15[%swap3A_810], %swap3A_813 {strides = array<i32>} : memref<25664xf32, #tpu.memory_space<vmem>>, vector<16xf32>,
          %broadcast_in_dim3A_814 = vector.broadcast %select_n3A_211 : f32 to vector<16xf32>
          %mul3A_815 = arith.constant 16 : i32
          %mul3A_816 = arith.muli %select_n3A_148, %mul3A_815 : i32
          %swap3A_817 = arith.index_cast %mul3A_816 : i32 to index
          %swap3A_818 = tpu.vector_load %arg16[%swap3A_817] {strides = array<i32>} : memref<6416xf32, #tpu.memory_space<vmem>>, vector<16xf32>,
          %swap3A_819 = vector.shape_cast %swap3A_818 : vector<16xf32> to vector<16xf32>
          %swap3A_820 = vector.shape_cast %broadcast_in_dim3A_814 : vector<16xf32> to vector<16xf32>
          tpu.vector_store %arg16[%swap3A_817], %swap3A_820 {strides = array<i32>} : memref<6416xf32, #tpu.memory_space<vmem>>, vector<16xf32>,
          %broadcast_in_dim3A_821 = vector.broadcast %get3A_140 : i32 to vector<16xi32>
          %mul3A_822 = arith.constant 16 : i32
          %mul3A_823 = arith.muli %select_n3A_148, %mul3A_822 : i32
          %swap3A_824 = arith.index_cast %mul3A_823 : i32 to index
          %swap3A_825 = tpu.vector_load %arg17[%swap3A_824] {strides = array<i32>} : memref<6416xi32, #tpu.memory_space<vmem>>, vector<16xi32>,
          %swap3A_826 = vector.shape_cast %swap3A_825 : vector<16xi32> to vector<16xi32>
          %swap3A_827 = vector.shape_cast %broadcast_in_dim3A_821 : vector<16xi32> to vector<16xi32>
          tpu.vector_store %arg17[%swap3A_824], %swap3A_827 {strides = array<i32>} : memref<6416xi32, #tpu.memory_space<vmem>>, vector<16xi32>,
        } else {
        }
        %add3A_222 = arith.constant 1 : i32
        %add3A_223 = arith.addi %select_n3A_148, %add3A_222 : i32
        %select_n3A_224 = arith.select %eq3A_216, %select_n3A_148, %add3A_223 : i32
        %mul3A_225 = arith.constant 64 : i32
        %mul3A_226 = arith.muli %scan3A_213, %mul3A_225 : i32
        %add3A_227 = arith.constant 0 : i32
        %add3A_228 = arith.addi %mul3A_226, %add3A_227 : i32
        %get3A_229 = arith.index_cast %add3A_228 : i32 to index
        %get3A_230 = tpu.vector_load %arg11[%get3A_229] {strides = array<i32>} : memref<25600xf32, #tpu.memory_space<vmem>>, vector<16xf32>,
        %get3A_231 = vector.shape_cast %get3A_230 : vector<16xf32> to vector<16xf32>
        %mul3A_232 = arith.mulf %get3A_231, %get3A_4 : vector<16xf32>
        %add3A_233 = arith.addf %mul3A_232, %get3A_16 : vector<16xf32>
        %mul3A_234 = arith.mulf %get3A_28, %add3A_233 : vector<16xf32>
        %max3A_235 = arith.maximumf %add3A_233, %mul3A_234 : vector<16xf32>
        %add3A_236 = arith.addf %select_n3A_160, %max3A_235 : vector<16xf32>
        %select_n3A_237 = arith.select %eq3A_216, %add3A_236, %max3A_235 : vector<16xf32>
        %select_n3A_238 = arith.select %eq3A_216, %max3A_162, %broadcast_in_dim3A_45 : vector<16xf32>
        %max3A_239 = arith.maximumf %select_n3A_238, %max3A_235 : vector<16xf32>
        %mul3A_240 = arith.constant 64 : i32
        %mul3A_241 = arith.muli %scan3A_213, %mul3A_240 : i32
        %add3A_242 = arith.constant 16 : i32
        %add3A_243 = arith.addi %mul3A_241, %add3A_242 : i32
        %get3A_244 = arith.index_cast %add3A_243 : i32 to index
        %get3A_245 = tpu.vector_load %arg11[%get3A_244] {strides = array<i32>} : memref<25600xf32, #tpu.memory_space<vmem>>, vector<16xf32>,
        %get3A_246 = vector.shape_cast %get3A_245 : vector<16xf32> to vector<16xf32>
        %mul3A_247 = arith.mulf %get3A_246, %get3A_7 : vector<16xf32>
        %add3A_248 = arith.addf %mul3A_247, %get3A_19 : vector<16xf32>
        %mul3A_249 = arith.mulf %get3A_31, %add3A_248 : vector<16xf32>
        %max3A_250 = arith.maximumf %add3A_248, %mul3A_249 : vector<16xf32>
        %add3A_251 = arith.addf %select_n3A_175, %max3A_250 : vector<16xf32>
        %select_n3A_252 = arith.select %eq3A_216, %add3A_251, %max3A_250 : vector<16xf32>
        %select_n3A_253 = arith.select %eq3A_216, %max3A_177, %broadcast_in_dim3A_45 : vector<16xf32>
        %max3A_254 = arith.maximumf %select_n3A_253, %max3A_250 : vector<16xf32>
        %mul3A_255 = arith.constant 64 : i32
        %mul3A_256 = arith.muli %scan3A_213, %mul3A_255 : i32
        %add3A_257 = arith.constant 32 : i32
        %add3A_258 = arith.addi %mul3A_256, %add3A_257 : i32
        %get3A_259 = arith.index_cast %add3A_258 : i32 to index
        %get3A_260 = tpu.vector_load %arg11[%get3A_259] {strides = array<i32>} : memref<25600xf32, #tpu.memory_space<vmem>>, vector<16xf32>,
        %get3A_261 = vector.shape_cast %get3A_260 : vector<16xf32> to vector<16xf32>
        %mul3A_262 = arith.mulf %get3A_261, %get3A_10 : vector<16xf32>
        %add3A_263 = arith.addf %mul3A_262, %get3A_22 : vector<16xf32>
        %mul3A_264 = arith.mulf %get3A_34, %add3A_263 : vector<16xf32>
        %max3A_265 = arith.maximumf %add3A_263, %mul3A_264 : vector<16xf32>
        %add3A_266 = arith.addf %select_n3A_190, %max3A_265 : vector<16xf32>
        %select_n3A_267 = arith.select %eq3A_216, %add3A_266, %max3A_265 : vector<16xf32>
        %select_n3A_268 = arith.select %eq3A_216, %max3A_192, %broadcast_in_dim3A_45 : vector<16xf32>
        %max3A_269 = arith.maximumf %select_n3A_268, %max3A_265 : vector<16xf32>
        %mul3A_270 = arith.constant 64 : i32
        %mul3A_271 = arith.muli %scan3A_213, %mul3A_270 : i32
        %add3A_272 = arith.constant 48 : i32
        %add3A_273 = arith.addi %mul3A_271, %add3A_272 : i32
        %get3A_274 = arith.index_cast %add3A_273 : i32 to index
        %get3A_275 = tpu.vector_load %arg11[%get3A_274] {strides = array<i32>} : memref<25600xf32, #tpu.memory_space<vmem>>, vector<16xf32>,
        %get3A_276 = vector.shape_cast %get3A_275 : vector<16xf32> to vector<16xf32>
        %mul3A_277 = arith.mulf %get3A_276, %get3A_13 : vector<16xf32>
        %add3A_278 = arith.addf %mul3A_277, %get3A_25 : vector<16xf32>
        %mul3A_279 = arith.mulf %get3A_37, %add3A_278 : vector<16xf32>
        %max3A_280 = arith.maximumf %add3A_278, %mul3A_279 : vector<16xf32>
        %add3A_281 = arith.addf %select_n3A_205, %max3A_280 : vector<16xf32>
        %select_n3A_282 = arith.select %eq3A_216, %add3A_281, %max3A_280 : vector<16xf32>
        %select_n3A_283 = arith.select %eq3A_216, %max3A_207, %broadcast_in_dim3A_45 : vector<16xf32>
        %max3A_284 = arith.maximumf %select_n3A_283, %max3A_280 : vector<16xf32>
        %add3A_285 = arith.constant 1.000000e+00 : f32
        %add3A_286 = arith.addf %select_n3A_211, %add3A_285 : f32
        %jit3A_287 = arith.constant 1.000000e+00 : f32
        %select_n3A_288 = arith.select %eq3A_216, %add3A_286, %jit3A_287 : f32
        %scan3A_289 = arith.constant 2 : i32
        %scan3A_290 = arith.addi %scan3A_127, %scan3A_289 : i32
        %get3A_291 = arith.index_cast %scan3A_290 : i32 to index
        %get3A_292 = memref.load %arg12[%get3A_291] : memref<400xi32, #tpu.memory_space<smem>>
        %eq3A_293 = arith.cmpi eq, %get3A_292, %get3A_215 : i32
        %not3A_294 = arith.constant true
        %not3A_295 = arith.xori %eq3A_293, %not3A_294 : i1
        %convert_element_type3A_296 = arith.extui %not3A_295 : i1 to i32
        %cond3A_297 = arith.constant 0 : i32
        %cond3A_298 = arith.cmpi ne, %convert_element_type3A_296, %cond3A_297 : i32
        scf.if %cond3A_298 {
          %mul3A_751 = arith.constant 64 : i32
          %mul3A_752 = arith.muli %select_n3A_224, %mul3A_751 : i32
          %add3A_753 = arith.constant 0 : i32
          %add3A_754 = arith.addi %mul3A_752, %add3A_753 : i32
          %swap3A = arith.index_cast %add3A_754 : i32 to index
          %swap3A_755 = tpu.vector_load %arg14[%swap3A] {strides = array<i32>} : memref<25664xf32, #tpu.memory_space<vmem>>, vector<16xf32>,
          %swap3A_756 = vector.shape_cast %swap3A_755 : vector<16xf32> to vector<16xf32>
          %swap3A_757 = vector.shape_cast %select_n3A_237 : vector<16xf32> to vector<16xf32>
          tpu.vector_store %arg14[%swap3A], %swap3A_757 {strides = array<i32>} : memref<25664xf32, #tpu.memory_space<vmem>>, vector<16xf32>,
          %mul3A_758 = arith.constant 64 : i32
          %mul3A_759 = arith.muli %select_n3A_224, %mul3A_758 : i32
          %add3A_760 = arith.constant 0 : i32
          %add3A_761 = arith.addi %mul3A_759, %add3A_760 : i32
          %swap3A_762 = arith.index_cast %add3A_761 : i32 to index
          %swap3A_763 = tpu.vector_load %arg15[%swap3A_762] {strides = array<i32>} : memref<25664xf32, #tpu.memory_space<vmem>>, vector<16xf32>,
          %swap3A_764 = vector.shape_cast %swap3A_763 : vector<16xf32> to vector<16xf32>
          %swap3A_765 = vector.shape_cast %max3A_239 : vector<16xf32> to vector<16xf32>
          tpu.vector_store %arg15[%swap3A_762], %swap3A_765 {strides = array<i32>} : memref<25664xf32, #tpu.memory_space<vmem>>, vector<16xf32>,
          %mul3A_766 = arith.constant 64 : i32
          %mul3A_767 = arith.muli %select_n3A_224, %mul3A_766 : i32
          %add3A_768 = arith.constant 16 : i32
          %add3A_769 = arith.addi %mul3A_767, %add3A_768 : i32
          %swap3A_770 = arith.index_cast %add3A_769 : i32 to index
          %swap3A_771 = tpu.vector_load %arg14[%swap3A_770] {strides = array<i32>} : memref<25664xf32, #tpu.memory_space<vmem>>, vector<16xf32>,
          %swap3A_772 = vector.shape_cast %swap3A_771 : vector<16xf32> to vector<16xf32>
          %swap3A_773 = vector.shape_cast %select_n3A_252 : vector<16xf32> to vector<16xf32>
          tpu.vector_store %arg14[%swap3A_770], %swap3A_773 {strides = array<i32>} : memref<25664xf32, #tpu.memory_space<vmem>>, vector<16xf32>,
          %mul3A_774 = arith.constant 64 : i32
          %mul3A_775 = arith.muli %select_n3A_224, %mul3A_774 : i32
          %add3A_776 = arith.constant 16 : i32
          %add3A_777 = arith.addi %mul3A_775, %add3A_776 : i32
          %swap3A_778 = arith.index_cast %add3A_777 : i32 to index
          %swap3A_779 = tpu.vector_load %arg15[%swap3A_778] {strides = array<i32>} : memref<25664xf32, #tpu.memory_space<vmem>>, vector<16xf32>,
          %swap3A_780 = vector.shape_cast %swap3A_779 : vector<16xf32> to vector<16xf32>
          %swap3A_781 = vector.shape_cast %max3A_254 : vector<16xf32> to vector<16xf32>
          tpu.vector_store %arg15[%swap3A_778], %swap3A_781 {strides = array<i32>} : memref<25664xf32, #tpu.memory_space<vmem>>, vector<16xf32>,
          %mul3A_782 = arith.constant 64 : i32
          %mul3A_783 = arith.muli %select_n3A_224, %mul3A_782 : i32
          %add3A_784 = arith.constant 32 : i32
          %add3A_785 = arith.addi %mul3A_783, %add3A_784 : i32
          %swap3A_786 = arith.index_cast %add3A_785 : i32 to index
          %swap3A_787 = tpu.vector_load %arg14[%swap3A_786] {strides = array<i32>} : memref<25664xf32, #tpu.memory_space<vmem>>, vector<16xf32>,
          %swap3A_788 = vector.shape_cast %swap3A_787 : vector<16xf32> to vector<16xf32>
          %swap3A_789 = vector.shape_cast %select_n3A_267 : vector<16xf32> to vector<16xf32>
          tpu.vector_store %arg14[%swap3A_786], %swap3A_789 {strides = array<i32>} : memref<25664xf32, #tpu.memory_space<vmem>>, vector<16xf32>,
          %mul3A_790 = arith.constant 64 : i32
          %mul3A_791 = arith.muli %select_n3A_224, %mul3A_790 : i32
          %add3A_792 = arith.constant 32 : i32
          %add3A_793 = arith.addi %mul3A_791, %add3A_792 : i32
          %swap3A_794 = arith.index_cast %add3A_793 : i32 to index
          %swap3A_795 = tpu.vector_load %arg15[%swap3A_794] {strides = array<i32>} : memref<25664xf32, #tpu.memory_space<vmem>>, vector<16xf32>,
          %swap3A_796 = vector.shape_cast %swap3A_795 : vector<16xf32> to vector<16xf32>
          %swap3A_797 = vector.shape_cast %max3A_269 : vector<16xf32> to vector<16xf32>
          tpu.vector_store %arg15[%swap3A_794], %swap3A_797 {strides = array<i32>} : memref<25664xf32, #tpu.memory_space<vmem>>, vector<16xf32>,
          %mul3A_798 = arith.constant 64 : i32
          %mul3A_799 = arith.muli %select_n3A_224, %mul3A_798 : i32
          %add3A_800 = arith.constant 48 : i32
          %add3A_801 = arith.addi %mul3A_799, %add3A_800 : i32
          %swap3A_802 = arith.index_cast %add3A_801 : i32 to index
          %swap3A_803 = tpu.vector_load %arg14[%swap3A_802] {strides = array<i32>} : memref<25664xf32, #tpu.memory_space<vmem>>, vector<16xf32>,
          %swap3A_804 = vector.shape_cast %swap3A_803 : vector<16xf32> to vector<16xf32>
          %swap3A_805 = vector.shape_cast %select_n3A_282 : vector<16xf32> to vector<16xf32>
          tpu.vector_store %arg14[%swap3A_802], %swap3A_805 {strides = array<i32>} : memref<25664xf32, #tpu.memory_space<vmem>>, vector<16xf32>,
          %mul3A_806 = arith.constant 64 : i32
          %mul3A_807 = arith.muli %select_n3A_224, %mul3A_806 : i32
          %add3A_808 = arith.constant 48 : i32
          %add3A_809 = arith.addi %mul3A_807, %add3A_808 : i32
          %swap3A_810 = arith.index_cast %add3A_809 : i32 to index
          %swap3A_811 = tpu.vector_load %arg15[%swap3A_810] {strides = array<i32>} : memref<25664xf32, #tpu.memory_space<vmem>>, vector<16xf32>,
          %swap3A_812 = vector.shape_cast %swap3A_811 : vector<16xf32> to vector<16xf32>
          %swap3A_813 = vector.shape_cast %max3A_284 : vector<16xf32> to vector<16xf32>
          tpu.vector_store %arg15[%swap3A_810], %swap3A_813 {strides = array<i32>} : memref<25664xf32, #tpu.memory_space<vmem>>, vector<16xf32>,
          %broadcast_in_dim3A_814 = vector.broadcast %select_n3A_288 : f32 to vector<16xf32>
          %mul3A_815 = arith.constant 16 : i32
          %mul3A_816 = arith.muli %select_n3A_224, %mul3A_815 : i32
          %swap3A_817 = arith.index_cast %mul3A_816 : i32 to index
          %swap3A_818 = tpu.vector_load %arg16[%swap3A_817] {strides = array<i32>} : memref<6416xf32, #tpu.memory_space<vmem>>, vector<16xf32>,
          %swap3A_819 = vector.shape_cast %swap3A_818 : vector<16xf32> to vector<16xf32>
          %swap3A_820 = vector.shape_cast %broadcast_in_dim3A_814 : vector<16xf32> to vector<16xf32>
          tpu.vector_store %arg16[%swap3A_817], %swap3A_820 {strides = array<i32>} : memref<6416xf32, #tpu.memory_space<vmem>>, vector<16xf32>,
          %broadcast_in_dim3A_821 = vector.broadcast %get3A_215 : i32 to vector<16xi32>
          %mul3A_822 = arith.constant 16 : i32
          %mul3A_823 = arith.muli %select_n3A_224, %mul3A_822 : i32
          %swap3A_824 = arith.index_cast %mul3A_823 : i32 to index
          %swap3A_825 = tpu.vector_load %arg17[%swap3A_824] {strides = array<i32>} : memref<6416xi32, #tpu.memory_space<vmem>>, vector<16xi32>,
          %swap3A_826 = vector.shape_cast %swap3A_825 : vector<16xi32> to vector<16xi32>
          %swap3A_827 = vector.shape_cast %broadcast_in_dim3A_821 : vector<16xi32> to vector<16xi32>
          tpu.vector_store %arg17[%swap3A_824], %swap3A_827 {strides = array<i32>} : memref<6416xi32, #tpu.memory_space<vmem>>, vector<16xi32>,
        } else {
        }
        %add3A_299 = arith.constant 1 : i32
        %add3A_300 = arith.addi %select_n3A_224, %add3A_299 : i32
        %select_n3A_301 = arith.select %eq3A_293, %select_n3A_224, %add3A_300 : i32
        %mul3A_302 = arith.constant 64 : i32
        %mul3A_303 = arith.muli %scan3A_290, %mul3A_302 : i32
        %add3A_304 = arith.constant 0 : i32
        %add3A_305 = arith.addi %mul3A_303, %add3A_304 : i32
        %get3A_306 = arith.index_cast %add3A_305 : i32 to index
        %get3A_307 = tpu.vector_load %arg11[%get3A_306] {strides = array<i32>} : memref<25600xf32, #tpu.memory_space<vmem>>, vector<16xf32>,
        %get3A_308 = vector.shape_cast %get3A_307 : vector<16xf32> to vector<16xf32>
        %mul3A_309 = arith.mulf %get3A_308, %get3A_4 : vector<16xf32>
        %add3A_310 = arith.addf %mul3A_309, %get3A_16 : vector<16xf32>
        %mul3A_311 = arith.mulf %get3A_28, %add3A_310 : vector<16xf32>
        %max3A_312 = arith.maximumf %add3A_310, %mul3A_311 : vector<16xf32>
        %add3A_313 = arith.addf %select_n3A_237, %max3A_312 : vector<16xf32>
        %select_n3A_314 = arith.select %eq3A_293, %add3A_313, %max3A_312 : vector<16xf32>
        %select_n3A_315 = arith.select %eq3A_293, %max3A_239, %broadcast_in_dim3A_45 : vector<16xf32>
        %max3A_316 = arith.maximumf %select_n3A_315, %max3A_312 : vector<16xf32>
        %mul3A_317 = arith.constant 64 : i32
        %mul3A_318 = arith.muli %scan3A_290, %mul3A_317 : i32
        %add3A_319 = arith.constant 16 : i32
        %add3A_320 = arith.addi %mul3A_318, %add3A_319 : i32
        %get3A_321 = arith.index_cast %add3A_320 : i32 to index
        %get3A_322 = tpu.vector_load %arg11[%get3A_321] {strides = array<i32>} : memref<25600xf32, #tpu.memory_space<vmem>>, vector<16xf32>,
        %get3A_323 = vector.shape_cast %get3A_322 : vector<16xf32> to vector<16xf32>
        %mul3A_324 = arith.mulf %get3A_323, %get3A_7 : vector<16xf32>
        %add3A_325 = arith.addf %mul3A_324, %get3A_19 : vector<16xf32>
        %mul3A_326 = arith.mulf %get3A_31, %add3A_325 : vector<16xf32>
        %max3A_327 = arith.maximumf %add3A_325, %mul3A_326 : vector<16xf32>
        %add3A_328 = arith.addf %select_n3A_252, %max3A_327 : vector<16xf32>
        %select_n3A_329 = arith.select %eq3A_293, %add3A_328, %max3A_327 : vector<16xf32>
        %select_n3A_330 = arith.select %eq3A_293, %max3A_254, %broadcast_in_dim3A_45 : vector<16xf32>
        %max3A_331 = arith.maximumf %select_n3A_330, %max3A_327 : vector<16xf32>
        %mul3A_332 = arith.constant 64 : i32
        %mul3A_333 = arith.muli %scan3A_290, %mul3A_332 : i32
        %add3A_334 = arith.constant 32 : i32
        %add3A_335 = arith.addi %mul3A_333, %add3A_334 : i32
        %get3A_336 = arith.index_cast %add3A_335 : i32 to index
        %get3A_337 = tpu.vector_load %arg11[%get3A_336] {strides = array<i32>} : memref<25600xf32, #tpu.memory_space<vmem>>, vector<16xf32>,
        %get3A_338 = vector.shape_cast %get3A_337 : vector<16xf32> to vector<16xf32>
        %mul3A_339 = arith.mulf %get3A_338, %get3A_10 : vector<16xf32>
        %add3A_340 = arith.addf %mul3A_339, %get3A_22 : vector<16xf32>
        %mul3A_341 = arith.mulf %get3A_34, %add3A_340 : vector<16xf32>
        %max3A_342 = arith.maximumf %add3A_340, %mul3A_341 : vector<16xf32>
        %add3A_343 = arith.addf %select_n3A_267, %max3A_342 : vector<16xf32>
        %select_n3A_344 = arith.select %eq3A_293, %add3A_343, %max3A_342 : vector<16xf32>
        %select_n3A_345 = arith.select %eq3A_293, %max3A_269, %broadcast_in_dim3A_45 : vector<16xf32>
        %max3A_346 = arith.maximumf %select_n3A_345, %max3A_342 : vector<16xf32>
        %mul3A_347 = arith.constant 64 : i32
        %mul3A_348 = arith.muli %scan3A_290, %mul3A_347 : i32
        %add3A_349 = arith.constant 48 : i32
        %add3A_350 = arith.addi %mul3A_348, %add3A_349 : i32
        %get3A_351 = arith.index_cast %add3A_350 : i32 to index
        %get3A_352 = tpu.vector_load %arg11[%get3A_351] {strides = array<i32>} : memref<25600xf32, #tpu.memory_space<vmem>>, vector<16xf32>,
        %get3A_353 = vector.shape_cast %get3A_352 : vector<16xf32> to vector<16xf32>
        %mul3A_354 = arith.mulf %get3A_353, %get3A_13 : vector<16xf32>
        %add3A_355 = arith.addf %mul3A_354, %get3A_25 : vector<16xf32>
        %mul3A_356 = arith.mulf %get3A_37, %add3A_355 : vector<16xf32>
        %max3A_357 = arith.maximumf %add3A_355, %mul3A_356 : vector<16xf32>
        %add3A_358 = arith.addf %select_n3A_282, %max3A_357 : vector<16xf32>
        %select_n3A_359 = arith.select %eq3A_293, %add3A_358, %max3A_357 : vector<16xf32>
        %select_n3A_360 = arith.select %eq3A_293, %max3A_284, %broadcast_in_dim3A_45 : vector<16xf32>
        %max3A_361 = arith.maximumf %select_n3A_360, %max3A_357 : vector<16xf32>
        %add3A_362 = arith.constant 1.000000e+00 : f32
        %add3A_363 = arith.addf %select_n3A_288, %add3A_362 : f32
        %jit3A_364 = arith.constant 1.000000e+00 : f32
        %select_n3A_365 = arith.select %eq3A_293, %add3A_363, %jit3A_364 : f32
        %scan3A_366 = arith.constant 3 : i32
        %scan3A_367 = arith.addi %scan3A_127, %scan3A_366 : i32
        %get3A_368 = arith.index_cast %scan3A_367 : i32 to index
        %get3A_369 = memref.load %arg12[%get3A_368] : memref<400xi32, #tpu.memory_space<smem>>
        %eq3A_370 = arith.cmpi eq, %get3A_369, %get3A_292 : i32
        %not3A_371 = arith.constant true
        %not3A_372 = arith.xori %eq3A_370, %not3A_371 : i1
        %convert_element_type3A_373 = arith.extui %not3A_372 : i1 to i32
        %cond3A_374 = arith.constant 0 : i32
        %cond3A_375 = arith.cmpi ne, %convert_element_type3A_373, %cond3A_374 : i32
        scf.if %cond3A_375 {
          %mul3A_751 = arith.constant 64 : i32
          %mul3A_752 = arith.muli %select_n3A_301, %mul3A_751 : i32
          %add3A_753 = arith.constant 0 : i32
          %add3A_754 = arith.addi %mul3A_752, %add3A_753 : i32
          %swap3A = arith.index_cast %add3A_754 : i32 to index
          %swap3A_755 = tpu.vector_load %arg14[%swap3A] {strides = array<i32>} : memref<25664xf32, #tpu.memory_space<vmem>>, vector<16xf32>,
          %swap3A_756 = vector.shape_cast %swap3A_755 : vector<16xf32> to vector<16xf32>
          %swap3A_757 = vector.shape_cast %select_n3A_314 : vector<16xf32> to vector<16xf32>
          tpu.vector_store %arg14[%swap3A], %swap3A_757 {strides = array<i32>} : memref<25664xf32, #tpu.memory_space<vmem>>, vector<16xf32>,
          %mul3A_758 = arith.constant 64 : i32
          %mul3A_759 = arith.muli %select_n3A_301, %mul3A_758 : i32
          %add3A_760 = arith.constant 0 : i32
          %add3A_761 = arith.addi %mul3A_759, %add3A_760 : i32
          %swap3A_762 = arith.index_cast %add3A_761 : i32 to index
          %swap3A_763 = tpu.vector_load %arg15[%swap3A_762] {strides = array<i32>} : memref<25664xf32, #tpu.memory_space<vmem>>, vector<16xf32>,
          %swap3A_764 = vector.shape_cast %swap3A_763 : vector<16xf32> to vector<16xf32>
          %swap3A_765 = vector.shape_cast %max3A_316 : vector<16xf32> to vector<16xf32>
          tpu.vector_store %arg15[%swap3A_762], %swap3A_765 {strides = array<i32>} : memref<25664xf32, #tpu.memory_space<vmem>>, vector<16xf32>,
          %mul3A_766 = arith.constant 64 : i32
          %mul3A_767 = arith.muli %select_n3A_301, %mul3A_766 : i32
          %add3A_768 = arith.constant 16 : i32
          %add3A_769 = arith.addi %mul3A_767, %add3A_768 : i32
          %swap3A_770 = arith.index_cast %add3A_769 : i32 to index
          %swap3A_771 = tpu.vector_load %arg14[%swap3A_770] {strides = array<i32>} : memref<25664xf32, #tpu.memory_space<vmem>>, vector<16xf32>,
          %swap3A_772 = vector.shape_cast %swap3A_771 : vector<16xf32> to vector<16xf32>
          %swap3A_773 = vector.shape_cast %select_n3A_329 : vector<16xf32> to vector<16xf32>
          tpu.vector_store %arg14[%swap3A_770], %swap3A_773 {strides = array<i32>} : memref<25664xf32, #tpu.memory_space<vmem>>, vector<16xf32>,
          %mul3A_774 = arith.constant 64 : i32
          %mul3A_775 = arith.muli %select_n3A_301, %mul3A_774 : i32
          %add3A_776 = arith.constant 16 : i32
          %add3A_777 = arith.addi %mul3A_775, %add3A_776 : i32
          %swap3A_778 = arith.index_cast %add3A_777 : i32 to index
          %swap3A_779 = tpu.vector_load %arg15[%swap3A_778] {strides = array<i32>} : memref<25664xf32, #tpu.memory_space<vmem>>, vector<16xf32>,
          %swap3A_780 = vector.shape_cast %swap3A_779 : vector<16xf32> to vector<16xf32>
          %swap3A_781 = vector.shape_cast %max3A_331 : vector<16xf32> to vector<16xf32>
          tpu.vector_store %arg15[%swap3A_778], %swap3A_781 {strides = array<i32>} : memref<25664xf32, #tpu.memory_space<vmem>>, vector<16xf32>,
          %mul3A_782 = arith.constant 64 : i32
          %mul3A_783 = arith.muli %select_n3A_301, %mul3A_782 : i32
          %add3A_784 = arith.constant 32 : i32
          %add3A_785 = arith.addi %mul3A_783, %add3A_784 : i32
          %swap3A_786 = arith.index_cast %add3A_785 : i32 to index
          %swap3A_787 = tpu.vector_load %arg14[%swap3A_786] {strides = array<i32>} : memref<25664xf32, #tpu.memory_space<vmem>>, vector<16xf32>,
          %swap3A_788 = vector.shape_cast %swap3A_787 : vector<16xf32> to vector<16xf32>
          %swap3A_789 = vector.shape_cast %select_n3A_344 : vector<16xf32> to vector<16xf32>
          tpu.vector_store %arg14[%swap3A_786], %swap3A_789 {strides = array<i32>} : memref<25664xf32, #tpu.memory_space<vmem>>, vector<16xf32>,
          %mul3A_790 = arith.constant 64 : i32
          %mul3A_791 = arith.muli %select_n3A_301, %mul3A_790 : i32
          %add3A_792 = arith.constant 32 : i32
          %add3A_793 = arith.addi %mul3A_791, %add3A_792 : i32
          %swap3A_794 = arith.index_cast %add3A_793 : i32 to index
          %swap3A_795 = tpu.vector_load %arg15[%swap3A_794] {strides = array<i32>} : memref<25664xf32, #tpu.memory_space<vmem>>, vector<16xf32>,
          %swap3A_796 = vector.shape_cast %swap3A_795 : vector<16xf32> to vector<16xf32>
          %swap3A_797 = vector.shape_cast %max3A_346 : vector<16xf32> to vector<16xf32>
          tpu.vector_store %arg15[%swap3A_794], %swap3A_797 {strides = array<i32>} : memref<25664xf32, #tpu.memory_space<vmem>>, vector<16xf32>,
          %mul3A_798 = arith.constant 64 : i32
          %mul3A_799 = arith.muli %select_n3A_301, %mul3A_798 : i32
          %add3A_800 = arith.constant 48 : i32
          %add3A_801 = arith.addi %mul3A_799, %add3A_800 : i32
          %swap3A_802 = arith.index_cast %add3A_801 : i32 to index
          %swap3A_803 = tpu.vector_load %arg14[%swap3A_802] {strides = array<i32>} : memref<25664xf32, #tpu.memory_space<vmem>>, vector<16xf32>,
          %swap3A_804 = vector.shape_cast %swap3A_803 : vector<16xf32> to vector<16xf32>
          %swap3A_805 = vector.shape_cast %select_n3A_359 : vector<16xf32> to vector<16xf32>
          tpu.vector_store %arg14[%swap3A_802], %swap3A_805 {strides = array<i32>} : memref<25664xf32, #tpu.memory_space<vmem>>, vector<16xf32>,
          %mul3A_806 = arith.constant 64 : i32
          %mul3A_807 = arith.muli %select_n3A_301, %mul3A_806 : i32
          %add3A_808 = arith.constant 48 : i32
          %add3A_809 = arith.addi %mul3A_807, %add3A_808 : i32
          %swap3A_810 = arith.index_cast %add3A_809 : i32 to index
          %swap3A_811 = tpu.vector_load %arg15[%swap3A_810] {strides = array<i32>} : memref<25664xf32, #tpu.memory_space<vmem>>, vector<16xf32>,
          %swap3A_812 = vector.shape_cast %swap3A_811 : vector<16xf32> to vector<16xf32>
          %swap3A_813 = vector.shape_cast %max3A_361 : vector<16xf32> to vector<16xf32>
          tpu.vector_store %arg15[%swap3A_810], %swap3A_813 {strides = array<i32>} : memref<25664xf32, #tpu.memory_space<vmem>>, vector<16xf32>,
          %broadcast_in_dim3A_814 = vector.broadcast %select_n3A_365 : f32 to vector<16xf32>
          %mul3A_815 = arith.constant 16 : i32
          %mul3A_816 = arith.muli %select_n3A_301, %mul3A_815 : i32
          %swap3A_817 = arith.index_cast %mul3A_816 : i32 to index
          %swap3A_818 = tpu.vector_load %arg16[%swap3A_817] {strides = array<i32>} : memref<6416xf32, #tpu.memory_space<vmem>>, vector<16xf32>,
          %swap3A_819 = vector.shape_cast %swap3A_818 : vector<16xf32> to vector<16xf32>
          %swap3A_820 = vector.shape_cast %broadcast_in_dim3A_814 : vector<16xf32> to vector<16xf32>
          tpu.vector_store %arg16[%swap3A_817], %swap3A_820 {strides = array<i32>} : memref<6416xf32, #tpu.memory_space<vmem>>, vector<16xf32>,
          %broadcast_in_dim3A_821 = vector.broadcast %get3A_292 : i32 to vector<16xi32>
          %mul3A_822 = arith.constant 16 : i32
          %mul3A_823 = arith.muli %select_n3A_301, %mul3A_822 : i32
          %swap3A_824 = arith.index_cast %mul3A_823 : i32 to index
          %swap3A_825 = tpu.vector_load %arg17[%swap3A_824] {strides = array<i32>} : memref<6416xi32, #tpu.memory_space<vmem>>, vector<16xi32>,
          %swap3A_826 = vector.shape_cast %swap3A_825 : vector<16xi32> to vector<16xi32>
          %swap3A_827 = vector.shape_cast %broadcast_in_dim3A_821 : vector<16xi32> to vector<16xi32>
          tpu.vector_store %arg17[%swap3A_824], %swap3A_827 {strides = array<i32>} : memref<6416xi32, #tpu.memory_space<vmem>>, vector<16xi32>,
        } else {
        }
        %add3A_376 = arith.constant 1 : i32
        %add3A_377 = arith.addi %select_n3A_301, %add3A_376 : i32
        %select_n3A_378 = arith.select %eq3A_370, %select_n3A_301, %add3A_377 : i32
        %mul3A_379 = arith.constant 64 : i32
        %mul3A_380 = arith.muli %scan3A_367, %mul3A_379 : i32
        %add3A_381 = arith.constant 0 : i32
        %add3A_382 = arith.addi %mul3A_380, %add3A_381 : i32
        %get3A_383 = arith.index_cast %add3A_382 : i32 to index
        %get3A_384 = tpu.vector_load %arg11[%get3A_383] {strides = array<i32>} : memref<25600xf32, #tpu.memory_space<vmem>>, vector<16xf32>,
        %get3A_385 = vector.shape_cast %get3A_384 : vector<16xf32> to vector<16xf32>
        %mul3A_386 = arith.mulf %get3A_385, %get3A_4 : vector<16xf32>
        %add3A_387 = arith.addf %mul3A_386, %get3A_16 : vector<16xf32>
        %mul3A_388 = arith.mulf %get3A_28, %add3A_387 : vector<16xf32>
        %max3A_389 = arith.maximumf %add3A_387, %mul3A_388 : vector<16xf32>
        %add3A_390 = arith.addf %select_n3A_314, %max3A_389 : vector<16xf32>
        %select_n3A_391 = arith.select %eq3A_370, %add3A_390, %max3A_389 : vector<16xf32>
        %select_n3A_392 = arith.select %eq3A_370, %max3A_316, %broadcast_in_dim3A_45 : vector<16xf32>
        %max3A_393 = arith.maximumf %select_n3A_392, %max3A_389 : vector<16xf32>
        %mul3A_394 = arith.constant 64 : i32
        %mul3A_395 = arith.muli %scan3A_367, %mul3A_394 : i32
        %add3A_396 = arith.constant 16 : i32
        %add3A_397 = arith.addi %mul3A_395, %add3A_396 : i32
        %get3A_398 = arith.index_cast %add3A_397 : i32 to index
        %get3A_399 = tpu.vector_load %arg11[%get3A_398] {strides = array<i32>} : memref<25600xf32, #tpu.memory_space<vmem>>, vector<16xf32>,
        %get3A_400 = vector.shape_cast %get3A_399 : vector<16xf32> to vector<16xf32>
        %mul3A_401 = arith.mulf %get3A_400, %get3A_7 : vector<16xf32>
        %add3A_402 = arith.addf %mul3A_401, %get3A_19 : vector<16xf32>
        %mul3A_403 = arith.mulf %get3A_31, %add3A_402 : vector<16xf32>
        %max3A_404 = arith.maximumf %add3A_402, %mul3A_403 : vector<16xf32>
        %add3A_405 = arith.addf %select_n3A_329, %max3A_404 : vector<16xf32>
        %select_n3A_406 = arith.select %eq3A_370, %add3A_405, %max3A_404 : vector<16xf32>
        %select_n3A_407 = arith.select %eq3A_370, %max3A_331, %broadcast_in_dim3A_45 : vector<16xf32>
        %max3A_408 = arith.maximumf %select_n3A_407, %max3A_404 : vector<16xf32>
        %mul3A_409 = arith.constant 64 : i32
        %mul3A_410 = arith.muli %scan3A_367, %mul3A_409 : i32
        %add3A_411 = arith.constant 32 : i32
        %add3A_412 = arith.addi %mul3A_410, %add3A_411 : i32
        %get3A_413 = arith.index_cast %add3A_412 : i32 to index
        %get3A_414 = tpu.vector_load %arg11[%get3A_413] {strides = array<i32>} : memref<25600xf32, #tpu.memory_space<vmem>>, vector<16xf32>,
        %get3A_415 = vector.shape_cast %get3A_414 : vector<16xf32> to vector<16xf32>
        %mul3A_416 = arith.mulf %get3A_415, %get3A_10 : vector<16xf32>
        %add3A_417 = arith.addf %mul3A_416, %get3A_22 : vector<16xf32>
        %mul3A_418 = arith.mulf %get3A_34, %add3A_417 : vector<16xf32>
        %max3A_419 = arith.maximumf %add3A_417, %mul3A_418 : vector<16xf32>
        %add3A_420 = arith.addf %select_n3A_344, %max3A_419 : vector<16xf32>
        %select_n3A_421 = arith.select %eq3A_370, %add3A_420, %max3A_419 : vector<16xf32>
        %select_n3A_422 = arith.select %eq3A_370, %max3A_346, %broadcast_in_dim3A_45 : vector<16xf32>
        %max3A_423 = arith.maximumf %select_n3A_422, %max3A_419 : vector<16xf32>
        %mul3A_424 = arith.constant 64 : i32
        %mul3A_425 = arith.muli %scan3A_367, %mul3A_424 : i32
        %add3A_426 = arith.constant 48 : i32
        %add3A_427 = arith.addi %mul3A_425, %add3A_426 : i32
        %get3A_428 = arith.index_cast %add3A_427 : i32 to index
        %get3A_429 = tpu.vector_load %arg11[%get3A_428] {strides = array<i32>} : memref<25600xf32, #tpu.memory_space<vmem>>, vector<16xf32>,
        %get3A_430 = vector.shape_cast %get3A_429 : vector<16xf32> to vector<16xf32>
        %mul3A_431 = arith.mulf %get3A_430, %get3A_13 : vector<16xf32>
        %add3A_432 = arith.addf %mul3A_431, %get3A_25 : vector<16xf32>
        %mul3A_433 = arith.mulf %get3A_37, %add3A_432 : vector<16xf32>
        %max3A_434 = arith.maximumf %add3A_432, %mul3A_433 : vector<16xf32>
        %add3A_435 = arith.addf %select_n3A_359, %max3A_434 : vector<16xf32>
        %select_n3A_436 = arith.select %eq3A_370, %add3A_435, %max3A_434 : vector<16xf32>
        %select_n3A_437 = arith.select %eq3A_370, %max3A_361, %broadcast_in_dim3A_45 : vector<16xf32>
        %max3A_438 = arith.maximumf %select_n3A_437, %max3A_434 : vector<16xf32>
        %add3A_439 = arith.constant 1.000000e+00 : f32
        %add3A_440 = arith.addf %select_n3A_365, %add3A_439 : f32
        %jit3A_441 = arith.constant 1.000000e+00 : f32
        %select_n3A_442 = arith.select %eq3A_370, %add3A_440, %jit3A_441 : f32
        %scan3A_443 = arith.constant 4 : i32
        %scan3A_444 = arith.addi %scan3A_127, %scan3A_443 : i32
        %get3A_445 = arith.index_cast %scan3A_444 : i32 to index
        %get3A_446 = memref.load %arg12[%get3A_445] : memref<400xi32, #tpu.memory_space<smem>>
        %eq3A_447 = arith.cmpi eq, %get3A_446, %get3A_369 : i32
        %not3A_448 = arith.constant true
        %not3A_449 = arith.xori %eq3A_447, %not3A_448 : i1
        %convert_element_type3A_450 = arith.extui %not3A_449 : i1 to i32
        %cond3A_451 = arith.constant 0 : i32
        %cond3A_452 = arith.cmpi ne, %convert_element_type3A_450, %cond3A_451 : i32
        scf.if %cond3A_452 {
          %mul3A_751 = arith.constant 64 : i32
          %mul3A_752 = arith.muli %select_n3A_378, %mul3A_751 : i32
          %add3A_753 = arith.constant 0 : i32
          %add3A_754 = arith.addi %mul3A_752, %add3A_753 : i32
          %swap3A = arith.index_cast %add3A_754 : i32 to index
          %swap3A_755 = tpu.vector_load %arg14[%swap3A] {strides = array<i32>} : memref<25664xf32, #tpu.memory_space<vmem>>, vector<16xf32>,
          %swap3A_756 = vector.shape_cast %swap3A_755 : vector<16xf32> to vector<16xf32>
          %swap3A_757 = vector.shape_cast %select_n3A_391 : vector<16xf32> to vector<16xf32>
          tpu.vector_store %arg14[%swap3A], %swap3A_757 {strides = array<i32>} : memref<25664xf32, #tpu.memory_space<vmem>>, vector<16xf32>,
          %mul3A_758 = arith.constant 64 : i32
          %mul3A_759 = arith.muli %select_n3A_378, %mul3A_758 : i32
          %add3A_760 = arith.constant 0 : i32
          %add3A_761 = arith.addi %mul3A_759, %add3A_760 : i32
          %swap3A_762 = arith.index_cast %add3A_761 : i32 to index
          %swap3A_763 = tpu.vector_load %arg15[%swap3A_762] {strides = array<i32>} : memref<25664xf32, #tpu.memory_space<vmem>>, vector<16xf32>,
          %swap3A_764 = vector.shape_cast %swap3A_763 : vector<16xf32> to vector<16xf32>
          %swap3A_765 = vector.shape_cast %max3A_393 : vector<16xf32> to vector<16xf32>
          tpu.vector_store %arg15[%swap3A_762], %swap3A_765 {strides = array<i32>} : memref<25664xf32, #tpu.memory_space<vmem>>, vector<16xf32>,
          %mul3A_766 = arith.constant 64 : i32
          %mul3A_767 = arith.muli %select_n3A_378, %mul3A_766 : i32
          %add3A_768 = arith.constant 16 : i32
          %add3A_769 = arith.addi %mul3A_767, %add3A_768 : i32
          %swap3A_770 = arith.index_cast %add3A_769 : i32 to index
          %swap3A_771 = tpu.vector_load %arg14[%swap3A_770] {strides = array<i32>} : memref<25664xf32, #tpu.memory_space<vmem>>, vector<16xf32>,
          %swap3A_772 = vector.shape_cast %swap3A_771 : vector<16xf32> to vector<16xf32>
          %swap3A_773 = vector.shape_cast %select_n3A_406 : vector<16xf32> to vector<16xf32>
          tpu.vector_store %arg14[%swap3A_770], %swap3A_773 {strides = array<i32>} : memref<25664xf32, #tpu.memory_space<vmem>>, vector<16xf32>,
          %mul3A_774 = arith.constant 64 : i32
          %mul3A_775 = arith.muli %select_n3A_378, %mul3A_774 : i32
          %add3A_776 = arith.constant 16 : i32
          %add3A_777 = arith.addi %mul3A_775, %add3A_776 : i32
          %swap3A_778 = arith.index_cast %add3A_777 : i32 to index
          %swap3A_779 = tpu.vector_load %arg15[%swap3A_778] {strides = array<i32>} : memref<25664xf32, #tpu.memory_space<vmem>>, vector<16xf32>,
          %swap3A_780 = vector.shape_cast %swap3A_779 : vector<16xf32> to vector<16xf32>
          %swap3A_781 = vector.shape_cast %max3A_408 : vector<16xf32> to vector<16xf32>
          tpu.vector_store %arg15[%swap3A_778], %swap3A_781 {strides = array<i32>} : memref<25664xf32, #tpu.memory_space<vmem>>, vector<16xf32>,
          %mul3A_782 = arith.constant 64 : i32
          %mul3A_783 = arith.muli %select_n3A_378, %mul3A_782 : i32
          %add3A_784 = arith.constant 32 : i32
          %add3A_785 = arith.addi %mul3A_783, %add3A_784 : i32
          %swap3A_786 = arith.index_cast %add3A_785 : i32 to index
          %swap3A_787 = tpu.vector_load %arg14[%swap3A_786] {strides = array<i32>} : memref<25664xf32, #tpu.memory_space<vmem>>, vector<16xf32>,
          %swap3A_788 = vector.shape_cast %swap3A_787 : vector<16xf32> to vector<16xf32>
          %swap3A_789 = vector.shape_cast %select_n3A_421 : vector<16xf32> to vector<16xf32>
          tpu.vector_store %arg14[%swap3A_786], %swap3A_789 {strides = array<i32>} : memref<25664xf32, #tpu.memory_space<vmem>>, vector<16xf32>,
          %mul3A_790 = arith.constant 64 : i32
          %mul3A_791 = arith.muli %select_n3A_378, %mul3A_790 : i32
          %add3A_792 = arith.constant 32 : i32
          %add3A_793 = arith.addi %mul3A_791, %add3A_792 : i32
          %swap3A_794 = arith.index_cast %add3A_793 : i32 to index
          %swap3A_795 = tpu.vector_load %arg15[%swap3A_794] {strides = array<i32>} : memref<25664xf32, #tpu.memory_space<vmem>>, vector<16xf32>,
          %swap3A_796 = vector.shape_cast %swap3A_795 : vector<16xf32> to vector<16xf32>
          %swap3A_797 = vector.shape_cast %max3A_423 : vector<16xf32> to vector<16xf32>
          tpu.vector_store %arg15[%swap3A_794], %swap3A_797 {strides = array<i32>} : memref<25664xf32, #tpu.memory_space<vmem>>, vector<16xf32>,
          %mul3A_798 = arith.constant 64 : i32
          %mul3A_799 = arith.muli %select_n3A_378, %mul3A_798 : i32
          %add3A_800 = arith.constant 48 : i32
          %add3A_801 = arith.addi %mul3A_799, %add3A_800 : i32
          %swap3A_802 = arith.index_cast %add3A_801 : i32 to index
          %swap3A_803 = tpu.vector_load %arg14[%swap3A_802] {strides = array<i32>} : memref<25664xf32, #tpu.memory_space<vmem>>, vector<16xf32>,
          %swap3A_804 = vector.shape_cast %swap3A_803 : vector<16xf32> to vector<16xf32>
          %swap3A_805 = vector.shape_cast %select_n3A_436 : vector<16xf32> to vector<16xf32>
          tpu.vector_store %arg14[%swap3A_802], %swap3A_805 {strides = array<i32>} : memref<25664xf32, #tpu.memory_space<vmem>>, vector<16xf32>,
          %mul3A_806 = arith.constant 64 : i32
          %mul3A_807 = arith.muli %select_n3A_378, %mul3A_806 : i32
          %add3A_808 = arith.constant 48 : i32
          %add3A_809 = arith.addi %mul3A_807, %add3A_808 : i32
          %swap3A_810 = arith.index_cast %add3A_809 : i32 to index
          %swap3A_811 = tpu.vector_load %arg15[%swap3A_810] {strides = array<i32>} : memref<25664xf32, #tpu.memory_space<vmem>>, vector<16xf32>,
          %swap3A_812 = vector.shape_cast %swap3A_811 : vector<16xf32> to vector<16xf32>
          %swap3A_813 = vector.shape_cast %max3A_438 : vector<16xf32> to vector<16xf32>
          tpu.vector_store %arg15[%swap3A_810], %swap3A_813 {strides = array<i32>} : memref<25664xf32, #tpu.memory_space<vmem>>, vector<16xf32>,
          %broadcast_in_dim3A_814 = vector.broadcast %select_n3A_442 : f32 to vector<16xf32>
          %mul3A_815 = arith.constant 16 : i32
          %mul3A_816 = arith.muli %select_n3A_378, %mul3A_815 : i32
          %swap3A_817 = arith.index_cast %mul3A_816 : i32 to index
          %swap3A_818 = tpu.vector_load %arg16[%swap3A_817] {strides = array<i32>} : memref<6416xf32, #tpu.memory_space<vmem>>, vector<16xf32>,
          %swap3A_819 = vector.shape_cast %swap3A_818 : vector<16xf32> to vector<16xf32>
          %swap3A_820 = vector.shape_cast %broadcast_in_dim3A_814 : vector<16xf32> to vector<16xf32>
          tpu.vector_store %arg16[%swap3A_817], %swap3A_820 {strides = array<i32>} : memref<6416xf32, #tpu.memory_space<vmem>>, vector<16xf32>,
          %broadcast_in_dim3A_821 = vector.broadcast %get3A_369 : i32 to vector<16xi32>
          %mul3A_822 = arith.constant 16 : i32
          %mul3A_823 = arith.muli %select_n3A_378, %mul3A_822 : i32
          %swap3A_824 = arith.index_cast %mul3A_823 : i32 to index
          %swap3A_825 = tpu.vector_load %arg17[%swap3A_824] {strides = array<i32>} : memref<6416xi32, #tpu.memory_space<vmem>>, vector<16xi32>,
          %swap3A_826 = vector.shape_cast %swap3A_825 : vector<16xi32> to vector<16xi32>
          %swap3A_827 = vector.shape_cast %broadcast_in_dim3A_821 : vector<16xi32> to vector<16xi32>
          tpu.vector_store %arg17[%swap3A_824], %swap3A_827 {strides = array<i32>} : memref<6416xi32, #tpu.memory_space<vmem>>, vector<16xi32>,
        } else {
        }
        %add3A_453 = arith.constant 1 : i32
        %add3A_454 = arith.addi %select_n3A_378, %add3A_453 : i32
        %select_n3A_455 = arith.select %eq3A_447, %select_n3A_378, %add3A_454 : i32
        %mul3A_456 = arith.constant 64 : i32
        %mul3A_457 = arith.muli %scan3A_444, %mul3A_456 : i32
        %add3A_458 = arith.constant 0 : i32
        %add3A_459 = arith.addi %mul3A_457, %add3A_458 : i32
        %get3A_460 = arith.index_cast %add3A_459 : i32 to index
        %get3A_461 = tpu.vector_load %arg11[%get3A_460] {strides = array<i32>} : memref<25600xf32, #tpu.memory_space<vmem>>, vector<16xf32>,
        %get3A_462 = vector.shape_cast %get3A_461 : vector<16xf32> to vector<16xf32>
        %mul3A_463 = arith.mulf %get3A_462, %get3A_4 : vector<16xf32>
        %add3A_464 = arith.addf %mul3A_463, %get3A_16 : vector<16xf32>
        %mul3A_465 = arith.mulf %get3A_28, %add3A_464 : vector<16xf32>
        %max3A_466 = arith.maximumf %add3A_464, %mul3A_465 : vector<16xf32>
        %add3A_467 = arith.addf %select_n3A_391, %max3A_466 : vector<16xf32>
        %select_n3A_468 = arith.select %eq3A_447, %add3A_467, %max3A_466 : vector<16xf32>
        %select_n3A_469 = arith.select %eq3A_447, %max3A_393, %broadcast_in_dim3A_45 : vector<16xf32>
        %max3A_470 = arith.maximumf %select_n3A_469, %max3A_466 : vector<16xf32>
        %mul3A_471 = arith.constant 64 : i32
        %mul3A_472 = arith.muli %scan3A_444, %mul3A_471 : i32
        %add3A_473 = arith.constant 16 : i32
        %add3A_474 = arith.addi %mul3A_472, %add3A_473 : i32
        %get3A_475 = arith.index_cast %add3A_474 : i32 to index
        %get3A_476 = tpu.vector_load %arg11[%get3A_475] {strides = array<i32>} : memref<25600xf32, #tpu.memory_space<vmem>>, vector<16xf32>,
        %get3A_477 = vector.shape_cast %get3A_476 : vector<16xf32> to vector<16xf32>
        %mul3A_478 = arith.mulf %get3A_477, %get3A_7 : vector<16xf32>
        %add3A_479 = arith.addf %mul3A_478, %get3A_19 : vector<16xf32>
        %mul3A_480 = arith.mulf %get3A_31, %add3A_479 : vector<16xf32>
        %max3A_481 = arith.maximumf %add3A_479, %mul3A_480 : vector<16xf32>
        %add3A_482 = arith.addf %select_n3A_406, %max3A_481 : vector<16xf32>
        %select_n3A_483 = arith.select %eq3A_447, %add3A_482, %max3A_481 : vector<16xf32>
        %select_n3A_484 = arith.select %eq3A_447, %max3A_408, %broadcast_in_dim3A_45 : vector<16xf32>
        %max3A_485 = arith.maximumf %select_n3A_484, %max3A_481 : vector<16xf32>
        %mul3A_486 = arith.constant 64 : i32
        %mul3A_487 = arith.muli %scan3A_444, %mul3A_486 : i32
        %add3A_488 = arith.constant 32 : i32
        %add3A_489 = arith.addi %mul3A_487, %add3A_488 : i32
        %get3A_490 = arith.index_cast %add3A_489 : i32 to index
        %get3A_491 = tpu.vector_load %arg11[%get3A_490] {strides = array<i32>} : memref<25600xf32, #tpu.memory_space<vmem>>, vector<16xf32>,
        %get3A_492 = vector.shape_cast %get3A_491 : vector<16xf32> to vector<16xf32>
        %mul3A_493 = arith.mulf %get3A_492, %get3A_10 : vector<16xf32>
        %add3A_494 = arith.addf %mul3A_493, %get3A_22 : vector<16xf32>
        %mul3A_495 = arith.mulf %get3A_34, %add3A_494 : vector<16xf32>
        %max3A_496 = arith.maximumf %add3A_494, %mul3A_495 : vector<16xf32>
        %add3A_497 = arith.addf %select_n3A_421, %max3A_496 : vector<16xf32>
        %select_n3A_498 = arith.select %eq3A_447, %add3A_497, %max3A_496 : vector<16xf32>
        %select_n3A_499 = arith.select %eq3A_447, %max3A_423, %broadcast_in_dim3A_45 : vector<16xf32>
        %max3A_500 = arith.maximumf %select_n3A_499, %max3A_496 : vector<16xf32>
        %mul3A_501 = arith.constant 64 : i32
        %mul3A_502 = arith.muli %scan3A_444, %mul3A_501 : i32
        %add3A_503 = arith.constant 48 : i32
        %add3A_504 = arith.addi %mul3A_502, %add3A_503 : i32
        %get3A_505 = arith.index_cast %add3A_504 : i32 to index
        %get3A_506 = tpu.vector_load %arg11[%get3A_505] {strides = array<i32>} : memref<25600xf32, #tpu.memory_space<vmem>>, vector<16xf32>,
        %get3A_507 = vector.shape_cast %get3A_506 : vector<16xf32> to vector<16xf32>
        %mul3A_508 = arith.mulf %get3A_507, %get3A_13 : vector<16xf32>
        %add3A_509 = arith.addf %mul3A_508, %get3A_25 : vector<16xf32>
        %mul3A_510 = arith.mulf %get3A_37, %add3A_509 : vector<16xf32>
        %max3A_511 = arith.maximumf %add3A_509, %mul3A_510 : vector<16xf32>
        %add3A_512 = arith.addf %select_n3A_436, %max3A_511 : vector<16xf32>
        %select_n3A_513 = arith.select %eq3A_447, %add3A_512, %max3A_511 : vector<16xf32>
        %select_n3A_514 = arith.select %eq3A_447, %max3A_438, %broadcast_in_dim3A_45 : vector<16xf32>
        %max3A_515 = arith.maximumf %select_n3A_514, %max3A_511 : vector<16xf32>
        %add3A_516 = arith.constant 1.000000e+00 : f32
        %add3A_517 = arith.addf %select_n3A_442, %add3A_516 : f32
        %jit3A_518 = arith.constant 1.000000e+00 : f32
        %select_n3A_519 = arith.select %eq3A_447, %add3A_517, %jit3A_518 : f32
        %scan3A_520 = arith.constant 5 : i32
        %scan3A_521 = arith.addi %scan3A_127, %scan3A_520 : i32
        %get3A_522 = arith.index_cast %scan3A_521 : i32 to index
        %get3A_523 = memref.load %arg12[%get3A_522] : memref<400xi32, #tpu.memory_space<smem>>
        %eq3A_524 = arith.cmpi eq, %get3A_523, %get3A_446 : i32
        %not3A_525 = arith.constant true
        %not3A_526 = arith.xori %eq3A_524, %not3A_525 : i1
        %convert_element_type3A_527 = arith.extui %not3A_526 : i1 to i32
        %cond3A_528 = arith.constant 0 : i32
        %cond3A_529 = arith.cmpi ne, %convert_element_type3A_527, %cond3A_528 : i32
        scf.if %cond3A_529 {
          %mul3A_751 = arith.constant 64 : i32
          %mul3A_752 = arith.muli %select_n3A_455, %mul3A_751 : i32
          %add3A_753 = arith.constant 0 : i32
          %add3A_754 = arith.addi %mul3A_752, %add3A_753 : i32
          %swap3A = arith.index_cast %add3A_754 : i32 to index
          %swap3A_755 = tpu.vector_load %arg14[%swap3A] {strides = array<i32>} : memref<25664xf32, #tpu.memory_space<vmem>>, vector<16xf32>,
          %swap3A_756 = vector.shape_cast %swap3A_755 : vector<16xf32> to vector<16xf32>
          %swap3A_757 = vector.shape_cast %select_n3A_468 : vector<16xf32> to vector<16xf32>
          tpu.vector_store %arg14[%swap3A], %swap3A_757 {strides = array<i32>} : memref<25664xf32, #tpu.memory_space<vmem>>, vector<16xf32>,
          %mul3A_758 = arith.constant 64 : i32
          %mul3A_759 = arith.muli %select_n3A_455, %mul3A_758 : i32
          %add3A_760 = arith.constant 0 : i32
          %add3A_761 = arith.addi %mul3A_759, %add3A_760 : i32
          %swap3A_762 = arith.index_cast %add3A_761 : i32 to index
          %swap3A_763 = tpu.vector_load %arg15[%swap3A_762] {strides = array<i32>} : memref<25664xf32, #tpu.memory_space<vmem>>, vector<16xf32>,
          %swap3A_764 = vector.shape_cast %swap3A_763 : vector<16xf32> to vector<16xf32>
          %swap3A_765 = vector.shape_cast %max3A_470 : vector<16xf32> to vector<16xf32>
          tpu.vector_store %arg15[%swap3A_762], %swap3A_765 {strides = array<i32>} : memref<25664xf32, #tpu.memory_space<vmem>>, vector<16xf32>,
          %mul3A_766 = arith.constant 64 : i32
          %mul3A_767 = arith.muli %select_n3A_455, %mul3A_766 : i32
          %add3A_768 = arith.constant 16 : i32
          %add3A_769 = arith.addi %mul3A_767, %add3A_768 : i32
          %swap3A_770 = arith.index_cast %add3A_769 : i32 to index
          %swap3A_771 = tpu.vector_load %arg14[%swap3A_770] {strides = array<i32>} : memref<25664xf32, #tpu.memory_space<vmem>>, vector<16xf32>,
          %swap3A_772 = vector.shape_cast %swap3A_771 : vector<16xf32> to vector<16xf32>
          %swap3A_773 = vector.shape_cast %select_n3A_483 : vector<16xf32> to vector<16xf32>
          tpu.vector_store %arg14[%swap3A_770], %swap3A_773 {strides = array<i32>} : memref<25664xf32, #tpu.memory_space<vmem>>, vector<16xf32>,
          %mul3A_774 = arith.constant 64 : i32
          %mul3A_775 = arith.muli %select_n3A_455, %mul3A_774 : i32
          %add3A_776 = arith.constant 16 : i32
          %add3A_777 = arith.addi %mul3A_775, %add3A_776 : i32
          %swap3A_778 = arith.index_cast %add3A_777 : i32 to index
          %swap3A_779 = tpu.vector_load %arg15[%swap3A_778] {strides = array<i32>} : memref<25664xf32, #tpu.memory_space<vmem>>, vector<16xf32>,
          %swap3A_780 = vector.shape_cast %swap3A_779 : vector<16xf32> to vector<16xf32>
          %swap3A_781 = vector.shape_cast %max3A_485 : vector<16xf32> to vector<16xf32>
          tpu.vector_store %arg15[%swap3A_778], %swap3A_781 {strides = array<i32>} : memref<25664xf32, #tpu.memory_space<vmem>>, vector<16xf32>,
          %mul3A_782 = arith.constant 64 : i32
          %mul3A_783 = arith.muli %select_n3A_455, %mul3A_782 : i32
          %add3A_784 = arith.constant 32 : i32
          %add3A_785 = arith.addi %mul3A_783, %add3A_784 : i32
          %swap3A_786 = arith.index_cast %add3A_785 : i32 to index
          %swap3A_787 = tpu.vector_load %arg14[%swap3A_786] {strides = array<i32>} : memref<25664xf32, #tpu.memory_space<vmem>>, vector<16xf32>,
          %swap3A_788 = vector.shape_cast %swap3A_787 : vector<16xf32> to vector<16xf32>
          %swap3A_789 = vector.shape_cast %select_n3A_498 : vector<16xf32> to vector<16xf32>
          tpu.vector_store %arg14[%swap3A_786], %swap3A_789 {strides = array<i32>} : memref<25664xf32, #tpu.memory_space<vmem>>, vector<16xf32>,
          %mul3A_790 = arith.constant 64 : i32
          %mul3A_791 = arith.muli %select_n3A_455, %mul3A_790 : i32
          %add3A_792 = arith.constant 32 : i32
          %add3A_793 = arith.addi %mul3A_791, %add3A_792 : i32
          %swap3A_794 = arith.index_cast %add3A_793 : i32 to index
          %swap3A_795 = tpu.vector_load %arg15[%swap3A_794] {strides = array<i32>} : memref<25664xf32, #tpu.memory_space<vmem>>, vector<16xf32>,
          %swap3A_796 = vector.shape_cast %swap3A_795 : vector<16xf32> to vector<16xf32>
          %swap3A_797 = vector.shape_cast %max3A_500 : vector<16xf32> to vector<16xf32>
          tpu.vector_store %arg15[%swap3A_794], %swap3A_797 {strides = array<i32>} : memref<25664xf32, #tpu.memory_space<vmem>>, vector<16xf32>,
          %mul3A_798 = arith.constant 64 : i32
          %mul3A_799 = arith.muli %select_n3A_455, %mul3A_798 : i32
          %add3A_800 = arith.constant 48 : i32
          %add3A_801 = arith.addi %mul3A_799, %add3A_800 : i32
          %swap3A_802 = arith.index_cast %add3A_801 : i32 to index
          %swap3A_803 = tpu.vector_load %arg14[%swap3A_802] {strides = array<i32>} : memref<25664xf32, #tpu.memory_space<vmem>>, vector<16xf32>,
          %swap3A_804 = vector.shape_cast %swap3A_803 : vector<16xf32> to vector<16xf32>
          %swap3A_805 = vector.shape_cast %select_n3A_513 : vector<16xf32> to vector<16xf32>
          tpu.vector_store %arg14[%swap3A_802], %swap3A_805 {strides = array<i32>} : memref<25664xf32, #tpu.memory_space<vmem>>, vector<16xf32>,
          %mul3A_806 = arith.constant 64 : i32
          %mul3A_807 = arith.muli %select_n3A_455, %mul3A_806 : i32
          %add3A_808 = arith.constant 48 : i32
          %add3A_809 = arith.addi %mul3A_807, %add3A_808 : i32
          %swap3A_810 = arith.index_cast %add3A_809 : i32 to index
          %swap3A_811 = tpu.vector_load %arg15[%swap3A_810] {strides = array<i32>} : memref<25664xf32, #tpu.memory_space<vmem>>, vector<16xf32>,
          %swap3A_812 = vector.shape_cast %swap3A_811 : vector<16xf32> to vector<16xf32>
          %swap3A_813 = vector.shape_cast %max3A_515 : vector<16xf32> to vector<16xf32>
          tpu.vector_store %arg15[%swap3A_810], %swap3A_813 {strides = array<i32>} : memref<25664xf32, #tpu.memory_space<vmem>>, vector<16xf32>,
          %broadcast_in_dim3A_814 = vector.broadcast %select_n3A_519 : f32 to vector<16xf32>
          %mul3A_815 = arith.constant 16 : i32
          %mul3A_816 = arith.muli %select_n3A_455, %mul3A_815 : i32
          %swap3A_817 = arith.index_cast %mul3A_816 : i32 to index
          %swap3A_818 = tpu.vector_load %arg16[%swap3A_817] {strides = array<i32>} : memref<6416xf32, #tpu.memory_space<vmem>>, vector<16xf32>,
          %swap3A_819 = vector.shape_cast %swap3A_818 : vector<16xf32> to vector<16xf32>
          %swap3A_820 = vector.shape_cast %broadcast_in_dim3A_814 : vector<16xf32> to vector<16xf32>
          tpu.vector_store %arg16[%swap3A_817], %swap3A_820 {strides = array<i32>} : memref<6416xf32, #tpu.memory_space<vmem>>, vector<16xf32>,
          %broadcast_in_dim3A_821 = vector.broadcast %get3A_446 : i32 to vector<16xi32>
          %mul3A_822 = arith.constant 16 : i32
          %mul3A_823 = arith.muli %select_n3A_455, %mul3A_822 : i32
          %swap3A_824 = arith.index_cast %mul3A_823 : i32 to index
          %swap3A_825 = tpu.vector_load %arg17[%swap3A_824] {strides = array<i32>} : memref<6416xi32, #tpu.memory_space<vmem>>, vector<16xi32>,
          %swap3A_826 = vector.shape_cast %swap3A_825 : vector<16xi32> to vector<16xi32>
          %swap3A_827 = vector.shape_cast %broadcast_in_dim3A_821 : vector<16xi32> to vector<16xi32>
          tpu.vector_store %arg17[%swap3A_824], %swap3A_827 {strides = array<i32>} : memref<6416xi32, #tpu.memory_space<vmem>>, vector<16xi32>,
        } else {
        }
        %add3A_530 = arith.constant 1 : i32
        %add3A_531 = arith.addi %select_n3A_455, %add3A_530 : i32
        %select_n3A_532 = arith.select %eq3A_524, %select_n3A_455, %add3A_531 : i32
        %mul3A_533 = arith.constant 64 : i32
        %mul3A_534 = arith.muli %scan3A_521, %mul3A_533 : i32
        %add3A_535 = arith.constant 0 : i32
        %add3A_536 = arith.addi %mul3A_534, %add3A_535 : i32
        %get3A_537 = arith.index_cast %add3A_536 : i32 to index
        %get3A_538 = tpu.vector_load %arg11[%get3A_537] {strides = array<i32>} : memref<25600xf32, #tpu.memory_space<vmem>>, vector<16xf32>,
        %get3A_539 = vector.shape_cast %get3A_538 : vector<16xf32> to vector<16xf32>
        %mul3A_540 = arith.mulf %get3A_539, %get3A_4 : vector<16xf32>
        %add3A_541 = arith.addf %mul3A_540, %get3A_16 : vector<16xf32>
        %mul3A_542 = arith.mulf %get3A_28, %add3A_541 : vector<16xf32>
        %max3A_543 = arith.maximumf %add3A_541, %mul3A_542 : vector<16xf32>
        %add3A_544 = arith.addf %select_n3A_468, %max3A_543 : vector<16xf32>
        %select_n3A_545 = arith.select %eq3A_524, %add3A_544, %max3A_543 : vector<16xf32>
        %select_n3A_546 = arith.select %eq3A_524, %max3A_470, %broadcast_in_dim3A_45 : vector<16xf32>
        %max3A_547 = arith.maximumf %select_n3A_546, %max3A_543 : vector<16xf32>
        %mul3A_548 = arith.constant 64 : i32
        %mul3A_549 = arith.muli %scan3A_521, %mul3A_548 : i32
        %add3A_550 = arith.constant 16 : i32
        %add3A_551 = arith.addi %mul3A_549, %add3A_550 : i32
        %get3A_552 = arith.index_cast %add3A_551 : i32 to index
        %get3A_553 = tpu.vector_load %arg11[%get3A_552] {strides = array<i32>} : memref<25600xf32, #tpu.memory_space<vmem>>, vector<16xf32>,
        %get3A_554 = vector.shape_cast %get3A_553 : vector<16xf32> to vector<16xf32>
        %mul3A_555 = arith.mulf %get3A_554, %get3A_7 : vector<16xf32>
        %add3A_556 = arith.addf %mul3A_555, %get3A_19 : vector<16xf32>
        %mul3A_557 = arith.mulf %get3A_31, %add3A_556 : vector<16xf32>
        %max3A_558 = arith.maximumf %add3A_556, %mul3A_557 : vector<16xf32>
        %add3A_559 = arith.addf %select_n3A_483, %max3A_558 : vector<16xf32>
        %select_n3A_560 = arith.select %eq3A_524, %add3A_559, %max3A_558 : vector<16xf32>
        %select_n3A_561 = arith.select %eq3A_524, %max3A_485, %broadcast_in_dim3A_45 : vector<16xf32>
        %max3A_562 = arith.maximumf %select_n3A_561, %max3A_558 : vector<16xf32>
        %mul3A_563 = arith.constant 64 : i32
        %mul3A_564 = arith.muli %scan3A_521, %mul3A_563 : i32
        %add3A_565 = arith.constant 32 : i32
        %add3A_566 = arith.addi %mul3A_564, %add3A_565 : i32
        %get3A_567 = arith.index_cast %add3A_566 : i32 to index
        %get3A_568 = tpu.vector_load %arg11[%get3A_567] {strides = array<i32>} : memref<25600xf32, #tpu.memory_space<vmem>>, vector<16xf32>,
        %get3A_569 = vector.shape_cast %get3A_568 : vector<16xf32> to vector<16xf32>
        %mul3A_570 = arith.mulf %get3A_569, %get3A_10 : vector<16xf32>
        %add3A_571 = arith.addf %mul3A_570, %get3A_22 : vector<16xf32>
        %mul3A_572 = arith.mulf %get3A_34, %add3A_571 : vector<16xf32>
        %max3A_573 = arith.maximumf %add3A_571, %mul3A_572 : vector<16xf32>
        %add3A_574 = arith.addf %select_n3A_498, %max3A_573 : vector<16xf32>
        %select_n3A_575 = arith.select %eq3A_524, %add3A_574, %max3A_573 : vector<16xf32>
        %select_n3A_576 = arith.select %eq3A_524, %max3A_500, %broadcast_in_dim3A_45 : vector<16xf32>
        %max3A_577 = arith.maximumf %select_n3A_576, %max3A_573 : vector<16xf32>
        %mul3A_578 = arith.constant 64 : i32
        %mul3A_579 = arith.muli %scan3A_521, %mul3A_578 : i32
        %add3A_580 = arith.constant 48 : i32
        %add3A_581 = arith.addi %mul3A_579, %add3A_580 : i32
        %get3A_582 = arith.index_cast %add3A_581 : i32 to index
        %get3A_583 = tpu.vector_load %arg11[%get3A_582] {strides = array<i32>} : memref<25600xf32, #tpu.memory_space<vmem>>, vector<16xf32>,
        %get3A_584 = vector.shape_cast %get3A_583 : vector<16xf32> to vector<16xf32>
        %mul3A_585 = arith.mulf %get3A_584, %get3A_13 : vector<16xf32>
        %add3A_586 = arith.addf %mul3A_585, %get3A_25 : vector<16xf32>
        %mul3A_587 = arith.mulf %get3A_37, %add3A_586 : vector<16xf32>
        %max3A_588 = arith.maximumf %add3A_586, %mul3A_587 : vector<16xf32>
        %add3A_589 = arith.addf %select_n3A_513, %max3A_588 : vector<16xf32>
        %select_n3A_590 = arith.select %eq3A_524, %add3A_589, %max3A_588 : vector<16xf32>
        %select_n3A_591 = arith.select %eq3A_524, %max3A_515, %broadcast_in_dim3A_45 : vector<16xf32>
        %max3A_592 = arith.maximumf %select_n3A_591, %max3A_588 : vector<16xf32>
        %add3A_593 = arith.constant 1.000000e+00 : f32
        %add3A_594 = arith.addf %select_n3A_519, %add3A_593 : f32
        %jit3A_595 = arith.constant 1.000000e+00 : f32
        %select_n3A_596 = arith.select %eq3A_524, %add3A_594, %jit3A_595 : f32
        %scan3A_597 = arith.constant 6 : i32
        %scan3A_598 = arith.addi %scan3A_127, %scan3A_597 : i32
        %get3A_599 = arith.index_cast %scan3A_598 : i32 to index
        %get3A_600 = memref.load %arg12[%get3A_599] : memref<400xi32, #tpu.memory_space<smem>>
        %eq3A_601 = arith.cmpi eq, %get3A_600, %get3A_523 : i32
        %not3A_602 = arith.constant true
        %not3A_603 = arith.xori %eq3A_601, %not3A_602 : i1
        %convert_element_type3A_604 = arith.extui %not3A_603 : i1 to i32
        %cond3A_605 = arith.constant 0 : i32
        %cond3A_606 = arith.cmpi ne, %convert_element_type3A_604, %cond3A_605 : i32
        scf.if %cond3A_606 {
          %mul3A_751 = arith.constant 64 : i32
          %mul3A_752 = arith.muli %select_n3A_532, %mul3A_751 : i32
          %add3A_753 = arith.constant 0 : i32
          %add3A_754 = arith.addi %mul3A_752, %add3A_753 : i32
          %swap3A = arith.index_cast %add3A_754 : i32 to index
          %swap3A_755 = tpu.vector_load %arg14[%swap3A] {strides = array<i32>} : memref<25664xf32, #tpu.memory_space<vmem>>, vector<16xf32>,
          %swap3A_756 = vector.shape_cast %swap3A_755 : vector<16xf32> to vector<16xf32>
          %swap3A_757 = vector.shape_cast %select_n3A_545 : vector<16xf32> to vector<16xf32>
          tpu.vector_store %arg14[%swap3A], %swap3A_757 {strides = array<i32>} : memref<25664xf32, #tpu.memory_space<vmem>>, vector<16xf32>,
          %mul3A_758 = arith.constant 64 : i32
          %mul3A_759 = arith.muli %select_n3A_532, %mul3A_758 : i32
          %add3A_760 = arith.constant 0 : i32
          %add3A_761 = arith.addi %mul3A_759, %add3A_760 : i32
          %swap3A_762 = arith.index_cast %add3A_761 : i32 to index
          %swap3A_763 = tpu.vector_load %arg15[%swap3A_762] {strides = array<i32>} : memref<25664xf32, #tpu.memory_space<vmem>>, vector<16xf32>,
          %swap3A_764 = vector.shape_cast %swap3A_763 : vector<16xf32> to vector<16xf32>
          %swap3A_765 = vector.shape_cast %max3A_547 : vector<16xf32> to vector<16xf32>
          tpu.vector_store %arg15[%swap3A_762], %swap3A_765 {strides = array<i32>} : memref<25664xf32, #tpu.memory_space<vmem>>, vector<16xf32>,
          %mul3A_766 = arith.constant 64 : i32
          %mul3A_767 = arith.muli %select_n3A_532, %mul3A_766 : i32
          %add3A_768 = arith.constant 16 : i32
          %add3A_769 = arith.addi %mul3A_767, %add3A_768 : i32
          %swap3A_770 = arith.index_cast %add3A_769 : i32 to index
          %swap3A_771 = tpu.vector_load %arg14[%swap3A_770] {strides = array<i32>} : memref<25664xf32, #tpu.memory_space<vmem>>, vector<16xf32>,
          %swap3A_772 = vector.shape_cast %swap3A_771 : vector<16xf32> to vector<16xf32>
          %swap3A_773 = vector.shape_cast %select_n3A_560 : vector<16xf32> to vector<16xf32>
          tpu.vector_store %arg14[%swap3A_770], %swap3A_773 {strides = array<i32>} : memref<25664xf32, #tpu.memory_space<vmem>>, vector<16xf32>,
          %mul3A_774 = arith.constant 64 : i32
          %mul3A_775 = arith.muli %select_n3A_532, %mul3A_774 : i32
          %add3A_776 = arith.constant 16 : i32
          %add3A_777 = arith.addi %mul3A_775, %add3A_776 : i32
          %swap3A_778 = arith.index_cast %add3A_777 : i32 to index
          %swap3A_779 = tpu.vector_load %arg15[%swap3A_778] {strides = array<i32>} : memref<25664xf32, #tpu.memory_space<vmem>>, vector<16xf32>,
          %swap3A_780 = vector.shape_cast %swap3A_779 : vector<16xf32> to vector<16xf32>
          %swap3A_781 = vector.shape_cast %max3A_562 : vector<16xf32> to vector<16xf32>
          tpu.vector_store %arg15[%swap3A_778], %swap3A_781 {strides = array<i32>} : memref<25664xf32, #tpu.memory_space<vmem>>, vector<16xf32>,
          %mul3A_782 = arith.constant 64 : i32
          %mul3A_783 = arith.muli %select_n3A_532, %mul3A_782 : i32
          %add3A_784 = arith.constant 32 : i32
          %add3A_785 = arith.addi %mul3A_783, %add3A_784 : i32
          %swap3A_786 = arith.index_cast %add3A_785 : i32 to index
          %swap3A_787 = tpu.vector_load %arg14[%swap3A_786] {strides = array<i32>} : memref<25664xf32, #tpu.memory_space<vmem>>, vector<16xf32>,
          %swap3A_788 = vector.shape_cast %swap3A_787 : vector<16xf32> to vector<16xf32>
          %swap3A_789 = vector.shape_cast %select_n3A_575 : vector<16xf32> to vector<16xf32>
          tpu.vector_store %arg14[%swap3A_786], %swap3A_789 {strides = array<i32>} : memref<25664xf32, #tpu.memory_space<vmem>>, vector<16xf32>,
          %mul3A_790 = arith.constant 64 : i32
          %mul3A_791 = arith.muli %select_n3A_532, %mul3A_790 : i32
          %add3A_792 = arith.constant 32 : i32
          %add3A_793 = arith.addi %mul3A_791, %add3A_792 : i32
          %swap3A_794 = arith.index_cast %add3A_793 : i32 to index
          %swap3A_795 = tpu.vector_load %arg15[%swap3A_794] {strides = array<i32>} : memref<25664xf32, #tpu.memory_space<vmem>>, vector<16xf32>,
          %swap3A_796 = vector.shape_cast %swap3A_795 : vector<16xf32> to vector<16xf32>
          %swap3A_797 = vector.shape_cast %max3A_577 : vector<16xf32> to vector<16xf32>
          tpu.vector_store %arg15[%swap3A_794], %swap3A_797 {strides = array<i32>} : memref<25664xf32, #tpu.memory_space<vmem>>, vector<16xf32>,
          %mul3A_798 = arith.constant 64 : i32
          %mul3A_799 = arith.muli %select_n3A_532, %mul3A_798 : i32
          %add3A_800 = arith.constant 48 : i32
          %add3A_801 = arith.addi %mul3A_799, %add3A_800 : i32
          %swap3A_802 = arith.index_cast %add3A_801 : i32 to index
          %swap3A_803 = tpu.vector_load %arg14[%swap3A_802] {strides = array<i32>} : memref<25664xf32, #tpu.memory_space<vmem>>, vector<16xf32>,
          %swap3A_804 = vector.shape_cast %swap3A_803 : vector<16xf32> to vector<16xf32>
          %swap3A_805 = vector.shape_cast %select_n3A_590 : vector<16xf32> to vector<16xf32>
          tpu.vector_store %arg14[%swap3A_802], %swap3A_805 {strides = array<i32>} : memref<25664xf32, #tpu.memory_space<vmem>>, vector<16xf32>,
          %mul3A_806 = arith.constant 64 : i32
          %mul3A_807 = arith.muli %select_n3A_532, %mul3A_806 : i32
          %add3A_808 = arith.constant 48 : i32
          %add3A_809 = arith.addi %mul3A_807, %add3A_808 : i32
          %swap3A_810 = arith.index_cast %add3A_809 : i32 to index
          %swap3A_811 = tpu.vector_load %arg15[%swap3A_810] {strides = array<i32>} : memref<25664xf32, #tpu.memory_space<vmem>>, vector<16xf32>,
          %swap3A_812 = vector.shape_cast %swap3A_811 : vector<16xf32> to vector<16xf32>
          %swap3A_813 = vector.shape_cast %max3A_592 : vector<16xf32> to vector<16xf32>
          tpu.vector_store %arg15[%swap3A_810], %swap3A_813 {strides = array<i32>} : memref<25664xf32, #tpu.memory_space<vmem>>, vector<16xf32>,
          %broadcast_in_dim3A_814 = vector.broadcast %select_n3A_596 : f32 to vector<16xf32>
          %mul3A_815 = arith.constant 16 : i32
          %mul3A_816 = arith.muli %select_n3A_532, %mul3A_815 : i32
          %swap3A_817 = arith.index_cast %mul3A_816 : i32 to index
          %swap3A_818 = tpu.vector_load %arg16[%swap3A_817] {strides = array<i32>} : memref<6416xf32, #tpu.memory_space<vmem>>, vector<16xf32>,
          %swap3A_819 = vector.shape_cast %swap3A_818 : vector<16xf32> to vector<16xf32>
          %swap3A_820 = vector.shape_cast %broadcast_in_dim3A_814 : vector<16xf32> to vector<16xf32>
          tpu.vector_store %arg16[%swap3A_817], %swap3A_820 {strides = array<i32>} : memref<6416xf32, #tpu.memory_space<vmem>>, vector<16xf32>,
          %broadcast_in_dim3A_821 = vector.broadcast %get3A_523 : i32 to vector<16xi32>
          %mul3A_822 = arith.constant 16 : i32
          %mul3A_823 = arith.muli %select_n3A_532, %mul3A_822 : i32
          %swap3A_824 = arith.index_cast %mul3A_823 : i32 to index
          %swap3A_825 = tpu.vector_load %arg17[%swap3A_824] {strides = array<i32>} : memref<6416xi32, #tpu.memory_space<vmem>>, vector<16xi32>,
          %swap3A_826 = vector.shape_cast %swap3A_825 : vector<16xi32> to vector<16xi32>
          %swap3A_827 = vector.shape_cast %broadcast_in_dim3A_821 : vector<16xi32> to vector<16xi32>
          tpu.vector_store %arg17[%swap3A_824], %swap3A_827 {strides = array<i32>} : memref<6416xi32, #tpu.memory_space<vmem>>, vector<16xi32>,
        } else {
        }
        %add3A_607 = arith.constant 1 : i32
        %add3A_608 = arith.addi %select_n3A_532, %add3A_607 : i32
        %select_n3A_609 = arith.select %eq3A_601, %select_n3A_532, %add3A_608 : i32
        %mul3A_610 = arith.constant 64 : i32
        %mul3A_611 = arith.muli %scan3A_598, %mul3A_610 : i32
        %add3A_612 = arith.constant 0 : i32
        %add3A_613 = arith.addi %mul3A_611, %add3A_612 : i32
        %get3A_614 = arith.index_cast %add3A_613 : i32 to index
        %get3A_615 = tpu.vector_load %arg11[%get3A_614] {strides = array<i32>} : memref<25600xf32, #tpu.memory_space<vmem>>, vector<16xf32>,
        %get3A_616 = vector.shape_cast %get3A_615 : vector<16xf32> to vector<16xf32>
        %mul3A_617 = arith.mulf %get3A_616, %get3A_4 : vector<16xf32>
        %add3A_618 = arith.addf %mul3A_617, %get3A_16 : vector<16xf32>
        %mul3A_619 = arith.mulf %get3A_28, %add3A_618 : vector<16xf32>
        %max3A_620 = arith.maximumf %add3A_618, %mul3A_619 : vector<16xf32>
        %add3A_621 = arith.addf %select_n3A_545, %max3A_620 : vector<16xf32>
        %select_n3A_622 = arith.select %eq3A_601, %add3A_621, %max3A_620 : vector<16xf32>
        %select_n3A_623 = arith.select %eq3A_601, %max3A_547, %broadcast_in_dim3A_45 : vector<16xf32>
        %max3A_624 = arith.maximumf %select_n3A_623, %max3A_620 : vector<16xf32>
        %mul3A_625 = arith.constant 64 : i32
        %mul3A_626 = arith.muli %scan3A_598, %mul3A_625 : i32
        %add3A_627 = arith.constant 16 : i32
        %add3A_628 = arith.addi %mul3A_626, %add3A_627 : i32
        %get3A_629 = arith.index_cast %add3A_628 : i32 to index
        %get3A_630 = tpu.vector_load %arg11[%get3A_629] {strides = array<i32>} : memref<25600xf32, #tpu.memory_space<vmem>>, vector<16xf32>,
        %get3A_631 = vector.shape_cast %get3A_630 : vector<16xf32> to vector<16xf32>
        %mul3A_632 = arith.mulf %get3A_631, %get3A_7 : vector<16xf32>
        %add3A_633 = arith.addf %mul3A_632, %get3A_19 : vector<16xf32>
        %mul3A_634 = arith.mulf %get3A_31, %add3A_633 : vector<16xf32>
        %max3A_635 = arith.maximumf %add3A_633, %mul3A_634 : vector<16xf32>
        %add3A_636 = arith.addf %select_n3A_560, %max3A_635 : vector<16xf32>
        %select_n3A_637 = arith.select %eq3A_601, %add3A_636, %max3A_635 : vector<16xf32>
        %select_n3A_638 = arith.select %eq3A_601, %max3A_562, %broadcast_in_dim3A_45 : vector<16xf32>
        %max3A_639 = arith.maximumf %select_n3A_638, %max3A_635 : vector<16xf32>
        %mul3A_640 = arith.constant 64 : i32
        %mul3A_641 = arith.muli %scan3A_598, %mul3A_640 : i32
        %add3A_642 = arith.constant 32 : i32
        %add3A_643 = arith.addi %mul3A_641, %add3A_642 : i32
        %get3A_644 = arith.index_cast %add3A_643 : i32 to index
        %get3A_645 = tpu.vector_load %arg11[%get3A_644] {strides = array<i32>} : memref<25600xf32, #tpu.memory_space<vmem>>, vector<16xf32>,
        %get3A_646 = vector.shape_cast %get3A_645 : vector<16xf32> to vector<16xf32>
        %mul3A_647 = arith.mulf %get3A_646, %get3A_10 : vector<16xf32>
        %add3A_648 = arith.addf %mul3A_647, %get3A_22 : vector<16xf32>
        %mul3A_649 = arith.mulf %get3A_34, %add3A_648 : vector<16xf32>
        %max3A_650 = arith.maximumf %add3A_648, %mul3A_649 : vector<16xf32>
        %add3A_651 = arith.addf %select_n3A_575, %max3A_650 : vector<16xf32>
        %select_n3A_652 = arith.select %eq3A_601, %add3A_651, %max3A_650 : vector<16xf32>
        %select_n3A_653 = arith.select %eq3A_601, %max3A_577, %broadcast_in_dim3A_45 : vector<16xf32>
        %max3A_654 = arith.maximumf %select_n3A_653, %max3A_650 : vector<16xf32>
        %mul3A_655 = arith.constant 64 : i32
        %mul3A_656 = arith.muli %scan3A_598, %mul3A_655 : i32
        %add3A_657 = arith.constant 48 : i32
        %add3A_658 = arith.addi %mul3A_656, %add3A_657 : i32
        %get3A_659 = arith.index_cast %add3A_658 : i32 to index
        %get3A_660 = tpu.vector_load %arg11[%get3A_659] {strides = array<i32>} : memref<25600xf32, #tpu.memory_space<vmem>>, vector<16xf32>,
        %get3A_661 = vector.shape_cast %get3A_660 : vector<16xf32> to vector<16xf32>
        %mul3A_662 = arith.mulf %get3A_661, %get3A_13 : vector<16xf32>
        %add3A_663 = arith.addf %mul3A_662, %get3A_25 : vector<16xf32>
        %mul3A_664 = arith.mulf %get3A_37, %add3A_663 : vector<16xf32>
        %max3A_665 = arith.maximumf %add3A_663, %mul3A_664 : vector<16xf32>
        %add3A_666 = arith.addf %select_n3A_590, %max3A_665 : vector<16xf32>
        %select_n3A_667 = arith.select %eq3A_601, %add3A_666, %max3A_665 : vector<16xf32>
        %select_n3A_668 = arith.select %eq3A_601, %max3A_592, %broadcast_in_dim3A_45 : vector<16xf32>
        %max3A_669 = arith.maximumf %select_n3A_668, %max3A_665 : vector<16xf32>
        %add3A_670 = arith.constant 1.000000e+00 : f32
        %add3A_671 = arith.addf %select_n3A_596, %add3A_670 : f32
        %jit3A_672 = arith.constant 1.000000e+00 : f32
        %select_n3A_673 = arith.select %eq3A_601, %add3A_671, %jit3A_672 : f32
        %scan3A_674 = arith.constant 7 : i32
        %scan3A_675 = arith.addi %scan3A_127, %scan3A_674 : i32
        %get3A_676 = arith.index_cast %scan3A_675 : i32 to index
        %get3A_677 = memref.load %arg12[%get3A_676] : memref<400xi32, #tpu.memory_space<smem>>
        %eq3A_678 = arith.cmpi eq, %get3A_677, %get3A_600 : i32
        %not3A_679 = arith.constant true
        %not3A_680 = arith.xori %eq3A_678, %not3A_679 : i1
        %convert_element_type3A_681 = arith.extui %not3A_680 : i1 to i32
        %cond3A_682 = arith.constant 0 : i32
        %cond3A_683 = arith.cmpi ne, %convert_element_type3A_681, %cond3A_682 : i32
        scf.if %cond3A_683 {
          %mul3A_751 = arith.constant 64 : i32
          %mul3A_752 = arith.muli %select_n3A_609, %mul3A_751 : i32
          %add3A_753 = arith.constant 0 : i32
          %add3A_754 = arith.addi %mul3A_752, %add3A_753 : i32
          %swap3A = arith.index_cast %add3A_754 : i32 to index
          %swap3A_755 = tpu.vector_load %arg14[%swap3A] {strides = array<i32>} : memref<25664xf32, #tpu.memory_space<vmem>>, vector<16xf32>,
          %swap3A_756 = vector.shape_cast %swap3A_755 : vector<16xf32> to vector<16xf32>
          %swap3A_757 = vector.shape_cast %select_n3A_622 : vector<16xf32> to vector<16xf32>
          tpu.vector_store %arg14[%swap3A], %swap3A_757 {strides = array<i32>} : memref<25664xf32, #tpu.memory_space<vmem>>, vector<16xf32>,
          %mul3A_758 = arith.constant 64 : i32
          %mul3A_759 = arith.muli %select_n3A_609, %mul3A_758 : i32
          %add3A_760 = arith.constant 0 : i32
          %add3A_761 = arith.addi %mul3A_759, %add3A_760 : i32
          %swap3A_762 = arith.index_cast %add3A_761 : i32 to index
          %swap3A_763 = tpu.vector_load %arg15[%swap3A_762] {strides = array<i32>} : memref<25664xf32, #tpu.memory_space<vmem>>, vector<16xf32>,
          %swap3A_764 = vector.shape_cast %swap3A_763 : vector<16xf32> to vector<16xf32>
          %swap3A_765 = vector.shape_cast %max3A_624 : vector<16xf32> to vector<16xf32>
          tpu.vector_store %arg15[%swap3A_762], %swap3A_765 {strides = array<i32>} : memref<25664xf32, #tpu.memory_space<vmem>>, vector<16xf32>,
          %mul3A_766 = arith.constant 64 : i32
          %mul3A_767 = arith.muli %select_n3A_609, %mul3A_766 : i32
          %add3A_768 = arith.constant 16 : i32
          %add3A_769 = arith.addi %mul3A_767, %add3A_768 : i32
          %swap3A_770 = arith.index_cast %add3A_769 : i32 to index
          %swap3A_771 = tpu.vector_load %arg14[%swap3A_770] {strides = array<i32>} : memref<25664xf32, #tpu.memory_space<vmem>>, vector<16xf32>,
          %swap3A_772 = vector.shape_cast %swap3A_771 : vector<16xf32> to vector<16xf32>
          %swap3A_773 = vector.shape_cast %select_n3A_637 : vector<16xf32> to vector<16xf32>
          tpu.vector_store %arg14[%swap3A_770], %swap3A_773 {strides = array<i32>} : memref<25664xf32, #tpu.memory_space<vmem>>, vector<16xf32>,
          %mul3A_774 = arith.constant 64 : i32
          %mul3A_775 = arith.muli %select_n3A_609, %mul3A_774 : i32
          %add3A_776 = arith.constant 16 : i32
          %add3A_777 = arith.addi %mul3A_775, %add3A_776 : i32
          %swap3A_778 = arith.index_cast %add3A_777 : i32 to index
          %swap3A_779 = tpu.vector_load %arg15[%swap3A_778] {strides = array<i32>} : memref<25664xf32, #tpu.memory_space<vmem>>, vector<16xf32>,
          %swap3A_780 = vector.shape_cast %swap3A_779 : vector<16xf32> to vector<16xf32>
          %swap3A_781 = vector.shape_cast %max3A_639 : vector<16xf32> to vector<16xf32>
          tpu.vector_store %arg15[%swap3A_778], %swap3A_781 {strides = array<i32>} : memref<25664xf32, #tpu.memory_space<vmem>>, vector<16xf32>,
          %mul3A_782 = arith.constant 64 : i32
          %mul3A_783 = arith.muli %select_n3A_609, %mul3A_782 : i32
          %add3A_784 = arith.constant 32 : i32
          %add3A_785 = arith.addi %mul3A_783, %add3A_784 : i32
          %swap3A_786 = arith.index_cast %add3A_785 : i32 to index
          %swap3A_787 = tpu.vector_load %arg14[%swap3A_786] {strides = array<i32>} : memref<25664xf32, #tpu.memory_space<vmem>>, vector<16xf32>,
          %swap3A_788 = vector.shape_cast %swap3A_787 : vector<16xf32> to vector<16xf32>
          %swap3A_789 = vector.shape_cast %select_n3A_652 : vector<16xf32> to vector<16xf32>
          tpu.vector_store %arg14[%swap3A_786], %swap3A_789 {strides = array<i32>} : memref<25664xf32, #tpu.memory_space<vmem>>, vector<16xf32>,
          %mul3A_790 = arith.constant 64 : i32
          %mul3A_791 = arith.muli %select_n3A_609, %mul3A_790 : i32
          %add3A_792 = arith.constant 32 : i32
          %add3A_793 = arith.addi %mul3A_791, %add3A_792 : i32
          %swap3A_794 = arith.index_cast %add3A_793 : i32 to index
          %swap3A_795 = tpu.vector_load %arg15[%swap3A_794] {strides = array<i32>} : memref<25664xf32, #tpu.memory_space<vmem>>, vector<16xf32>,
          %swap3A_796 = vector.shape_cast %swap3A_795 : vector<16xf32> to vector<16xf32>
          %swap3A_797 = vector.shape_cast %max3A_654 : vector<16xf32> to vector<16xf32>
          tpu.vector_store %arg15[%swap3A_794], %swap3A_797 {strides = array<i32>} : memref<25664xf32, #tpu.memory_space<vmem>>, vector<16xf32>,
          %mul3A_798 = arith.constant 64 : i32
          %mul3A_799 = arith.muli %select_n3A_609, %mul3A_798 : i32
          %add3A_800 = arith.constant 48 : i32
          %add3A_801 = arith.addi %mul3A_799, %add3A_800 : i32
          %swap3A_802 = arith.index_cast %add3A_801 : i32 to index
          %swap3A_803 = tpu.vector_load %arg14[%swap3A_802] {strides = array<i32>} : memref<25664xf32, #tpu.memory_space<vmem>>, vector<16xf32>,
          %swap3A_804 = vector.shape_cast %swap3A_803 : vector<16xf32> to vector<16xf32>
          %swap3A_805 = vector.shape_cast %select_n3A_667 : vector<16xf32> to vector<16xf32>
          tpu.vector_store %arg14[%swap3A_802], %swap3A_805 {strides = array<i32>} : memref<25664xf32, #tpu.memory_space<vmem>>, vector<16xf32>,
          %mul3A_806 = arith.constant 64 : i32
          %mul3A_807 = arith.muli %select_n3A_609, %mul3A_806 : i32
          %add3A_808 = arith.constant 48 : i32
          %add3A_809 = arith.addi %mul3A_807, %add3A_808 : i32
          %swap3A_810 = arith.index_cast %add3A_809 : i32 to index
          %swap3A_811 = tpu.vector_load %arg15[%swap3A_810] {strides = array<i32>} : memref<25664xf32, #tpu.memory_space<vmem>>, vector<16xf32>,
          %swap3A_812 = vector.shape_cast %swap3A_811 : vector<16xf32> to vector<16xf32>
          %swap3A_813 = vector.shape_cast %max3A_669 : vector<16xf32> to vector<16xf32>
          tpu.vector_store %arg15[%swap3A_810], %swap3A_813 {strides = array<i32>} : memref<25664xf32, #tpu.memory_space<vmem>>, vector<16xf32>,
          %broadcast_in_dim3A_814 = vector.broadcast %select_n3A_673 : f32 to vector<16xf32>
          %mul3A_815 = arith.constant 16 : i32
          %mul3A_816 = arith.muli %select_n3A_609, %mul3A_815 : i32
          %swap3A_817 = arith.index_cast %mul3A_816 : i32 to index
          %swap3A_818 = tpu.vector_load %arg16[%swap3A_817] {strides = array<i32>} : memref<6416xf32, #tpu.memory_space<vmem>>, vector<16xf32>,
          %swap3A_819 = vector.shape_cast %swap3A_818 : vector<16xf32> to vector<16xf32>
          %swap3A_820 = vector.shape_cast %broadcast_in_dim3A_814 : vector<16xf32> to vector<16xf32>
          tpu.vector_store %arg16[%swap3A_817], %swap3A_820 {strides = array<i32>} : memref<6416xf32, #tpu.memory_space<vmem>>, vector<16xf32>,
          %broadcast_in_dim3A_821 = vector.broadcast %get3A_600 : i32 to vector<16xi32>
          %mul3A_822 = arith.constant 16 : i32
          %mul3A_823 = arith.muli %select_n3A_609, %mul3A_822 : i32
          %swap3A_824 = arith.index_cast %mul3A_823 : i32 to index
          %swap3A_825 = tpu.vector_load %arg17[%swap3A_824] {strides = array<i32>} : memref<6416xi32, #tpu.memory_space<vmem>>, vector<16xi32>,
          %swap3A_826 = vector.shape_cast %swap3A_825 : vector<16xi32> to vector<16xi32>
          %swap3A_827 = vector.shape_cast %broadcast_in_dim3A_821 : vector<16xi32> to vector<16xi32>
          tpu.vector_store %arg17[%swap3A_824], %swap3A_827 {strides = array<i32>} : memref<6416xi32, #tpu.memory_space<vmem>>, vector<16xi32>,
        } else {
        }
        %add3A_684 = arith.constant 1 : i32
        %add3A_685 = arith.addi %select_n3A_609, %add3A_684 : i32
        %select_n3A_686 = arith.select %eq3A_678, %select_n3A_609, %add3A_685 : i32
        %mul3A_687 = arith.constant 64 : i32
        %mul3A_688 = arith.muli %scan3A_675, %mul3A_687 : i32
        %add3A_689 = arith.constant 0 : i32
        %add3A_690 = arith.addi %mul3A_688, %add3A_689 : i32
        %get3A_691 = arith.index_cast %add3A_690 : i32 to index
        %get3A_692 = tpu.vector_load %arg11[%get3A_691] {strides = array<i32>} : memref<25600xf32, #tpu.memory_space<vmem>>, vector<16xf32>,
        %get3A_693 = vector.shape_cast %get3A_692 : vector<16xf32> to vector<16xf32>
        %mul3A_694 = arith.mulf %get3A_693, %get3A_4 : vector<16xf32>
        %add3A_695 = arith.addf %mul3A_694, %get3A_16 : vector<16xf32>
        %mul3A_696 = arith.mulf %get3A_28, %add3A_695 : vector<16xf32>
        %max3A_697 = arith.maximumf %add3A_695, %mul3A_696 : vector<16xf32>
        %add3A_698 = arith.addf %select_n3A_622, %max3A_697 : vector<16xf32>
        %select_n3A_699 = arith.select %eq3A_678, %add3A_698, %max3A_697 : vector<16xf32>
        %select_n3A_700 = arith.select %eq3A_678, %max3A_624, %broadcast_in_dim3A_45 : vector<16xf32>
        %max3A_701 = arith.maximumf %select_n3A_700, %max3A_697 : vector<16xf32>
        %mul3A_702 = arith.constant 64 : i32
        %mul3A_703 = arith.muli %scan3A_675, %mul3A_702 : i32
        %add3A_704 = arith.constant 16 : i32
        %add3A_705 = arith.addi %mul3A_703, %add3A_704 : i32
        %get3A_706 = arith.index_cast %add3A_705 : i32 to index
        %get3A_707 = tpu.vector_load %arg11[%get3A_706] {strides = array<i32>} : memref<25600xf32, #tpu.memory_space<vmem>>, vector<16xf32>,
        %get3A_708 = vector.shape_cast %get3A_707 : vector<16xf32> to vector<16xf32>
        %mul3A_709 = arith.mulf %get3A_708, %get3A_7 : vector<16xf32>
        %add3A_710 = arith.addf %mul3A_709, %get3A_19 : vector<16xf32>
        %mul3A_711 = arith.mulf %get3A_31, %add3A_710 : vector<16xf32>
        %max3A_712 = arith.maximumf %add3A_710, %mul3A_711 : vector<16xf32>
        %add3A_713 = arith.addf %select_n3A_637, %max3A_712 : vector<16xf32>
        %select_n3A_714 = arith.select %eq3A_678, %add3A_713, %max3A_712 : vector<16xf32>
        %select_n3A_715 = arith.select %eq3A_678, %max3A_639, %broadcast_in_dim3A_45 : vector<16xf32>
        %max3A_716 = arith.maximumf %select_n3A_715, %max3A_712 : vector<16xf32>
        %mul3A_717 = arith.constant 64 : i32
        %mul3A_718 = arith.muli %scan3A_675, %mul3A_717 : i32
        %add3A_719 = arith.constant 32 : i32
        %add3A_720 = arith.addi %mul3A_718, %add3A_719 : i32
        %get3A_721 = arith.index_cast %add3A_720 : i32 to index
        %get3A_722 = tpu.vector_load %arg11[%get3A_721] {strides = array<i32>} : memref<25600xf32, #tpu.memory_space<vmem>>, vector<16xf32>,
        %get3A_723 = vector.shape_cast %get3A_722 : vector<16xf32> to vector<16xf32>
        %mul3A_724 = arith.mulf %get3A_723, %get3A_10 : vector<16xf32>
        %add3A_725 = arith.addf %mul3A_724, %get3A_22 : vector<16xf32>
        %mul3A_726 = arith.mulf %get3A_34, %add3A_725 : vector<16xf32>
        %max3A_727 = arith.maximumf %add3A_725, %mul3A_726 : vector<16xf32>
        %add3A_728 = arith.addf %select_n3A_652, %max3A_727 : vector<16xf32>
        %select_n3A_729 = arith.select %eq3A_678, %add3A_728, %max3A_727 : vector<16xf32>
        %select_n3A_730 = arith.select %eq3A_678, %max3A_654, %broadcast_in_dim3A_45 : vector<16xf32>
        %max3A_731 = arith.maximumf %select_n3A_730, %max3A_727 : vector<16xf32>
        %mul3A_732 = arith.constant 64 : i32
        %mul3A_733 = arith.muli %scan3A_675, %mul3A_732 : i32
        %add3A_734 = arith.constant 48 : i32
        %add3A_735 = arith.addi %mul3A_733, %add3A_734 : i32
        %get3A_736 = arith.index_cast %add3A_735 : i32 to index
        %get3A_737 = tpu.vector_load %arg11[%get3A_736] {strides = array<i32>} : memref<25600xf32, #tpu.memory_space<vmem>>, vector<16xf32>,
        %get3A_738 = vector.shape_cast %get3A_737 : vector<16xf32> to vector<16xf32>
        %mul3A_739 = arith.mulf %get3A_738, %get3A_13 : vector<16xf32>
        %add3A_740 = arith.addf %mul3A_739, %get3A_25 : vector<16xf32>
        %mul3A_741 = arith.mulf %get3A_37, %add3A_740 : vector<16xf32>
        %max3A_742 = arith.maximumf %add3A_740, %mul3A_741 : vector<16xf32>
        %add3A_743 = arith.addf %select_n3A_667, %max3A_742 : vector<16xf32>
        %select_n3A_744 = arith.select %eq3A_678, %add3A_743, %max3A_742 : vector<16xf32>
        %select_n3A_745 = arith.select %eq3A_678, %max3A_669, %broadcast_in_dim3A_45 : vector<16xf32>
        %max3A_746 = arith.maximumf %select_n3A_745, %max3A_742 : vector<16xf32>
        %add3A_747 = arith.constant 1.000000e+00 : f32
        %add3A_748 = arith.addf %select_n3A_673, %add3A_747 : f32
        %jit3A_749 = arith.constant 1.000000e+00 : f32
        %select_n3A_750 = arith.select %eq3A_678, %add3A_748, %jit3A_749 : f32
        scf.yield %get3A_677, %select_n3A_686, %select_n3A_750, %select_n3A_699, %select_n3A_714, %select_n3A_729, %select_n3A_744, %max3A_701, %max3A_716, %max3A_731, %max3A_746 : i32, i32, f32, vector<16xf32>, vector<16xf32>, vector<16xf32>, vector<16xf32>, vector<16xf32>, vector<16xf32>, vector<16xf32>, vector<16xf32>
      }
      %scan3A_92 = arith.constant 400 : i32
      %eq3A_93 = arith.constant 1 : i32
      %eq3A_94 = arith.cmpi eq, %scan3A_66, %eq3A_93 : i32
      %gt3A = arith.constant 0 : i32
      %gt3A_95 = arith.cmpi sgt, %scan3A_91#1, %gt3A : i32
      %and3A = arith.andi %eq3A_94, %gt3A_95 : i1
      %convert_element_type3A_96 = arith.extui %and3A : i1 to i32
      %cond3A_97 = arith.constant 0 : i32
      %cond3A_98 = arith.cmpi ne, %convert_element_type3A_96, %cond3A_97 : i32
      scf.if %cond3A_98 {
        %get3A_127 = arith.constant 0 : index
        %get3A_128 = tpu.vector_load %arg14[%get3A_127] {strides = array<i32>} : memref<25664xf32, #tpu.memory_space<vmem>>, vector<16xf32>,
        %get3A_129 = vector.shape_cast %get3A_128 : vector<16xf32> to vector<16xf32>
        %get3A_130 = arith.constant 16 : index
        %get3A_131 = tpu.vector_load %arg14[%get3A_130] {strides = array<i32>} : memref<25664xf32, #tpu.memory_space<vmem>>, vector<16xf32>,
        %get3A_132 = vector.shape_cast %get3A_131 : vector<16xf32> to vector<16xf32>
        %get3A_133 = arith.constant 32 : index
        %get3A_134 = tpu.vector_load %arg14[%get3A_133] {strides = array<i32>} : memref<25664xf32, #tpu.memory_space<vmem>>, vector<16xf32>,
        %get3A_135 = vector.shape_cast %get3A_134 : vector<16xf32> to vector<16xf32>
        %get3A_136 = arith.constant 48 : index
        %get3A_137 = tpu.vector_load %arg14[%get3A_136] {strides = array<i32>} : memref<25664xf32, #tpu.memory_space<vmem>>, vector<16xf32>,
        %get3A_138 = vector.shape_cast %get3A_137 : vector<16xf32> to vector<16xf32>
        %get3A_139 = arith.constant 0 : index
        %get3A_140 = tpu.vector_load %arg15[%get3A_139] {strides = array<i32>} : memref<25664xf32, #tpu.memory_space<vmem>>, vector<16xf32>,
        %get3A_141 = vector.shape_cast %get3A_140 : vector<16xf32> to vector<16xf32>
        %get3A_142 = arith.constant 16 : index
        %get3A_143 = tpu.vector_load %arg15[%get3A_142] {strides = array<i32>} : memref<25664xf32, #tpu.memory_space<vmem>>, vector<16xf32>,
        %get3A_144 = vector.shape_cast %get3A_143 : vector<16xf32> to vector<16xf32>
        %get3A_145 = arith.constant 32 : index
        %get3A_146 = tpu.vector_load %arg15[%get3A_145] {strides = array<i32>} : memref<25664xf32, #tpu.memory_space<vmem>>, vector<16xf32>,
        %get3A_147 = vector.shape_cast %get3A_146 : vector<16xf32> to vector<16xf32>
        %get3A_148 = arith.constant 48 : index
        %get3A_149 = tpu.vector_load %arg15[%get3A_148] {strides = array<i32>} : memref<25664xf32, #tpu.memory_space<vmem>>, vector<16xf32>,
        %get3A_150 = vector.shape_cast %get3A_149 : vector<16xf32> to vector<16xf32>
        %get3A_151 = arith.constant 0 : index
        %get3A_152 = tpu.vector_load %arg16[%get3A_151] {strides = array<i32>} : memref<6416xf32, #tpu.memory_space<vmem>>, vector<16xf32>,
        %get3A_153 = vector.shape_cast %get3A_152 : vector<16xf32> to vector<16xf32>
        %get3A_154 = arith.constant 0 : index
        %get3A_155 = tpu.vector_load %arg17[%get3A_154] {strides = array<i32>} : memref<6416xi32, #tpu.memory_space<vmem>>, vector<16xi32>,
        %get3A_156 = vector.shape_cast %get3A_155 : vector<16xi32> to vector<16xi32>
        %convert_element_type3A_157 = arith.sitofp %get3A_156 : vector<16xi32> to vector<16xf32>
        %swap3A = arith.constant 0 : index
        %swap3A_158 = tpu.vector_load %arg22[%swap3A] {strides = array<i32>} : memref<64xf32, #tpu.memory_space<vmem>>, vector<16xf32>,
        %swap3A_159 = vector.shape_cast %swap3A_158 : vector<16xf32> to vector<16xf32>
        %swap3A_160 = vector.shape_cast %get3A_129 : vector<16xf32> to vector<16xf32>
        tpu.vector_store %arg22[%swap3A], %swap3A_160 {strides = array<i32>} : memref<64xf32, #tpu.memory_space<vmem>>, vector<16xf32>,
        %swap3A_161 = arith.constant 16 : index
        %swap3A_162 = tpu.vector_load %arg22[%swap3A_161] {strides = array<i32>} : memref<64xf32, #tpu.memory_space<vmem>>, vector<16xf32>,
        %swap3A_163 = vector.shape_cast %swap3A_162 : vector<16xf32> to vector<16xf32>
        %swap3A_164 = vector.shape_cast %get3A_132 : vector<16xf32> to vector<16xf32>
        tpu.vector_store %arg22[%swap3A_161], %swap3A_164 {strides = array<i32>} : memref<64xf32, #tpu.memory_space<vmem>>, vector<16xf32>,
        %swap3A_165 = arith.constant 32 : index
        %swap3A_166 = tpu.vector_load %arg22[%swap3A_165] {strides = array<i32>} : memref<64xf32, #tpu.memory_space<vmem>>, vector<16xf32>,
        %swap3A_167 = vector.shape_cast %swap3A_166 : vector<16xf32> to vector<16xf32>
        %swap3A_168 = vector.shape_cast %get3A_135 : vector<16xf32> to vector<16xf32>
        tpu.vector_store %arg22[%swap3A_165], %swap3A_168 {strides = array<i32>} : memref<64xf32, #tpu.memory_space<vmem>>, vector<16xf32>,
        %swap3A_169 = arith.constant 48 : index
        %swap3A_170 = tpu.vector_load %arg22[%swap3A_169] {strides = array<i32>} : memref<64xf32, #tpu.memory_space<vmem>>, vector<16xf32>,
        %swap3A_171 = vector.shape_cast %swap3A_170 : vector<16xf32> to vector<16xf32>
        %swap3A_172 = vector.shape_cast %get3A_138 : vector<16xf32> to vector<16xf32>
        tpu.vector_store %arg22[%swap3A_169], %swap3A_172 {strides = array<i32>} : memref<64xf32, #tpu.memory_space<vmem>>, vector<16xf32>,
        %mul3A_173 = arith.constant 2 : i32
        %mul3A_174 = arith.muli %add3A, %mul3A_173 : i32
        %add3A_175 = arith.constant 0 : i32
        %add3A_176 = arith.addi %mul3A_174, %add3A_175 : i32
        %mul3A_177 = arith.constant 192 : i32
        %mul3A_178 = arith.muli %add3A_176, %mul3A_177 : i32
        "tpu.region"() ({
          %run_scoped3A = tpu.sem_alloc : memref<!tpu.dma_semaphore, #tpu.memory_space<semaphore_mem>>
          %dma_start3A = tpu.memref_slice %arg9[%mul3A_178] : memref<12288xf32, #tpu.memory_space<hbm>> -> memref<64xf32, #tpu.memory_space<hbm>>
          %dma_start3A_227 = tpu.memref_slice %arg9[%mul3A_178] : memref<12288xf32, #tpu.memory_space<hbm>> -> memref<64xf32, #tpu.memory_space<hbm>>
          tpu.enqueue_dma source(%arg22 : memref<64xf32, #tpu.memory_space<vmem>>) target(%dma_start3A_227 : memref<64xf32, #tpu.memory_space<hbm>>) target_semaphore(%run_scoped3A : memref<!tpu.dma_semaphore, #tpu.memory_space<semaphore_mem>>)
          %dma_wait3A = tpu.memref_slice %arg9[%mul3A_178] : memref<12288xf32, #tpu.memory_space<hbm>> -> memref<64xf32, #tpu.memory_space<hbm>>
          %dma_wait3A_228 = tpu.memref_slice %arg9[%mul3A_178] : memref<12288xf32, #tpu.memory_space<hbm>> -> memref<64xf32, #tpu.memory_space<hbm>>
          tpu.wait_dma2 semaphore(%run_scoped3A : memref<!tpu.dma_semaphore, #tpu.memory_space<semaphore_mem>>) src(%arg22 : memref<64xf32, #tpu.memory_space<vmem>>) dst(%dma_wait3A_228 : memref<64xf32, #tpu.memory_space<hbm>>)
          tpu.yield
        }) : () -> ()
        %swap3A_179 = arith.constant 0 : index
        %swap3A_180 = tpu.vector_load %arg22[%swap3A_179] {strides = array<i32>} : memref<64xf32, #tpu.memory_space<vmem>>, vector<16xf32>,
        %swap3A_181 = vector.shape_cast %swap3A_180 : vector<16xf32> to vector<16xf32>
        %swap3A_182 = vector.shape_cast %get3A_141 : vector<16xf32> to vector<16xf32>
        tpu.vector_store %arg22[%swap3A_179], %swap3A_182 {strides = array<i32>} : memref<64xf32, #tpu.memory_space<vmem>>, vector<16xf32>,
        %swap3A_183 = arith.constant 16 : index
        %swap3A_184 = tpu.vector_load %arg22[%swap3A_183] {strides = array<i32>} : memref<64xf32, #tpu.memory_space<vmem>>, vector<16xf32>,
        %swap3A_185 = vector.shape_cast %swap3A_184 : vector<16xf32> to vector<16xf32>
        %swap3A_186 = vector.shape_cast %get3A_144 : vector<16xf32> to vector<16xf32>
        tpu.vector_store %arg22[%swap3A_183], %swap3A_186 {strides = array<i32>} : memref<64xf32, #tpu.memory_space<vmem>>, vector<16xf32>,
        %swap3A_187 = arith.constant 32 : index
        %swap3A_188 = tpu.vector_load %arg22[%swap3A_187] {strides = array<i32>} : memref<64xf32, #tpu.memory_space<vmem>>, vector<16xf32>,
        %swap3A_189 = vector.shape_cast %swap3A_188 : vector<16xf32> to vector<16xf32>
        %swap3A_190 = vector.shape_cast %get3A_147 : vector<16xf32> to vector<16xf32>
        tpu.vector_store %arg22[%swap3A_187], %swap3A_190 {strides = array<i32>} : memref<64xf32, #tpu.memory_space<vmem>>, vector<16xf32>,
        %swap3A_191 = arith.constant 48 : index
        %swap3A_192 = tpu.vector_load %arg22[%swap3A_191] {strides = array<i32>} : memref<64xf32, #tpu.memory_space<vmem>>, vector<16xf32>,
        %swap3A_193 = vector.shape_cast %swap3A_192 : vector<16xf32> to vector<16xf32>
        %swap3A_194 = vector.shape_cast %get3A_150 : vector<16xf32> to vector<16xf32>
        tpu.vector_store %arg22[%swap3A_191], %swap3A_194 {strides = array<i32>} : memref<64xf32, #tpu.memory_space<vmem>>, vector<16xf32>,
        %mul3A_195 = arith.constant 2 : i32
        %mul3A_196 = arith.muli %add3A, %mul3A_195 : i32
        %add3A_197 = arith.constant 0 : i32
        %add3A_198 = arith.addi %mul3A_196, %add3A_197 : i32
        %mul3A_199 = arith.constant 192 : i32
        %mul3A_200 = arith.muli %add3A_198, %mul3A_199 : i32
        %add3A_201 = arith.constant 64 : i32
        %add3A_202 = arith.addi %mul3A_200, %add3A_201 : i32
        "tpu.region"() ({
          %run_scoped3A = tpu.sem_alloc : memref<!tpu.dma_semaphore, #tpu.memory_space<semaphore_mem>>
          %dma_start3A = tpu.memref_slice %arg9[%add3A_202] : memref<12288xf32, #tpu.memory_space<hbm>> -> memref<64xf32, #tpu.memory_space<hbm>>
          %dma_start3A_227 = tpu.memref_slice %arg9[%add3A_202] : memref<12288xf32, #tpu.memory_space<hbm>> -> memref<64xf32, #tpu.memory_space<hbm>>
          tpu.enqueue_dma source(%arg22 : memref<64xf32, #tpu.memory_space<vmem>>) target(%dma_start3A_227 : memref<64xf32, #tpu.memory_space<hbm>>) target_semaphore(%run_scoped3A : memref<!tpu.dma_semaphore, #tpu.memory_space<semaphore_mem>>)
          %dma_wait3A = tpu.memref_slice %arg9[%add3A_202] : memref<12288xf32, #tpu.memory_space<hbm>> -> memref<64xf32, #tpu.memory_space<hbm>>
          %dma_wait3A_228 = tpu.memref_slice %arg9[%add3A_202] : memref<12288xf32, #tpu.memory_space<hbm>> -> memref<64xf32, #tpu.memory_space<hbm>>
          tpu.wait_dma2 semaphore(%run_scoped3A : memref<!tpu.dma_semaphore, #tpu.memory_space<semaphore_mem>>) src(%arg22 : memref<64xf32, #tpu.memory_space<vmem>>) dst(%dma_wait3A_228 : memref<64xf32, #tpu.memory_space<hbm>>)
          tpu.yield
        }) : () -> ()
        %swap3A_203 = arith.constant 0 : index
        %swap3A_204 = tpu.vector_load %arg22[%swap3A_203] {strides = array<i32>} : memref<64xf32, #tpu.memory_space<vmem>>, vector<16xf32>,
        %swap3A_205 = vector.shape_cast %swap3A_204 : vector<16xf32> to vector<16xf32>
        %swap3A_206 = vector.shape_cast %get3A_153 : vector<16xf32> to vector<16xf32>
        tpu.vector_store %arg22[%swap3A_203], %swap3A_206 {strides = array<i32>} : memref<64xf32, #tpu.memory_space<vmem>>, vector<16xf32>,
        %swap3A_207 = arith.constant 16 : index
        %swap3A_208 = tpu.vector_load %arg22[%swap3A_207] {strides = array<i32>} : memref<64xf32, #tpu.memory_space<vmem>>, vector<16xf32>,
        %swap3A_209 = vector.shape_cast %swap3A_208 : vector<16xf32> to vector<16xf32>
        %swap3A_210 = vector.shape_cast %convert_element_type3A_157 : vector<16xf32> to vector<16xf32>
        tpu.vector_store %arg22[%swap3A_207], %swap3A_210 {strides = array<i32>} : memref<64xf32, #tpu.memory_space<vmem>>, vector<16xf32>,
        %swap3A_211 = arith.constant 32 : index
        %swap3A_212 = tpu.vector_load %arg22[%swap3A_211] {strides = array<i32>} : memref<64xf32, #tpu.memory_space<vmem>>, vector<16xf32>,
        %swap3A_213 = vector.shape_cast %swap3A_212 : vector<16xf32> to vector<16xf32>
        %swap3A_214 = vector.shape_cast %broadcast_in_dim3A_43 : vector<16xf32> to vector<16xf32>
        tpu.vector_store %arg22[%swap3A_211], %swap3A_214 {strides = array<i32>} : memref<64xf32, #tpu.memory_space<vmem>>, vector<16xf32>,
        %swap3A_215 = arith.constant 48 : index
        %swap3A_216 = tpu.vector_load %arg22[%swap3A_215] {strides = array<i32>} : memref<64xf32, #tpu.memory_space<vmem>>, vector<16xf32>,
        %swap3A_217 = vector.shape_cast %swap3A_216 : vector<16xf32> to vector<16xf32>
        %swap3A_218 = vector.shape_cast %broadcast_in_dim3A_43 : vector<16xf32> to vector<16xf32>
        tpu.vector_store %arg22[%swap3A_215], %swap3A_218 {strides = array<i32>} : memref<64xf32, #tpu.memory_space<vmem>>, vector<16xf32>,
        %mul3A_219 = arith.constant 2 : i32
        %mul3A_220 = arith.muli %add3A, %mul3A_219 : i32
        %add3A_221 = arith.constant 0 : i32
        %add3A_222 = arith.addi %mul3A_220, %add3A_221 : i32
        %mul3A_223 = arith.constant 192 : i32
        %mul3A_224 = arith.muli %add3A_222, %mul3A_223 : i32
        %add3A_225 = arith.constant 128 : i32
        %add3A_226 = arith.addi %mul3A_224, %add3A_225 : i32
        "tpu.region"() ({
          %run_scoped3A = tpu.sem_alloc : memref<!tpu.dma_semaphore, #tpu.memory_space<semaphore_mem>>
          %dma_start3A = tpu.memref_slice %arg9[%add3A_226] : memref<12288xf32, #tpu.memory_space<hbm>> -> memref<64xf32, #tpu.memory_space<hbm>>
          %dma_start3A_227 = tpu.memref_slice %arg9[%add3A_226] : memref<12288xf32, #tpu.memory_space<hbm>> -> memref<64xf32, #tpu.memory_space<hbm>>
          tpu.enqueue_dma source(%arg22 : memref<64xf32, #tpu.memory_space<vmem>>) target(%dma_start3A_227 : memref<64xf32, #tpu.memory_space<hbm>>) target_semaphore(%run_scoped3A : memref<!tpu.dma_semaphore, #tpu.memory_space<semaphore_mem>>)
          %dma_wait3A = tpu.memref_slice %arg9[%add3A_226] : memref<12288xf32, #tpu.memory_space<hbm>> -> memref<64xf32, #tpu.memory_space<hbm>>
          %dma_wait3A_228 = tpu.memref_slice %arg9[%add3A_226] : memref<12288xf32, #tpu.memory_space<hbm>> -> memref<64xf32, #tpu.memory_space<hbm>>
          tpu.wait_dma2 semaphore(%run_scoped3A : memref<!tpu.dma_semaphore, #tpu.memory_space<semaphore_mem>>) src(%arg22 : memref<64xf32, #tpu.memory_space<vmem>>) dst(%dma_wait3A_228 : memref<64xf32, #tpu.memory_space<hbm>>)
          tpu.yield
        }) : () -> ()
      } else {
      }
      %jit3A = arith.constant 1 : i32
      %jit3A_99 = arith.constant 0 : i32
      %select_n3A_100 = arith.select %and3A, %jit3A, %jit3A_99 : i32
      %gt3A_101 = arith.constant 0 : i32
      %gt3A_102 = arith.cmpi sgt, %scan3A_91#1, %gt3A_101 : i32
      %jit3A_103 = arith.constant 0 : i32
      %select_n3A_104 = arith.select %gt3A_102, %jit3A_103, %scan3A_66 : i32
      %while3A = arith.constant 0 : i32
      %while3A_105 = arith.subi %scan3A_91#1, %select_n3A_100 : i32
      %while3A_106 = arith.addi %select_n3A_100, %while3A_105 : i32
      %while3A_107 = arith.constant 1 : i32
      %while3A_108 = arith.divsi %while3A_105, %while3A_107 : i32
      %while3A_109 = arith.muli %while3A_108, %while3A_107 : i32
      %while3A_110 = arith.addi %select_n3A_100, %while3A_109 : i32
      %while3A_111 = arith.constant 1 : i32
      %while3A_112 = scf.for %while3A_127 = %select_n3A_100 to %while3A_110 step %while3A_111 iter_args(%while3A_128 = %while3A) -> (i32)  : i32 {
        %mul3A_129 = arith.constant 16 : i32
        %mul3A_130 = arith.muli %while3A_127, %mul3A_129 : i32
        %get3A_131 = arith.index_cast %mul3A_130 : i32 to index
        %get3A_132 = tpu.vector_load %arg16[%get3A_131] {strides = array<i32>} : memref<6416xf32, #tpu.memory_space<vmem>>, vector<16xf32>,
        %get3A_133 = vector.shape_cast %get3A_132 : vector<16xf32> to vector<16xf32>
        %max3A = arith.constant 1.000000e+00 : f32
        %max3A_134 = vector.broadcast %max3A : f32 to vector<16xf32>
        %max3A_135 = arith.maximumf %get3A_133, %max3A_134 : vector<16xf32>
        %div3A = arith.divf %sub3A_42, %max3A_135 : vector<16xf32>
        %mul3A_136 = arith.constant 64 : i32
        %mul3A_137 = arith.muli %while3A_127, %mul3A_136 : i32
        %add3A_138 = arith.constant 0 : i32
        %add3A_139 = arith.addi %mul3A_137, %add3A_138 : i32
        %get3A_140 = arith.index_cast %add3A_139 : i32 to index
        %get3A_141 = tpu.vector_load %arg15[%get3A_140] {strides = array<i32>} : memref<25664xf32, #tpu.memory_space<vmem>>, vector<16xf32>,
        %get3A_142 = vector.shape_cast %get3A_141 : vector<16xf32> to vector<16xf32>
        %mul3A_143 = arith.mulf %get3A_142, %get3A_40 : vector<16xf32>
        %mul3A_144 = arith.constant 64 : i32
        %mul3A_145 = arith.muli %while3A_127, %mul3A_144 : i32
        %add3A_146 = arith.constant 0 : i32
        %add3A_147 = arith.addi %mul3A_145, %add3A_146 : i32
        %get3A_148 = arith.index_cast %add3A_147 : i32 to index
        %get3A_149 = tpu.vector_load %arg14[%get3A_148] {strides = array<i32>} : memref<25664xf32, #tpu.memory_space<vmem>>, vector<16xf32>,
        %get3A_150 = vector.shape_cast %get3A_149 : vector<16xf32> to vector<16xf32>
        %mul3A_151 = arith.mulf %get3A_150, %div3A : vector<16xf32>
        %add3A_152 = arith.addf %mul3A_143, %mul3A_151 : vector<16xf32>
        %mul3A_153 = arith.constant 64 : i32
        %mul3A_154 = arith.muli %while3A_127, %mul3A_153 : i32
        %add3A_155 = arith.constant 0 : i32
        %add3A_156 = arith.addi %mul3A_154, %add3A_155 : i32
        %swap3A = arith.index_cast %add3A_156 : i32 to index
        %swap3A_157 = tpu.vector_load %arg14[%swap3A] {strides = array<i32>} : memref<25664xf32, #tpu.memory_space<vmem>>, vector<16xf32>,
        %swap3A_158 = vector.shape_cast %swap3A_157 : vector<16xf32> to vector<16xf32>
        %swap3A_159 = vector.shape_cast %add3A_152 : vector<16xf32> to vector<16xf32>
        tpu.vector_store %arg14[%swap3A], %swap3A_159 {strides = array<i32>} : memref<25664xf32, #tpu.memory_space<vmem>>, vector<16xf32>,
        %mul3A_160 = arith.constant 64 : i32
        %mul3A_161 = arith.muli %while3A_127, %mul3A_160 : i32
        %add3A_162 = arith.constant 16 : i32
        %add3A_163 = arith.addi %mul3A_161, %add3A_162 : i32
        %get3A_164 = arith.index_cast %add3A_163 : i32 to index
        %get3A_165 = tpu.vector_load %arg15[%get3A_164] {strides = array<i32>} : memref<25664xf32, #tpu.memory_space<vmem>>, vector<16xf32>,
        %get3A_166 = vector.shape_cast %get3A_165 : vector<16xf32> to vector<16xf32>
        %mul3A_167 = arith.mulf %get3A_166, %get3A_40 : vector<16xf32>
        %mul3A_168 = arith.constant 64 : i32
        %mul3A_169 = arith.muli %while3A_127, %mul3A_168 : i32
        %add3A_170 = arith.constant 16 : i32
        %add3A_171 = arith.addi %mul3A_169, %add3A_170 : i32
        %get3A_172 = arith.index_cast %add3A_171 : i32 to index
        %get3A_173 = tpu.vector_load %arg14[%get3A_172] {strides = array<i32>} : memref<25664xf32, #tpu.memory_space<vmem>>, vector<16xf32>,
        %get3A_174 = vector.shape_cast %get3A_173 : vector<16xf32> to vector<16xf32>
        %mul3A_175 = arith.mulf %get3A_174, %div3A : vector<16xf32>
        %add3A_176 = arith.addf %mul3A_167, %mul3A_175 : vector<16xf32>
        %mul3A_177 = arith.constant 64 : i32
        %mul3A_178 = arith.muli %while3A_127, %mul3A_177 : i32
        %add3A_179 = arith.constant 16 : i32
        %add3A_180 = arith.addi %mul3A_178, %add3A_179 : i32
        %swap3A_181 = arith.index_cast %add3A_180 : i32 to index
        %swap3A_182 = tpu.vector_load %arg14[%swap3A_181] {strides = array<i32>} : memref<25664xf32, #tpu.memory_space<vmem>>, vector<16xf32>,
        %swap3A_183 = vector.shape_cast %swap3A_182 : vector<16xf32> to vector<16xf32>
        %swap3A_184 = vector.shape_cast %add3A_176 : vector<16xf32> to vector<16xf32>
        tpu.vector_store %arg14[%swap3A_181], %swap3A_184 {strides = array<i32>} : memref<25664xf32, #tpu.memory_space<vmem>>, vector<16xf32>,
        %mul3A_185 = arith.constant 64 : i32
        %mul3A_186 = arith.muli %while3A_127, %mul3A_185 : i32
        %add3A_187 = arith.constant 32 : i32
        %add3A_188 = arith.addi %mul3A_186, %add3A_187 : i32
        %get3A_189 = arith.index_cast %add3A_188 : i32 to index
        %get3A_190 = tpu.vector_load %arg15[%get3A_189] {strides = array<i32>} : memref<25664xf32, #tpu.memory_space<vmem>>, vector<16xf32>,
        %get3A_191 = vector.shape_cast %get3A_190 : vector<16xf32> to vector<16xf32>
        %mul3A_192 = arith.mulf %get3A_191, %get3A_40 : vector<16xf32>
        %mul3A_193 = arith.constant 64 : i32
        %mul3A_194 = arith.muli %while3A_127, %mul3A_193 : i32
        %add3A_195 = arith.constant 32 : i32
        %add3A_196 = arith.addi %mul3A_194, %add3A_195 : i32
        %get3A_197 = arith.index_cast %add3A_196 : i32 to index
        %get3A_198 = tpu.vector_load %arg14[%get3A_197] {strides = array<i32>} : memref<25664xf32, #tpu.memory_space<vmem>>, vector<16xf32>,
        %get3A_199 = vector.shape_cast %get3A_198 : vector<16xf32> to vector<16xf32>
        %mul3A_200 = arith.mulf %get3A_199, %div3A : vector<16xf32>
        %add3A_201 = arith.addf %mul3A_192, %mul3A_200 : vector<16xf32>
        %mul3A_202 = arith.constant 64 : i32
        %mul3A_203 = arith.muli %while3A_127, %mul3A_202 : i32
        %add3A_204 = arith.constant 32 : i32
        %add3A_205 = arith.addi %mul3A_203, %add3A_204 : i32
        %swap3A_206 = arith.index_cast %add3A_205 : i32 to index
        %swap3A_207 = tpu.vector_load %arg14[%swap3A_206] {strides = array<i32>} : memref<25664xf32, #tpu.memory_space<vmem>>, vector<16xf32>,
        %swap3A_208 = vector.shape_cast %swap3A_207 : vector<16xf32> to vector<16xf32>
        %swap3A_209 = vector.shape_cast %add3A_201 : vector<16xf32> to vector<16xf32>
        tpu.vector_store %arg14[%swap3A_206], %swap3A_209 {strides = array<i32>} : memref<25664xf32, #tpu.memory_space<vmem>>, vector<16xf32>,
        %mul3A_210 = arith.constant 64 : i32
        %mul3A_211 = arith.muli %while3A_127, %mul3A_210 : i32
        %add3A_212 = arith.constant 48 : i32
        %add3A_213 = arith.addi %mul3A_211, %add3A_212 : i32
        %get3A_214 = arith.index_cast %add3A_213 : i32 to index
        %get3A_215 = tpu.vector_load %arg15[%get3A_214] {strides = array<i32>} : memref<25664xf32, #tpu.memory_space<vmem>>, vector<16xf32>,
        %get3A_216 = vector.shape_cast %get3A_215 : vector<16xf32> to vector<16xf32>
        %mul3A_217 = arith.mulf %get3A_216, %get3A_40 : vector<16xf32>
        %mul3A_218 = arith.constant 64 : i32
        %mul3A_219 = arith.muli %while3A_127, %mul3A_218 : i32
        %add3A_220 = arith.constant 48 : i32
        %add3A_221 = arith.addi %mul3A_219, %add3A_220 : i32
        %get3A_222 = arith.index_cast %add3A_221 : i32 to index
        %get3A_223 = tpu.vector_load %arg14[%get3A_222] {strides = array<i32>} : memref<25664xf32, #tpu.memory_space<vmem>>, vector<16xf32>,
        %get3A_224 = vector.shape_cast %get3A_223 : vector<16xf32> to vector<16xf32>
        %mul3A_225 = arith.mulf %get3A_224, %div3A : vector<16xf32>
        %add3A_226 = arith.addf %mul3A_217, %mul3A_225 : vector<16xf32>
        %mul3A_227 = arith.constant 64 : i32
        %mul3A_228 = arith.muli %while3A_127, %mul3A_227 : i32
        %add3A_229 = arith.constant 48 : i32
        %add3A_230 = arith.addi %mul3A_228, %add3A_229 : i32
        %swap3A_231 = arith.index_cast %add3A_230 : i32 to index
        %swap3A_232 = tpu.vector_load %arg14[%swap3A_231] {strides = array<i32>} : memref<25664xf32, #tpu.memory_space<vmem>>, vector<16xf32>,
        %swap3A_233 = vector.shape_cast %swap3A_232 : vector<16xf32> to vector<16xf32>
        %swap3A_234 = vector.shape_cast %add3A_226 : vector<16xf32> to vector<16xf32>
        tpu.vector_store %arg14[%swap3A_231], %swap3A_234 {strides = array<i32>} : memref<25664xf32, #tpu.memory_space<vmem>>, vector<16xf32>,
        %mul3A_235 = arith.constant 16 : i32
        %mul3A_236 = arith.muli %while3A_127, %mul3A_235 : i32
        %get3A_237 = arith.index_cast %mul3A_236 : i32 to index
        %get3A_238 = tpu.vector_load %arg17[%get3A_237] {strides = array<i32>} : memref<6416xi32, #tpu.memory_space<vmem>>, vector<16xi32>,
        %get3A_239 = vector.shape_cast %get3A_238 : vector<16xi32> to vector<16xi32>
        %slice3A = vector.extract_strided_slice %get3A_239 {offsets = [0], sizes = [1], strides = [1]} : vector<16xi32> to vector<1xi32>
        %squeeze3A = vector.extract %slice3A[0] : i32 from vector<1xi32>
        %mul3A_240 = arith.constant 64 : i32
        %mul3A_241 = arith.muli %while3A_127, %mul3A_240 : i32
        %mul3A_242 = arith.constant 64 : i32
        %mul3A_243 = arith.muli %squeeze3A, %mul3A_242 : i32
        %dma_start3A = tpu.memref_slice %arg14[%mul3A_241] : memref<25664xf32, #tpu.memory_space<vmem>> -> memref<64xf32, #tpu.memory_space<vmem>>
        %dma_start3A_244 = tpu.memref_slice %arg8[%mul3A_243] : memref<640512xf32, #tpu.memory_space<hbm>> -> memref<64xf32, #tpu.memory_space<hbm>>
        %dma_start3A_245 = tpu.memref_slice %arg8[%mul3A_243] : memref<640512xf32, #tpu.memory_space<hbm>> -> memref<64xf32, #tpu.memory_space<hbm>>
        %dma_start3A_246 = tpu.memref_slice %arg14[%mul3A_241] : memref<25664xf32, #tpu.memory_space<vmem>> -> memref<64xf32, #tpu.memory_space<vmem>>
        tpu.enqueue_dma source(%dma_start3A_246 : memref<64xf32, #tpu.memory_space<vmem>>) target(%dma_start3A_245 : memref<64xf32, #tpu.memory_space<hbm>>) target_semaphore(%arg24 : memref<!tpu.dma_semaphore, #tpu.memory_space<semaphore_mem>>)
        %add3A_247 = arith.constant 1 : i32
        %add3A_248 = arith.addi %while3A_128, %add3A_247 : i32
        scf.yield %add3A_248 : i32
      }
      %while3A_113 = arith.constant 1 : i32
      %while3A_114 = scf.for %while3A_127 = %while3A_110 to %while3A_106 step %while3A_113 iter_args(%while3A_128 = %while3A_112) -> (i32)  : i32 {
        %mul3A_129 = arith.constant 16 : i32
        %mul3A_130 = arith.muli %while3A_127, %mul3A_129 : i32
        %get3A_131 = arith.index_cast %mul3A_130 : i32 to index
        %get3A_132 = tpu.vector_load %arg16[%get3A_131] {strides = array<i32>} : memref<6416xf32, #tpu.memory_space<vmem>>, vector<16xf32>,
        %get3A_133 = vector.shape_cast %get3A_132 : vector<16xf32> to vector<16xf32>
        %max3A = arith.constant 1.000000e+00 : f32
        %max3A_134 = vector.broadcast %max3A : f32 to vector<16xf32>
        %max3A_135 = arith.maximumf %get3A_133, %max3A_134 : vector<16xf32>
        %div3A = arith.divf %sub3A_42, %max3A_135 : vector<16xf32>
        %mul3A_136 = arith.constant 64 : i32
        %mul3A_137 = arith.muli %while3A_127, %mul3A_136 : i32
        %add3A_138 = arith.constant 0 : i32
        %add3A_139 = arith.addi %mul3A_137, %add3A_138 : i32
        %get3A_140 = arith.index_cast %add3A_139 : i32 to index
        %get3A_141 = tpu.vector_load %arg15[%get3A_140] {strides = array<i32>} : memref<25664xf32, #tpu.memory_space<vmem>>, vector<16xf32>,
        %get3A_142 = vector.shape_cast %get3A_141 : vector<16xf32> to vector<16xf32>
        %mul3A_143 = arith.mulf %get3A_142, %get3A_40 : vector<16xf32>
        %mul3A_144 = arith.constant 64 : i32
        %mul3A_145 = arith.muli %while3A_127, %mul3A_144 : i32
        %add3A_146 = arith.constant 0 : i32
        %add3A_147 = arith.addi %mul3A_145, %add3A_146 : i32
        %get3A_148 = arith.index_cast %add3A_147 : i32 to index
        %get3A_149 = tpu.vector_load %arg14[%get3A_148] {strides = array<i32>} : memref<25664xf32, #tpu.memory_space<vmem>>, vector<16xf32>,
        %get3A_150 = vector.shape_cast %get3A_149 : vector<16xf32> to vector<16xf32>
        %mul3A_151 = arith.mulf %get3A_150, %div3A : vector<16xf32>
        %add3A_152 = arith.addf %mul3A_143, %mul3A_151 : vector<16xf32>
        %mul3A_153 = arith.constant 64 : i32
        %mul3A_154 = arith.muli %while3A_127, %mul3A_153 : i32
        %add3A_155 = arith.constant 0 : i32
        %add3A_156 = arith.addi %mul3A_154, %add3A_155 : i32
        %swap3A = arith.index_cast %add3A_156 : i32 to index
        %swap3A_157 = tpu.vector_load %arg14[%swap3A] {strides = array<i32>} : memref<25664xf32, #tpu.memory_space<vmem>>, vector<16xf32>,
        %swap3A_158 = vector.shape_cast %swap3A_157 : vector<16xf32> to vector<16xf32>
        %swap3A_159 = vector.shape_cast %add3A_152 : vector<16xf32> to vector<16xf32>
        tpu.vector_store %arg14[%swap3A], %swap3A_159 {strides = array<i32>} : memref<25664xf32, #tpu.memory_space<vmem>>, vector<16xf32>,
        %mul3A_160 = arith.constant 64 : i32
        %mul3A_161 = arith.muli %while3A_127, %mul3A_160 : i32
        %add3A_162 = arith.constant 16 : i32
        %add3A_163 = arith.addi %mul3A_161, %add3A_162 : i32
        %get3A_164 = arith.index_cast %add3A_163 : i32 to index
        %get3A_165 = tpu.vector_load %arg15[%get3A_164] {strides = array<i32>} : memref<25664xf32, #tpu.memory_space<vmem>>, vector<16xf32>,
        %get3A_166 = vector.shape_cast %get3A_165 : vector<16xf32> to vector<16xf32>
        %mul3A_167 = arith.mulf %get3A_166, %get3A_40 : vector<16xf32>
        %mul3A_168 = arith.constant 64 : i32
        %mul3A_169 = arith.muli %while3A_127, %mul3A_168 : i32
        %add3A_170 = arith.constant 16 : i32
        %add3A_171 = arith.addi %mul3A_169, %add3A_170 : i32
        %get3A_172 = arith.index_cast %add3A_171 : i32 to index
        %get3A_173 = tpu.vector_load %arg14[%get3A_172] {strides = array<i32>} : memref<25664xf32, #tpu.memory_space<vmem>>, vector<16xf32>,
        %get3A_174 = vector.shape_cast %get3A_173 : vector<16xf32> to vector<16xf32>
        %mul3A_175 = arith.mulf %get3A_174, %div3A : vector<16xf32>
        %add3A_176 = arith.addf %mul3A_167, %mul3A_175 : vector<16xf32>
        %mul3A_177 = arith.constant 64 : i32
        %mul3A_178 = arith.muli %while3A_127, %mul3A_177 : i32
        %add3A_179 = arith.constant 16 : i32
        %add3A_180 = arith.addi %mul3A_178, %add3A_179 : i32
        %swap3A_181 = arith.index_cast %add3A_180 : i32 to index
        %swap3A_182 = tpu.vector_load %arg14[%swap3A_181] {strides = array<i32>} : memref<25664xf32, #tpu.memory_space<vmem>>, vector<16xf32>,
        %swap3A_183 = vector.shape_cast %swap3A_182 : vector<16xf32> to vector<16xf32>
        %swap3A_184 = vector.shape_cast %add3A_176 : vector<16xf32> to vector<16xf32>
        tpu.vector_store %arg14[%swap3A_181], %swap3A_184 {strides = array<i32>} : memref<25664xf32, #tpu.memory_space<vmem>>, vector<16xf32>,
        %mul3A_185 = arith.constant 64 : i32
        %mul3A_186 = arith.muli %while3A_127, %mul3A_185 : i32
        %add3A_187 = arith.constant 32 : i32
        %add3A_188 = arith.addi %mul3A_186, %add3A_187 : i32
        %get3A_189 = arith.index_cast %add3A_188 : i32 to index
        %get3A_190 = tpu.vector_load %arg15[%get3A_189] {strides = array<i32>} : memref<25664xf32, #tpu.memory_space<vmem>>, vector<16xf32>,
        %get3A_191 = vector.shape_cast %get3A_190 : vector<16xf32> to vector<16xf32>
        %mul3A_192 = arith.mulf %get3A_191, %get3A_40 : vector<16xf32>
        %mul3A_193 = arith.constant 64 : i32
        %mul3A_194 = arith.muli %while3A_127, %mul3A_193 : i32
        %add3A_195 = arith.constant 32 : i32
        %add3A_196 = arith.addi %mul3A_194, %add3A_195 : i32
        %get3A_197 = arith.index_cast %add3A_196 : i32 to index
        %get3A_198 = tpu.vector_load %arg14[%get3A_197] {strides = array<i32>} : memref<25664xf32, #tpu.memory_space<vmem>>, vector<16xf32>,
        %get3A_199 = vector.shape_cast %get3A_198 : vector<16xf32> to vector<16xf32>
        %mul3A_200 = arith.mulf %get3A_199, %div3A : vector<16xf32>
        %add3A_201 = arith.addf %mul3A_192, %mul3A_200 : vector<16xf32>
        %mul3A_202 = arith.constant 64 : i32
        %mul3A_203 = arith.muli %while3A_127, %mul3A_202 : i32
        %add3A_204 = arith.constant 32 : i32
        %add3A_205 = arith.addi %mul3A_203, %add3A_204 : i32
        %swap3A_206 = arith.index_cast %add3A_205 : i32 to index
        %swap3A_207 = tpu.vector_load %arg14[%swap3A_206] {strides = array<i32>} : memref<25664xf32, #tpu.memory_space<vmem>>, vector<16xf32>,
        %swap3A_208 = vector.shape_cast %swap3A_207 : vector<16xf32> to vector<16xf32>
        %swap3A_209 = vector.shape_cast %add3A_201 : vector<16xf32> to vector<16xf32>
        tpu.vector_store %arg14[%swap3A_206], %swap3A_209 {strides = array<i32>} : memref<25664xf32, #tpu.memory_space<vmem>>, vector<16xf32>,
        %mul3A_210 = arith.constant 64 : i32
        %mul3A_211 = arith.muli %while3A_127, %mul3A_210 : i32
        %add3A_212 = arith.constant 48 : i32
        %add3A_213 = arith.addi %mul3A_211, %add3A_212 : i32
        %get3A_214 = arith.index_cast %add3A_213 : i32 to index
        %get3A_215 = tpu.vector_load %arg15[%get3A_214] {strides = array<i32>} : memref<25664xf32, #tpu.memory_space<vmem>>, vector<16xf32>,
        %get3A_216 = vector.shape_cast %get3A_215 : vector<16xf32> to vector<16xf32>
        %mul3A_217 = arith.mulf %get3A_216, %get3A_40 : vector<16xf32>
        %mul3A_218 = arith.constant 64 : i32
        %mul3A_219 = arith.muli %while3A_127, %mul3A_218 : i32
        %add3A_220 = arith.constant 48 : i32
        %add3A_221 = arith.addi %mul3A_219, %add3A_220 : i32
        %get3A_222 = arith.index_cast %add3A_221 : i32 to index
        %get3A_223 = tpu.vector_load %arg14[%get3A_222] {strides = array<i32>} : memref<25664xf32, #tpu.memory_space<vmem>>, vector<16xf32>,
        %get3A_224 = vector.shape_cast %get3A_223 : vector<16xf32> to vector<16xf32>
        %mul3A_225 = arith.mulf %get3A_224, %div3A : vector<16xf32>
        %add3A_226 = arith.addf %mul3A_217, %mul3A_225 : vector<16xf32>
        %mul3A_227 = arith.constant 64 : i32
        %mul3A_228 = arith.muli %while3A_127, %mul3A_227 : i32
        %add3A_229 = arith.constant 48 : i32
        %add3A_230 = arith.addi %mul3A_228, %add3A_229 : i32
        %swap3A_231 = arith.index_cast %add3A_230 : i32 to index
        %swap3A_232 = tpu.vector_load %arg14[%swap3A_231] {strides = array<i32>} : memref<25664xf32, #tpu.memory_space<vmem>>, vector<16xf32>,
        %swap3A_233 = vector.shape_cast %swap3A_232 : vector<16xf32> to vector<16xf32>
        %swap3A_234 = vector.shape_cast %add3A_226 : vector<16xf32> to vector<16xf32>
        tpu.vector_store %arg14[%swap3A_231], %swap3A_234 {strides = array<i32>} : memref<25664xf32, #tpu.memory_space<vmem>>, vector<16xf32>,
        %mul3A_235 = arith.constant 16 : i32
        %mul3A_236 = arith.muli %while3A_127, %mul3A_235 : i32
        %get3A_237 = arith.index_cast %mul3A_236 : i32 to index
        %get3A_238 = tpu.vector_load %arg17[%get3A_237] {strides = array<i32>} : memref<6416xi32, #tpu.memory_space<vmem>>, vector<16xi32>,
        %get3A_239 = vector.shape_cast %get3A_238 : vector<16xi32> to vector<16xi32>
        %slice3A = vector.extract_strided_slice %get3A_239 {offsets = [0], sizes = [1], strides = [1]} : vector<16xi32> to vector<1xi32>
        %squeeze3A = vector.extract %slice3A[0] : i32 from vector<1xi32>
        %mul3A_240 = arith.constant 64 : i32
        %mul3A_241 = arith.muli %while3A_127, %mul3A_240 : i32
        %mul3A_242 = arith.constant 64 : i32
        %mul3A_243 = arith.muli %squeeze3A, %mul3A_242 : i32
        %dma_start3A = tpu.memref_slice %arg14[%mul3A_241] : memref<25664xf32, #tpu.memory_space<vmem>> -> memref<64xf32, #tpu.memory_space<vmem>>
        %dma_start3A_244 = tpu.memref_slice %arg8[%mul3A_243] : memref<640512xf32, #tpu.memory_space<hbm>> -> memref<64xf32, #tpu.memory_space<hbm>>
        %dma_start3A_245 = tpu.memref_slice %arg8[%mul3A_243] : memref<640512xf32, #tpu.memory_space<hbm>> -> memref<64xf32, #tpu.memory_space<hbm>>
        %dma_start3A_246 = tpu.memref_slice %arg14[%mul3A_241] : memref<25664xf32, #tpu.memory_space<vmem>> -> memref<64xf32, #tpu.memory_space<vmem>>
        tpu.enqueue_dma source(%dma_start3A_246 : memref<64xf32, #tpu.memory_space<vmem>>) target(%dma_start3A_245 : memref<64xf32, #tpu.memory_space<hbm>>) target_semaphore(%arg24 : memref<!tpu.dma_semaphore, #tpu.memory_space<semaphore_mem>>)
        %add3A_247 = arith.constant 1 : i32
        %add3A_248 = arith.addi %while3A_128, %add3A_247 : i32
        scf.yield %add3A_248 : i32
      }
      %while3A_115 = arith.constant 0 : i32
      %while3A_116 = arith.constant 0 : i32
      %while3A_117 = arith.subi %while3A_114, %while3A_115 : i32
      %while3A_118 = arith.addi %while3A_115, %while3A_117 : i32
      %while3A_119 = arith.constant 1 : i32
      %while3A_120 = arith.divsi %while3A_117, %while3A_119 : i32
      %while3A_121 = arith.muli %while3A_120, %while3A_119 : i32
      %while3A_122 = arith.addi %while3A_115, %while3A_121 : i32
      %while3A_123 = arith.constant 1 : i32
      %while3A_124 = scf.for %while3A_127 = %while3A_115 to %while3A_122 step %while3A_123 iter_args(%while3A_128 = %while3A_116) -> (i32)  : i32 {
        %dma_wait3A = arith.constant 0 : i32
        %dma_wait3A_129 = tpu.memref_slice %arg9[%dma_wait3A] : memref<12288xf32, #tpu.memory_space<hbm>> -> memref<64xf32, #tpu.memory_space<hbm>>
        %dma_wait3A_130 = arith.constant 0 : i32
        %dma_wait3A_131 = tpu.memref_slice %arg9[%dma_wait3A_130] : memref<12288xf32, #tpu.memory_space<hbm>> -> memref<64xf32, #tpu.memory_space<hbm>>
        tpu.wait_dma2 semaphore(%arg24 : memref<!tpu.dma_semaphore, #tpu.memory_space<semaphore_mem>>) src(%dma_wait3A_131 : memref<64xf32, #tpu.memory_space<hbm>>) dst(%arg23 : memref<64xf32, #tpu.memory_space<vmem>>)
        %while3A_132 = arith.constant 0 : i32
        scf.yield %while3A_132 : i32
      }
      %while3A_125 = arith.constant 1 : i32
      %while3A_126 = scf.for %while3A_127 = %while3A_122 to %while3A_118 step %while3A_125 iter_args(%while3A_128 = %while3A_124) -> (i32)  : i32 {
        %dma_wait3A = arith.constant 0 : i32
        %dma_wait3A_129 = tpu.memref_slice %arg9[%dma_wait3A] : memref<12288xf32, #tpu.memory_space<hbm>> -> memref<64xf32, #tpu.memory_space<hbm>>
        %dma_wait3A_130 = arith.constant 0 : i32
        %dma_wait3A_131 = tpu.memref_slice %arg9[%dma_wait3A_130] : memref<12288xf32, #tpu.memory_space<hbm>> -> memref<64xf32, #tpu.memory_space<hbm>>
        tpu.wait_dma2 semaphore(%arg24 : memref<!tpu.dma_semaphore, #tpu.memory_space<semaphore_mem>>) src(%dma_wait3A_131 : memref<64xf32, #tpu.memory_space<hbm>>) dst(%arg23 : memref<64xf32, #tpu.memory_space<vmem>>)
        %while3A_132 = arith.constant 0 : i32
        scf.yield %while3A_132 : i32
      }
      scf.yield %scan3A_91#0, %select_n3A_104, %scan3A_91#2, %scan3A_91#3, %scan3A_91#4, %scan3A_91#5, %scan3A_91#6, %scan3A_91#7, %scan3A_91#8, %scan3A_91#9, %scan3A_91#10 : i32, i32, f32, vector<16xf32>, vector<16xf32>, vector<16xf32>, vector<16xf32>, vector<16xf32>, vector<16xf32>, vector<16xf32>, vector<16xf32>
    }
    %scan3A_53 = arith.constant 25 : i32
    %broadcast_in_dim3A_54 = vector.broadcast %scan3A_52#2 : f32 to vector<16xf32>
    %broadcast_in_dim3A_55 = vector.broadcast %scan3A_52#0 : i32 to vector<16xi32>
    %convert_element_type3A = arith.sitofp %broadcast_in_dim3A_55 : vector<16xi32> to vector<16xf32>
    %eq3A = arith.constant 1 : i32
    %eq3A_56 = arith.cmpi eq, %scan3A_52#1, %eq3A : i32
    %convert_element_type3A_57 = arith.extui %eq3A_56 : i1 to i32
    %cond3A = arith.constant 0 : i32
    %cond3A_58 = arith.cmpi ne, %convert_element_type3A_57, %cond3A : i32
    scf.if %cond3A_58 {
      %swap3A = arith.constant 0 : index
      %swap3A_64 = tpu.vector_load %arg22[%swap3A] {strides = array<i32>} : memref<64xf32, #tpu.memory_space<vmem>>, vector<16xf32>,
      %swap3A_65 = vector.shape_cast %swap3A_64 : vector<16xf32> to vector<16xf32>
      %swap3A_66 = vector.shape_cast %scan3A_52#3 : vector<16xf32> to vector<16xf32>
      tpu.vector_store %arg22[%swap3A], %swap3A_66 {strides = array<i32>} : memref<64xf32, #tpu.memory_space<vmem>>, vector<16xf32>,
      %swap3A_67 = arith.constant 16 : index
      %swap3A_68 = tpu.vector_load %arg22[%swap3A_67] {strides = array<i32>} : memref<64xf32, #tpu.memory_space<vmem>>, vector<16xf32>,
      %swap3A_69 = vector.shape_cast %swap3A_68 : vector<16xf32> to vector<16xf32>
      %swap3A_70 = vector.shape_cast %scan3A_52#4 : vector<16xf32> to vector<16xf32>
      tpu.vector_store %arg22[%swap3A_67], %swap3A_70 {strides = array<i32>} : memref<64xf32, #tpu.memory_space<vmem>>, vector<16xf32>,
      %swap3A_71 = arith.constant 32 : index
      %swap3A_72 = tpu.vector_load %arg22[%swap3A_71] {strides = array<i32>} : memref<64xf32, #tpu.memory_space<vmem>>, vector<16xf32>,
      %swap3A_73 = vector.shape_cast %swap3A_72 : vector<16xf32> to vector<16xf32>
      %swap3A_74 = vector.shape_cast %scan3A_52#5 : vector<16xf32> to vector<16xf32>
      tpu.vector_store %arg22[%swap3A_71], %swap3A_74 {strides = array<i32>} : memref<64xf32, #tpu.memory_space<vmem>>, vector<16xf32>,
      %swap3A_75 = arith.constant 48 : index
      %swap3A_76 = tpu.vector_load %arg22[%swap3A_75] {strides = array<i32>} : memref<64xf32, #tpu.memory_space<vmem>>, vector<16xf32>,
      %swap3A_77 = vector.shape_cast %swap3A_76 : vector<16xf32> to vector<16xf32>
      %swap3A_78 = vector.shape_cast %scan3A_52#6 : vector<16xf32> to vector<16xf32>
      tpu.vector_store %arg22[%swap3A_75], %swap3A_78 {strides = array<i32>} : memref<64xf32, #tpu.memory_space<vmem>>, vector<16xf32>,
      %mul3A_79 = arith.constant 2 : i32
      %mul3A_80 = arith.muli %add3A, %mul3A_79 : i32
      %add3A_81 = arith.constant 0 : i32
      %add3A_82 = arith.addi %mul3A_80, %add3A_81 : i32
      %mul3A_83 = arith.constant 192 : i32
      %mul3A_84 = arith.muli %add3A_82, %mul3A_83 : i32
      "tpu.region"() ({
        %run_scoped3A = tpu.sem_alloc : memref<!tpu.dma_semaphore, #tpu.memory_space<semaphore_mem>>
        %dma_start3A = tpu.memref_slice %arg9[%mul3A_84] : memref<12288xf32, #tpu.memory_space<hbm>> -> memref<64xf32, #tpu.memory_space<hbm>>
        %dma_start3A_205 = tpu.memref_slice %arg9[%mul3A_84] : memref<12288xf32, #tpu.memory_space<hbm>> -> memref<64xf32, #tpu.memory_space<hbm>>
        tpu.enqueue_dma source(%arg22 : memref<64xf32, #tpu.memory_space<vmem>>) target(%dma_start3A_205 : memref<64xf32, #tpu.memory_space<hbm>>) target_semaphore(%run_scoped3A : memref<!tpu.dma_semaphore, #tpu.memory_space<semaphore_mem>>)
        %dma_wait3A = tpu.memref_slice %arg9[%mul3A_84] : memref<12288xf32, #tpu.memory_space<hbm>> -> memref<64xf32, #tpu.memory_space<hbm>>
        %dma_wait3A_206 = tpu.memref_slice %arg9[%mul3A_84] : memref<12288xf32, #tpu.memory_space<hbm>> -> memref<64xf32, #tpu.memory_space<hbm>>
        tpu.wait_dma2 semaphore(%run_scoped3A : memref<!tpu.dma_semaphore, #tpu.memory_space<semaphore_mem>>) src(%arg22 : memref<64xf32, #tpu.memory_space<vmem>>) dst(%dma_wait3A_206 : memref<64xf32, #tpu.memory_space<hbm>>)
        tpu.yield
      }) : () -> ()
      %swap3A_85 = arith.constant 0 : index
      %swap3A_86 = tpu.vector_load %arg22[%swap3A_85] {strides = array<i32>} : memref<64xf32, #tpu.memory_space<vmem>>, vector<16xf32>,
      %swap3A_87 = vector.shape_cast %swap3A_86 : vector<16xf32> to vector<16xf32>
      %swap3A_88 = vector.shape_cast %scan3A_52#7 : vector<16xf32> to vector<16xf32>
      tpu.vector_store %arg22[%swap3A_85], %swap3A_88 {strides = array<i32>} : memref<64xf32, #tpu.memory_space<vmem>>, vector<16xf32>,
      %swap3A_89 = arith.constant 16 : index
      %swap3A_90 = tpu.vector_load %arg22[%swap3A_89] {strides = array<i32>} : memref<64xf32, #tpu.memory_space<vmem>>, vector<16xf32>,
      %swap3A_91 = vector.shape_cast %swap3A_90 : vector<16xf32> to vector<16xf32>
      %swap3A_92 = vector.shape_cast %scan3A_52#8 : vector<16xf32> to vector<16xf32>
      tpu.vector_store %arg22[%swap3A_89], %swap3A_92 {strides = array<i32>} : memref<64xf32, #tpu.memory_space<vmem>>, vector<16xf32>,
      %swap3A_93 = arith.constant 32 : index
      %swap3A_94 = tpu.vector_load %arg22[%swap3A_93] {strides = array<i32>} : memref<64xf32, #tpu.memory_space<vmem>>, vector<16xf32>,
      %swap3A_95 = vector.shape_cast %swap3A_94 : vector<16xf32> to vector<16xf32>
      %swap3A_96 = vector.shape_cast %scan3A_52#9 : vector<16xf32> to vector<16xf32>
      tpu.vector_store %arg22[%swap3A_93], %swap3A_96 {strides = array<i32>} : memref<64xf32, #tpu.memory_space<vmem>>, vector<16xf32>,
      %swap3A_97 = arith.constant 48 : index
      %swap3A_98 = tpu.vector_load %arg22[%swap3A_97] {strides = array<i32>} : memref<64xf32, #tpu.memory_space<vmem>>, vector<16xf32>,
      %swap3A_99 = vector.shape_cast %swap3A_98 : vector<16xf32> to vector<16xf32>
      %swap3A_100 = vector.shape_cast %scan3A_52#10 : vector<16xf32> to vector<16xf32>
      tpu.vector_store %arg22[%swap3A_97], %swap3A_100 {strides = array<i32>} : memref<64xf32, #tpu.memory_space<vmem>>, vector<16xf32>,
      %mul3A_101 = arith.constant 2 : i32
      %mul3A_102 = arith.muli %add3A, %mul3A_101 : i32
      %add3A_103 = arith.constant 0 : i32
      %add3A_104 = arith.addi %mul3A_102, %add3A_103 : i32
      %mul3A_105 = arith.constant 192 : i32
      %mul3A_106 = arith.muli %add3A_104, %mul3A_105 : i32
      %add3A_107 = arith.constant 64 : i32
      %add3A_108 = arith.addi %mul3A_106, %add3A_107 : i32
      "tpu.region"() ({
        %run_scoped3A = tpu.sem_alloc : memref<!tpu.dma_semaphore, #tpu.memory_space<semaphore_mem>>
        %dma_start3A = tpu.memref_slice %arg9[%add3A_108] : memref<12288xf32, #tpu.memory_space<hbm>> -> memref<64xf32, #tpu.memory_space<hbm>>
        %dma_start3A_205 = tpu.memref_slice %arg9[%add3A_108] : memref<12288xf32, #tpu.memory_space<hbm>> -> memref<64xf32, #tpu.memory_space<hbm>>
        tpu.enqueue_dma source(%arg22 : memref<64xf32, #tpu.memory_space<vmem>>) target(%dma_start3A_205 : memref<64xf32, #tpu.memory_space<hbm>>) target_semaphore(%run_scoped3A : memref<!tpu.dma_semaphore, #tpu.memory_space<semaphore_mem>>)
        %dma_wait3A = tpu.memref_slice %arg9[%add3A_108] : memref<12288xf32, #tpu.memory_space<hbm>> -> memref<64xf32, #tpu.memory_space<hbm>>
        %dma_wait3A_206 = tpu.memref_slice %arg9[%add3A_108] : memref<12288xf32, #tpu.memory_space<hbm>> -> memref<64xf32, #tpu.memory_space<hbm>>
        tpu.wait_dma2 semaphore(%run_scoped3A : memref<!tpu.dma_semaphore, #tpu.memory_space<semaphore_mem>>) src(%arg22 : memref<64xf32, #tpu.memory_space<vmem>>) dst(%dma_wait3A_206 : memref<64xf32, #tpu.memory_space<hbm>>)
        tpu.yield
      }) : () -> ()
      %swap3A_109 = arith.constant 0 : index
      %swap3A_110 = tpu.vector_load %arg22[%swap3A_109] {strides = array<i32>} : memref<64xf32, #tpu.memory_space<vmem>>, vector<16xf32>,
      %swap3A_111 = vector.shape_cast %swap3A_110 : vector<16xf32> to vector<16xf32>
      %swap3A_112 = vector.shape_cast %broadcast_in_dim3A_54 : vector<16xf32> to vector<16xf32>
      tpu.vector_store %arg22[%swap3A_109], %swap3A_112 {strides = array<i32>} : memref<64xf32, #tpu.memory_space<vmem>>, vector<16xf32>,
      %swap3A_113 = arith.constant 16 : index
      %swap3A_114 = tpu.vector_load %arg22[%swap3A_113] {strides = array<i32>} : memref<64xf32, #tpu.memory_space<vmem>>, vector<16xf32>,
      %swap3A_115 = vector.shape_cast %swap3A_114 : vector<16xf32> to vector<16xf32>
      %swap3A_116 = vector.shape_cast %convert_element_type3A : vector<16xf32> to vector<16xf32>
      tpu.vector_store %arg22[%swap3A_113], %swap3A_116 {strides = array<i32>} : memref<64xf32, #tpu.memory_space<vmem>>, vector<16xf32>,
      %swap3A_117 = arith.constant 32 : index
      %swap3A_118 = tpu.vector_load %arg22[%swap3A_117] {strides = array<i32>} : memref<64xf32, #tpu.memory_space<vmem>>, vector<16xf32>,
      %swap3A_119 = vector.shape_cast %swap3A_118 : vector<16xf32> to vector<16xf32>
      %swap3A_120 = vector.shape_cast %broadcast_in_dim3A_43 : vector<16xf32> to vector<16xf32>
      tpu.vector_store %arg22[%swap3A_117], %swap3A_120 {strides = array<i32>} : memref<64xf32, #tpu.memory_space<vmem>>, vector<16xf32>,
      %swap3A_121 = arith.constant 48 : index
      %swap3A_122 = tpu.vector_load %arg22[%swap3A_121] {strides = array<i32>} : memref<64xf32, #tpu.memory_space<vmem>>, vector<16xf32>,
      %swap3A_123 = vector.shape_cast %swap3A_122 : vector<16xf32> to vector<16xf32>
      %swap3A_124 = vector.shape_cast %broadcast_in_dim3A_43 : vector<16xf32> to vector<16xf32>
      tpu.vector_store %arg22[%swap3A_121], %swap3A_124 {strides = array<i32>} : memref<64xf32, #tpu.memory_space<vmem>>, vector<16xf32>,
      %mul3A_125 = arith.constant 2 : i32
      %mul3A_126 = arith.muli %add3A, %mul3A_125 : i32
      %add3A_127 = arith.constant 0 : i32
      %add3A_128 = arith.addi %mul3A_126, %add3A_127 : i32
      %mul3A_129 = arith.constant 192 : i32
      %mul3A_130 = arith.muli %add3A_128, %mul3A_129 : i32
      %add3A_131 = arith.constant 128 : i32
      %add3A_132 = arith.addi %mul3A_130, %add3A_131 : i32
      "tpu.region"() ({
        %run_scoped3A = tpu.sem_alloc : memref<!tpu.dma_semaphore, #tpu.memory_space<semaphore_mem>>
        %dma_start3A = tpu.memref_slice %arg9[%add3A_132] : memref<12288xf32, #tpu.memory_space<hbm>> -> memref<64xf32, #tpu.memory_space<hbm>>
        %dma_start3A_205 = tpu.memref_slice %arg9[%add3A_132] : memref<12288xf32, #tpu.memory_space<hbm>> -> memref<64xf32, #tpu.memory_space<hbm>>
        tpu.enqueue_dma source(%arg22 : memref<64xf32, #tpu.memory_space<vmem>>) target(%dma_start3A_205 : memref<64xf32, #tpu.memory_space<hbm>>) target_semaphore(%run_scoped3A : memref<!tpu.dma_semaphore, #tpu.memory_space<semaphore_mem>>)
        %dma_wait3A = tpu.memref_slice %arg9[%add3A_132] : memref<12288xf32, #tpu.memory_space<hbm>> -> memref<64xf32, #tpu.memory_space<hbm>>
        %dma_wait3A_206 = tpu.memref_slice %arg9[%add3A_132] : memref<12288xf32, #tpu.memory_space<hbm>> -> memref<64xf32, #tpu.memory_space<hbm>>
        tpu.wait_dma2 semaphore(%run_scoped3A : memref<!tpu.dma_semaphore, #tpu.memory_space<semaphore_mem>>) src(%arg22 : memref<64xf32, #tpu.memory_space<vmem>>) dst(%dma_wait3A_206 : memref<64xf32, #tpu.memory_space<hbm>>)
        tpu.yield
      }) : () -> ()
      %broadcast_in_dim3A_133 = arith.constant -1.000000e+00 : f32
      %broadcast_in_dim3A_134 = vector.broadcast %broadcast_in_dim3A_133 : f32 to vector<16xf32>
      %swap3A_135 = arith.constant 0 : index
      %swap3A_136 = tpu.vector_load %arg22[%swap3A_135] {strides = array<i32>} : memref<64xf32, #tpu.memory_space<vmem>>, vector<16xf32>,
      %swap3A_137 = vector.shape_cast %swap3A_136 : vector<16xf32> to vector<16xf32>
      %swap3A_138 = vector.shape_cast %scan3A_52#3 : vector<16xf32> to vector<16xf32>
      tpu.vector_store %arg22[%swap3A_135], %swap3A_138 {strides = array<i32>} : memref<64xf32, #tpu.memory_space<vmem>>, vector<16xf32>,
      %swap3A_139 = arith.constant 16 : index
      %swap3A_140 = tpu.vector_load %arg22[%swap3A_139] {strides = array<i32>} : memref<64xf32, #tpu.memory_space<vmem>>, vector<16xf32>,
      %swap3A_141 = vector.shape_cast %swap3A_140 : vector<16xf32> to vector<16xf32>
      %swap3A_142 = vector.shape_cast %scan3A_52#4 : vector<16xf32> to vector<16xf32>
      tpu.vector_store %arg22[%swap3A_139], %swap3A_142 {strides = array<i32>} : memref<64xf32, #tpu.memory_space<vmem>>, vector<16xf32>,
      %swap3A_143 = arith.constant 32 : index
      %swap3A_144 = tpu.vector_load %arg22[%swap3A_143] {strides = array<i32>} : memref<64xf32, #tpu.memory_space<vmem>>, vector<16xf32>,
      %swap3A_145 = vector.shape_cast %swap3A_144 : vector<16xf32> to vector<16xf32>
      %swap3A_146 = vector.shape_cast %scan3A_52#5 : vector<16xf32> to vector<16xf32>
      tpu.vector_store %arg22[%swap3A_143], %swap3A_146 {strides = array<i32>} : memref<64xf32, #tpu.memory_space<vmem>>, vector<16xf32>,
      %swap3A_147 = arith.constant 48 : index
      %swap3A_148 = tpu.vector_load %arg22[%swap3A_147] {strides = array<i32>} : memref<64xf32, #tpu.memory_space<vmem>>, vector<16xf32>,
      %swap3A_149 = vector.shape_cast %swap3A_148 : vector<16xf32> to vector<16xf32>
      %swap3A_150 = vector.shape_cast %scan3A_52#6 : vector<16xf32> to vector<16xf32>
      tpu.vector_store %arg22[%swap3A_147], %swap3A_150 {strides = array<i32>} : memref<64xf32, #tpu.memory_space<vmem>>, vector<16xf32>,
      %mul3A_151 = arith.constant 2 : i32
      %mul3A_152 = arith.muli %add3A, %mul3A_151 : i32
      %add3A_153 = arith.constant 1 : i32
      %add3A_154 = arith.addi %mul3A_152, %add3A_153 : i32
      %mul3A_155 = arith.constant 192 : i32
      %mul3A_156 = arith.muli %add3A_154, %mul3A_155 : i32
      "tpu.region"() ({
        %run_scoped3A = tpu.sem_alloc : memref<!tpu.dma_semaphore, #tpu.memory_space<semaphore_mem>>
        %dma_start3A = tpu.memref_slice %arg9[%mul3A_156] : memref<12288xf32, #tpu.memory_space<hbm>> -> memref<64xf32, #tpu.memory_space<hbm>>
        %dma_start3A_205 = tpu.memref_slice %arg9[%mul3A_156] : memref<12288xf32, #tpu.memory_space<hbm>> -> memref<64xf32, #tpu.memory_space<hbm>>
        tpu.enqueue_dma source(%arg22 : memref<64xf32, #tpu.memory_space<vmem>>) target(%dma_start3A_205 : memref<64xf32, #tpu.memory_space<hbm>>) target_semaphore(%run_scoped3A : memref<!tpu.dma_semaphore, #tpu.memory_space<semaphore_mem>>)
        %dma_wait3A = tpu.memref_slice %arg9[%mul3A_156] : memref<12288xf32, #tpu.memory_space<hbm>> -> memref<64xf32, #tpu.memory_space<hbm>>
        %dma_wait3A_206 = tpu.memref_slice %arg9[%mul3A_156] : memref<12288xf32, #tpu.memory_space<hbm>> -> memref<64xf32, #tpu.memory_space<hbm>>
        tpu.wait_dma2 semaphore(%run_scoped3A : memref<!tpu.dma_semaphore, #tpu.memory_space<semaphore_mem>>) src(%arg22 : memref<64xf32, #tpu.memory_space<vmem>>) dst(%dma_wait3A_206 : memref<64xf32, #tpu.memory_space<hbm>>)
        tpu.yield
      }) : () -> ()
      %swap3A_157 = arith.constant 0 : index
      %swap3A_158 = tpu.vector_load %arg22[%swap3A_157] {strides = array<i32>} : memref<64xf32, #tpu.memory_space<vmem>>, vector<16xf32>,
      %swap3A_159 = vector.shape_cast %swap3A_158 : vector<16xf32> to vector<16xf32>
      %swap3A_160 = vector.shape_cast %scan3A_52#7 : vector<16xf32> to vector<16xf32>
      tpu.vector_store %arg22[%swap3A_157], %swap3A_160 {strides = array<i32>} : memref<64xf32, #tpu.memory_space<vmem>>, vector<16xf32>,
      %swap3A_161 = arith.constant 16 : index
      %swap3A_162 = tpu.vector_load %arg22[%swap3A_161] {strides = array<i32>} : memref<64xf32, #tpu.memory_space<vmem>>, vector<16xf32>,
      %swap3A_163 = vector.shape_cast %swap3A_162 : vector<16xf32> to vector<16xf32>
      %swap3A_164 = vector.shape_cast %scan3A_52#8 : vector<16xf32> to vector<16xf32>
      tpu.vector_store %arg22[%swap3A_161], %swap3A_164 {strides = array<i32>} : memref<64xf32, #tpu.memory_space<vmem>>, vector<16xf32>,
      %swap3A_165 = arith.constant 32 : index
      %swap3A_166 = tpu.vector_load %arg22[%swap3A_165] {strides = array<i32>} : memref<64xf32, #tpu.memory_space<vmem>>, vector<16xf32>,
      %swap3A_167 = vector.shape_cast %swap3A_166 : vector<16xf32> to vector<16xf32>
      %swap3A_168 = vector.shape_cast %scan3A_52#9 : vector<16xf32> to vector<16xf32>
      tpu.vector_store %arg22[%swap3A_165], %swap3A_168 {strides = array<i32>} : memref<64xf32, #tpu.memory_space<vmem>>, vector<16xf32>,
      %swap3A_169 = arith.constant 48 : index
      %swap3A_170 = tpu.vector_load %arg22[%swap3A_169] {strides = array<i32>} : memref<64xf32, #tpu.memory_space<vmem>>, vector<16xf32>,
      %swap3A_171 = vector.shape_cast %swap3A_170 : vector<16xf32> to vector<16xf32>
      %swap3A_172 = vector.shape_cast %scan3A_52#10 : vector<16xf32> to vector<16xf32>
      tpu.vector_store %arg22[%swap3A_169], %swap3A_172 {strides = array<i32>} : memref<64xf32, #tpu.memory_space<vmem>>, vector<16xf32>,
      %mul3A_173 = arith.constant 2 : i32
      %mul3A_174 = arith.muli %add3A, %mul3A_173 : i32
      %add3A_175 = arith.constant 1 : i32
      %add3A_176 = arith.addi %mul3A_174, %add3A_175 : i32
      %mul3A_177 = arith.constant 192 : i32
      %mul3A_178 = arith.muli %add3A_176, %mul3A_177 : i32
      %add3A_179 = arith.constant 64 : i32
      %add3A_180 = arith.addi %mul3A_178, %add3A_179 : i32
      "tpu.region"() ({
        %run_scoped3A = tpu.sem_alloc : memref<!tpu.dma_semaphore, #tpu.memory_space<semaphore_mem>>
        %dma_start3A = tpu.memref_slice %arg9[%add3A_180] : memref<12288xf32, #tpu.memory_space<hbm>> -> memref<64xf32, #tpu.memory_space<hbm>>
        %dma_start3A_205 = tpu.memref_slice %arg9[%add3A_180] : memref<12288xf32, #tpu.memory_space<hbm>> -> memref<64xf32, #tpu.memory_space<hbm>>
        tpu.enqueue_dma source(%arg22 : memref<64xf32, #tpu.memory_space<vmem>>) target(%dma_start3A_205 : memref<64xf32, #tpu.memory_space<hbm>>) target_semaphore(%run_scoped3A : memref<!tpu.dma_semaphore, #tpu.memory_space<semaphore_mem>>)
        %dma_wait3A = tpu.memref_slice %arg9[%add3A_180] : memref<12288xf32, #tpu.memory_space<hbm>> -> memref<64xf32, #tpu.memory_space<hbm>>
        %dma_wait3A_206 = tpu.memref_slice %arg9[%add3A_180] : memref<12288xf32, #tpu.memory_space<hbm>> -> memref<64xf32, #tpu.memory_space<hbm>>
        tpu.wait_dma2 semaphore(%run_scoped3A : memref<!tpu.dma_semaphore, #tpu.memory_space<semaphore_mem>>) src(%arg22 : memref<64xf32, #tpu.memory_space<vmem>>) dst(%dma_wait3A_206 : memref<64xf32, #tpu.memory_space<hbm>>)
        tpu.yield
      }) : () -> ()
      %swap3A_181 = arith.constant 0 : index
      %swap3A_182 = tpu.vector_load %arg22[%swap3A_181] {strides = array<i32>} : memref<64xf32, #tpu.memory_space<vmem>>, vector<16xf32>,
      %swap3A_183 = vector.shape_cast %swap3A_182 : vector<16xf32> to vector<16xf32>
      %swap3A_184 = vector.shape_cast %broadcast_in_dim3A_54 : vector<16xf32> to vector<16xf32>
      tpu.vector_store %arg22[%swap3A_181], %swap3A_184 {strides = array<i32>} : memref<64xf32, #tpu.memory_space<vmem>>, vector<16xf32>,
      %swap3A_185 = arith.constant 16 : index
      %swap3A_186 = tpu.vector_load %arg22[%swap3A_185] {strides = array<i32>} : memref<64xf32, #tpu.memory_space<vmem>>, vector<16xf32>,
      %swap3A_187 = vector.shape_cast %swap3A_186 : vector<16xf32> to vector<16xf32>
      %swap3A_188 = vector.shape_cast %broadcast_in_dim3A_134 : vector<16xf32> to vector<16xf32>
      tpu.vector_store %arg22[%swap3A_185], %swap3A_188 {strides = array<i32>} : memref<64xf32, #tpu.memory_space<vmem>>, vector<16xf32>,
      %swap3A_189 = arith.constant 32 : index
      %swap3A_190 = tpu.vector_load %arg22[%swap3A_189] {strides = array<i32>} : memref<64xf32, #tpu.memory_space<vmem>>, vector<16xf32>,
      %swap3A_191 = vector.shape_cast %swap3A_190 : vector<16xf32> to vector<16xf32>
      %swap3A_192 = vector.shape_cast %broadcast_in_dim3A_43 : vector<16xf32> to vector<16xf32>
      tpu.vector_store %arg22[%swap3A_189], %swap3A_192 {strides = array<i32>} : memref<64xf32, #tpu.memory_space<vmem>>, vector<16xf32>,
      %swap3A_193 = arith.constant 48 : index
      %swap3A_194 = tpu.vector_load %arg22[%swap3A_193] {strides = array<i32>} : memref<64xf32, #tpu.memory_space<vmem>>, vector<16xf32>,
      %swap3A_195 = vector.shape_cast %swap3A_194 : vector<16xf32> to vector<16xf32>
      %swap3A_196 = vector.shape_cast %broadcast_in_dim3A_43 : vector<16xf32> to vector<16xf32>
      tpu.vector_store %arg22[%swap3A_193], %swap3A_196 {strides = array<i32>} : memref<64xf32, #tpu.memory_space<vmem>>, vector<16xf32>,
      %mul3A_197 = arith.constant 2 : i32
      %mul3A_198 = arith.muli %add3A, %mul3A_197 : i32
      %add3A_199 = arith.constant 1 : i32
      %add3A_200 = arith.addi %mul3A_198, %add3A_199 : i32
      %mul3A_201 = arith.constant 192 : i32
      %mul3A_202 = arith.muli %add3A_200, %mul3A_201 : i32
      %add3A_203 = arith.constant 128 : i32
      %add3A_204 = arith.addi %mul3A_202, %add3A_203 : i32
      "tpu.region"() ({
        %run_scoped3A = tpu.sem_alloc : memref<!tpu.dma_semaphore, #tpu.memory_space<semaphore_mem>>
        %dma_start3A = tpu.memref_slice %arg9[%add3A_204] : memref<12288xf32, #tpu.memory_space<hbm>> -> memref<64xf32, #tpu.memory_space<hbm>>
        %dma_start3A_205 = tpu.memref_slice %arg9[%add3A_204] : memref<12288xf32, #tpu.memory_space<hbm>> -> memref<64xf32, #tpu.memory_space<hbm>>
        tpu.enqueue_dma source(%arg22 : memref<64xf32, #tpu.memory_space<vmem>>) target(%dma_start3A_205 : memref<64xf32, #tpu.memory_space<hbm>>) target_semaphore(%run_scoped3A : memref<!tpu.dma_semaphore, #tpu.memory_space<semaphore_mem>>)
        %dma_wait3A = tpu.memref_slice %arg9[%add3A_204] : memref<12288xf32, #tpu.memory_space<hbm>> -> memref<64xf32, #tpu.memory_space<hbm>>
        %dma_wait3A_206 = tpu.memref_slice %arg9[%add3A_204] : memref<12288xf32, #tpu.memory_space<hbm>> -> memref<64xf32, #tpu.memory_space<hbm>>
        tpu.wait_dma2 semaphore(%run_scoped3A : memref<!tpu.dma_semaphore, #tpu.memory_space<semaphore_mem>>) src(%arg22 : memref<64xf32, #tpu.memory_space<vmem>>) dst(%dma_wait3A_206 : memref<64xf32, #tpu.memory_space<hbm>>)
        tpu.yield
      }) : () -> ()
    } else {
    }
    %eq3A_59 = arith.constant 0 : i32
    %eq3A_60 = arith.cmpi eq, %scan3A_52#1, %eq3A_59 : i32
    %convert_element_type3A_61 = arith.extui %eq3A_60 : i1 to i32
    %cond3A_62 = arith.constant 0 : i32
    %cond3A_63 = arith.cmpi ne, %convert_element_type3A_61, %cond3A_62 : i32
    scf.if %cond3A_63 {
      %swap3A = arith.constant 0 : index
      %swap3A_64 = tpu.vector_load %arg22[%swap3A] {strides = array<i32>} : memref<64xf32, #tpu.memory_space<vmem>>, vector<16xf32>,
      %swap3A_65 = vector.shape_cast %swap3A_64 : vector<16xf32> to vector<16xf32>
      %swap3A_66 = vector.shape_cast %scan3A_52#3 : vector<16xf32> to vector<16xf32>
      tpu.vector_store %arg22[%swap3A], %swap3A_66 {strides = array<i32>} : memref<64xf32, #tpu.memory_space<vmem>>, vector<16xf32>,
      %swap3A_67 = arith.constant 16 : index
      %swap3A_68 = tpu.vector_load %arg22[%swap3A_67] {strides = array<i32>} : memref<64xf32, #tpu.memory_space<vmem>>, vector<16xf32>,
      %swap3A_69 = vector.shape_cast %swap3A_68 : vector<16xf32> to vector<16xf32>
      %swap3A_70 = vector.shape_cast %scan3A_52#4 : vector<16xf32> to vector<16xf32>
      tpu.vector_store %arg22[%swap3A_67], %swap3A_70 {strides = array<i32>} : memref<64xf32, #tpu.memory_space<vmem>>, vector<16xf32>,
      %swap3A_71 = arith.constant 32 : index
      %swap3A_72 = tpu.vector_load %arg22[%swap3A_71] {strides = array<i32>} : memref<64xf32, #tpu.memory_space<vmem>>, vector<16xf32>,
      %swap3A_73 = vector.shape_cast %swap3A_72 : vector<16xf32> to vector<16xf32>
      %swap3A_74 = vector.shape_cast %scan3A_52#5 : vector<16xf32> to vector<16xf32>
      tpu.vector_store %arg22[%swap3A_71], %swap3A_74 {strides = array<i32>} : memref<64xf32, #tpu.memory_space<vmem>>, vector<16xf32>,
      %swap3A_75 = arith.constant 48 : index
      %swap3A_76 = tpu.vector_load %arg22[%swap3A_75] {strides = array<i32>} : memref<64xf32, #tpu.memory_space<vmem>>, vector<16xf32>,
      %swap3A_77 = vector.shape_cast %swap3A_76 : vector<16xf32> to vector<16xf32>
      %swap3A_78 = vector.shape_cast %scan3A_52#6 : vector<16xf32> to vector<16xf32>
      tpu.vector_store %arg22[%swap3A_75], %swap3A_78 {strides = array<i32>} : memref<64xf32, #tpu.memory_space<vmem>>, vector<16xf32>,
      %mul3A_79 = arith.constant 2 : i32
      %mul3A_80 = arith.muli %add3A, %mul3A_79 : i32
      %add3A_81 = arith.constant 1 : i32
      %add3A_82 = arith.addi %mul3A_80, %add3A_81 : i32
      %mul3A_83 = arith.constant 192 : i32
      %mul3A_84 = arith.muli %add3A_82, %mul3A_83 : i32
      "tpu.region"() ({
        %run_scoped3A = tpu.sem_alloc : memref<!tpu.dma_semaphore, #tpu.memory_space<semaphore_mem>>
        %dma_start3A = tpu.memref_slice %arg9[%mul3A_84] : memref<12288xf32, #tpu.memory_space<hbm>> -> memref<64xf32, #tpu.memory_space<hbm>>
        %dma_start3A_133 = tpu.memref_slice %arg9[%mul3A_84] : memref<12288xf32, #tpu.memory_space<hbm>> -> memref<64xf32, #tpu.memory_space<hbm>>
        tpu.enqueue_dma source(%arg22 : memref<64xf32, #tpu.memory_space<vmem>>) target(%dma_start3A_133 : memref<64xf32, #tpu.memory_space<hbm>>) target_semaphore(%run_scoped3A : memref<!tpu.dma_semaphore, #tpu.memory_space<semaphore_mem>>)
        %dma_wait3A = tpu.memref_slice %arg9[%mul3A_84] : memref<12288xf32, #tpu.memory_space<hbm>> -> memref<64xf32, #tpu.memory_space<hbm>>
        %dma_wait3A_134 = tpu.memref_slice %arg9[%mul3A_84] : memref<12288xf32, #tpu.memory_space<hbm>> -> memref<64xf32, #tpu.memory_space<hbm>>
        tpu.wait_dma2 semaphore(%run_scoped3A : memref<!tpu.dma_semaphore, #tpu.memory_space<semaphore_mem>>) src(%arg22 : memref<64xf32, #tpu.memory_space<vmem>>) dst(%dma_wait3A_134 : memref<64xf32, #tpu.memory_space<hbm>>)
        tpu.yield
      }) : () -> ()
      %swap3A_85 = arith.constant 0 : index
      %swap3A_86 = tpu.vector_load %arg22[%swap3A_85] {strides = array<i32>} : memref<64xf32, #tpu.memory_space<vmem>>, vector<16xf32>,
      %swap3A_87 = vector.shape_cast %swap3A_86 : vector<16xf32> to vector<16xf32>
      %swap3A_88 = vector.shape_cast %scan3A_52#7 : vector<16xf32> to vector<16xf32>
      tpu.vector_store %arg22[%swap3A_85], %swap3A_88 {strides = array<i32>} : memref<64xf32, #tpu.memory_space<vmem>>, vector<16xf32>,
      %swap3A_89 = arith.constant 16 : index
      %swap3A_90 = tpu.vector_load %arg22[%swap3A_89] {strides = array<i32>} : memref<64xf32, #tpu.memory_space<vmem>>, vector<16xf32>,
      %swap3A_91 = vector.shape_cast %swap3A_90 : vector<16xf32> to vector<16xf32>
      %swap3A_92 = vector.shape_cast %scan3A_52#8 : vector<16xf32> to vector<16xf32>
      tpu.vector_store %arg22[%swap3A_89], %swap3A_92 {strides = array<i32>} : memref<64xf32, #tpu.memory_space<vmem>>, vector<16xf32>,
      %swap3A_93 = arith.constant 32 : index
      %swap3A_94 = tpu.vector_load %arg22[%swap3A_93] {strides = array<i32>} : memref<64xf32, #tpu.memory_space<vmem>>, vector<16xf32>,
      %swap3A_95 = vector.shape_cast %swap3A_94 : vector<16xf32> to vector<16xf32>
      %swap3A_96 = vector.shape_cast %scan3A_52#9 : vector<16xf32> to vector<16xf32>
      tpu.vector_store %arg22[%swap3A_93], %swap3A_96 {strides = array<i32>} : memref<64xf32, #tpu.memory_space<vmem>>, vector<16xf32>,
      %swap3A_97 = arith.constant 48 : index
      %swap3A_98 = tpu.vector_load %arg22[%swap3A_97] {strides = array<i32>} : memref<64xf32, #tpu.memory_space<vmem>>, vector<16xf32>,
      %swap3A_99 = vector.shape_cast %swap3A_98 : vector<16xf32> to vector<16xf32>
      %swap3A_100 = vector.shape_cast %scan3A_52#10 : vector<16xf32> to vector<16xf32>
      tpu.vector_store %arg22[%swap3A_97], %swap3A_100 {strides = array<i32>} : memref<64xf32, #tpu.memory_space<vmem>>, vector<16xf32>,
      %mul3A_101 = arith.constant 2 : i32
      %mul3A_102 = arith.muli %add3A, %mul3A_101 : i32
      %add3A_103 = arith.constant 1 : i32
      %add3A_104 = arith.addi %mul3A_102, %add3A_103 : i32
      %mul3A_105 = arith.constant 192 : i32
      %mul3A_106 = arith.muli %add3A_104, %mul3A_105 : i32
      %add3A_107 = arith.constant 64 : i32
      %add3A_108 = arith.addi %mul3A_106, %add3A_107 : i32
      "tpu.region"() ({
        %run_scoped3A = tpu.sem_alloc : memref<!tpu.dma_semaphore, #tpu.memory_space<semaphore_mem>>
        %dma_start3A = tpu.memref_slice %arg9[%add3A_108] : memref<12288xf32, #tpu.memory_space<hbm>> -> memref<64xf32, #tpu.memory_space<hbm>>
        %dma_start3A_133 = tpu.memref_slice %arg9[%add3A_108] : memref<12288xf32, #tpu.memory_space<hbm>> -> memref<64xf32, #tpu.memory_space<hbm>>
        tpu.enqueue_dma source(%arg22 : memref<64xf32, #tpu.memory_space<vmem>>) target(%dma_start3A_133 : memref<64xf32, #tpu.memory_space<hbm>>) target_semaphore(%run_scoped3A : memref<!tpu.dma_semaphore, #tpu.memory_space<semaphore_mem>>)
        %dma_wait3A = tpu.memref_slice %arg9[%add3A_108] : memref<12288xf32, #tpu.memory_space<hbm>> -> memref<64xf32, #tpu.memory_space<hbm>>
        %dma_wait3A_134 = tpu.memref_slice %arg9[%add3A_108] : memref<12288xf32, #tpu.memory_space<hbm>> -> memref<64xf32, #tpu.memory_space<hbm>>
        tpu.wait_dma2 semaphore(%run_scoped3A : memref<!tpu.dma_semaphore, #tpu.memory_space<semaphore_mem>>) src(%arg22 : memref<64xf32, #tpu.memory_space<vmem>>) dst(%dma_wait3A_134 : memref<64xf32, #tpu.memory_space<hbm>>)
        tpu.yield
      }) : () -> ()
      %swap3A_109 = arith.constant 0 : index
      %swap3A_110 = tpu.vector_load %arg22[%swap3A_109] {strides = array<i32>} : memref<64xf32, #tpu.memory_space<vmem>>, vector<16xf32>,
      %swap3A_111 = vector.shape_cast %swap3A_110 : vector<16xf32> to vector<16xf32>
      %swap3A_112 = vector.shape_cast %broadcast_in_dim3A_54 : vector<16xf32> to vector<16xf32>
      tpu.vector_store %arg22[%swap3A_109], %swap3A_112 {strides = array<i32>} : memref<64xf32, #tpu.memory_space<vmem>>, vector<16xf32>,
      %swap3A_113 = arith.constant 16 : index
      %swap3A_114 = tpu.vector_load %arg22[%swap3A_113] {strides = array<i32>} : memref<64xf32, #tpu.memory_space<vmem>>, vector<16xf32>,
      %swap3A_115 = vector.shape_cast %swap3A_114 : vector<16xf32> to vector<16xf32>
      %swap3A_116 = vector.shape_cast %convert_element_type3A : vector<16xf32> to vector<16xf32>
      tpu.vector_store %arg22[%swap3A_113], %swap3A_116 {strides = array<i32>} : memref<64xf32, #tpu.memory_space<vmem>>, vector<16xf32>,
      %swap3A_117 = arith.constant 32 : index
      %swap3A_118 = tpu.vector_load %arg22[%swap3A_117] {strides = array<i32>} : memref<64xf32, #tpu.memory_space<vmem>>, vector<16xf32>,
      %swap3A_119 = vector.shape_cast %swap3A_118 : vector<16xf32> to vector<16xf32>
      %swap3A_120 = vector.shape_cast %broadcast_in_dim3A_43 : vector<16xf32> to vector<16xf32>
      tpu.vector_store %arg22[%swap3A_117], %swap3A_120 {strides = array<i32>} : memref<64xf32, #tpu.memory_space<vmem>>, vector<16xf32>,
      %swap3A_121 = arith.constant 48 : index
      %swap3A_122 = tpu.vector_load %arg22[%swap3A_121] {strides = array<i32>} : memref<64xf32, #tpu.memory_space<vmem>>, vector<16xf32>,
      %swap3A_123 = vector.shape_cast %swap3A_122 : vector<16xf32> to vector<16xf32>
      %swap3A_124 = vector.shape_cast %broadcast_in_dim3A_43 : vector<16xf32> to vector<16xf32>
      tpu.vector_store %arg22[%swap3A_121], %swap3A_124 {strides = array<i32>} : memref<64xf32, #tpu.memory_space<vmem>>, vector<16xf32>,
      %mul3A_125 = arith.constant 2 : i32
      %mul3A_126 = arith.muli %add3A, %mul3A_125 : i32
      %add3A_127 = arith.constant 1 : i32
      %add3A_128 = arith.addi %mul3A_126, %add3A_127 : i32
      %mul3A_129 = arith.constant 192 : i32
      %mul3A_130 = arith.muli %add3A_128, %mul3A_129 : i32
      %add3A_131 = arith.constant 128 : i32
      %add3A_132 = arith.addi %mul3A_130, %add3A_131 : i32
      "tpu.region"() ({
        %run_scoped3A = tpu.sem_alloc : memref<!tpu.dma_semaphore, #tpu.memory_space<semaphore_mem>>
        %dma_start3A = tpu.memref_slice %arg9[%add3A_132] : memref<12288xf32, #tpu.memory_space<hbm>> -> memref<64xf32, #tpu.memory_space<hbm>>
        %dma_start3A_133 = tpu.memref_slice %arg9[%add3A_132] : memref<12288xf32, #tpu.memory_space<hbm>> -> memref<64xf32, #tpu.memory_space<hbm>>
        tpu.enqueue_dma source(%arg22 : memref<64xf32, #tpu.memory_space<vmem>>) target(%dma_start3A_133 : memref<64xf32, #tpu.memory_space<hbm>>) target_semaphore(%run_scoped3A : memref<!tpu.dma_semaphore, #tpu.memory_space<semaphore_mem>>)
        %dma_wait3A = tpu.memref_slice %arg9[%add3A_132] : memref<12288xf32, #tpu.memory_space<hbm>> -> memref<64xf32, #tpu.memory_space<hbm>>
        %dma_wait3A_134 = tpu.memref_slice %arg9[%add3A_132] : memref<12288xf32, #tpu.memory_space<hbm>> -> memref<64xf32, #tpu.memory_space<hbm>>
        tpu.wait_dma2 semaphore(%run_scoped3A : memref<!tpu.dma_semaphore, #tpu.memory_space<semaphore_mem>>) src(%arg22 : memref<64xf32, #tpu.memory_space<vmem>>) dst(%dma_wait3A_134 : memref<64xf32, #tpu.memory_space<hbm>>)
        tpu.yield
      }) : () -> ()
    } else {
    }
    return
  }
}

#map = affine_map<(d0, d1) -> (0, 0)>
#map1 = affine_map<(d0, d1) -> (0)>
module attributes {stable_mosaic.version = 14 : i64} {
  func.func @_gather_kernel(%arg0: i32, %arg1: i32, %arg2: memref<10008x64xf32, #tpu.memory_space<hbm>>, %arg3: memref<320000xi32, #tpu.memory_space<hbm>>, %arg4: memref<16xf32, #tpu.memory_space<hbm>>, %arg5: memref<320000x64xf32, #tpu.memory_space<hbm>>, %arg6: memref<400xi32, #tpu.memory_space<vmem>>, %arg7: memref<400x64xf32, #tpu.memory_space<vmem>>, %arg8: memref<!tpu.dma_semaphore, #tpu.memory_space<semaphore_mem>>) attributes {dimension_semantics = [#tpu.dimension_semantics<core_parallel>, #tpu.dimension_semantics<subcore_parallel>], iteration_bounds = array<i64: 2, 16>, scalar_prefetch = 0 : i64, scratch_operands = 3 : i64, tpu.core_type = #tpu.core_type<sc_vector_subcore>, window_params = [{transform_indices = #map}, {transform_indices = #map1}, {transform_indices = #map1}, {transform_indices = #map}]} {
    %mul3A = arith.constant 2 : i32
    %mul3A_0 = arith.muli %arg1, %mul3A : i32
    %add3A = arith.addi %mul3A_0, %arg0 : i32
    %mul3A_1 = arith.constant 10000 : i32
    %mul3A_2 = arith.muli %add3A, %mul3A_1 : i32
    %scan3A = arith.constant 0 : i32
    %scan3A_3 = arith.constant 0 : i32
    %scan3A_4 = arith.constant 25 : i32
    %scan3A_5 = arith.addi %scan3A_3, %scan3A_4 : i32
    %scan3A_6 = arith.constant 1 : i32
    %scan3A_7 = scf.for %scan3A_9 = %scan3A_3 to %scan3A_5 step %scan3A_6 iter_args(%scan3A_10 = %scan3A) -> (i32)  : i32 {
      %mul3A_11 = arith.constant 400 : i32
      %mul3A_12 = arith.muli %scan3A_9, %mul3A_11 : i32
      %add3A_13 = arith.addi %mul3A_2, %mul3A_12 : i32
      "tpu.region"() ({
        %run_scoped3A = tpu.sem_alloc : memref<!tpu.dma_semaphore, #tpu.memory_space<semaphore_mem>>
        %dma_start3A_77 = tpu.memref_slice %arg3[%add3A_13] : memref<320000xi32, #tpu.memory_space<hbm>> -> memref<400xi32, #tpu.memory_space<hbm>>
        %dma_start3A_78 = tpu.memref_slice %arg3[%add3A_13] : memref<320000xi32, #tpu.memory_space<hbm>> -> memref<400xi32, #tpu.memory_space<hbm>>
        tpu.enqueue_dma source(%dma_start3A_78 : memref<400xi32, #tpu.memory_space<hbm>>) target(%arg6 : memref<400xi32, #tpu.memory_space<vmem>>) target_semaphore(%run_scoped3A : memref<!tpu.dma_semaphore, #tpu.memory_space<semaphore_mem>>)
        %dma_wait3A_79 = tpu.memref_slice %arg3[%add3A_13] : memref<320000xi32, #tpu.memory_space<hbm>> -> memref<400xi32, #tpu.memory_space<hbm>>
        %dma_wait3A_80 = tpu.memref_slice %arg3[%add3A_13] : memref<320000xi32, #tpu.memory_space<hbm>> -> memref<400xi32, #tpu.memory_space<hbm>>
        tpu.wait_dma2 semaphore(%run_scoped3A : memref<!tpu.dma_semaphore, #tpu.memory_space<semaphore_mem>>) src(%dma_wait3A_80 : memref<400xi32, #tpu.memory_space<hbm>>) dst(%arg6 : memref<400xi32, #tpu.memory_space<vmem>>)
        tpu.yield
      }) : () -> ()
      %dma_start3A = arith.constant 0 : i32
      %dma_start3A_14 = arith.constant 0 : i32
      %dma_start3A_15 = tpu.memref_slice %arg7[%dma_start3A, %dma_start3A_14] : memref<400x64xf32, #tpu.memory_space<vmem>> -> memref<128x64xf32, #tpu.memory_space<vmem>>
      %dma_start3A_16 = arith.constant 0 : i32
      %dma_start3A_17 = tpu.memref_slice %arg6[%dma_start3A_16] : memref<400xi32, #tpu.memory_space<vmem>> -> memref<128xi32, #tpu.memory_space<vmem>>
      %dma_start3A_18 = arith.constant 0 : i32
      %dma_start3A_19 = arith.constant 0 : i32
      %dma_start3A_20 = tpu.memref_slice %arg2[%dma_start3A_18, %dma_start3A_19] : memref<10008x64xf32, #tpu.memory_space<hbm>> -> memref<10008x64xf32, #tpu.memory_space<hbm>>
      tpu.enqueue_indirect_dma source(%dma_start3A_20 : memref<10008x64xf32, #tpu.memory_space<hbm>>) target(%dma_start3A_15 : memref<128x64xf32, #tpu.memory_space<vmem>>) offsets(%dma_start3A_17 : memref<128xi32, #tpu.memory_space<vmem>>) semaphore(%arg8 : memref<!tpu.dma_semaphore, #tpu.memory_space<semaphore_mem>>)
      %dma_start3A_21 = arith.constant 128 : i32
      %dma_start3A_22 = arith.constant 0 : i32
      %dma_start3A_23 = tpu.memref_slice %arg7[%dma_start3A_21, %dma_start3A_22] : memref<400x64xf32, #tpu.memory_space<vmem>> -> memref<128x64xf32, #tpu.memory_space<vmem>>
      %dma_start3A_24 = arith.constant 128 : i32
      %dma_start3A_25 = tpu.memref_slice %arg6[%dma_start3A_24] : memref<400xi32, #tpu.memory_space<vmem>> -> memref<128xi32, #tpu.memory_space<vmem>>
      %dma_start3A_26 = arith.constant 0 : i32
      %dma_start3A_27 = arith.constant 0 : i32
      %dma_start3A_28 = tpu.memref_slice %arg2[%dma_start3A_26, %dma_start3A_27] : memref<10008x64xf32, #tpu.memory_space<hbm>> -> memref<10008x64xf32, #tpu.memory_space<hbm>>
      tpu.enqueue_indirect_dma source(%dma_start3A_28 : memref<10008x64xf32, #tpu.memory_space<hbm>>) target(%dma_start3A_23 : memref<128x64xf32, #tpu.memory_space<vmem>>) offsets(%dma_start3A_25 : memref<128xi32, #tpu.memory_space<vmem>>) semaphore(%arg8 : memref<!tpu.dma_semaphore, #tpu.memory_space<semaphore_mem>>)
      %dma_start3A_29 = arith.constant 256 : i32
      %dma_start3A_30 = arith.constant 0 : i32
      %dma_start3A_31 = tpu.memref_slice %arg7[%dma_start3A_29, %dma_start3A_30] : memref<400x64xf32, #tpu.memory_space<vmem>> -> memref<128x64xf32, #tpu.memory_space<vmem>>
      %dma_start3A_32 = arith.constant 256 : i32
      %dma_start3A_33 = tpu.memref_slice %arg6[%dma_start3A_32] : memref<400xi32, #tpu.memory_space<vmem>> -> memref<128xi32, #tpu.memory_space<vmem>>
      %dma_start3A_34 = arith.constant 0 : i32
      %dma_start3A_35 = arith.constant 0 : i32
      %dma_start3A_36 = tpu.memref_slice %arg2[%dma_start3A_34, %dma_start3A_35] : memref<10008x64xf32, #tpu.memory_space<hbm>> -> memref<10008x64xf32, #tpu.memory_space<hbm>>
      tpu.enqueue_indirect_dma source(%dma_start3A_36 : memref<10008x64xf32, #tpu.memory_space<hbm>>) target(%dma_start3A_31 : memref<128x64xf32, #tpu.memory_space<vmem>>) offsets(%dma_start3A_33 : memref<128xi32, #tpu.memory_space<vmem>>) semaphore(%arg8 : memref<!tpu.dma_semaphore, #tpu.memory_space<semaphore_mem>>)
      %dma_start3A_37 = arith.constant 384 : i32
      %dma_start3A_38 = arith.constant 0 : i32
      %dma_start3A_39 = tpu.memref_slice %arg7[%dma_start3A_37, %dma_start3A_38] : memref<400x64xf32, #tpu.memory_space<vmem>> -> memref<16x64xf32, #tpu.memory_space<vmem>>
      %dma_start3A_40 = arith.constant 384 : i32
      %dma_start3A_41 = tpu.memref_slice %arg6[%dma_start3A_40] : memref<400xi32, #tpu.memory_space<vmem>> -> memref<16xi32, #tpu.memory_space<vmem>>
      %dma_start3A_42 = arith.constant 0 : i32
      %dma_start3A_43 = arith.constant 0 : i32
      %dma_start3A_44 = tpu.memref_slice %arg2[%dma_start3A_42, %dma_start3A_43] : memref<10008x64xf32, #tpu.memory_space<hbm>> -> memref<10008x64xf32, #tpu.memory_space<hbm>>
      tpu.enqueue_indirect_dma source(%dma_start3A_44 : memref<10008x64xf32, #tpu.memory_space<hbm>>) target(%dma_start3A_39 : memref<16x64xf32, #tpu.memory_space<vmem>>) offsets(%dma_start3A_41 : memref<16xi32, #tpu.memory_space<vmem>>) semaphore(%arg8 : memref<!tpu.dma_semaphore, #tpu.memory_space<semaphore_mem>>)
      %dma_wait3A = arith.constant 0 : i32
      %dma_wait3A_45 = arith.constant 0 : i32
      %dma_wait3A_46 = tpu.memref_slice %arg7[%dma_wait3A, %dma_wait3A_45] : memref<400x64xf32, #tpu.memory_space<vmem>> -> memref<128x64xf32, #tpu.memory_space<vmem>>
      %dma_wait3A_47 = arith.constant 0 : i32
      %dma_wait3A_48 = tpu.memref_slice %arg6[%dma_wait3A_47] : memref<400xi32, #tpu.memory_space<vmem>> -> memref<128xi32, #tpu.memory_space<vmem>>
      %dma_wait3A_49 = arith.constant 0 : i32
      %dma_wait3A_50 = arith.constant 0 : i32
      %dma_wait3A_51 = tpu.memref_slice %arg2[%dma_wait3A_49, %dma_wait3A_50] : memref<10008x64xf32, #tpu.memory_space<hbm>> -> memref<10008x64xf32, #tpu.memory_space<hbm>>
      tpu.wait_indirect_dma semaphore(%arg8 : memref<!tpu.dma_semaphore, #tpu.memory_space<semaphore_mem>>) src(%dma_wait3A_51 : memref<10008x64xf32, #tpu.memory_space<hbm>>) dst(%dma_wait3A_46 : memref<128x64xf32, #tpu.memory_space<vmem>>)
      %dma_wait3A_52 = arith.constant 128 : i32
      %dma_wait3A_53 = arith.constant 0 : i32
      %dma_wait3A_54 = tpu.memref_slice %arg7[%dma_wait3A_52, %dma_wait3A_53] : memref<400x64xf32, #tpu.memory_space<vmem>> -> memref<128x64xf32, #tpu.memory_space<vmem>>
      %dma_wait3A_55 = arith.constant 128 : i32
      %dma_wait3A_56 = tpu.memref_slice %arg6[%dma_wait3A_55] : memref<400xi32, #tpu.memory_space<vmem>> -> memref<128xi32, #tpu.memory_space<vmem>>
      %dma_wait3A_57 = arith.constant 0 : i32
      %dma_wait3A_58 = arith.constant 0 : i32
      %dma_wait3A_59 = tpu.memref_slice %arg2[%dma_wait3A_57, %dma_wait3A_58] : memref<10008x64xf32, #tpu.memory_space<hbm>> -> memref<10008x64xf32, #tpu.memory_space<hbm>>
      tpu.wait_indirect_dma semaphore(%arg8 : memref<!tpu.dma_semaphore, #tpu.memory_space<semaphore_mem>>) src(%dma_wait3A_59 : memref<10008x64xf32, #tpu.memory_space<hbm>>) dst(%dma_wait3A_54 : memref<128x64xf32, #tpu.memory_space<vmem>>)
      %dma_wait3A_60 = arith.constant 256 : i32
      %dma_wait3A_61 = arith.constant 0 : i32
      %dma_wait3A_62 = tpu.memref_slice %arg7[%dma_wait3A_60, %dma_wait3A_61] : memref<400x64xf32, #tpu.memory_space<vmem>> -> memref<128x64xf32, #tpu.memory_space<vmem>>
      %dma_wait3A_63 = arith.constant 256 : i32
      %dma_wait3A_64 = tpu.memref_slice %arg6[%dma_wait3A_63] : memref<400xi32, #tpu.memory_space<vmem>> -> memref<128xi32, #tpu.memory_space<vmem>>
      %dma_wait3A_65 = arith.constant 0 : i32
      %dma_wait3A_66 = arith.constant 0 : i32
      %dma_wait3A_67 = tpu.memref_slice %arg2[%dma_wait3A_65, %dma_wait3A_66] : memref<10008x64xf32, #tpu.memory_space<hbm>> -> memref<10008x64xf32, #tpu.memory_space<hbm>>
      tpu.wait_indirect_dma semaphore(%arg8 : memref<!tpu.dma_semaphore, #tpu.memory_space<semaphore_mem>>) src(%dma_wait3A_67 : memref<10008x64xf32, #tpu.memory_space<hbm>>) dst(%dma_wait3A_62 : memref<128x64xf32, #tpu.memory_space<vmem>>)
      %dma_wait3A_68 = arith.constant 384 : i32
      %dma_wait3A_69 = arith.constant 0 : i32
      %dma_wait3A_70 = tpu.memref_slice %arg7[%dma_wait3A_68, %dma_wait3A_69] : memref<400x64xf32, #tpu.memory_space<vmem>> -> memref<16x64xf32, #tpu.memory_space<vmem>>
      %dma_wait3A_71 = arith.constant 384 : i32
      %dma_wait3A_72 = tpu.memref_slice %arg6[%dma_wait3A_71] : memref<400xi32, #tpu.memory_space<vmem>> -> memref<16xi32, #tpu.memory_space<vmem>>
      %dma_wait3A_73 = arith.constant 0 : i32
      %dma_wait3A_74 = arith.constant 0 : i32
      %dma_wait3A_75 = tpu.memref_slice %arg2[%dma_wait3A_73, %dma_wait3A_74] : memref<10008x64xf32, #tpu.memory_space<hbm>> -> memref<10008x64xf32, #tpu.memory_space<hbm>>
      tpu.wait_indirect_dma semaphore(%arg8 : memref<!tpu.dma_semaphore, #tpu.memory_space<semaphore_mem>>) src(%dma_wait3A_75 : memref<10008x64xf32, #tpu.memory_space<hbm>>) dst(%dma_wait3A_70 : memref<16x64xf32, #tpu.memory_space<vmem>>)
      "tpu.region"() ({
        %run_scoped3A = tpu.sem_alloc : memref<!tpu.dma_semaphore, #tpu.memory_space<semaphore_mem>>
        %dma_start3A_77 = arith.constant 0 : i32
        %dma_start3A_78 = tpu.memref_slice %arg5[%add3A_13, %dma_start3A_77] : memref<320000x64xf32, #tpu.memory_space<hbm>> -> memref<400x64xf32, #tpu.memory_space<hbm>>
        %dma_start3A_79 = arith.constant 0 : i32
        %dma_start3A_80 = tpu.memref_slice %arg5[%add3A_13, %dma_start3A_79] : memref<320000x64xf32, #tpu.memory_space<hbm>> -> memref<400x64xf32, #tpu.memory_space<hbm>>
        tpu.enqueue_dma source(%arg7 : memref<400x64xf32, #tpu.memory_space<vmem>>) target(%dma_start3A_80 : memref<400x64xf32, #tpu.memory_space<hbm>>) target_semaphore(%run_scoped3A : memref<!tpu.dma_semaphore, #tpu.memory_space<semaphore_mem>>)
        %dma_wait3A_81 = arith.constant 0 : i32
        %dma_wait3A_82 = tpu.memref_slice %arg5[%add3A_13, %dma_wait3A_81] : memref<320000x64xf32, #tpu.memory_space<hbm>> -> memref<400x64xf32, #tpu.memory_space<hbm>>
        %dma_wait3A_83 = arith.constant 0 : i32
        %dma_wait3A_84 = tpu.memref_slice %arg5[%add3A_13, %dma_wait3A_83] : memref<320000x64xf32, #tpu.memory_space<hbm>> -> memref<400x64xf32, #tpu.memory_space<hbm>>
        tpu.wait_dma2 semaphore(%run_scoped3A : memref<!tpu.dma_semaphore, #tpu.memory_space<semaphore_mem>>) src(%arg7 : memref<400x64xf32, #tpu.memory_space<vmem>>) dst(%dma_wait3A_84 : memref<400x64xf32, #tpu.memory_space<hbm>>)
        tpu.yield
      }) : () -> ()
      %scan3A_76 = arith.constant 0 : i32
      scf.yield %scan3A_76 : i32
    }
    %scan3A_8 = arith.constant 25 : i32
    return
  }
}

module attributes {stable_mosaic.version = 14 : i64} {
  func.func @_mm_kernel(%arg0: i32, %arg1: memref<512x128xf32, #tpu.memory_space<vmem>>, %arg2: memref<64x128xf32, #tpu.memory_space<vmem>>, %arg3: memref<512x64xf32, #tpu.memory_space<vmem>>, %arg4: memref<1x64xf32, #tpu.memory_space<vmem>>, %arg5: memref<1x64xf32, #tpu.memory_space<vmem>>) attributes {dimension_semantics = [#tpu.dimension_semantics<arbitrary>], iteration_bounds = array<i64: 625>, scalar_prefetch = 0 : i64, scratch_operands = 0 : i64, tpu.core_type = #tpu.core_type<tc>, window_params = [{transform_indices = @transform_0, window_bounds = array<i64: 512, 128>}, {pipeline_mode = #tpu.pipeline_mode<synchronous>, transform_indices = @transform_1, window_bounds = array<i64: 64, 128>}, {transform_indices = @transform_2, window_bounds = array<i64: 512, 64>}, {pipeline_mode = #tpu.pipeline_mode<synchronous>, transform_indices = @transform_3, window_bounds = array<i64: 1, 64>}, {pipeline_mode = #tpu.pipeline_mode<synchronous>, transform_indices = @transform_4, window_bounds = array<i64: 1, 64>}]} {
    %get3A = arith.constant 0 : index
    %get3A_0 = arith.constant 0 : index
    %get3A_1 = vector.load %arg1[%get3A, %get3A_0] : memref<512x128xf32, #tpu.memory_space<vmem>>, vector<512x128xf32>
    %get3A_2 = arith.constant 0 : index
    %get3A_3 = arith.constant 0 : index
    %get3A_4 = vector.load %arg2[%get3A_2, %get3A_3] : memref<64x128xf32, #tpu.memory_space<vmem>>, vector<64x128xf32>
    %dot_general3A = arith.constant dense<0.000000e+00> : vector<512x64xf32>
    %dot_general3A_5 = tpu.matmul %get3A_1, %get3A_4, %dot_general3A {dimension_numbers = #tpu.dot_dimension_numbers<[1], [1], [0], [0], [0, 0, 1, 0], [], []>, transpose_lhs_hint = false} : vector<512x128xf32>, vector<64x128xf32>, vector<512x64xf32> -> vector<512x64xf32>
    %swap3A = arith.constant 0 : index
    %swap3A_6 = arith.constant 0 : index
    %swap3A_7 = vector.load %arg3[%swap3A, %swap3A_6] : memref<512x64xf32, #tpu.memory_space<vmem>>, vector<512x64xf32>
    tpu.vector_store %arg3[%swap3A, %swap3A_6], %dot_general3A_5 {strides = array<i32>} : memref<512x64xf32, #tpu.memory_space<vmem>>, vector<512x64xf32>,
    %eq3A = arith.constant 0 : i32
    %eq3A_8 = arith.cmpi eq, %arg0, %eq3A : i32
    %convert_element_type3A = arith.extui %eq3A_8 : i1 to i32
    %cond3A = arith.constant 0 : i32
    %cond3A_9 = arith.cmpi ne, %convert_element_type3A, %cond3A : i32
    scf.if %cond3A_9 {
      %broadcast_in_dim3A_27 = arith.constant 0.000000e+00 : f32
      %broadcast_in_dim3A_28 = vector.broadcast %broadcast_in_dim3A_27 : f32 to vector<1x64xf32>
      %swap3A_29 = arith.constant 0 : index
      %swap3A_30 = arith.constant 0 : index
      %swap3A_31 = vector.load %arg4[%swap3A_29, %swap3A_30] : memref<1x64xf32, #tpu.memory_space<vmem>>, vector<1x64xf32>
      tpu.vector_store %arg4[%swap3A_29, %swap3A_30], %broadcast_in_dim3A_28 {strides = array<i32>} : memref<1x64xf32, #tpu.memory_space<vmem>>, vector<1x64xf32>,
      %broadcast_in_dim3A_32 = arith.constant 0.000000e+00 : f32
      %broadcast_in_dim3A_33 = vector.broadcast %broadcast_in_dim3A_32 : f32 to vector<1x64xf32>
      %swap3A_34 = arith.constant 0 : index
      %swap3A_35 = arith.constant 0 : index
      %swap3A_36 = vector.load %arg5[%swap3A_34, %swap3A_35] : memref<1x64xf32, #tpu.memory_space<vmem>>, vector<1x64xf32>
      tpu.vector_store %arg5[%swap3A_34, %swap3A_35], %broadcast_in_dim3A_33 {strides = array<i32>} : memref<1x64xf32, #tpu.memory_space<vmem>>, vector<1x64xf32>,
    } else {
    }
    %get3A_10 = arith.constant 0 : index
    %get3A_11 = arith.constant 0 : index
    %get3A_12 = vector.load %arg4[%get3A_10, %get3A_11] : memref<1x64xf32, #tpu.memory_space<vmem>>, vector<1x64xf32>
    %reduce_sum3A = arith.constant dense<0.000000e+00> : vector<64xf32>
    %reduce_sum3A_13 = vector.multi_reduction <add>, %dot_general3A_5, %reduce_sum3A [0] : vector<512x64xf32> to vector<64xf32>
    %broadcast_in_dim3A = vector.shape_cast %reduce_sum3A_13 : vector<64xf32> to vector<1x64xf32>
    %add3A = arith.addf %get3A_12, %broadcast_in_dim3A : vector<1x64xf32>
    %swap3A_14 = arith.constant 0 : index
    %swap3A_15 = arith.constant 0 : index
    %swap3A_16 = vector.load %arg4[%swap3A_14, %swap3A_15] : memref<1x64xf32, #tpu.memory_space<vmem>>, vector<1x64xf32>
    tpu.vector_store %arg4[%swap3A_14, %swap3A_15], %add3A {strides = array<i32>} : memref<1x64xf32, #tpu.memory_space<vmem>>, vector<1x64xf32>,
    %get3A_17 = arith.constant 0 : index
    %get3A_18 = arith.constant 0 : index
    %get3A_19 = vector.load %arg5[%get3A_17, %get3A_18] : memref<1x64xf32, #tpu.memory_space<vmem>>, vector<1x64xf32>
    %mul3A = arith.mulf %dot_general3A_5, %dot_general3A_5 : vector<512x64xf32>
    %reduce_sum3A_20 = arith.constant dense<0.000000e+00> : vector<64xf32>
    %reduce_sum3A_21 = vector.multi_reduction <add>, %mul3A, %reduce_sum3A_20 [0] : vector<512x64xf32> to vector<64xf32>
    %broadcast_in_dim3A_22 = vector.shape_cast %reduce_sum3A_21 : vector<64xf32> to vector<1x64xf32>
    %add3A_23 = arith.addf %get3A_19, %broadcast_in_dim3A_22 : vector<1x64xf32>
    %swap3A_24 = arith.constant 0 : index
    %swap3A_25 = arith.constant 0 : index
    %swap3A_26 = vector.load %arg5[%swap3A_24, %swap3A_25] : memref<1x64xf32, #tpu.memory_space<vmem>>, vector<1x64xf32>
    tpu.vector_store %arg5[%swap3A_24, %swap3A_25], %add3A_23 {strides = array<i32>} : memref<1x64xf32, #tpu.memory_space<vmem>>, vector<1x64xf32>,
    return
  }
  func.func @transform_0(%arg0: i32) -> (i32, i32) {
    %c0_i32 = arith.constant 0 : i32
    %c0_i32_0 = arith.constant 0 : i32
    return %arg0, %c0_i32 : i32, i32
  }
  func.func @transform_1(%arg0: i32) -> (i32, i32) {
    %c0_i32 = arith.constant 0 : i32
    %c0_i32_0 = arith.constant 0 : i32
    %c0_i32_1 = arith.constant 0 : i32
    return %c0_i32, %c0_i32_0 : i32, i32
  }
  func.func @transform_2(%arg0: i32) -> (i32, i32) {
    %c0_i32 = arith.constant 0 : i32
    %c0_i32_0 = arith.constant 0 : i32
    return %arg0, %c0_i32 : i32, i32
  }
  func.func @transform_3(%arg0: i32) -> (i32, i32) {
    %c0_i32 = arith.constant 0 : i32
    %c0_i32_0 = arith.constant 0 : i32
    %c0_i32_1 = arith.constant 0 : i32
    return %c0_i32, %c0_i32_0 : i32, i32
  }
  func.func @transform_4(%arg0: i32) -> (i32, i32) {
    %c0_i32 = arith.constant 0 : i32
    %c0_i32_0 = arith.constant 0 : i32
    %c0_i32_1 = arith.constant 0 : i32
    return %c0_i32, %c0_i32_0 : i32, i32
  }
}

module attributes {stable_mosaic.version = 14 : i64} {
  func.func @_fin_kernel(%arg0: i32, %arg1: memref<512x64xf32, #tpu.memory_space<vmem>>, %arg2: memref<512x64xf32, #tpu.memory_space<vmem>>, %arg3: memref<1x64xf32, #tpu.memory_space<vmem>>, %arg4: memref<1x64xf32, #tpu.memory_space<vmem>>, %arg5: memref<1x64xf32, #tpu.memory_space<vmem>>, %arg6: memref<512x128xf32, #tpu.memory_space<vmem>>) attributes {dimension_semantics = [#tpu.dimension_semantics<arbitrary>], iteration_bounds = array<i64: 625>, scalar_prefetch = 0 : i64, scratch_operands = 0 : i64, tpu.core_type = #tpu.core_type<tc>, window_params = [{transform_indices = @transform_0, window_bounds = array<i64: 512, 64>}, {transform_indices = @transform_1, window_bounds = array<i64: 512, 64>}, {pipeline_mode = #tpu.pipeline_mode<synchronous>, transform_indices = @transform_2, window_bounds = array<i64: 1, 64>}, {pipeline_mode = #tpu.pipeline_mode<synchronous>, transform_indices = @transform_3, window_bounds = array<i64: 1, 64>}, {pipeline_mode = #tpu.pipeline_mode<synchronous>, transform_indices = @transform_4, window_bounds = array<i64: 1, 64>}, {transform_indices = @transform_5, window_bounds = array<i64: 512, 128>}]} {
    %get3A = arith.constant 0 : index
    %get3A_0 = arith.constant 0 : index
    %get3A_1 = vector.load %arg1[%get3A, %get3A_0] : memref<512x64xf32, #tpu.memory_space<vmem>>, vector<512x64xf32>
    %get3A_2 = arith.constant 0 : index
    %get3A_3 = arith.constant 0 : index
    %get3A_4 = vector.load %arg3[%get3A_2, %get3A_3] : memref<1x64xf32, #tpu.memory_space<vmem>>, vector<1x64xf32>
    %mul3A = vector.broadcast %get3A_4 : vector<1x64xf32> to vector<512x64xf32>
    %mul3A_5 = arith.mulf %get3A_1, %mul3A : vector<512x64xf32>
    %get3A_6 = arith.constant 0 : index
    %get3A_7 = arith.constant 0 : index
    %get3A_8 = vector.load %arg4[%get3A_6, %get3A_7] : memref<1x64xf32, #tpu.memory_space<vmem>>, vector<1x64xf32>
    %add3A = vector.broadcast %get3A_8 : vector<1x64xf32> to vector<512x64xf32>
    %add3A_9 = arith.addf %mul3A_5, %add3A : vector<512x64xf32>
    %gt3A = arith.constant 0.000000e+00 : f32
    %gt3A_10 = vector.broadcast %gt3A : f32 to vector<512x64xf32>
    %gt3A_11 = arith.cmpf ogt, %add3A_9, %gt3A_10 : vector<512x64xf32>
    %get3A_12 = arith.constant 0 : index
    %get3A_13 = arith.constant 0 : index
    %get3A_14 = vector.load %arg5[%get3A_12, %get3A_13] : memref<1x64xf32, #tpu.memory_space<vmem>>, vector<1x64xf32>
    %mul3A_15 = vector.broadcast %get3A_14 : vector<1x64xf32> to vector<512x64xf32>
    %mul3A_16 = arith.mulf %mul3A_15, %add3A_9 : vector<512x64xf32>
    %select_n3A = arith.select %gt3A_11, %add3A_9, %mul3A_16 : vector<512x64xi1>, vector<512x64xf32>
    %get3A_17 = arith.constant 0 : index
    %get3A_18 = arith.constant 0 : index
    %get3A_19 = vector.load %arg2[%get3A_17, %get3A_18] : memref<512x64xf32, #tpu.memory_space<vmem>>, vector<512x64xf32>
    %concatenate3A = tpu.concatenate %select_n3A, %get3A_19 in 1 : vector<512x64xf32>, vector<512x64xf32> -> vector<512x128xf32>
    %swap3A = arith.constant 0 : index
    %swap3A_20 = arith.constant 0 : index
    %swap3A_21 = vector.load %arg6[%swap3A, %swap3A_20] : memref<512x128xf32, #tpu.memory_space<vmem>>, vector<512x128xf32>
    tpu.vector_store %arg6[%swap3A, %swap3A_20], %concatenate3A {strides = array<i32>} : memref<512x128xf32, #tpu.memory_space<vmem>>, vector<512x128xf32>,
    return
  }
  func.func @transform_0(%arg0: i32) -> (i32, i32) {
    %c0_i32 = arith.constant 0 : i32
    %c0_i32_0 = arith.constant 0 : i32
    return %arg0, %c0_i32 : i32, i32
  }
  func.func @transform_1(%arg0: i32) -> (i32, i32) {
    %c0_i32 = arith.constant 0 : i32
    %c0_i32_0 = arith.constant 0 : i32
    return %arg0, %c0_i32 : i32, i32
  }
  func.func @transform_2(%arg0: i32) -> (i32, i32) {
    %c0_i32 = arith.constant 0 : i32
    %c0_i32_0 = arith.constant 0 : i32
    %c0_i32_1 = arith.constant 0 : i32
    return %c0_i32, %c0_i32_0 : i32, i32
  }
  func.func @transform_3(%arg0: i32) -> (i32, i32) {
    %c0_i32 = arith.constant 0 : i32
    %c0_i32_0 = arith.constant 0 : i32
    %c0_i32_1 = arith.constant 0 : i32
    return %c0_i32, %c0_i32_0 : i32, i32
  }
  func.func @transform_4(%arg0: i32) -> (i32, i32) {
    %c0_i32 = arith.constant 0 : i32
    %c0_i32_0 = arith.constant 0 : i32
    %c0_i32_1 = arith.constant 0 : i32
    return %c0_i32, %c0_i32_0 : i32, i32
  }
  func.func @transform_5(%arg0: i32) -> (i32, i32) {
    %c0_i32 = arith.constant 0 : i32
    %c0_i32_0 = arith.constant 0 : i32
    return %arg0, %c0_i32 : i32, i32
  }
}

</mosaic_0001>

<sc_bundles>
// kernel: kernel.10.cloned.1.call-start
scs
__scs_entry_jumppad:
0x0: {  	(pc) =	sbr.rel $0x88, $3  }
0x1: {  	(tag) =	ssettag $0x0;
	lr =	simm.s32 $0x1  }
0x2: {  	[smem:$0x3F9A] =	sst lr;
	_ =	strace $0xD0000000  }
0x3: {  	_ = 	snop  }
0x4: {  	_ = 	snop  }
0x5: {  	_ = 	snop  }
0x6: {  	_ = 	snop  }
0x7: {  	_ = 	snop  }
__scs_overlays_trampoline_lowered:
0x8: {  	[smem:$0x3FA9] =	sst s0  }
0x9: {  	[smem:$0x3FAA] =	sst s1  }
0xa: {  	[smem:$0x3FAB] =	sst s2  }
0xb: {  	[smem:$0x3FAC] =	sst s3  }
0xc: {  	[smem:$0x3FAD] =	sst s4  }
0xd: {  	[smem:$0x3FAE] =	sst s5  }
0xe: {  	[smem:$0x3FAF] =	sst s6  }
0xf: {  	[smem:$0x3FB0] =	sst s7  }
0x10: {  	[smem:$0x3FB1] =	sst s8  }
0x11: {  	[smem:$0x3FB2] =	sst s9;
	s0 =	simm.s32 @!p0 $0x0  }
0x12: {  	s1 =	sld [smem:$0x3F98];
	s0 =	simm.s32 @p0 $0x1  }
0x13: {  	[smem:$0x3FB3] =	sst s0;
	s0 =	simm.s32 @!p1 $0x0  }
0x14: {  	s2 =	sld [smem:$0x3F97];
	s0 =	simm.s32 @p1 $0x1  }
0x15: {  	[smem:$0x3FB4] =	sst s0;
	s0 =	simm.s32 @!p2 $0x0  }
0x16: {  	s3 =	sld [smem:$0x3FDB];
	s0 =	simm.s32 @p2 $0x1  }
0x17: {  	s4 =	simm.s32 $0x1BF5;
	[smem:$0x3FB6] =	sst s0  }
0x18: {  	s0 =	sld [smem:$0x3F99];
	_ =	swait.ge [sflag:s4], $0x0  }
0x19: {  	s7 =	sld [smem:$0x3F9A]  }
0x1a: {  	s8 =	sadd.s32 $0xFFFFE003, lr  }
0x1b: {  	s9 =	sadd.s32 $0xFFFFFEF7, lr;
	s5 =	simm.s32 $0xFFFFFFFF;
	p2 =	slt.u32 s8, $0xFFFFF086  }
0x1c: {  	p1 =	slt.u32 s9, $0xF7A;
	s5 =	simm.s32 @!p2 $0x0  }
0x1d: {  	s5 =	simm.s32 @p1 $0x1;
	p0 =	seq.s32 s7, s2  }
0x1e: {  	s7 =	smul.u32 @!p0 $0xF7A, s2;
	p2 =	seq.s32 @!p0 s5, $0x0  }
0x1f: {  	s9 =	smul.u32 $0xF7A, s1;
	s8 =	simm.s32 @!p0 $0x1BF5;
	p2 =	por !p2, p0  }
0x20: {  	[sflag:s8] =	ssyncset.s32 @!p0 $0xFFFFF086;
	s6 =	sadd.s32 @!p0 s3, s7;
	s7 =	simm.s32 @!p0 $0x108  }
0x21: {  	s3 =	sadd.s32 s3, s9;
	s6 =	sadd.s32 @!p0 $0x88, s6;
	s7 =	simm.s32 @p2 $0x1082  }
0x22: {  	[simem:s7], [sflag:s8] =	dma.local @!p0 [hbm:s6], $0xF7A  }
0x23: {  	s9 =	sor.u32 $0xD0000000, s2;
	s6 =	simm.s32 $0x108;
	_ =	swait.ge @!p0 [sflag:s8], $0x0  }
0x24: {  	s3 =	sadd.s32 $0x88, s3;
	s6 =	simm.s32 @!p1 $0x1082;
	[sflag:s4] =	ssyncset.s32 $0xFFFFF086  }
0x25: {  	[simem:s6], [sflag:s4] =	dma.local [hbm:s3], $0xF7A  }
0x26: {  	[smem:$0x3F9A] =	sst s1;
	(tag) =	ssettag s2;
	_ =	strace s9  }
0x27: {  	s1 =	sld [smem:$0x3FAA]  }
0x28: {  	s2 =	sld [smem:$0x3FAB]  }
0x29: {  	s4 =	sld [smem:$0x3FAD]  }
0x2a: {  	p0 =	seq.s32 s5, $0x0;
	s5 =	sld [smem:$0x3FAE]  }
0x2b: {  	s6 =	sld [smem:$0x3FAF]  }
0x2c: {  	s7 =	sld [smem:$0x3FB0]  }
0x2d: {  	s3 =	simm.s32 $0x108;
	s8 =	sld [smem:$0x3FB1]  }
0x2e: {  	s3 =	simm.s32 @!p0 $0x1082;
	s9 =	sld [smem:$0x3FB2]  }
0x2f: {  	lr =	sadd.s32 s0, s3;
	s0 =	sld [smem:$0x3FA9]  }
0x30: {  	s3 =	sld [smem:$0x3FAC]  }
0x31: {  	[smem:$0x3FB5] =	sst s10  }
0x32: {  	s10 =	sld [smem:$0x3FB3];
	_ =	sdelay $0x3  }
0x33: {  	p0 =	seq.s32 s10, $0x1;
	s10 =	sld [smem:$0x3FB5];
	_ =	sdelay $0x3  }
0x34: {  	[smem:$0x3FB5] =	sst s10  }
0x35: {  	s10 =	sld [smem:$0x3FB4];
	_ =	sdelay $0x3  }
0x36: {  	p1 =	seq.s32 s10, $0x1;
	s10 =	sld [smem:$0x3FB5];
	_ =	sdelay $0x3  }
0x37: {  	[smem:$0x3FB5] =	sst s10  }
0x38: {  	s10 =	sld [smem:$0x3FB6]  }
0x39: {  	_ = 	snop;
	(pc) =	sbr.ind lr, $3  }
0x3a: {  	_ = 	snop  }
0x3b: {  	_ = 	snop  }
0x3c: {  	p2 =	seq.s32 s10, $0x1;
	s10 =	sld [smem:$0x3FB5]  }
0x3d: {  	_ =	shalt  }
0x3e: {  	_ =	shalt  }
0x3f: {  	_ =	shalt  }
0x40: {  	_ =	shalt  }
0x41: {  	_ =	shalt  }
0x42: {  	_ =	shalt  }
0x43: {  	_ =	shalt  }
0x44: {  	_ =	shalt  }
0x45: {  	_ =	shalt  }
0x46: {  	_ =	shalt  }
0x47: {  	_ =	shalt  }
0x48: {  	_ =	shalt  }
0x49: {  	_ =	shalt  }
0x4a: {  	_ =	shalt  }
0x4b: {  	_ =	shalt  }
0x4c: {  	_ =	shalt  }
0x4d: {  	_ =	shalt  }
0x4e: {  	_ =	shalt  }
0x4f: {  	_ =	shalt  }
0x50: {  	_ =	shalt  }
0x51: {  	_ =	shalt  }
0x52: {  	_ =	shalt  }
0x53: {  	_ =	shalt  }
0x54: {  	_ =	shalt  }
0x55: {  	_ =	shalt  }
0x56: {  	_ =	shalt  }
0x57: {  	_ =	shalt  }
0x58: {  	_ =	shalt  }
0x59: {  	_ =	shalt  }
0x5a: {  	_ =	shalt  }
0x5b: {  	_ =	shalt  }
0x5c: {  	_ =	shalt  }
0x5d: {  	_ =	shalt  }
0x5e: {  	_ =	shalt  }
0x5f: {  	_ =	shalt  }
0x60: {  	_ =	shalt  }
0x61: {  	_ =	shalt  }
0x62: {  	_ =	shalt  }
0x63: {  	_ =	shalt  }
0x64: {  	_ =	shalt  }
0x65: {  	_ =	shalt  }
0x66: {  	_ =	shalt  }
0x67: {  	_ =	shalt  }
0x68: {  	_ =	shalt  }
0x69: {  	_ =	shalt  }
0x6a: {  	_ =	shalt  }
0x6b: {  	_ =	shalt  }
0x6c: {  	_ =	shalt  }
0x6d: {  	_ =	shalt  }
0x6e: {  	_ =	shalt  }
0x6f: {  	_ =	shalt  }
0x70: {  	_ =	shalt  }
0x71: {  	_ =	shalt  }
0x72: {  	_ =	shalt  }
0x73: {  	_ =	shalt  }
0x74: {  	_ =	shalt  }
0x75: {  	_ =	shalt  }
0x76: {  	_ =	shalt  }
0x77: {  	_ =	shalt  }
0x78: {  	_ =	shalt  }
0x79: {  	_ =	shalt  }
0x7a: {  	_ =	shalt  }
0x7b: {  	_ =	shalt  }
0x7c: {  	_ =	shalt  }
0x7d: {  	_ =	shalt  }
0x7e: {  	_ =	shalt  }
0x7f: {  	_ =	shalt  }
0x80: {  	_ =	shalt  }
0x81: {  	_ =	shalt  }
0x82: {  	_ =	shalt  }
0x83: {  	_ =	shalt  }
0x84: {  	_ =	shalt  }
0x85: {  	_ =	shalt  }
0x86: {  	_ =	shalt  }
0x87: {  	_ =	shalt  }
.Lfunc_end0:
.L_simem_size_0:
called_computation.1_lowered:
.L_overlay_start_0:
0x88: {  	s2 =	sld [smem:$0x3FD9]  }
0x89: {  	s3 =	sld [smem:$0x3FFE];
	_ =	sdelay $0x1  }
0x8a: {  	s1 =	srdreg.scid  }
0x8b: {  	s0 =	sand.u32 $0x1, s1  }
0x8c: {  	s16 =	sshll.u32 s0, $0xA;
	s2 =	sadd.s32 s3, s2  }
0x8d: {  	s2 =	sadd.s32 s2, s16  }
0x8e: {  	[smem:$0x3FC1] =	sst s2  }
0x8f: {  	_ = 	snop  }
0x90: {  	(tm) =	ssettm $0x1  }
0x91: {  	s17 =	sld [smem:$0x3FFB];
	_ =	sdelay $0x3  }
0x92: {  	_ =	strace s17  }
0x93: {  	s2 =	sld [smem:$0x3FFC];
	_ =	sdelay $0x3  }
0x94: {  	_ =	strace s2  }
0x95: {  	s2 =	sld [smem:$0x3FFD];
	_ =	sdelay $0x3  }
0x96: {  	_ =	strace s2  }
0x97: {  	_ =	strace $0x8FFFFFFF  }
0x98: {  	s18 =	sld [smem:$0x3FDB];
	_ =	sdelay $0x1  }
0x99: {  	s19 =	simm.s32 $_scs_section_size  }
0x9a: {  	s4 =	simm.s32 $_size__tile_overlayer_lowered;
	s5 =	simm.s32 $_tile_overlayer_lowered  }
0x9b: {  	s22 =	simm.s32 $0x1BFF;
	s21 =	sshll.u32 s5, $0x1;
	s2 =	sadd.s32 s19, s18  }
0x9c: {  	s6 =	simm.s32 $0x0;
	s20 =	sshll.u32 s4, $0x1;
	s4 =	sadd.s32 s21, s2  }
0x9d: {  	[timem:s6], [sflag:s22] =	dma.local [hbm:s4], s20  }
0x9e: {  	_ =	swait.ge [sflag:s22], s20  }
0x9f: {  	s3 =	ssub.s32 $0x0, s20;
	[sflag:s22] =	ssyncset.done $0x0  }
0xa0: {  	[sflag:s22] =	ssyncadd.s32 s3;
	_ =	sdelay $0x1  }
0xa1: {  	s23 =	simm.s32 $0x1B8B  }
0xa2: {  	_ =	swait.ge [sflag:s23], $0x1  }
0xa3: {  	[sflag:s23] =	ssyncset.done $0x0  }
0xa4: {  	s25 =	simm.s32 $0x1B8E;
	s24 =	sld [smem:$0x3FFE];
	[sflag:s23] =	ssyncadd.s32 $0xFFFFFFFF  }
0xa5: {  	s26 =	simm.s32 $execute0_lowered;
	[smem:$0x3FD2] =	sst s25  }
0xa6: {  	s4 =	sshll.u32 s26, $0x1;
	_ =	strace $0x80000049;
	[dreg:$0x1] =	wrdreg $0xFFFFFFFF  }
0xa7: {  	s28 =	simm.s32 $_size_execute0_lowered;
	s2 =	sadd.s32 s2, s4;
	[dreg:$0x0] =	wrdreg $0x0  }
0xa8: {  	s4 =	sshll.u32 s28, $0x1;
	[dreg:$0x2] =	wrdreg s2  }
0xa9: {  	[dreg:$0x3] =	wrdreg s4  }
0xaa: {  	[dreg:$0x4] =	wrdreg $0xC0  }
0xab: {  	_ =	task [dreg:s6], $0x5FFFF  }
0xac: {  	[dreg:$0x1] =	wrdreg $0xFFFFFFFF  }
0xad: {  	[dreg:$0x0] =	wrdreg $0x60  }
0xae: {  	[dreg:$0x2] =	wrdreg s24  }
0xaf: {  	[dreg:$0x3] =	wrdreg $0x9  }
0xb0: {  	_ =	task.clear_ibuf [dreg:s6], $0x4FFFF;
	_ =	strace $0x90000049  }
0xb1: {  	s29 =	simm.s32 $0x9;
	_ =	strace $0x8000004B  }
0xb2: {  	_ =	swait.ge [sflag:s29], $0x1  }
0xb3: {  	[sflag:s29] =	ssyncadd.s32 $0xFFFFFFFF  }
0xb4: {  	_ =	strace $0x9000004B  }
0xb5: {  	_ =	sfence  }
0xb6: {  	s30 =	sld [smem:$0x0];
	_ =	sdelay $0x2  }
0xb7: {  	s31 =	sshll.u32 s1, $0xD;
	s1 =	sshrl.u32 s1, $0x2  }
0xb8: {  	s3 =	sand.u32 $0x4000, s31;
	s1 =	sadd.s32 s1, s30  }
0xb9: {  	s0 =	sor.u32 s3, s0;
	s1 =	sshll.u32 s1, $0x11  }
0xba: {  	s0 =	sor.u32 s1, s0  }
0xbb: {  	s0 =	sadd.s32 $0x8F2B, s0  }
0xbc: {  	[sflag:s0] =	ssyncadd.remote.s32 $0x1  }
0xbd: {  	_ =	sfence.sel $0xFFFF  }
0xbe: {  	[dreg:$0x0] =	wrdreg $0xFFFFFFFF;
	(pc) =	sbr.abs _section_cstart, $3  }
0xbf: {  	[dreg:$0x1] =	wrdreg $0xFFFFFFFF  }
0xc0: {  	_ =	task.clear_ibuf [dreg:s6], $0x2FFFF;
	_ =	strace $0x9FFFFFFF  }
0xc1: {  	(tm) =	ssettm $0x7FFFFFFF  }
tec
execute0_lowered:
.L_overlay_start_1:
0x0: {  	(tag) =	ssettag $0x1  }
0x1: {  	s1 =	srdreg.scid  }
0x2: {  	s3 =	sand.u32 $0x1, s1;
	s1 =	stileid.u32  }
0x3: {  	s4 =	sshll.u32 s1, $0x1;
	s5 =	ssub.s32 $0x0, s3  }
0x4: {  	p0 =	sne.s32 s4, s5  }
.Ltmp0:
0x5: {  	_ = 	snop;
	(pc) =	sbr.rel @p0 .LBB2_5-.Ltmp0, $4  }
0x6: {  	_ = 	snop  }
0x7: {  	s6 =	rddreg [dreg:$0x0];
	s2 =	simm.s32 $0x0  }
0x8: {  	[smem:$0x7FF] =	sst s2  }
0x9: {  	s0 =	rddreg [dreg:$0x1];
	_ =	strace $0x8000004A  }
0xa: {  	s5 =	ssub.s32 $0x2, s3;
	s3 =	sadd.s32 $0x4F8400, s6  }
0xb: {  	s4 =	sadd.s32 $0x4E4800, s6;
	s8 =	simm.s32 $0x1;
	s7 =	sshrl.u32 s5, $0x1  }
0xc: {  	s9 =	simm.s32 $0x3000;
	s10 =	simm.s32 $0x0;
	s7 =	ssub.s32 s5, s7  }
0xd: {  	s5 =	sadd.s32 $0x4E4A00, s6;
	s6 =	sadd.s32 $0x4F8A00, s6;
	s7 =	smax.u32 s7, $0x1  }
.LBB2_2:
0xe: {  	[tilespmem:s2], [sflag:$0x1] =	stream.linear.gather [hbm4b:s3+s2], $0x3000, $0x38;
	[tilespmem:$0x3050] =	vst v63  }
0xf: {  	_ =	swait.ge [sflag:s8], $0x3000  }
0x10: {  	[sflag:s8] =	ssyncset.done $0x0  }
0x11: {  	[sflag:s8] =	ssyncadd.s32 $0xFFFFD000  }
0x12: {  	[tilespmem:s9], [sflag:$0x1] =	stream.linear.gather [hbm4b:s4+s2], $0x10, $0x38;
	[tilespmem:$0x3050] =	vst v63  }
0x13: {  	_ =	swait.ge [sflag:s8], $0x10  }
0x14: {  	[sflag:s8] =	ssyncset.done $0x0  }
0x15: {  	s11 =	simm.s32 $0x90;
	[sflag:s8] =	ssyncadd.s32 $0xFFFFFFF0  }
0x16: {  	v2 =	vld [tilespmem:s11+$0x0];
	_ =	sdelay $0x2  }
0x17: {  	v3 =	vimm.f32 $-1.000000000e+00  }
0x18: {  	(v2sf) =	vpush v3, $0x0  }
0x19: {  	(v2sf) =	vpush v2, $0x0;
	_ =	sdelay $0xd  }
0x1a: {  	s12 =	spop (v2sf)  }
0x1b: {  	s13 =	spop (v2sf)  }
0x1c: {  	p0 =	sge.f32 s13, $0.0e+00;
	_ =	sdelay $0x1  }
0x1d: {  	v6 =	vld [tilespmem:s11+$0xFFFFFFF0];
	p1 =	sge.f32 @p0 s12, $0.0e+00;
	_ =	sdelay $0x1  }
0x1e: {  	p2 =	por !p1, !p0  }
0x1f: {  	p2 =	seq.f32 @!p2 s13, s12  }
0x20: {  	v5 =	vimm.f32 $0.0e+00  }
0x21: {  	v7 =	vadd.f32 v6, v5;
	p2 =	por @p0 p2, !p1;
	p1 =	sne.f32 s13, s12  }
0x22: {  	v0 =	vld [tilespmem:$0x3000];
	p3 =	por p2, !p0  }
0x23: {  	s12 =	scvt.f32.s32 @!p3 s12;
	v6 =	vpsel p1, v6, v7;
	v7 =	vmax.f32 @!p3 v5, $1.000000000e+00  }
0x24: {  	v4 =	vimm.f32 $-3.000000010e+38;
	(erf) = vrcp.f32 @!p3 v7  }
0x25: {  	v11 =	vimm.f32 $-3.000000010e+38;
	v10 =	vimm.f32 $-3.000000010e+38;
	v8 =	vimm.f32 $0.0e+00;
	s12 =	sshll.u32 @!p3 s12, $0x3  }
0x26: {  	v9 =	vimm.f32 $0.0e+00;
	v3 =	vpsel p0, v2, v3;
	v2 =	vpsel p0, v6, v5;
	s14 =	sand.u32 @!p3 $0x1FFFFFF8, s12  }
0x27: {  	v1 =	vsub.f32 $1.000000000e+00, v0;
	s13 =	simm.s32 $0x840;
	v6 =	vimm.f32 $-3.000000010e+38;
	v7 =	vimm.f32 $0.0e+00;
	v12 =	vmovc v2;
	s12 =	simm.s32 $0x540;
	s14 =	sadd.s32 @!p3 s5, s14  }
.LBB2_3:
0x28: {  	_ =	sdelay $0x3  }
0x29: {  	s15 =	smov.u32 s13;
	s13 =	sadd.s32 $0x300, s13  }
0x2a: {  	v13 =	vmul.f32 @!p3 v4, v0;
	p2 =	sne.s32 s13, $0xC240;
	v14 =	vpop @!p3 (erf)  }
0x2b: {  	v15 =	vmul.f32 @!p3 v11, v0;
	v14 =	vmul.f32 @!p3 v14, v1  }
0x2c: {  	v16 =	vmul.f32 @!p3 v6, v0;
	v17 =	vmul.f32 @!p3 v10, v0  }
0x2d: {  	v18 =	vmul.f32 @!p3 v14, v5;
	v19 =	vmul.f32 @!p3 v8, v14  }
0x2e: {  	v20 =	vmul.f32 @!p3 v14, v9;
	v14 =	vmul.f32 @!p3 v14, v7  }
0x2f: {  	v16 =	vadd.f32 @!p3 v16, v18;
	v15 =	vadd.f32 @!p3 v15, v19  }
0x30: {  	v13 =	vadd.f32 @!p3 v13, v20;
	v14 =	vadd.f32 @!p3 v17, v14  }
0x31: {  	[tilespmem:$0x3040] =	vst @!p3 v15  }
0x32: {  	[tilespmem:$0x3010] =	vst @!p3 v16  }
0x33: {  	s16 =	simm.s32 @!p3 $0x0;
	s17 =	simm.s32 @!p3 $0x3010;
	[tilespmem:$0x3020] =	vst @!p3 v13  }
0x34: {  	s18 =	simm.s32 @!p3 $0x1;
	[tilespmem:$0x3030] =	vst @!p3 v14  }
0x35: {  	[hbm4b:s14+s16] =	stream.linear.scatter @!p3 [tilespmem:s17], [sflag:$0x1], $0x40, $0x38;
	[tilespmem:$0x3050] =	vst v63  }
0x36: {  	_ =	swait.ge @!p3 [sflag:s18], $0x40  }
0x37: {  	[sflag:s18] =	ssyncset.done @!p3 $0x0  }
0x38: {  	s14 =	sshra.s32 s12, $0x2;
	s12 =	smov.u32 s15;
	[sflag:s18] =	ssyncadd.s32 @!p3 $0xFFFFFFC0  }
0x39: {  	v13 =	vld [tilespmem:s14+$0x0]  }
0x3a: {  	v14 =	vld [tilespmem:s11+$0xFFFFFFE0]  }
0x3b: {  	v15 =	vld [tilespmem:s11+$0xFFFFFF70]  }
0x3c: {  	v16 =	vld [tilespmem:s11+$0xFFFFFFD0]  }
0x3d: {  	(v2sf) =	vpush v3, $0x0;
	v17 =	vld [tilespmem:s11+$0xFFFFFFC0]  }
0x3e: {  	(v2sf) =	vpush v13, $0x0;
	v18 =	vld [tilespmem:s11+$0xFFFFFFB0]  }
0x3f: {  	v19 =	vld [tilespmem:s11+$0xFFFFFFA0];
	v20 =	vmax.f32 v11, v14  }
0x40: {  	v21 =	vadd.f32 v15, v5;
	v22 =	vld [tilespmem:s11+$0xFFFFFF90];
	v14 =	vpsel p1, v14, v20  }
0x41: {  	v20 =	vld [tilespmem:s11+$0xFFFFFF80];
	v23 =	vmax.f32 v10, v16;
	v11 =	vpsel p0, v14, v11;
	s11 =	smov.u32 s14  }
0x42: {  	v14 =	vpsel p1, v15, v21;
	v15 =	vmax.f32 v4, v17  }
0x43: {  	v16 =	vpsel p1, v16, v23;
	v15 =	vpsel p1, v17, v15  }
0x44: {  	v5 =	vpsel p0, v14, v5;
	v10 =	vpsel p0, v16, v10;
	v14 =	vadd.f32 v19, v8  }
0x45: {  	v16 =	vmax.f32 v6, v18;
	v17 =	vadd.f32 v22, v7  }
0x46: {  	v16 =	vpsel p1, v18, v16;
	v4 =	vpsel p0, v15, v4;
	v18 =	vadd.f32 v20, v9  }
0x47: {  	v14 =	vpsel p1, v19, v14;
	v15 =	vpsel p1, v22, v17  }
0x48: {  	v6 =	vpsel p0, v16, v6;
	v8 =	vpsel p0, v14, v8;
	v16 =	vpsel p1, v20, v18  }
0x49: {  	v7 =	vpsel p0, v15, v7;
	v14 =	vld [tilespmem:s11+$0xFFFFFFF0];
	v9 =	vpsel p0, v16, v9;
	_ =	sdelay $0x2  }
0x4a: {  	s14 =	spop (v2sf)  }
0x4b: {  	s15 =	spop (v2sf)  }
0x4c: {  	p0 =	sge.f32 s15, $0.0e+00;
	p1 =	sne.f32 s15, s14;
	v15 =	vadd.f32 v14, v2  }
0x4d: {  	_ = 	snop  }
0x4e: {  	p3 =	sge.f32 @p0 s14, $0.0e+00;
	v14 =	vpsel p1, v14, v15;
	v3 =	vpsel p0, v13, v3  }
0x4f: {  	v2 =	vpsel p0, v14, v2  }
0x50: {  	p4 =	por !p3, !p0  }
0x51: {  	p4 =	seq.f32 @!p4 s15, s14;
	_ =	sdelay $0x1  }
0x52: {  	p3 =	por @p0 p4, !p3  }
0x53: {  	p3 =	por p3, !p0  }
.Ltmp1:
0x54: {  	v13 =	vmax.f32 @!p3 v12, $1.000000000e+00;
	s14 =	scvt.f32.s32 @!p3 s14;
	v12 =	vmov v2;
	(pc) =	sbr.rel @p2 .LBB2_3-.Ltmp1, $4  }
0x55: {  	(erf) = vrcp.f32 @!p3 v13  }
0x56: {  	s14 =	sshll.u32 @!p3 s14, $0x3  }
0x57: {  	s14 =	sand.u32 @!p3 $0x1FFFFFF8, s14  }
0x58: {  	s14 =	sadd.s32 @!p3 s5, s14  }
0x59: {  	_ =	sdelay $0x4  }
0x5a: {  	v13 =	vpop @!p3 (erf)  }
0x5b: {  	v13 =	vmul.f32 @!p3 v13, v1;
	_ =	sdelay $0x1  }
0x5c: {  	v14 =	vmul.f32 @!p3 v11, v0;
	v15 =	vmul.f32 @!p3 v8, v13  }
0x5d: {  	v16 =	vmul.f32 @!p3 v6, v0;
	v17 =	vmul.f32 @!p3 v13, v5  }
0x5e: {  	v18 =	vmul.f32 @!p3 v4, v0;
	v19 =	vmul.f32 @!p3 v13, v9;
	v14 =	vadd.f32 @!p3 v14, v15  }
0x5f: {  	v13 =	vmul.f32 @!p3 v13, v7;
	v15 =	vmul.f32 @!p3 v10, v0;
	v16 =	vadd.f32 @!p3 v16, v17  }
0x60: {  	v17 =	vadd.f32 @!p3 v18, v19;
	[tilespmem:$0x3040] =	vst @!p3 v14  }
0x61: {  	v13 =	vadd.f32 @!p3 v15, v13;
	[tilespmem:$0x3010] =	vst @!p3 v16  }
0x62: {  	[tilespmem:$0x3020] =	vst @!p3 v17  }
0x63: {  	s13 =	simm.s32 @!p3 $0x0;
	s15 =	simm.s32 @!p3 $0x3010;
	s16 =	simm.s32 @!p3 $0x1;
	[tilespmem:$0x3030] =	vst @!p3 v13  }
0x64: {  	[hbm4b:s14+s13] =	stream.linear.scatter @!p3 [tilespmem:s15], [sflag:$0x1], $0x40, $0x38;
	[tilespmem:$0x3050] =	vst v63  }
0x65: {  	_ =	swait.ge @!p3 [sflag:s16], $0x40  }
0x66: {  	[sflag:s16] =	ssyncset.done @!p3 $0x0  }
0x67: {  	s12 =	sshra.s32 s12, $0x2;
	[sflag:s16] =	ssyncadd.s32 @!p3 $0xFFFFFFC0  }
0x68: {  	v28 =	vld [tilespmem:s12+$0x0];
	_ =	sdelay $0x3  }
0x69: {  	(v2sf) =	vpush v3, $0x0  }
0x6a: {  	(v2sf) =	vpush v28, $0x0;
	_ =	sdelay $0xd  }
0x6b: {  	s13 =	spop (v2sf)  }
0x6c: {  	s14 =	spop (v2sf)  }
0x6d: {  	p2 =	sge.f32 s14, $0.0e+00;
	_ =	sdelay $0x1  }
0x6e: {  	p3 =	sge.f32 @p2 s13, $0.0e+00;
	_ =	sdelay $0x1  }
0x6f: {  	p4 =	por !p3, !p2  }
0x70: {  	v29 =	vld [tilespmem:s11+$0xFFFFFFE0];
	p4 =	seq.f32 @!p4 s14, s13  }
0x71: {  	v30 =	vld [tilespmem:s11+$0xFFFFFF70]  }
0x72: {  	v31 =	vld [tilespmem:s11+$0xFFFFFFD0];
	p3 =	por @p2 p4, !p3  }
0x73: {  	v32 =	vld [tilespmem:s11+$0xFFFFFFC0];
	p3 =	por p3, !p2  }
0x74: {  	v33 =	vld [tilespmem:s11+$0xFFFFFFB0];
	v12 =	vmax.f32 @!p3 v12, $1.000000000e+00  }
0x75: {  	v34 =	vld [tilespmem:s11+$0xFFFFFFA0];
	(erf) = vrcp.f32 @!p3 v12  }
0x76: {  	v20 =	vld [tilespmem:s11+$0xFFFFFF90]  }
0x77: {  	v36 =	vld [tilespmem:s11+$0xFFFFFF80];
	_ =	sdelay $0x1  }
0x78: {  	v35 =	vmax.f32 v11, v29;
	v21 =	vadd.f32 v30, v5  }
0x79: {  	v22 =	vmax.f32 v10, v31;
	v38 =	vmax.f32 v4, v32;
	v39 =	vadd.f32 v34, v8  }
0x7a: {  	v40 =	vmax.f32 v6, v33;
	v41 =	vadd.f32 v20, v7;
	v15 =	vpsel p1, v32, v38  }
0x7b: {  	v42 =	vadd.f32 v36, v9;
	v14 =	vpsel p1, v29, v35;
	v16 =	vpsel p1, v31, v22  }
0x7c: {  	v11 =	vpsel p0, v14, v11;
	v37 =	vpsel p1, v30, v21;
	v10 =	vpsel p0, v16, v10  }
0x7d: {  	v4 =	vpsel p0, v15, v4;
	v17 =	vpsel p1, v20, v41;
	v14 =	vpsel p1, v34, v39;
	v15 =	vpop @!p3 (erf)  }
0x7e: {  	v43 =	vpsel p1, v36, v42;
	v5 =	vpsel p0, v37, v5;
	v15 =	vmul.f32 @!p3 v15, v1  }
0x7f: {  	v8 =	vpsel p0, v14, v8;
	v9 =	vpsel p0, v43, v9;
	v12 =	vpsel p1, v33, v40  }
0x80: {  	v6 =	vpsel p0, v12, v6;
	v12 =	vmul.f32 @!p3 v11, v0;
	v14 =	vmul.f32 @!p3 v8, v15  }
0x81: {  	v7 =	vpsel p0, v17, v7;
	v16 =	vmul.f32 @!p3 v6, v0;
	v17 =	vmul.f32 @!p3 v15, v5  }
0x82: {  	v18 =	vmul.f32 @!p3 v4, v0;
	v19 =	vmul.f32 @!p3 v15, v9;
	v12 =	vadd.f32 @!p3 v12, v14  }
0x83: {  	s11 =	scvt.f32.s32 @!p3 s13;
	v20 =	vmul.f32 @!p3 v10, v0;
	v15 =	vmul.f32 @!p3 v15, v7;
	v16 =	vadd.f32 @!p3 v16, v17  }
0x84: {  	v44 =	vld [tilespmem:s12+$0xFFFFFFF0];
	v17 =	vadd.f32 @!p3 v18, v19;
	[tilespmem:$0x3040] =	vst @!p3 v12  }
0x85: {  	s11 =	sshll.u32 @!p3 s11, $0x3;
	v12 =	vadd.f32 @!p3 v20, v15;
	[tilespmem:$0x3010] =	vst @!p3 v16  }
0x86: {  	s11 =	sand.u32 @!p3 $0x1FFFFFF8, s11;
	[tilespmem:$0x3020] =	vst @!p3 v17  }
0x87: {  	s15 =	simm.s32 @!p3 $0x0;
	s16 =	simm.s32 @!p3 $0x3010;
	s11 =	sadd.s32 @!p3 s5, s11;
	[tilespmem:$0x3030] =	vst @!p3 v12  }
0x88: {  	[hbm4b:s11+s15] =	stream.linear.scatter @!p3 [tilespmem:s16], [sflag:$0x1], $0x40, $0x38;
	[tilespmem:$0x3050] =	vst v63  }
0x89: {  	s11 =	simm.s32 @!p3 $0x1  }
0x8a: {  	v45 =	vpsel p2, v28, v3;
	_ =	swait.ge @!p3 [sflag:s11], $0x40  }
0x8b: {  	(v2sf) =	vpush v45, $0x0;
	_ =	sdelay $0xb  }
0x8c: {  	[sflag:s11] =	ssyncset.done @!p3 $0x0  }
0x8d: {  	[sflag:s11] =	ssyncadd.s32 @!p3 $0xFFFFFFC0  }
0x8e: {  	v46 =	vadd.f32 v44, v2;
	p6 =	sne.f32 s14, s13;
	v47 =	vld [tilespmem:s12+$0xFFFFFFE0]  }
0x8f: {  	v48 =	vld [tilespmem:s12+$0xFFFFFF70];
	s11 =	spop (v2sf)  }
0x90: {  	v3 =	vpsel p6, v44, v46;
	v49 =	vld [tilespmem:s12+$0xFFFFFFD0];
	p0 =	sge.f32 s11, $0.0e+00  }
0x91: {  	v2 =	vpsel p2, v3, v2;
	v50 =	vld [tilespmem:s12+$0xFFFFFFC0]  }
0x92: {  	v51 =	vld [tilespmem:s12+$0xFFFFFFB0];
	v2 =	vmax.f32 @p0 v2, $1.000000000e+00  }
0x93: {  	v52 =	vld [tilespmem:s12+$0xFFFFFFA0];
	(erf) = vrcp.f32 @p0 v2  }
0x94: {  	v54 =	vld [tilespmem:s12+$0xFFFFFF90]  }
0x95: {  	v56 =	vld [tilespmem:s12+$0xFFFFFF80];
	_ =	sdelay $0x1  }
0x96: {  	v53 =	vmax.f32 v11, v47;
	v55 =	vadd.f32 v48, v5  }
0x97: {  	v57 =	vmax.f32 v10, v49;
	v58 =	vmax.f32 v4, v50;
	v12 =	vpsel p6, v47, v53  }
0x98: {  	v61 =	vadd.f32 v54, v7;
	v11 =	vpsel p2, v12, v11;
	v12 =	vpsel p6, v50, v58  }
0x99: {  	v59 =	vadd.f32 v52, v8;
	v60 =	vmax.f32 v6, v51;
	v62 =	vadd.f32 v56, v9  }
0x9a: {  	v13 =	vpsel p6, v49, v57;
	v3 =	vpsel p6, v48, v55;
	v14 =	vpsel p6, v54, v61  }
0x9b: {  	v63 =	vpsel p6, v56, v62;
	v3 =	vpsel p2, v3, v5;
	v4 =	vpsel p2, v12, v4;
	v12 =	vpop @p0 (erf)  }
0x9c: {  	v5 =	vpsel p2, v13, v10;
	v2 =	vpsel p6, v51, v60;
	v1 =	vmul.f32 @p0 v12, v1  }
0x9d: {  	v10 =	vpsel p6, v52, v59;
	v7 =	vpsel p2, v14, v7;
	v2 =	vpsel p2, v2, v6  }
0x9e: {  	v6 =	vpsel p2, v63, v9;
	v2 =	vmul.f32 @p0 v2, v0;
	v3 =	vmul.f32 @p0 v1, v3  }
0x9f: {  	v8 =	vpsel p2, v10, v8;
	v4 =	vmul.f32 @p0 v4, v0;
	v6 =	vmul.f32 @p0 v1, v6  }
0xa0: {  	v2 =	vadd.f32 @p0 v2, v3;
	v3 =	vmul.f32 @p0 v5, v0;
	v5 =	vmul.f32 @p0 v1, v7  }
0xa1: {  	s11 =	scvt.f32.s32 @p0 s11;
	v4 =	vadd.f32 @p0 v4, v6;
	v0 =	vmul.f32 @p0 v11, v0;
	v1 =	vmul.f32 @p0 v8, v1  }
0xa2: {  	[tilespmem:$0x3010] =	vst @p0 v2;
	v2 =	vadd.f32 @p0 v3, v5  }
0xa3: {  	s11 =	sshll.u32 @p0 s11, $0x3;
	[tilespmem:$0x3020] =	vst @p0 v4;
	v0 =	vadd.f32 @p0 v0, v1  }
0xa4: {  	s11 =	sand.u32 @p0 $0x1FFFFFF8, s11;
	[tilespmem:$0x3030] =	vst @p0 v2  }
0xa5: {  	s12 =	simm.s32 @p0 $0x0;
	s13 =	simm.s32 @p0 $0x3010;
	s11 =	sadd.s32 @p0 s5, s11;
	[tilespmem:$0x3040] =	vst @p0 v0  }
0xa6: {  	[hbm4b:s11+s12] =	stream.linear.scatter @p0 [tilespmem:s13], [sflag:$0x1], $0x40, $0x38;
	[tilespmem:$0x3050] =	vst v63  }
0xa7: {  	s11 =	simm.s32 @p0 $0x1  }
0xa8: {  	_ =	swait.ge @p0 [sflag:s11], $0x40  }
0xa9: {  	s10 =	sadd.s32 $0x1, s10;
	[sflag:s11] =	ssyncset.done @p0 $0x0  }
0xaa: {  	[sflag:s11] =	ssyncadd.s32 @p0 $0xFFFFFFC0;
	p0 =	sne.s32 s10, s7  }
.Ltmp2:
0xab: {  	_ = 	snop;
	(pc) =	sbr.rel @p0 .LBB2_2-.Ltmp2, $4  }
0xac: {  	[hbm4b:s6+s2] =	stream.linear.scatter [tilespmem:s9], [sflag:$0x1], $0x10, $0x38;
	[tilespmem:$0x3050] =	vst v63  }
0xad: {  	_ =	swait.ge [sflag:s8], $0x10  }
0xae: {  	[sflag:s8] =	ssyncset.done $0x0  }
0xaf: {  	[sflag:s8] =	ssyncadd.s32 $0xFFFFFFF0  }
.LBB2_5:
0xb0: {  	_ =	sfence.sel $0x180000  }
0xb1: {  	[bflag:$0x0] =	sbarrier.arrive $0xFFFF  }
0xb2: {  	p0 =	sne.s32 s1, $0x0;
	_ =	strace $0x9000004A  }
0xb3: {  	s0 =	sadd.s32 @!p0 $0x100000, s0;
	[bflag:$0x2] =	sbarrier.arrive $0xFFFF  }
0xb4: {  	[sflag:s0] =	ssyncadd.tile.s32 @!p0 $0x1;
	_ =	shalt  }
.Lfunc_end2:
_tile_overlayer_lowered:
.L_overlay_start_2:
0xb5: {  	(tag) =	ssettag $0x2  }
0xb6: {  	s0 =	rddreg [dreg:$0x0];
	s2 =	stileid.u32  }
0xb7: {  	s1 =	rddreg [dreg:$0x1];
	p0 =	sne.s32 s2, $0x0  }
0xb8: {  	s3 =	rddreg [dreg:$0x2];
	[bflag:$0x3] =	sbarrier.arrive $0xFFFF;
	s2 =	simm.s32 @!p0 $0x1C01  }
0xb9: {  	[timem:s3], [sflag:s2] =	dma.local @!p0 [hbm:s0], s1  }
0xba: {  	s0 =	simm.s32 @!p0 $0x1  }
0xbb: {  	_ =	swait.ge @!p0 [sflag:s0], s1  }
0xbc: {  	s1 =	ssub.s32 @!p0 $0x0, s1;
	[sflag:s0] =	ssyncset.done @!p0 $0x0  }
0xbd: {  	[sflag:s0] =	ssyncadd.s32 @!p0 s1  }
0xbe: {  	[bflag:$0x3] =	sbarrier.arrive $0xFFFF  }
0xbf: {  	_ =	shalt  }

// kernel: kernel.13.cloned.1.call-start
scs
__scs_entry_jumppad:
0x0: {  	(pc) =	sbr.rel $0x88, $3  }
0x1: {  	(tag) =	ssettag $0x0;
	lr =	simm.s32 $0x1  }
0x2: {  	[smem:$0x3F9A] =	sst lr;
	_ =	strace $0xD0000000  }
0x3: {  	_ = 	snop  }
0x4: {  	_ = 	snop  }
0x5: {  	_ = 	snop  }
0x6: {  	_ = 	snop  }
0x7: {  	_ = 	snop  }
__scs_overlays_trampoline_lowered:
0x8: {  	[smem:$0x3FA9] =	sst s0  }
0x9: {  	[smem:$0x3FAA] =	sst s1  }
0xa: {  	[smem:$0x3FAB] =	sst s2  }
0xb: {  	[smem:$0x3FAC] =	sst s3  }
0xc: {  	[smem:$0x3FAD] =	sst s4  }
0xd: {  	[smem:$0x3FAE] =	sst s5  }
0xe: {  	[smem:$0x3FAF] =	sst s6  }
0xf: {  	[smem:$0x3FB0] =	sst s7  }
0x10: {  	[smem:$0x3FB1] =	sst s8  }
0x11: {  	[smem:$0x3FB2] =	sst s9;
	s0 =	simm.s32 @!p0 $0x0  }
0x12: {  	s1 =	sld [smem:$0x3F98];
	s0 =	simm.s32 @p0 $0x1  }
0x13: {  	[smem:$0x3FB3] =	sst s0;
	s0 =	simm.s32 @!p1 $0x0  }
0x14: {  	s2 =	sld [smem:$0x3F97];
	s0 =	simm.s32 @p1 $0x1  }
0x15: {  	[smem:$0x3FB4] =	sst s0;
	s0 =	simm.s32 @!p2 $0x0  }
0x16: {  	s3 =	sld [smem:$0x3FDB];
	s0 =	simm.s32 @p2 $0x1  }
0x17: {  	s4 =	simm.s32 $0x1BF5;
	[smem:$0x3FB6] =	sst s0  }
0x18: {  	s0 =	sld [smem:$0x3F99];
	_ =	swait.ge [sflag:s4], $0x0  }
0x19: {  	s7 =	sld [smem:$0x3F9A]  }
0x1a: {  	s8 =	sadd.s32 $0xFFFFE003, lr  }
0x1b: {  	s9 =	sadd.s32 $0xFFFFFEF7, lr;
	s5 =	simm.s32 $0xFFFFFFFF;
	p2 =	slt.u32 s8, $0xFFFFF086  }
0x1c: {  	p1 =	slt.u32 s9, $0xF7A;
	s5 =	simm.s32 @!p2 $0x0  }
0x1d: {  	s5 =	simm.s32 @p1 $0x1;
	p0 =	seq.s32 s7, s2  }
0x1e: {  	s7 =	smul.u32 @!p0 $0xF7A, s2;
	p2 =	seq.s32 @!p0 s5, $0x0  }
0x1f: {  	s9 =	smul.u32 $0xF7A, s1;
	s8 =	simm.s32 @!p0 $0x1BF5;
	p2 =	por !p2, p0  }
0x20: {  	[sflag:s8] =	ssyncset.s32 @!p0 $0xFFFFF086;
	s6 =	sadd.s32 @!p0 s3, s7;
	s7 =	simm.s32 @!p0 $0x108  }
0x21: {  	s3 =	sadd.s32 s3, s9;
	s6 =	sadd.s32 @!p0 $0x88, s6;
	s7 =	simm.s32 @p2 $0x1082  }
0x22: {  	[simem:s7], [sflag:s8] =	dma.local @!p0 [hbm:s6], $0xF7A  }
0x23: {  	s9 =	sor.u32 $0xD0000000, s2;
	s6 =	simm.s32 $0x108;
	_ =	swait.ge @!p0 [sflag:s8], $0x0  }
0x24: {  	s3 =	sadd.s32 $0x88, s3;
	s6 =	simm.s32 @!p1 $0x1082;
	[sflag:s4] =	ssyncset.s32 $0xFFFFF086  }
0x25: {  	[simem:s6], [sflag:s4] =	dma.local [hbm:s3], $0xF7A  }
0x26: {  	[smem:$0x3F9A] =	sst s1;
	(tag) =	ssettag s2;
	_ =	strace s9  }
0x27: {  	s1 =	sld [smem:$0x3FAA]  }
0x28: {  	s2 =	sld [smem:$0x3FAB]  }
0x29: {  	s4 =	sld [smem:$0x3FAD]  }
0x2a: {  	p0 =	seq.s32 s5, $0x0;
	s5 =	sld [smem:$0x3FAE]  }
0x2b: {  	s6 =	sld [smem:$0x3FAF]  }
0x2c: {  	s7 =	sld [smem:$0x3FB0]  }
0x2d: {  	s3 =	simm.s32 $0x108;
	s8 =	sld [smem:$0x3FB1]  }
0x2e: {  	s3 =	simm.s32 @!p0 $0x1082;
	s9 =	sld [smem:$0x3FB2]  }
0x2f: {  	lr =	sadd.s32 s0, s3;
	s0 =	sld [smem:$0x3FA9]  }
0x30: {  	s3 =	sld [smem:$0x3FAC]  }
0x31: {  	[smem:$0x3FB5] =	sst s10  }
0x32: {  	s10 =	sld [smem:$0x3FB3];
	_ =	sdelay $0x3  }
0x33: {  	p0 =	seq.s32 s10, $0x1;
	s10 =	sld [smem:$0x3FB5];
	_ =	sdelay $0x3  }
0x34: {  	[smem:$0x3FB5] =	sst s10  }
0x35: {  	s10 =	sld [smem:$0x3FB4];
	_ =	sdelay $0x3  }
0x36: {  	p1 =	seq.s32 s10, $0x1;
	s10 =	sld [smem:$0x3FB5];
	_ =	sdelay $0x3  }
0x37: {  	[smem:$0x3FB5] =	sst s10  }
0x38: {  	s10 =	sld [smem:$0x3FB6]  }
0x39: {  	_ = 	snop;
	(pc) =	sbr.ind lr, $3  }
0x3a: {  	_ = 	snop  }
0x3b: {  	_ = 	snop  }
0x3c: {  	p2 =	seq.s32 s10, $0x1;
	s10 =	sld [smem:$0x3FB5]  }
0x3d: {  	_ =	shalt  }
0x3e: {  	_ =	shalt  }
0x3f: {  	_ =	shalt  }
0x40: {  	_ =	shalt  }
0x41: {  	_ =	shalt  }
0x42: {  	_ =	shalt  }
0x43: {  	_ =	shalt  }
0x44: {  	_ =	shalt  }
0x45: {  	_ =	shalt  }
0x46: {  	_ =	shalt  }
0x47: {  	_ =	shalt  }
0x48: {  	_ =	shalt  }
0x49: {  	_ =	shalt  }
0x4a: {  	_ =	shalt  }
0x4b: {  	_ =	shalt  }
0x4c: {  	_ =	shalt  }
0x4d: {  	_ =	shalt  }
0x4e: {  	_ =	shalt  }
0x4f: {  	_ =	shalt  }
0x50: {  	_ =	shalt  }
0x51: {  	_ =	shalt  }
0x52: {  	_ =	shalt  }
0x53: {  	_ =	shalt  }
0x54: {  	_ =	shalt  }
0x55: {  	_ =	shalt  }
0x56: {  	_ =	shalt  }
0x57: {  	_ =	shalt  }
0x58: {  	_ =	shalt  }
0x59: {  	_ =	shalt  }
0x5a: {  	_ =	shalt  }
0x5b: {  	_ =	shalt  }
0x5c: {  	_ =	shalt  }
0x5d: {  	_ =	shalt  }
0x5e: {  	_ =	shalt  }
0x5f: {  	_ =	shalt  }
0x60: {  	_ =	shalt  }
0x61: {  	_ =	shalt  }
0x62: {  	_ =	shalt  }
0x63: {  	_ =	shalt  }
0x64: {  	_ =	shalt  }
0x65: {  	_ =	shalt  }
0x66: {  	_ =	shalt  }
0x67: {  	_ =	shalt  }
0x68: {  	_ =	shalt  }
0x69: {  	_ =	shalt  }
0x6a: {  	_ =	shalt  }
0x6b: {  	_ =	shalt  }
0x6c: {  	_ =	shalt  }
0x6d: {  	_ =	shalt  }
0x6e: {  	_ =	shalt  }
0x6f: {  	_ =	shalt  }
0x70: {  	_ =	shalt  }
0x71: {  	_ =	shalt  }
0x72: {  	_ =	shalt  }
0x73: {  	_ =	shalt  }
0x74: {  	_ =	shalt  }
0x75: {  	_ =	shalt  }
0x76: {  	_ =	shalt  }
0x77: {  	_ =	shalt  }
0x78: {  	_ =	shalt  }
0x79: {  	_ =	shalt  }
0x7a: {  	_ =	shalt  }
0x7b: {  	_ =	shalt  }
0x7c: {  	_ =	shalt  }
0x7d: {  	_ =	shalt  }
0x7e: {  	_ =	shalt  }
0x7f: {  	_ =	shalt  }
0x80: {  	_ =	shalt  }
0x81: {  	_ =	shalt  }
0x82: {  	_ =	shalt  }
0x83: {  	_ =	shalt  }
0x84: {  	_ =	shalt  }
0x85: {  	_ =	shalt  }
0x86: {  	_ =	shalt  }
0x87: {  	_ =	shalt  }
.Lfunc_end0:
.L_simem_size_0:
called_computation.2_lowered:
.L_overlay_start_0:
0x88: {  	s2 =	sld [smem:$0x3FD9]  }
0x89: {  	s3 =	sld [smem:$0x3FFE];
	_ =	sdelay $0x1  }
0x8a: {  	s1 =	srdreg.scid  }
0x8b: {  	s0 =	sand.u32 $0x1, s1  }
0x8c: {  	s17 =	sshll.u32 s0, $0xA;
	s2 =	sadd.s32 s3, s2  }
0x8d: {  	s2 =	sadd.s32 s2, s17  }
0x8e: {  	[smem:$0x3FC1] =	sst s2  }
0x8f: {  	_ = 	snop  }
0x90: {  	s2 =	sld [smem:$0x3FC8]  }
0x91: {  	s18 =	sld [smem:$0x3FD0];
	(tm) =	ssettm $0x1  }
0x92: {  	s4 =	sld [smem:$0x3FFB];
	_ =	sdelay $0x3  }
0x93: {  	_ =	strace s4  }
0x94: {  	s4 =	sld [smem:$0x3FFC];
	_ =	sdelay $0x3  }
0x95: {  	_ =	strace s4  }
0x96: {  	s4 =	sld [smem:$0x3FFD];
	_ =	sdelay $0x3  }
0x97: {  	_ =	strace s4  }
0x98: {  	_ =	strace $0x8FFFFFFF  }
0x99: {  	s19 =	sld [smem:$0x3FDB];
	_ =	sdelay $0x1  }
0x9a: {  	s5 =	simm.s32 $_scs_section_size  }
0x9b: {  	s6 =	simm.s32 $_size__tile_overlayer_lowered;
	s7 =	simm.s32 $_tile_overlayer_lowered  }
0x9c: {  	s22 =	simm.s32 $0x1BFF;
	s21 =	sshll.u32 s7, $0x1;
	s4 =	sadd.s32 s5, s19  }
0x9d: {  	s8 =	simm.s32 $0x0;
	s20 =	sshll.u32 s6, $0x1;
	s6 =	sadd.s32 s21, s4  }
0x9e: {  	[timem:s8], [sflag:s22] =	dma.local [hbm:s6], s20  }
0x9f: {  	_ =	swait.ge [sflag:s22], s20  }
0xa0: {  	s5 =	ssub.s32 $0x0, s20;
	[sflag:s22] =	ssyncset.done $0x0  }
0xa1: {  	[sflag:s22] =	ssyncadd.s32 s5;
	_ =	sdelay $0x1  }
0xa2: {  	s23 =	simm.s32 $0x1B8B  }
0xa3: {  	_ =	swait.ge [sflag:s23], $0x1  }
0xa4: {  	[sflag:s23] =	ssyncset.done $0x0  }
0xa5: {  	s25 =	simm.s32 $0x1B8E;
	s24 =	sld [smem:$0x3FFE];
	[sflag:s23] =	ssyncadd.s32 $0xFFFFFFFF  }
0xa6: {  	s26 =	simm.s32 $execute0_lowered;
	[smem:$0x3FD2] =	sst s25  }
0xa7: {  	s6 =	sshll.u32 s26, $0x1;
	_ =	strace $0x8000004C;
	[dreg:$0x1] =	wrdreg $0xFFFFFFFF  }
0xa8: {  	s28 =	simm.s32 $_size_execute0_lowered;
	s4 =	sadd.s32 s4, s6;
	[dreg:$0x0] =	wrdreg $0x0  }
0xa9: {  	s6 =	sshll.u32 s28, $0x1;
	[dreg:$0x2] =	wrdreg s4  }
0xaa: {  	[dreg:$0x3] =	wrdreg s6  }
0xab: {  	[dreg:$0x4] =	wrdreg $0xC0  }
0xac: {  	_ =	task [dreg:s8], $0x5FFFF  }
0xad: {  	[dreg:$0x1] =	wrdreg $0xFFFFFFFF  }
0xae: {  	[dreg:$0x0] =	wrdreg $0x60  }
0xaf: {  	[dreg:$0x2] =	wrdreg s24  }
0xb0: {  	[dreg:$0x3] =	wrdreg s2  }
0xb1: {  	[dreg:$0x4] =	wrdreg s18  }
0xb2: {  	[dreg:$0x5] =	wrdreg $0x9  }
0xb3: {  	_ =	task.clear_ibuf [dreg:s8], $0x6FFFF;
	_ =	strace $0x9000004C  }
0xb4: {  	s29 =	simm.s32 $0x9;
	_ =	strace $0x8000004E  }
0xb5: {  	_ =	swait.ge [sflag:s29], $0x1  }
0xb6: {  	[sflag:s29] =	ssyncadd.s32 $0xFFFFFFFF  }
0xb7: {  	_ =	strace $0x9000004E  }
0xb8: {  	_ =	sfence  }
0xb9: {  	s30 =	sld [smem:$0x0];
	_ =	sdelay $0x2  }
0xba: {  	s31 =	sshll.u32 s1, $0xD;
	s1 =	sshrl.u32 s1, $0x2  }
0xbb: {  	s3 =	sand.u32 $0x4000, s31;
	s1 =	sadd.s32 s1, s30  }
0xbc: {  	s0 =	sor.u32 s3, s0;
	s1 =	sshll.u32 s1, $0x11  }
0xbd: {  	s0 =	sor.u32 s1, s0  }
0xbe: {  	s0 =	sadd.s32 $0x8F2B, s0  }
0xbf: {  	[sflag:s0] =	ssyncadd.remote.s32 $0x1  }
0xc0: {  	_ =	sfence.sel $0xFFFF  }
0xc1: {  	[dreg:$0x0] =	wrdreg $0xFFFFFFFF;
	(pc) =	sbr.abs _section_cstart, $3  }
0xc2: {  	[dreg:$0x1] =	wrdreg $0xFFFFFFFF  }
0xc3: {  	_ =	task.clear_ibuf [dreg:s8], $0x2FFFF;
	_ =	strace $0x9FFFFFFF  }
0xc4: {  	(tm) =	ssettm $0x7FFFFFFF  }
0xc5: {  	_ =	shalt  }
tec
execute0_lowered:
.L_overlay_start_1:
0x0: {  	(tag) =	ssettag $0x1  }
0x1: {  	s3 =	rddreg [dreg:$0x0]  }
0x2: {  	s6 =	rddreg [dreg:$0x1]  }
0x3: {  	s4 =	rddreg [dreg:$0x2]  }
0x4: {  	s0 =	rddreg [dreg:$0x3];
	s1 =	stileid.u32  }
0x5: {  	s2 =	simm.s32 $0x0;
	s5 =	srdreg.scid;
	s12 =	simm.s32 $0x4190  }
0x6: {  	s13 =	simm.s32 $0x10;
	s14 =	simm.s32 $0x180;
	s15 =	simm.s32 $0x6190  }
0x7: {  	s16 =	simm.s32 $0x1;
	s17 =	simm.s32 $0x0;
	s7 =	smul.u32 $0x27100, s1  }
0x8: {  	[smem:$0x7FF] =	sst s2;
	s5 =	sand.u32 $0x1, s5;
	s8 =	smul.u32 $0x4E20, s1  }
0x9: {  	s3 =	sadd.s32 $0x4E4A00, s3;
	s9 =	ssub.s32 $0x2, s5;
	s10 =	smul.u32 $0x2710, s5  }
0xa: {  	_ =	strace $0x8000004D;
	s5 =	smul.u32 $0x13880, s5;
	s11 =	sshrl.u32 s9, $0x1  }
0xb: {  	s7 =	sadd.s32 s7, s4;
	s9 =	ssub.s32 s9, s11;
	s8 =	sadd.s32 s10, s8  }
0xc: {  	s5 =	sadd.s32 s5, s7;
	s7 =	simm.s32 $0x2;
	s10 =	simm.s32 $0x2190  }
0xd: {  	s11 =	simm.s32 $0x100;
	s4 =	smax.u32 s9, $0x1;
	s31 =	sshrl.u32 s8, $0x3  }
0xe: {  	s8 =	simm.s32 $0x80;
	s9 =	simm.s32 $0x190;
	s6 =	sadd.s32 s31, s6  }
.LBB2_1:
0xf: {  	s18 =	sadd.s32 $0x0, s6  }
0x10: {  	[tilespmem:s2], [sflag:$0x2] =	stream.linear.gather [hbm4b:s18+s2], $0x190, $0x38;
	[tilespmem:$0x6590] =	vst v63  }
0x11: {  	_ =	swait.ge [sflag:s7], $0x190  }
0x12: {  	[sflag:s7] =	ssyncset.done $0x0  }
0x13: {  	[sflag:s7] =	ssyncadd.s32 $0xFFFFFE70  }
0x14: {  	[tilespmem:s9], [sflag:$0x1] =	stream.indirect.gather [hbm4b:s3+s8], $0x40, s2, s8, $0xb8;
	[tilespmem:$0x6590] =	vst v63  }
0x15: {  	_ = 	snop  }
0x16: {  	[tilespmem:s10], [sflag:$0x1] =	stream.indirect.gather [hbm4b:s3+s8], $0x40, s8, s8, $0xb8;
	[tilespmem:$0x6590] =	vst v63  }
0x17: {  	_ = 	snop  }
0x18: {  	[tilespmem:s12], [sflag:$0x1] =	stream.indirect.gather [hbm4b:s3+s8], $0x40, s11, s8, $0xb8;
	[tilespmem:$0x6590] =	vst v63  }
0x19: {  	_ = 	snop  }
0x1a: {  	[tilespmem:s15], [sflag:$0x1] =	stream.indirect.gather [hbm4b:s3+s13], $0x40, s14, s13, $0xb8;
	[tilespmem:$0x6590] =	vst v63  }
0x1b: {  	_ =	swait.ge [sflag:s16], $0x2000  }
0x1c: {  	[sflag:s16] =	ssyncset.done $0x0  }
0x1d: {  	[sflag:s16] =	ssyncadd.s32 $0xFFFFE000  }
0x1e: {  	_ =	swait.ge [sflag:s16], $0x2000  }
0x1f: {  	[sflag:s16] =	ssyncset.done $0x0  }
0x20: {  	[sflag:s16] =	ssyncadd.s32 $0xFFFFE000  }
0x21: {  	_ =	swait.ge [sflag:s16], $0x2000  }
0x22: {  	[sflag:s16] =	ssyncset.done $0x0  }
0x23: {  	[sflag:s16] =	ssyncadd.s32 $0xFFFFE000  }
0x24: {  	_ =	swait.ge [sflag:s16], $0x400  }
0x25: {  	[sflag:s16] =	ssyncset.done $0x0  }
0x26: {  	[sflag:s16] =	ssyncadd.s32 $0xFFFFFC00  }
0x27: {  	[hbm4b:s5+s2] =	stream.linear.scatter [tilespmem:s9], [sflag:$0x2], $0x6400, $0x38;
	[tilespmem:$0x6590] =	vst v63  }
0x28: {  	s19 =	simm.s32 $0x32;
	_ =	swait.ge [sflag:s7], $0x6400  }
0x29: {  	s20 =	simm.s32 $0x64;
	s18 =	sadd.s32 $0xC80, s5;
	[sflag:s7] =	ssyncset.done $0x0  }
.LBB2_2:
0x2a: {  	s21 =	sadd.s32 s19, s6  }
0x2b: {  	[sflag:s7] =	ssyncadd.s32 $0xFFFF9C00;
	s19 =	smov.u32 s20;
	s22 =	sadd.s32 $0x32, s20  }
0x2c: {  	[tilespmem:s2], [sflag:$0x2] =	stream.linear.gather [hbm4b:s21+s2], $0x190, $0x38;
	[tilespmem:$0x6590] =	vst v63  }
0x2d: {  	p0 =	sne.s32 s20, $0x4B0;
	_ =	swait.ge [sflag:s7], $0x190  }
0x2e: {  	[sflag:s7] =	ssyncset.done $0x0  }
0x2f: {  	[sflag:s7] =	ssyncadd.s32 $0xFFFFFE70  }
0x30: {  	[tilespmem:s9], [sflag:$0x1] =	stream.indirect.gather [hbm4b:s3+s8], $0x40, s2, s8, $0xb8;
	[tilespmem:$0x6590] =	vst v63  }
0x31: {  	_ = 	snop  }
0x32: {  	[tilespmem:s10], [sflag:$0x1] =	stream.indirect.gather [hbm4b:s3+s8], $0x40, s8, s8, $0xb8;
	[tilespmem:$0x6590] =	vst v63  }
0x33: {  	_ = 	snop  }
0x34: {  	[tilespmem:s12], [sflag:$0x1] =	stream.indirect.gather [hbm4b:s3+s8], $0x40, s11, s8, $0xb8;
	[tilespmem:$0x6590] =	vst v63  }
0x35: {  	_ = 	snop  }
0x36: {  	[tilespmem:s15], [sflag:$0x1] =	stream.indirect.gather [hbm4b:s3+s13], $0x40, s14, s13, $0xb8;
	[tilespmem:$0x6590] =	vst v63  }
0x37: {  	_ =	swait.ge [sflag:s16], $0x2000  }
0x38: {  	[sflag:s16] =	ssyncset.done $0x0  }
0x39: {  	[sflag:s16] =	ssyncadd.s32 $0xFFFFE000  }
0x3a: {  	_ =	swait.ge [sflag:s16], $0x2000  }
0x3b: {  	[sflag:s16] =	ssyncset.done $0x0  }
0x3c: {  	[sflag:s16] =	ssyncadd.s32 $0xFFFFE000  }
0x3d: {  	_ =	swait.ge [sflag:s16], $0x2000  }
0x3e: {  	[sflag:s16] =	ssyncset.done $0x0  }
0x3f: {  	[sflag:s16] =	ssyncadd.s32 $0xFFFFE000  }
0x40: {  	_ =	swait.ge [sflag:s16], $0x400  }
.Ltmp0:
0x41: {  	[sflag:s16] =	ssyncset.done $0x0;
	(pc) =	sbr.rel @p0 .LBB2_2-.Ltmp0, $4  }
0x42: {  	[sflag:s16] =	ssyncadd.s32 $0xFFFFFC00  }
0x43: {  	[hbm4b:s18+s2] =	stream.linear.scatter [tilespmem:s9], [sflag:$0x2], $0x6400, $0x38;
	[tilespmem:$0x6590] =	vst v63  }
0x44: {  	_ =	swait.ge [sflag:s7], $0x6400  }
0x45: {  	s20 =	smov.u32 s22;
	s18 =	sadd.s32 $0xC80, s18;
	[sflag:s7] =	ssyncset.done $0x0  }
0x46: {  	s19 =	sadd.s32 s19, s6;
	[sflag:s7] =	ssyncadd.s32 $0xFFFF9C00  }
0x47: {  	[tilespmem:s2], [sflag:$0x2] =	stream.linear.gather [hbm4b:s19+s2], $0x190, $0x38;
	[tilespmem:$0x6590] =	vst v63  }
0x48: {  	_ =	swait.ge [sflag:s7], $0x190  }
0x49: {  	[sflag:s7] =	ssyncset.done $0x0  }
0x4a: {  	[sflag:s7] =	ssyncadd.s32 $0xFFFFFE70  }
0x4b: {  	[tilespmem:s9], [sflag:$0x1] =	stream.indirect.gather [hbm4b:s3+s8], $0x40, s2, s8, $0xb8;
	[tilespmem:$0x6590] =	vst v63  }
0x4c: {  	_ = 	snop  }
0x4d: {  	[tilespmem:s10], [sflag:$0x1] =	stream.indirect.gather [hbm4b:s3+s8], $0x40, s8, s8, $0xb8;
	[tilespmem:$0x6590] =	vst v63  }
0x4e: {  	_ = 	snop  }
0x4f: {  	[tilespmem:s12], [sflag:$0x1] =	stream.indirect.gather [hbm4b:s3+s8], $0x40, s11, s8, $0xb8;
	[tilespmem:$0x6590] =	vst v63  }
0x50: {  	_ = 	snop  }
0x51: {  	[tilespmem:s15], [sflag:$0x1] =	stream.indirect.gather [hbm4b:s3+s13], $0x40, s14, s13, $0xb8;
	[tilespmem:$0x6590] =	vst v63  }
0x52: {  	_ =	swait.ge [sflag:s16], $0x2000  }
0x53: {  	[sflag:s16] =	ssyncset.done $0x0  }
0x54: {  	[sflag:s16] =	ssyncadd.s32 $0xFFFFE000  }
0x55: {  	_ =	swait.ge [sflag:s16], $0x2000  }
0x56: {  	[sflag:s16] =	ssyncset.done $0x0  }
0x57: {  	[sflag:s16] =	ssyncadd.s32 $0xFFFFE000  }
0x58: {  	_ =	swait.ge [sflag:s16], $0x2000  }
0x59: {  	[sflag:s16] =	ssyncset.done $0x0  }
0x5a: {  	[sflag:s16] =	ssyncadd.s32 $0xFFFFE000  }
0x5b: {  	s17 =	sadd.s32 $0x1, s17;
	_ =	swait.ge [sflag:s16], $0x400  }
0x5c: {  	p0 =	sne.s32 s17, s4;
	[sflag:s16] =	ssyncset.done $0x0  }
.Ltmp1:
0x5d: {  	[sflag:s16] =	ssyncadd.s32 $0xFFFFFC00;
	(pc) =	sbr.rel @p0 .LBB2_1-.Ltmp1, $4  }
0x5e: {  	[hbm4b:s18+s2] =	stream.linear.scatter [tilespmem:s9], [sflag:$0x2], $0x6400, $0x38;
	[tilespmem:$0x6590] =	vst v63  }
0x5f: {  	_ =	swait.ge [sflag:s7], $0x6400  }
0x60: {  	[sflag:s7] =	ssyncset.done $0x0  }
0x61: {  	[sflag:s7] =	ssyncadd.s32 $0xFFFF9C00  }
0x62: {  	_ =	sfence.sel $0x180000  }
0x63: {  	[bflag:$0x0] =	sbarrier.arrive $0xFFFF  }
0x64: {  	p0 =	sne.s32 s1, $0x0;
	_ =	strace $0x9000004D  }
0x65: {  	s0 =	sadd.s32 @!p0 $0x100000, s0;
	[bflag:$0x2] =	sbarrier.arrive $0xFFFF  }
0x66: {  	[sflag:s0] =	ssyncadd.tile.s32 @!p0 $0x1;
	_ =	shalt  }
.Lfunc_end2:
_tile_overlayer_lowered:
.L_overlay_start_2:
0x67: {  	(tag) =	ssettag $0x2  }
0x68: {  	s0 =	rddreg [dreg:$0x0];
	s2 =	stileid.u32  }
0x69: {  	s1 =	rddreg [dreg:$0x1];
	p0 =	sne.s32 s2, $0x0  }
0x6a: {  	s3 =	rddreg [dreg:$0x2];
	[bflag:$0x3] =	sbarrier.arrive $0xFFFF;
	s2 =	simm.s32 @!p0 $0x1C02  }
0x6b: {  	[timem:s3], [sflag:s2] =	dma.local @!p0 [hbm:s0], s1  }
0x6c: {  	s0 =	simm.s32 @!p0 $0x2  }
0x6d: {  	_ =	swait.ge @!p0 [sflag:s0], s1  }
0x6e: {  	s1 =	ssub.s32 @!p0 $0x0, s1;
	[sflag:s0] =	ssyncset.done @!p0 $0x0  }
0x6f: {  	[sflag:s0] =	ssyncadd.s32 @!p0 s1  }
0x70: {  	[bflag:$0x3] =	sbarrier.arrive $0xFFFF  }
0x71: {  	_ =	shalt  }

// kernel: kernel.7.cloned.1.call-start
scs
__scs_entry_jumppad:
0x0: {  	(pc) =	sbr.rel $0x88, $3  }
0x1: {  	(tag) =	ssettag $0x0;
	lr =	simm.s32 $0x1  }
0x2: {  	[smem:$0x3F9A] =	sst lr;
	_ =	strace $0xD0000000  }
0x3: {  	_ = 	snop  }
0x4: {  	_ = 	snop  }
0x5: {  	_ = 	snop  }
0x6: {  	_ = 	snop  }
0x7: {  	_ = 	snop  }
__scs_overlays_trampoline_lowered:
0x8: {  	[smem:$0x3FA9] =	sst s0  }
0x9: {  	[smem:$0x3FAA] =	sst s1  }
0xa: {  	[smem:$0x3FAB] =	sst s2  }
0xb: {  	[smem:$0x3FAC] =	sst s3  }
0xc: {  	[smem:$0x3FAD] =	sst s4  }
0xd: {  	[smem:$0x3FAE] =	sst s5  }
0xe: {  	[smem:$0x3FAF] =	sst s6  }
0xf: {  	[smem:$0x3FB0] =	sst s7  }
0x10: {  	[smem:$0x3FB1] =	sst s8  }
0x11: {  	[smem:$0x3FB2] =	sst s9;
	s0 =	simm.s32 @!p0 $0x0  }
0x12: {  	s1 =	sld [smem:$0x3F98];
	s0 =	simm.s32 @p0 $0x1  }
0x13: {  	[smem:$0x3FB3] =	sst s0;
	s0 =	simm.s32 @!p1 $0x0  }
0x14: {  	s2 =	sld [smem:$0x3F97];
	s0 =	simm.s32 @p1 $0x1  }
0x15: {  	[smem:$0x3FB4] =	sst s0;
	s0 =	simm.s32 @!p2 $0x0  }
0x16: {  	s3 =	sld [smem:$0x3FDB];
	s0 =	simm.s32 @p2 $0x1  }
0x17: {  	s4 =	simm.s32 $0x1BF5;
	[smem:$0x3FB6] =	sst s0  }
0x18: {  	s0 =	sld [smem:$0x3F99];
	_ =	swait.ge [sflag:s4], $0x0  }
0x19: {  	s7 =	sld [smem:$0x3F9A]  }
0x1a: {  	s8 =	sadd.s32 $0xFFFFE003, lr  }
0x1b: {  	s9 =	sadd.s32 $0xFFFFFEF7, lr;
	s5 =	simm.s32 $0xFFFFFFFF;
	p2 =	slt.u32 s8, $0xFFFFF086  }
0x1c: {  	p1 =	slt.u32 s9, $0xF7A;
	s5 =	simm.s32 @!p2 $0x0  }
0x1d: {  	s5 =	simm.s32 @p1 $0x1;
	p0 =	seq.s32 s7, s2  }
0x1e: {  	s7 =	smul.u32 @!p0 $0xF7A, s2;
	p2 =	seq.s32 @!p0 s5, $0x0  }
0x1f: {  	s9 =	smul.u32 $0xF7A, s1;
	s8 =	simm.s32 @!p0 $0x1BF5;
	p2 =	por !p2, p0  }
0x20: {  	[sflag:s8] =	ssyncset.s32 @!p0 $0xFFFFF086;
	s6 =	sadd.s32 @!p0 s3, s7;
	s7 =	simm.s32 @!p0 $0x108  }
0x21: {  	s3 =	sadd.s32 s3, s9;
	s6 =	sadd.s32 @!p0 $0x88, s6;
	s7 =	simm.s32 @p2 $0x1082  }
0x22: {  	[simem:s7], [sflag:s8] =	dma.local @!p0 [hbm:s6], $0xF7A  }
0x23: {  	s9 =	sor.u32 $0xD0000000, s2;
	s6 =	simm.s32 $0x108;
	_ =	swait.ge @!p0 [sflag:s8], $0x0  }
0x24: {  	s3 =	sadd.s32 $0x88, s3;
	s6 =	simm.s32 @!p1 $0x1082;
	[sflag:s4] =	ssyncset.s32 $0xFFFFF086  }
0x25: {  	[simem:s6], [sflag:s4] =	dma.local [hbm:s3], $0xF7A  }
0x26: {  	[smem:$0x3F9A] =	sst s1;
	(tag) =	ssettag s2;
	_ =	strace s9  }
0x27: {  	s1 =	sld [smem:$0x3FAA]  }
0x28: {  	s2 =	sld [smem:$0x3FAB]  }
0x29: {  	s4 =	sld [smem:$0x3FAD]  }
0x2a: {  	p0 =	seq.s32 s5, $0x0;
	s5 =	sld [smem:$0x3FAE]  }
0x2b: {  	s6 =	sld [smem:$0x3FAF]  }
0x2c: {  	s7 =	sld [smem:$0x3FB0]  }
0x2d: {  	s3 =	simm.s32 $0x108;
	s8 =	sld [smem:$0x3FB1]  }
0x2e: {  	s3 =	simm.s32 @!p0 $0x1082;
	s9 =	sld [smem:$0x3FB2]  }
0x2f: {  	lr =	sadd.s32 s0, s3;
	s0 =	sld [smem:$0x3FA9]  }
0x30: {  	s3 =	sld [smem:$0x3FAC]  }
0x31: {  	[smem:$0x3FB5] =	sst s10  }
0x32: {  	s10 =	sld [smem:$0x3FB3];
	_ =	sdelay $0x3  }
0x33: {  	p0 =	seq.s32 s10, $0x1;
	s10 =	sld [smem:$0x3FB5];
	_ =	sdelay $0x3  }
0x34: {  	[smem:$0x3FB5] =	sst s10  }
0x35: {  	s10 =	sld [smem:$0x3FB4];
	_ =	sdelay $0x3  }
0x36: {  	p1 =	seq.s32 s10, $0x1;
	s10 =	sld [smem:$0x3FB5];
	_ =	sdelay $0x3  }
0x37: {  	[smem:$0x3FB5] =	sst s10  }
0x38: {  	s10 =	sld [smem:$0x3FB6]  }
0x39: {  	_ = 	snop;
	(pc) =	sbr.ind lr, $3  }
0x3a: {  	_ = 	snop  }
0x3b: {  	_ = 	snop  }
0x3c: {  	p2 =	seq.s32 s10, $0x1;
	s10 =	sld [smem:$0x3FB5]  }
0x3d: {  	_ =	shalt  }
0x3e: {  	_ =	shalt  }
0x3f: {  	_ =	shalt  }
0x40: {  	_ =	shalt  }
0x41: {  	_ =	shalt  }
0x42: {  	_ =	shalt  }
0x43: {  	_ =	shalt  }
0x44: {  	_ =	shalt  }
0x45: {  	_ =	shalt  }
0x46: {  	_ =	shalt  }
0x47: {  	_ =	shalt  }
0x48: {  	_ =	shalt  }
0x49: {  	_ =	shalt  }
0x4a: {  	_ =	shalt  }
0x4b: {  	_ =	shalt  }
0x4c: {  	_ =	shalt  }
0x4d: {  	_ =	shalt  }
0x4e: {  	_ =	shalt  }
0x4f: {  	_ =	shalt  }
0x50: {  	_ =	shalt  }
0x51: {  	_ =	shalt  }
0x52: {  	_ =	shalt  }
0x53: {  	_ =	shalt  }
0x54: {  	_ =	shalt  }
0x55: {  	_ =	shalt  }
0x56: {  	_ =	shalt  }
0x57: {  	_ =	shalt  }
0x58: {  	_ =	shalt  }
0x59: {  	_ =	shalt  }
0x5a: {  	_ =	shalt  }
0x5b: {  	_ =	shalt  }
0x5c: {  	_ =	shalt  }
0x5d: {  	_ =	shalt  }
0x5e: {  	_ =	shalt  }
0x5f: {  	_ =	shalt  }
0x60: {  	_ =	shalt  }
0x61: {  	_ =	shalt  }
0x62: {  	_ =	shalt  }
0x63: {  	_ =	shalt  }
0x64: {  	_ =	shalt  }
0x65: {  	_ =	shalt  }
0x66: {  	_ =	shalt  }
0x67: {  	_ =	shalt  }
0x68: {  	_ =	shalt  }
0x69: {  	_ =	shalt  }
0x6a: {  	_ =	shalt  }
0x6b: {  	_ =	shalt  }
0x6c: {  	_ =	shalt  }
0x6d: {  	_ =	shalt  }
0x6e: {  	_ =	shalt  }
0x6f: {  	_ =	shalt  }
0x70: {  	_ =	shalt  }
0x71: {  	_ =	shalt  }
0x72: {  	_ =	shalt  }
0x73: {  	_ =	shalt  }
0x74: {  	_ =	shalt  }
0x75: {  	_ =	shalt  }
0x76: {  	_ =	shalt  }
0x77: {  	_ =	shalt  }
0x78: {  	_ =	shalt  }
0x79: {  	_ =	shalt  }
0x7a: {  	_ =	shalt  }
0x7b: {  	_ =	shalt  }
0x7c: {  	_ =	shalt  }
0x7d: {  	_ =	shalt  }
0x7e: {  	_ =	shalt  }
0x7f: {  	_ =	shalt  }
0x80: {  	_ =	shalt  }
0x81: {  	_ =	shalt  }
0x82: {  	_ =	shalt  }
0x83: {  	_ =	shalt  }
0x84: {  	_ =	shalt  }
0x85: {  	_ =	shalt  }
0x86: {  	_ =	shalt  }
0x87: {  	_ =	shalt  }
.Lfunc_end0:
.L_simem_size_0:
called_computation_lowered:
.L_overlay_start_0:
0x88: {  	s2 =	sld [smem:$0x3FD9]  }
0x89: {  	s3 =	sld [smem:$0x3FFE];
	_ =	sdelay $0x1  }
0x8a: {  	s1 =	srdreg.scid  }
0x8b: {  	s0 =	sand.u32 $0x1, s1  }
0x8c: {  	s17 =	sshll.u32 s0, $0xA;
	s2 =	sadd.s32 s3, s2  }
0x8d: {  	s2 =	sadd.s32 s2, s17  }
0x8e: {  	[smem:$0x3FC1] =	sst s2  }
0x8f: {  	_ = 	snop  }
0x90: {  	s2 =	sld [smem:$0x3FC8]  }
0x91: {  	s18 =	sld [smem:$0x3FC4]  }
0x92: {  	s4 =	sld [smem:$0x3FD0];
	(tm) =	ssettm $0x1  }
0x93: {  	s5 =	sld [smem:$0x3FFB];
	_ =	sdelay $0x3  }
0x94: {  	_ =	strace s5  }
0x95: {  	s5 =	sld [smem:$0x3FFC];
	_ =	sdelay $0x3  }
0x96: {  	_ =	strace s5  }
0x97: {  	s5 =	sld [smem:$0x3FFD];
	_ =	sdelay $0x3  }
0x98: {  	_ =	strace s5  }
0x99: {  	_ =	strace $0x8FFFFFFF  }
0x9a: {  	s19 =	sld [smem:$0x3FDB];
	_ =	sdelay $0x1  }
0x9b: {  	s6 =	simm.s32 $_scs_section_size  }
0x9c: {  	s7 =	simm.s32 $_size__tile_overlayer_lowered;
	s8 =	simm.s32 $_tile_overlayer_lowered  }
0x9d: {  	s22 =	simm.s32 $0x1BFF;
	s21 =	sshll.u32 s8, $0x1;
	s5 =	sadd.s32 s6, s19  }
0x9e: {  	s9 =	simm.s32 $0x0;
	s20 =	sshll.u32 s7, $0x1;
	s7 =	sadd.s32 s21, s5  }
0x9f: {  	[timem:s9], [sflag:s22] =	dma.local [hbm:s7], s20  }
0xa0: {  	_ =	swait.ge [sflag:s22], s20  }
0xa1: {  	s6 =	ssub.s32 $0x0, s20;
	[sflag:s22] =	ssyncset.done $0x0  }
0xa2: {  	[sflag:s22] =	ssyncadd.s32 s6;
	_ =	sdelay $0x1  }
0xa3: {  	s23 =	simm.s32 $0x1B8B  }
0xa4: {  	_ =	swait.ge [sflag:s23], $0x1  }
0xa5: {  	[sflag:s23] =	ssyncset.done $0x0  }
0xa6: {  	s25 =	simm.s32 $0x1B8E;
	s24 =	sld [smem:$0x3FFE];
	[sflag:s23] =	ssyncadd.s32 $0xFFFFFFFF  }
0xa7: {  	s26 =	simm.s32 $execute0_lowered;
	[smem:$0x3FD2] =	sst s25  }
0xa8: {  	s7 =	sshll.u32 s26, $0x1;
	_ =	strace $0x80000046;
	[dreg:$0x1] =	wrdreg $0xFFFFFFFF  }
0xa9: {  	s28 =	simm.s32 $_size_execute0_lowered;
	s5 =	sadd.s32 s5, s7;
	[dreg:$0x0] =	wrdreg $0x0  }
0xaa: {  	s7 =	sshll.u32 s28, $0x1;
	[dreg:$0x2] =	wrdreg s5  }
0xab: {  	[dreg:$0x3] =	wrdreg s7  }
0xac: {  	[dreg:$0x4] =	wrdreg $0xC0  }
0xad: {  	_ =	task [dreg:s9], $0x5FFFF  }
0xae: {  	[dreg:$0x1] =	wrdreg $0xFFFFFFFF  }
0xaf: {  	[dreg:$0x0] =	wrdreg $0x60  }
0xb0: {  	[dreg:$0x2] =	wrdreg s4  }
0xb1: {  	[dreg:$0x3] =	wrdreg s2  }
0xb2: {  	[dreg:$0x4] =	wrdreg s24  }
0xb3: {  	[dreg:$0x5] =	wrdreg s18  }
0xb4: {  	[dreg:$0x6] =	wrdreg $0x64000  }
0xb5: {  	[dreg:$0x7] =	wrdreg $0x9  }
0xb6: {  	_ =	task.clear_ibuf [dreg:s9], $0x8FFFF;
	_ =	strace $0x90000046  }
0xb7: {  	s29 =	simm.s32 $0x9;
	_ =	strace $0x80000048  }
0xb8: {  	_ =	swait.ge [sflag:s29], $0x1  }
0xb9: {  	[sflag:s29] =	ssyncadd.s32 $0xFFFFFFFF  }
0xba: {  	_ =	strace $0x90000048  }
0xbb: {  	_ =	sfence  }
0xbc: {  	s30 =	sld [smem:$0x0];
	_ =	sdelay $0x2  }
0xbd: {  	s31 =	sshll.u32 s1, $0xD;
	s1 =	sshrl.u32 s1, $0x2  }
0xbe: {  	s3 =	sand.u32 $0x4000, s31;
	s1 =	sadd.s32 s1, s30  }
0xbf: {  	s0 =	sor.u32 s3, s0;
	s1 =	sshll.u32 s1, $0x11  }
0xc0: {  	s0 =	sor.u32 s1, s0  }
0xc1: {  	s0 =	sadd.s32 $0x8F2B, s0  }
0xc2: {  	[sflag:s0] =	ssyncadd.remote.s32 $0x1  }
0xc3: {  	_ =	sfence.sel $0xFFFF  }
0xc4: {  	[dreg:$0x0] =	wrdreg $0xFFFFFFFF;
	(pc) =	sbr.abs _section_cstart, $3  }
0xc5: {  	[dreg:$0x1] =	wrdreg $0xFFFFFFFF  }
0xc6: {  	_ =	task.clear_ibuf [dreg:s9], $0x2FFFF;
	_ =	strace $0x9FFFFFFF  }
0xc7: {  	(tm) =	ssettm $0x7FFFFFFF  }
tec
execute0_lowered:
.L_overlay_start_1:
0x0: {  	(tag) =	ssettag $0x1  }
0x1: {  	s1 =	rddreg [dreg:$0x0]  }
0x2: {  	s2 =	rddreg [dreg:$0x1]  }
0x3: {  	s0 =	rddreg [dreg:$0x2]  }
0x4: {  	s3 =	rddreg [dreg:$0x4]  }
0x5: {  	s5 =	simm.s32 $0x0;
	s4 =	srdreg.scid;
	s8 =	stileid.u32  }
0x6: {  	s20 =	simm.s32 $0x2;
	s28 =	simm.s32 $0x16290;
	s29 =	simm.s32 $0x0  }
0x7: {  	[smem:$0x7FF] =	sst s5;
	s4 =	sand.u32 $0x1, s4;
	s6 =	sshll.u32 s8, $0x1  }
0x8: {  	s7 =	sadd.s32 $0x4E4600, s0;
	s23 =	sadd.s32 $0x4E4400, s0;
	s6 =	sor.u32 s4, s6  }
0x9: {  	s9 =	sadd.s32 $0x4E4800, s0;
	s31 =	sshll.u32 s8, $0x6;
	s24 =	smul.u32 $0x180, s6  }
0xa: {  	_ =	strace $0x80000047;
	[dreg:$0x6] =	wrdreg s7;
	s10 =	smul.u32 $0x2710, s6  }
0xb: {  	[dreg:$0x7] =	wrdreg s23;
	s4 =	ssub.s32 $0x2, s4;
	s6 =	smul.u32 $0x640, s6  }
0xc: {  	[dreg:$0x8] =	wrdreg s9;
	s9 =	sadd.s32 $0x4E4A00, s0;
	s25 =	sshrl.u32 s4, $0x1  }
0xd: {  	s4 =	ssub.s32 s4, s25;
	s7 =	sshrl.u32 s24, $0x3;
	s6 =	sshrl.u32 s6, $0x2  }
.Ltmp0:
0xe: {  	s24 =	sor.u32 $0x1C02, s31;
	s0 =	sadd.s32 s7, s0;
	(pc) =	sbr.rel .LBB2_1-.Ltmp0, $4  }
0xf: {  	s18 =	smax.u32 s4, $0x1;
	s11 =	sadd.s32 $0x4F8400, s0;
	s12 =	sadd.s32 $0x4F8408, s0  }
0x10: {  	s15 =	sadd.s32 s6, s3;
	s13 =	sadd.s32 $0x4F8410, s0;
	s26 =	sadd.s32 $0x4F8418, s0  }
0x11: {  	s30 =	sadd.s32 $0x4F8420, s0;
	s17 =	sadd.s32 $0x4F8428, s0;
	[dreg:$0x9] =	wrdreg s26  }
0x12: {  	v0 =	vimm.f32 $0.0e+00;
	s25 =	sshrl.u32 s15, $0x3;
	[dreg:$0xa] =	wrdreg s30;
	s26 =	simm.s32 $0x1  }
.LBB2_11:
0x13: {  	[tilespmem:$0x16290] =	vst v22  }
0x14: {  	[tilespmem:$0x162A0] =	vst v21  }
0x15: {  	[tilespmem:$0x162B0] =	vst v20;
	p0 =	sne.s32 s30, $0x1  }
0x16: {  	[tilespmem:$0x162C0] =	vst v18;
	s0 =	simm.s32 @!p0 $0x0;
	s3 =	simm.s32 @!p0 $0x16290;
	s4 =	simm.s32 @!p0 $0x2  }
0x17: {  	[hbm4b:s11+s0] =	stream.linear.scatter @!p0 [tilespmem:s3], [sflag:$0x2], $0x40, $0x38;
	[tilespmem:$0x162D0] =	vst v63  }
0x18: {  	_ =	swait.ge @!p0 [sflag:s4], $0x40  }
0x19: {  	[sflag:s4] =	ssyncset.done @!p0 $0x0  }
0x1a: {  	[sflag:s4] =	ssyncadd.s32 @!p0 $0xFFFFFFC0  }
0x1b: {  	[tilespmem:$0x16290] =	vst @!p0 v17  }
0x1c: {  	[tilespmem:$0x162A0] =	vst @!p0 v19  }
0x1d: {  	[tilespmem:$0x162B0] =	vst @!p0 v16  }
0x1e: {  	[tilespmem:$0x162C0] =	vst @!p0 v15  }
0x1f: {  	v1 =	vmov s19;
	[hbm4b:s12+s0] =	stream.linear.scatter @!p0 [tilespmem:s3], [sflag:$0x2], $0x40, $0x38;
	[tilespmem:$0x162D0] =	vst v63  }
0x20: {  	v1 =	vcvt.s32.f32 v1;
	_ =	swait.ge @!p0 [sflag:s4], $0x40  }
0x21: {  	[sflag:s4] =	ssyncset.done @!p0 $0x0  }
0x22: {  	v2 =	vmov s21;
	v1 =	vbroadcast v1, $0x0;
	[sflag:s4] =	ssyncadd.s32 @!p0 $0xFFFFFFC0  }
0x23: {  	[tilespmem:$0x16290] =	vst @!p0 v2  }
0x24: {  	v3 =	vimm.f32 @!p0 $0.0e+00;
	[tilespmem:$0x162A0] =	vst @!p0 v1  }
0x25: {  	[tilespmem:$0x162B0] =	vst @!p0 v3  }
0x26: {  	[tilespmem:$0x162C0] =	vst @!p0 v3  }
0x27: {  	[hbm4b:s13+s0] =	stream.linear.scatter @!p0 [tilespmem:s3], [sflag:$0x2], $0x40, $0x38;
	[tilespmem:$0x162D0] =	vst v63  }
0x28: {  	_ =	swait.ge @!p0 [sflag:s4], $0x40  }
0x29: {  	[sflag:s4] =	ssyncset.done @!p0 $0x0  }
0x2a: {  	[sflag:s4] =	ssyncadd.s32 @!p0 $0xFFFFFFC0  }
0x2b: {  	[tilespmem:$0x16290] =	vst @!p0 v22  }
0x2c: {  	[tilespmem:$0x162A0] =	vst @!p0 v21  }
0x2d: {  	[tilespmem:$0x162B0] =	vst @!p0 v20  }
0x2e: {  	s30 =	rddreg [dreg:$0x9];
	[tilespmem:$0x162C0] =	vst @!p0 v18  }
0x2f: {  	[hbm4b:s30+s5] =	stream.linear.scatter [tilespmem:s28], [sflag:$0x2], $0x40, $0x38;
	[tilespmem:$0x162D0] =	vst v63  }
0x30: {  	_ =	swait.ge [sflag:s20], $0x40  }
0x31: {  	[sflag:s20] =	ssyncset.done $0x0  }
0x32: {  	[sflag:s20] =	ssyncadd.s32 $0xFFFFFFC0  }
0x33: {  	[tilespmem:$0x16290] =	vst v17  }
0x34: {  	[tilespmem:$0x162A0] =	vst v19  }
0x35: {  	[tilespmem:$0x162B0] =	vst v16  }
0x36: {  	s31 =	rddreg [dreg:$0xa];
	[tilespmem:$0x162C0] =	vst v15  }
0x37: {  	[hbm4b:s31+s5] =	stream.linear.scatter [tilespmem:s28], [sflag:$0x2], $0x40, $0x38;
	[tilespmem:$0x162D0] =	vst v63  }
0x38: {  	_ =	swait.ge [sflag:s20], $0x40  }
0x39: {  	[sflag:s20] =	ssyncset.done $0x0  }
0x3a: {  	[sflag:s20] =	ssyncadd.s32 $0xFFFFFFC0  }
0x3b: {  	v1 =	vpsel !p0, $0xBF800000, v1;
	[tilespmem:$0x16290] =	vst v2  }
0x3c: {  	s29 =	sadd.s32 $0x1, s29;
	[tilespmem:$0x162A0] =	vst v1  }
0x3d: {  	p0 =	sne.s32 s29, s18;
	[tilespmem:$0x162B0] =	vst v0  }
.Ltmp1:
0x3e: {  	[tilespmem:$0x162C0] =	vst v0;
	(pc) =	sbr.rel @!p0 .LBB2_12-.Ltmp1, $4  }
0x3f: {  	[hbm4b:s17+s5] =	stream.linear.scatter [tilespmem:s28], [sflag:$0x2], $0x40, $0x38;
	[tilespmem:$0x162D0] =	vst v63  }
0x40: {  	_ =	swait.ge [sflag:s20], $0x40  }
0x41: {  	[sflag:s20] =	ssyncset.done $0x0  }
0x42: {  	[sflag:s20] =	ssyncadd.s32 $0xFFFFFFC0  }
.LBB2_1:
0x43: {  	s0 =	rddreg [dreg:$0x6];
	s3 =	simm.s32 $0x161C0  }
0x44: {  	[tilespmem:s3], [sflag:$0x2] =	stream.linear.gather [hbm4b:s0+s5], $0x40, $0x38;
	[tilespmem:$0x162D0] =	vst v63  }
0x45: {  	_ =	swait.ge [sflag:s20], $0x40  }
0x46: {  	[sflag:s20] =	ssyncset.done $0x0  }
0x47: {  	s16 =	simm.s32 $0x16200;
	s14 =	rddreg [dreg:$0x7];
	[sflag:s20] =	ssyncadd.s32 $0xFFFFFFC0  }
0x48: {  	[tilespmem:s16], [sflag:$0x2] =	stream.linear.gather [hbm4b:s14+s5], $0x40, $0x38;
	[tilespmem:$0x162D0] =	vst v63  }
0x49: {  	_ =	swait.ge [sflag:s20], $0x40  }
0x4a: {  	[sflag:s20] =	ssyncset.done $0x0  }
0x4b: {  	[sflag:s20] =	ssyncadd.s32 $0xFFFFFFC0  }
0x4c: {  	s21 =	simm.s32 $0x16240;
	s19 =	rddreg [dreg:$0x3]  }
0x4d: {  	[tilespmem:s21], [sflag:$0x2] =	stream.linear.gather [hbm4b:s19+s5], $0x40, $0x38;
	[tilespmem:$0x162D0] =	vst v63  }
0x4e: {  	_ =	swait.ge [sflag:s20], $0x40  }
0x4f: {  	[sflag:s20] =	ssyncset.done $0x0  }
0x50: {  	s23 =	simm.s32 $0x16280;
	s22 =	rddreg [dreg:$0x8];
	[sflag:s20] =	ssyncadd.s32 $0xFFFFFFC0  }
0x51: {  	[tilespmem:s23], [sflag:$0x2] =	stream.linear.gather [hbm4b:s22+s5], $0x10, $0x38;
	[tilespmem:$0x162D0] =	vst v63  }
0x52: {  	_ =	swait.ge [sflag:s20], $0x10  }
0x53: {  	[sflag:s20] =	ssyncset.done $0x0  }
0x54: {  	[sflag:s20] =	ssyncadd.s32 $0xFFFFFFF0  }
0x55: {  	v1 =	vld [tilespmem:$0x161C0]  }
0x56: {  	v2 =	vld [tilespmem:$0x161D0]  }
0x57: {  	v3 =	vld [tilespmem:$0x161E0]  }
0x58: {  	v4 =	vld [tilespmem:$0x161F0]  }
0x59: {  	v5 =	vld [tilespmem:$0x16200]  }
0x5a: {  	v6 =	vld [tilespmem:$0x16280]  }
0x5b: {  	v7 =	vld [tilespmem:$0x16210]  }
0x5c: {  	v8 =	vld [tilespmem:$0x16220]  }
.Ltmp2:
0x5d: {  	v9 =	vld [tilespmem:$0x16230];
	(pc) =	sbr.rel .LBB2_2-.Ltmp2, $4  }
0x5e: {  	v10 =	vld [tilespmem:$0x16240]  }
0x5f: {  	v15 =	vimm.f32 $-3.000000010e+38;
	v16 =	vimm.f32 $-3.000000010e+38;
	v19 =	vimm.f32 $-3.000000010e+38;
	v11 =	vld [tilespmem:$0x16250]  }
0x60: {  	v17 =	vimm.f32 $-3.000000010e+38;
	v18 =	vimm.f32 $0.0e+00;
	v20 =	vimm.f32 $0.0e+00;
	s30 =	simm.s32 $0x1;
	v13 =	vld [tilespmem:$0x16260]  }
0x61: {  	v21 =	vimm.f32 $0.0e+00;
	v22 =	vimm.f32 $0.0e+00;
	s31 =	simm.s32 $0x0;
	s19 =	simm.s32 $0xFFFFFFFF;
	s21 =	simm.f32 $0.0e+00;
	v14 =	vld [tilespmem:$0x16270];
	v12 =	vsub.f32 $1.000000000e+00, v6  }
.LBB2_9:
0x62: {  	[sflag:s26] =	ssyncadd.s32 $0xFFFFFFC0  }
.LBB2_10:
0x63: {  	s31 =	sadd.s32 $0x1, s31  }
0x64: {  	p1 =	sne.s32 s31, $0x19  }
.Ltmp3:
0x65: {  	_ = 	snop;
	(pc) =	sbr.rel @!p1 .LBB2_11-.Ltmp3, $2  }
0x66: {  	_ =	sdelay $0x2  }
0x67: {  	s30 =	simm.s32 @p0 $0x0  }
.LBB2_2:
0x68: {  	s0 =	smul.u32 $0x190, s31;
	_ =	sdelay $0x1  }
0x69: {  	s0 =	sadd.s32 s10, s0  }
0x6a: {  	s3 =	sshll.u32 s0, $0x3  }
0x6b: {  	s22 =	simm.s32 $0x0;
	s3 =	sadd.s32 s1, s3  }
0x6c: {  	[tilespmem:s22], [sflag:$0x2] =	stream.linear.gather [hbm4b:s3+s22], $0x6400, $0x38;
	[tilespmem:$0x162D0] =	vst v63  }
0x6d: {  	_ =	swait.ge [sflag:s20], $0x6400  }
0x6e: {  	s0 =	sshrl.u32 s0, $0x3;
	[sflag:s20] =	ssyncset.done $0x0  }
0x6f: {  	s0 =	sadd.s32 s2, s0;
	[sflag:s20] =	ssyncadd.s32 $0xFFFF9C00  }
0x70: {  	[spmem:s25], [sflag:s24] =	dma.local [hbm:s0], $0x32  }
0x71: {  	_ =	swait.ge [sflag:s20], $0x32  }
0x72: {  	[sflag:s20] =	ssyncset.done $0x0  }
0x73: {  	[sflag:s20] =	ssyncadd.s32 $0xFFFFFFCE  }
0x74: {  	[smem:s22], [sflag:$0x2] =	stream.linear.gather [spmem:s15], $0x190, $0x38;
	[tilespmem:$0x162D0] =	vst v63  }
0x75: {  	_ =	swait.ge [sflag:s20], $0x190  }
0x76: {  	[sflag:s20] =	ssyncset.done $0x0  }
0x77: {  	[sflag:s20] =	ssyncadd.s32 $0xFFFFFE70  }
0x78: {  	s0 =	sld [smem:$0x0];
	_ =	sdelay $0x1  }
0x79: {  	p0 =	seq.s32 s31, $0x0;
	s4 =	simm.s32 $0x100  }
0x7a: {  	s3 =	simm.s32 $0x4;
	s19 =	smov.u32 @p0 s0;
	s0 =	simm.s32 $0xFFFFFFF8  }
.LBB2_3:
0x7b: {  	s6 =	sld [smem:s3+$0xFFFFFFFC];
	_ =	sdelay $0x2  }
0x7c: {  	p0 =	seq.s32 s6, s19  }
0x7d: {  	s7 =	sshll.u32 @!p0 s22, $0x6  }
0x7e: {  	[tilespmem:s7+$0x6720] =	vst @!p0 v22  }
0x7f: {  	[tilespmem:s7+$0xCB60] =	vst @!p0 v17  }
0x80: {  	[tilespmem:s7+$0x6730] =	vst @!p0 v21  }
0x81: {  	[tilespmem:s7+$0xCB70] =	vst @!p0 v19  }
0x82: {  	[tilespmem:s7+$0x6740] =	vst @!p0 v20  }
0x83: {  	[tilespmem:s7+$0xCB80] =	vst @!p0 v16  }
0x84: {  	[tilespmem:s7+$0x6750] =	vst @!p0 v18  }
0x85: {  	v23 =	vmov @!p0 s21;
	[tilespmem:s7+$0xCB90] =	vst @!p0 v15;
	s7 =	sshll.u32 @!p0 s22, $0x4  }
0x86: {  	[tilespmem:s7+$0x12FA0] =	vst @!p0 v23;
	v23 =	vmov @!p0 s19  }
0x87: {  	[tilespmem:s7+$0x148B0] =	vst @!p0 v23  }
0x88: {  	v23 =	vld [tilespmem:s4+$0xFFFFFF00]  }
0x89: {  	v24 =	vld [tilespmem:s4+$0xFFFFFF10]  }
0x8a: {  	v26 =	vld [tilespmem:s4+$0xFFFFFF30];
	_ =	sdelay $0x2  }
0x8b: {  	v25 =	vld [tilespmem:s4+$0xFFFFFF20];
	v23 =	vmul.f32 v23, v1  }
0x8c: {  	v24 =	vmul.f32 v24, v2  }
0x8d: {  	v26 =	vmul.f32 v26, v4;
	v23 =	vadd.f32 v23, v5  }
0x8e: {  	s23 =	sld [smem:s3+$0xFFFFFFFD];
	p0 =	sne.s32 s6, s19;
	v24 =	vadd.f32 v24, v7  }
0x8f: {  	s7 =	simm.s32 $0x1;
	v17 =	vpsel p0, $0xFF61B1E6, v17;
	v26 =	vadd.f32 v26, v9;
	v27 =	vmul.f32 v23, v10  }
0x90: {  	s7 =	simm.s32 @!p0 $0x0;
	v19 =	vpsel p0, $0xFF61B1E6, v19;
	v25 =	vmul.f32 v25, v3;
	v42 =	vmul.f32 v24, v11  }
0x91: {  	p1 =	seq.s32 s23, s6;
	v15 =	vpsel p0, $0xFF61B1E6, v15;
	s7 =	sadd.s32 s7, s22;
	v44 =	vmul.f32 v26, v14;
	v23 =	vmax.f32 v23, v27  }
0x92: {  	s8 =	sshll.u32 @!p1 s7, $0x6;
	v25 =	vadd.f32 v25, v8;
	v24 =	vmax.f32 v24, v42;
	v17 =	vmax.f32 v17, v23  }
0x93: {  	v45 =	vmax.f32 v26, v44;
	v22 =	vadd.f32 v23, v22;
	v19 =	vmax.f32 v19, v24;
	[tilespmem:s8+$0xCB60] =	vst @!p1 v17  }
0x94: {  	v43 =	vmul.f32 v25, v13;
	v21 =	vadd.f32 v24, v21;
	v15 =	vmax.f32 v15, v45;
	[tilespmem:s8+$0xCB70] =	vst @!p1 v19  }
0x95: {  	v18 =	vadd.f32 v45, v18;
	[tilespmem:s8+$0xCB90] =	vst @!p1 v15;
	v22 =	vpsel p0, v23, v22  }
0x96: {  	v23 =	vmax.f32 v25, v43;
	v21 =	vpsel p0, v24, v21;
	[tilespmem:s8+$0x6720] =	vst @!p1 v22  }
0x97: {  	s14 =	sadd.f32 $1.000000000e+00, s21;
	v16 =	vpsel p0, $0xFF61B1E6, v16;
	v18 =	vpsel p0, v45, v18;
	v20 =	vadd.f32 v23, v20;
	[tilespmem:s8+$0x6730] =	vst @!p1 v21  }
0x98: {  	v16 =	vmax.f32 v16, v23;
	[tilespmem:s8+$0x6750] =	vst @!p1 v18  }
0x99: {  	s14 =	simm.s32 @p0 $0x3F800000;
	[tilespmem:s8+$0xCB80] =	vst @!p1 v16;
	v20 =	vpsel p0, v23, v20  }
0x9a: {  	v23 =	vmov @!p1 s14;
	[tilespmem:s8+$0x6740] =	vst @!p1 v20;
	s8 =	sshll.u32 @!p1 s7, $0x4  }
0x9b: {  	[tilespmem:s8+$0x12FA0] =	vst @!p1 v23;
	v23 =	vmov @!p1 s6  }
0x9c: {  	[tilespmem:s8+$0x148B0] =	vst @!p1 v23  }
0x9d: {  	v23 =	vld [tilespmem:s4+$0xFFFFFF40]  }
0x9e: {  	v46 =	vld [tilespmem:s4+$0xFFFFFF50]  }
0x9f: {  	v48 =	vld [tilespmem:s4+$0xFFFFFF70];
	_ =	sdelay $0x2  }
0xa0: {  	v47 =	vld [tilespmem:s4+$0xFFFFFF60];
	v23 =	vmul.f32 v23, v1  }
0xa1: {  	v24 =	vmul.f32 v46, v2  }
0xa2: {  	v26 =	vmul.f32 v48, v4;
	v23 =	vadd.f32 v23, v5  }
0xa3: {  	s19 =	sld [smem:s3+$0xFFFFFFFE];
	p0 =	sne.s32 s23, s6;
	v24 =	vadd.f32 v24, v7  }
0xa4: {  	v17 =	vpsel p0, $0xFF61B1E6, v17;
	s6 =	simm.s32 $0x1;
	v26 =	vadd.f32 v26, v9;
	v49 =	vmul.f32 v23, v10  }
0xa5: {  	v19 =	vpsel p0, $0xFF61B1E6, v19;
	s6 =	simm.s32 @!p0 $0x0;
	v25 =	vmul.f32 v47, v3;
	v50 =	vmul.f32 v24, v11  }
0xa6: {  	v15 =	vpsel p0, $0xFF61B1E6, v15;
	p1 =	seq.s32 s19, s23;
	s6 =	sadd.s32 s6, s7;
	v52 =	vmul.f32 v26, v14;
	v23 =	vmax.f32 v23, v49  }
0xa7: {  	s7 =	sshll.u32 @!p1 s6, $0x6;
	v25 =	vadd.f32 v25, v8;
	v24 =	vmax.f32 v24, v50;
	v17 =	vmax.f32 v17, v23  }
0xa8: {  	v53 =	vmax.f32 v26, v52;
	v22 =	vadd.f32 v23, v22;
	v19 =	vmax.f32 v19, v24;
	[tilespmem:s7+$0xCB60] =	vst @!p1 v17  }
0xa9: {  	v51 =	vmul.f32 v25, v13;
	v21 =	vadd.f32 v24, v21;
	v15 =	vmax.f32 v15, v53;
	[tilespmem:s7+$0xCB70] =	vst @!p1 v19  }
0xaa: {  	v18 =	vadd.f32 v53, v18;
	[tilespmem:s7+$0xCB90] =	vst @!p1 v15;
	v22 =	vpsel p0, v23, v22  }
0xab: {  	v23 =	vmax.f32 v25, v51;
	v21 =	vpsel p0, v24, v21;
	[tilespmem:s7+$0x6720] =	vst @!p1 v22  }
0xac: {  	v16 =	vpsel p0, $0xFF61B1E6, v16;
	s8 =	sadd.f32 $1.000000000e+00, s14;
	v18 =	vpsel p0, v53, v18;
	v20 =	vadd.f32 v23, v20;
	[tilespmem:s7+$0x6730] =	vst @!p1 v21  }
0xad: {  	v16 =	vmax.f32 v16, v23;
	[tilespmem:s7+$0x6750] =	vst @!p1 v18  }
0xae: {  	s8 =	simm.s32 @p0 $0x3F800000;
	[tilespmem:s7+$0xCB80] =	vst @!p1 v16;
	v20 =	vpsel p0, v23, v20  }
0xaf: {  	v23 =	vmov @!p1 s8;
	[tilespmem:s7+$0x6740] =	vst @!p1 v20;
	s7 =	sshll.u32 @!p1 s6, $0x4  }
0xb0: {  	[tilespmem:s7+$0x12FA0] =	vst @!p1 v23;
	v23 =	vmov @!p1 s23  }
0xb1: {  	[tilespmem:s7+$0x148B0] =	vst @!p1 v23  }
0xb2: {  	v23 =	vld [tilespmem:s4+$0xFFFFFF80]  }
0xb3: {  	v54 =	vld [tilespmem:s4+$0xFFFFFF90]  }
0xb4: {  	v56 =	vld [tilespmem:s4+$0xFFFFFFB0];
	_ =	sdelay $0x2  }
0xb5: {  	v55 =	vld [tilespmem:s4+$0xFFFFFFA0];
	v23 =	vmul.f32 v23, v1  }
0xb6: {  	v24 =	vmul.f32 v54, v2  }
0xb7: {  	v26 =	vmul.f32 v56, v4;
	v23 =	vadd.f32 v23, v5  }
0xb8: {  	s21 =	sld [smem:s3+$0xFFFFFFFF];
	p0 =	sne.s32 s19, s23;
	v24 =	vadd.f32 v24, v7  }
0xb9: {  	v17 =	vpsel p0, $0xFF61B1E6, v17;
	s7 =	simm.s32 $0x1;
	v26 =	vadd.f32 v26, v9;
	v57 =	vmul.f32 v23, v10  }
0xba: {  	v19 =	vpsel p0, $0xFF61B1E6, v19;
	s7 =	simm.s32 @!p0 $0x0;
	v25 =	vmul.f32 v55, v3;
	v58 =	vmul.f32 v24, v11  }
0xbb: {  	v15 =	vpsel p0, $0xFF61B1E6, v15;
	p1 =	seq.s32 s21, s19;
	s6 =	sadd.s32 s7, s6;
	v60 =	vmul.f32 v26, v14;
	v23 =	vmax.f32 v23, v57  }
0xbc: {  	s7 =	sshll.u32 @!p1 s6, $0x6;
	v25 =	vadd.f32 v25, v8;
	v24 =	vmax.f32 v24, v58;
	v17 =	vmax.f32 v17, v23  }
0xbd: {  	v61 =	vmax.f32 v26, v60;
	v22 =	vadd.f32 v23, v22;
	v19 =	vmax.f32 v19, v24;
	[tilespmem:s7+$0xCB60] =	vst @!p1 v17  }
0xbe: {  	v59 =	vmul.f32 v25, v13;
	v21 =	vadd.f32 v24, v21;
	v15 =	vmax.f32 v15, v61;
	[tilespmem:s7+$0xCB70] =	vst @!p1 v19  }
0xbf: {  	v18 =	vadd.f32 v61, v18;
	[tilespmem:s7+$0xCB90] =	vst @!p1 v15;
	v22 =	vpsel p0, v23, v22  }
0xc0: {  	v23 =	vmax.f32 v25, v59;
	v21 =	vpsel p0, v24, v21;
	[tilespmem:s7+$0x6720] =	vst @!p1 v22  }
0xc1: {  	s8 =	sadd.f32 $1.000000000e+00, s8;
	v16 =	vpsel p0, $0xFF61B1E6, v16;
	v18 =	vpsel p0, v61, v18;
	v20 =	vadd.f32 v23, v20;
	[tilespmem:s7+$0x6730] =	vst @!p1 v21  }
0xc2: {  	v16 =	vmax.f32 v16, v23;
	[tilespmem:s7+$0x6750] =	vst @!p1 v18  }
0xc3: {  	s8 =	simm.s32 @p0 $0x3F800000;
	[tilespmem:s7+$0xCB80] =	vst @!p1 v16;
	v20 =	vpsel p0, v23, v20  }
0xc4: {  	v23 =	vmov @!p1 s8;
	[tilespmem:s7+$0x6740] =	vst @!p1 v20;
	s7 =	sshll.u32 @!p1 s6, $0x4  }
0xc5: {  	[tilespmem:s7+$0x12FA0] =	vst @!p1 v23;
	v23 =	vmov @!p1 s19  }
0xc6: {  	[tilespmem:s7+$0x148B0] =	vst @!p1 v23  }
0xc7: {  	v23 =	vld [tilespmem:s4+$0xFFFFFFC0]  }
0xc8: {  	v62 =	vld [tilespmem:s4+$0xFFFFFFD0]  }
0xc9: {  	v30 =	vld [tilespmem:s4+$0xFFFFFFF0];
	_ =	sdelay $0x2  }
0xca: {  	v63 =	vld [tilespmem:s4+$0xFFFFFFE0];
	v23 =	vmul.f32 v23, v1  }
0xcb: {  	v24 =	vmul.f32 v62, v2  }
0xcc: {  	v26 =	vmul.f32 v30, v4;
	v23 =	vadd.f32 v23, v5  }
0xcd: {  	s22 =	sld [smem:s3+$0x0];
	p0 =	sne.s32 s21, s19;
	v24 =	vadd.f32 v24, v7  }
0xce: {  	v17 =	vpsel p0, $0xFF61B1E6, v17;
	s7 =	simm.s32 $0x1;
	v26 =	vadd.f32 v26, v9;
	v31 =	vmul.f32 v23, v10  }
0xcf: {  	v19 =	vpsel p0, $0xFF61B1E6, v19;
	s7 =	simm.s32 @!p0 $0x0;
	v25 =	vmul.f32 v63, v3;
	v32 =	vmul.f32 v24, v11  }
0xd0: {  	v15 =	vpsel p0, $0xFF61B1E6, v15;
	p1 =	seq.s32 s22, s21;
	s6 =	sadd.s32 s7, s6;
	v34 =	vmul.f32 v26, v14;
	v23 =	vmax.f32 v23, v31  }
0xd1: {  	s7 =	sshll.u32 @!p1 s6, $0x6;
	v25 =	vadd.f32 v25, v8;
	v24 =	vmax.f32 v24, v32;
	v17 =	vmax.f32 v17, v23  }
0xd2: {  	v35 =	vmax.f32 v26, v34;
	v22 =	vadd.f32 v23, v22;
	v19 =	vmax.f32 v19, v24;
	[tilespmem:s7+$0xCB60] =	vst @!p1 v17  }
0xd3: {  	v33 =	vmul.f32 v25, v13;
	v21 =	vadd.f32 v24, v21;
	v15 =	vmax.f32 v15, v35;
	[tilespmem:s7+$0xCB70] =	vst @!p1 v19  }
0xd4: {  	v18 =	vadd.f32 v35, v18;
	[tilespmem:s7+$0xCB90] =	vst @!p1 v15;
	v22 =	vpsel p0, v23, v22  }
0xd5: {  	v23 =	vmax.f32 v25, v33;
	v21 =	vpsel p0, v24, v21;
	[tilespmem:s7+$0x6720] =	vst @!p1 v22  }
0xd6: {  	s8 =	sadd.f32 $1.000000000e+00, s8;
	v16 =	vpsel p0, $0xFF61B1E6, v16;
	v18 =	vpsel p0, v35, v18;
	v20 =	vadd.f32 v23, v20;
	[tilespmem:s7+$0x6730] =	vst @!p1 v21  }
0xd7: {  	v16 =	vmax.f32 v16, v23;
	[tilespmem:s7+$0x6750] =	vst @!p1 v18  }
0xd8: {  	s8 =	simm.s32 @p0 $0x3F800000;
	[tilespmem:s7+$0xCB80] =	vst @!p1 v16;
	v20 =	vpsel p0, v23, v20  }
0xd9: {  	v23 =	vmov @!p1 s8;
	[tilespmem:s7+$0x6740] =	vst @!p1 v20;
	s7 =	sshll.u32 @!p1 s6, $0x4  }
0xda: {  	[tilespmem:s7+$0x12FA0] =	vst @!p1 v23;
	v23 =	vmov @!p1 s21  }
0xdb: {  	[tilespmem:s7+$0x148B0] =	vst @!p1 v23  }
0xdc: {  	v23 =	vld [tilespmem:s4+$0x0]  }
0xdd: {  	v36 =	vld [tilespmem:s4+$0x10]  }
0xde: {  	v38 =	vld [tilespmem:s4+$0x30];
	_ =	sdelay $0x2  }
0xdf: {  	v37 =	vld [tilespmem:s4+$0x20];
	v23 =	vmul.f32 v23, v1  }
0xe0: {  	v24 =	vmul.f32 v36, v2  }
0xe1: {  	v26 =	vmul.f32 v38, v4;
	v23 =	vadd.f32 v23, v5  }
0xe2: {  	s23 =	sld [smem:s3+$0x1];
	p0 =	sne.s32 s22, s21;
	v24 =	vadd.f32 v24, v7  }
0xe3: {  	v17 =	vpsel p0, $0xFF61B1E6, v17;
	s7 =	simm.s32 $0x1;
	v26 =	vadd.f32 v26, v9;
	v39 =	vmul.f32 v23, v10  }
0xe4: {  	v19 =	vpsel p0, $0xFF61B1E6, v19;
	s7 =	simm.s32 @!p0 $0x0;
	v25 =	vmul.f32 v37, v3;
	v40 =	vmul.f32 v24, v11  }
0xe5: {  	v15 =	vpsel p0, $0xFF61B1E6, v15;
	p1 =	seq.s32 s23, s22;
	s6 =	sadd.s32 s7, s6;
	v42 =	vmul.f32 v26, v14;
	v23 =	vmax.f32 v23, v39  }
0xe6: {  	s7 =	sshll.u32 @!p1 s6, $0x6;
	v25 =	vadd.f32 v25, v8;
	v24 =	vmax.f32 v24, v40;
	v17 =	vmax.f32 v17, v23  }
0xe7: {  	v43 =	vmax.f32 v26, v42;
	v22 =	vadd.f32 v23, v22;
	v19 =	vmax.f32 v19, v24;
	[tilespmem:s7+$0xCB60] =	vst @!p1 v17  }
0xe8: {  	v41 =	vmul.f32 v25, v13;
	v21 =	vadd.f32 v24, v21;
	v15 =	vmax.f32 v15, v43;
	[tilespmem:s7+$0xCB70] =	vst @!p1 v19  }
0xe9: {  	v18 =	vadd.f32 v43, v18;
	[tilespmem:s7+$0xCB90] =	vst @!p1 v15;
	v22 =	vpsel p0, v23, v22  }
0xea: {  	v23 =	vmax.f32 v25, v41;
	v21 =	vpsel p0, v24, v21;
	[tilespmem:s7+$0x6720] =	vst @!p1 v22  }
0xeb: {  	s8 =	sadd.f32 $1.000000000e+00, s8;
	v16 =	vpsel p0, $0xFF61B1E6, v16;
	v18 =	vpsel p0, v43, v18;
	v20 =	vadd.f32 v23, v20;
	[tilespmem:s7+$0x6730] =	vst @!p1 v21  }
0xec: {  	v16 =	vmax.f32 v16, v23;
	[tilespmem:s7+$0x6750] =	vst @!p1 v18  }
0xed: {  	s8 =	simm.s32 @p0 $0x3F800000;
	[tilespmem:s7+$0xCB80] =	vst @!p1 v16;
	v20 =	vpsel p0, v23, v20  }
0xee: {  	v23 =	vmov @!p1 s8;
	[tilespmem:s7+$0x6740] =	vst @!p1 v20;
	s7 =	sshll.u32 @!p1 s6, $0x4  }
0xef: {  	[tilespmem:s7+$0x12FA0] =	vst @!p1 v23;
	v23 =	vmov @!p1 s22  }
0xf0: {  	[tilespmem:s7+$0x148B0] =	vst @!p1 v23  }
0xf1: {  	v23 =	vld [tilespmem:s4+$0x40]  }
0xf2: {  	v44 =	vld [tilespmem:s4+$0x50]  }
0xf3: {  	v46 =	vld [tilespmem:s4+$0x70];
	_ =	sdelay $0x2  }
0xf4: {  	v45 =	vld [tilespmem:s4+$0x60];
	v23 =	vmul.f32 v23, v1  }
0xf5: {  	v24 =	vmul.f32 v44, v2  }
0xf6: {  	v26 =	vmul.f32 v46, v4;
	v23 =	vadd.f32 v23, v5  }
0xf7: {  	s21 =	sld [smem:s3+$0x2];
	p0 =	sne.s32 s23, s22;
	v24 =	vadd.f32 v24, v7  }
0xf8: {  	v17 =	vpsel p0, $0xFF61B1E6, v17;
	s7 =	simm.s32 $0x1;
	v26 =	vadd.f32 v26, v9;
	v47 =	vmul.f32 v23, v10  }
0xf9: {  	v19 =	vpsel p0, $0xFF61B1E6, v19;
	s7 =	simm.s32 @!p0 $0x0;
	v25 =	vmul.f32 v45, v3;
	v48 =	vmul.f32 v24, v11  }
0xfa: {  	v15 =	vpsel p0, $0xFF61B1E6, v15;
	p1 =	seq.s32 s21, s23;
	s6 =	sadd.s32 s7, s6;
	v50 =	vmul.f32 v26, v14;
	v23 =	vmax.f32 v23, v47  }
0xfb: {  	s7 =	sshll.u32 @!p1 s6, $0x6;
	v25 =	vadd.f32 v25, v8;
	v24 =	vmax.f32 v24, v48;
	v17 =	vmax.f32 v17, v23  }
0xfc: {  	v51 =	vmax.f32 v26, v50;
	v22 =	vadd.f32 v23, v22;
	v19 =	vmax.f32 v19, v24;
	[tilespmem:s7+$0xCB60] =	vst @!p1 v17  }
0xfd: {  	v49 =	vmul.f32 v25, v13;
	v21 =	vadd.f32 v24, v21;
	v15 =	vmax.f32 v15, v51;
	[tilespmem:s7+$0xCB70] =	vst @!p1 v19  }
0xfe: {  	v18 =	vadd.f32 v51, v18;
	[tilespmem:s7+$0xCB90] =	vst @!p1 v15;
	v22 =	vpsel p0, v23, v22  }
0xff: {  	v23 =	vmax.f32 v25, v49;
	v21 =	vpsel p0, v24, v21;
	[tilespmem:s7+$0x6720] =	vst @!p1 v22  }
0x100: {  	s8 =	sadd.f32 $1.000000000e+00, s8;
	v16 =	vpsel p0, $0xFF61B1E6, v16;
	v18 =	vpsel p0, v51, v18;
	v20 =	vadd.f32 v23, v20;
	[tilespmem:s7+$0x6730] =	vst @!p1 v21  }
0x101: {  	v16 =	vmax.f32 v16, v23;
	[tilespmem:s7+$0x6750] =	vst @!p1 v18  }
0x102: {  	s8 =	simm.s32 @p0 $0x3F800000;
	[tilespmem:s7+$0xCB80] =	vst @!p1 v16;
	v20 =	vpsel p0, v23, v20  }
0x103: {  	v23 =	vmov @!p1 s8;
	[tilespmem:s7+$0x6740] =	vst @!p1 v20;
	s7 =	sshll.u32 @!p1 s6, $0x4  }
0x104: {  	[tilespmem:s7+$0x12FA0] =	vst @!p1 v23;
	v23 =	vmov @!p1 s23  }
0x105: {  	[tilespmem:s7+$0x148B0] =	vst @!p1 v23  }
0x106: {  	v23 =	vld [tilespmem:s4+$0x80]  }
0x107: {  	v52 =	vld [tilespmem:s4+$0x90]  }
0x108: {  	v54 =	vld [tilespmem:s4+$0xB0];
	_ =	sdelay $0x2  }
0x109: {  	v53 =	vld [tilespmem:s4+$0xA0];
	v23 =	vmul.f32 v23, v1  }
0x10a: {  	v24 =	vmul.f32 v52, v2  }
0x10b: {  	v26 =	vmul.f32 v54, v4;
	v23 =	vadd.f32 v23, v5  }
0x10c: {  	s19 =	sld [smem:s3+$0x3];
	p0 =	sne.s32 s21, s23;
	v24 =	vadd.f32 v24, v7  }
0x10d: {  	v17 =	vpsel p0, $0xFF61B1E6, v17;
	s7 =	simm.s32 $0x1;
	v26 =	vadd.f32 v26, v9;
	v55 =	vmul.f32 v23, v10  }
0x10e: {  	v19 =	vpsel p0, $0xFF61B1E6, v19;
	s7 =	simm.s32 @!p0 $0x0;
	v25 =	vmul.f32 v53, v3;
	v56 =	vmul.f32 v24, v11  }
0x10f: {  	v15 =	vpsel p0, $0xFF61B1E6, v15;
	p1 =	seq.s32 s19, s21;
	s6 =	sadd.s32 s7, s6;
	v58 =	vmul.f32 v26, v14;
	v23 =	vmax.f32 v23, v55  }
0x110: {  	s7 =	sshll.u32 @!p1 s6, $0x6;
	v25 =	vadd.f32 v25, v8;
	v24 =	vmax.f32 v24, v56;
	v17 =	vmax.f32 v17, v23  }
0x111: {  	v59 =	vmax.f32 v26, v58;
	v22 =	vadd.f32 v23, v22;
	v19 =	vmax.f32 v19, v24;
	[tilespmem:s7+$0xCB60] =	vst @!p1 v17  }
0x112: {  	v57 =	vmul.f32 v25, v13;
	v21 =	vadd.f32 v24, v21;
	v15 =	vmax.f32 v15, v59;
	[tilespmem:s7+$0xCB70] =	vst @!p1 v19  }
0x113: {  	v18 =	vadd.f32 v59, v18;
	[tilespmem:s7+$0xCB90] =	vst @!p1 v15;
	v22 =	vpsel p0, v23, v22  }
0x114: {  	v23 =	vmax.f32 v25, v57;
	v21 =	vpsel p0, v24, v21;
	[tilespmem:s7+$0x6720] =	vst @!p1 v22  }
0x115: {  	s8 =	sadd.f32 $1.000000000e+00, s8;
	v16 =	vpsel p0, $0xFF61B1E6, v16;
	v18 =	vpsel p0, v59, v18;
	v20 =	vadd.f32 v23, v20;
	[tilespmem:s7+$0x6730] =	vst @!p1 v21  }
0x116: {  	v16 =	vmax.f32 v16, v23;
	[tilespmem:s7+$0x6750] =	vst @!p1 v18  }
0x117: {  	s8 =	simm.s32 @p0 $0x3F800000;
	[tilespmem:s7+$0xCB80] =	vst @!p1 v16;
	v20 =	vpsel p0, v23, v20  }
0x118: {  	v23 =	vmov @!p1 s8;
	[tilespmem:s7+$0x6740] =	vst @!p1 v20;
	s7 =	sshll.u32 @!p1 s6, $0x4  }
0x119: {  	[tilespmem:s7+$0x12FA0] =	vst @!p1 v23;
	v23 =	vmov @!p1 s21  }
0x11a: {  	[tilespmem:s7+$0x148B0] =	vst @!p1 v23  }
0x11b: {  	v23 =	vld [tilespmem:s4+$0xC0]  }
0x11c: {  	v60 =	vld [tilespmem:s4+$0xD0]  }
0x11d: {  	v61 =	vld [tilespmem:s4+$0xE0]  }
0x11e: {  	v62 =	vld [tilespmem:s4+$0xF0];
	_ =	sdelay $0x2  }
0x11f: {  	v23 =	vmul.f32 v23, v1  }
0x120: {  	v24 =	vmul.f32 v60, v2;
	v25 =	vmul.f32 v61, v3  }
0x121: {  	v26 =	vmul.f32 v62, v4;
	v23 =	vadd.f32 v23, v5  }
0x122: {  	v24 =	vadd.f32 v24, v7;
	v25 =	vadd.f32 v25, v8  }
0x123: {  	v26 =	vadd.f32 v26, v9;
	v63 =	vmul.f32 v23, v10  }
0x124: {  	p0 =	sne.s32 s19, s21;
	v28 =	vmul.f32 v24, v11;
	v29 =	vmul.f32 v25, v13  }
0x125: {  	v17 =	vpsel p0, $0xFF61B1E6, v17;
	v30 =	vmul.f32 v26, v14  }
0x126: {  	v23 =	vmax.f32 v23, v63;
	v24 =	vmax.f32 v24, v28;
	v25 =	vmax.f32 v25, v29  }
0x127: {  	v26 =	vmax.f32 v26, v30;
	v22 =	vadd.f32 v23, v22;
	v21 =	vadd.f32 v24, v21  }
0x128: {  	v19 =	vpsel p0, $0xFF61B1E6, v19;
	s21 =	sadd.f32 $1.000000000e+00, s8;
	v20 =	vadd.f32 v25, v20;
	v18 =	vadd.f32 v26, v18  }
0x129: {  	s0 =	sadd.s32 $0x8, s0;
	v16 =	vpsel p0, $0xFF61B1E6, v16;
	v15 =	vpsel p0, $0xFF61B1E6, v15;
	s7 =	simm.s32 $0x1;
	v22 =	vpsel p0, v23, v22  }
0x12a: {  	s7 =	simm.s32 @!p0 $0x0;
	s21 =	simm.s32 @p0 $0x3F800000;
	v21 =	vpsel p0, v24, v21;
	v20 =	vpsel p0, v25, v20;
	v18 =	vpsel p0, v26, v18;
	p0 =	slt.u32 s0, $0x188  }
.Ltmp4:
0x12b: {  	_ = 	snop;
	(pc) =	sbr.rel @p0 .LBB2_3-.Ltmp4, $3  }
0x12c: {  	_ =	sdelay $0x1  }
0x12d: {  	v17 =	vmax.f32 v17, v23  }
0x12e: {  	s3 =	sadd.s32 $0x8, s3;
	s4 =	sadd.s32 $0x200, s4;
	s22 =	sadd.s32 s7, s6;
	v19 =	vmax.f32 v19, v24;
	v16 =	vmax.f32 v16, v25;
	v15 =	vmax.f32 v15, v26  }
0x12f: {  	p1 =	sne.s32 s30, $0x0;
	p0 =	sgt.s32 s22, $0x0  }
0x130: {  	p1 =	por !p1, !p0  }
0x131: {  	p1 =	por !p1, !p1  }
0x132: {  	v23 =	vld @p1 [tilespmem:$0x6720]  }
0x133: {  	v24 =	vld @p1 [tilespmem:$0x6730]  }
0x134: {  	v25 =	vld @p1 [tilespmem:$0x6740]  }
0x135: {  	v26 =	vld @p1 [tilespmem:$0x6750]  }
0x136: {  	v27 =	vld @p1 [tilespmem:$0xCB60]  }
0x137: {  	v28 =	vld @p1 [tilespmem:$0xCB70];
	[tilespmem:$0x16290] =	vst @p1 v23  }
0x138: {  	v29 =	vld @p1 [tilespmem:$0xCB80];
	[tilespmem:$0x162A0] =	vst @p1 v24  }
0x139: {  	v23 =	vld @p1 [tilespmem:$0xCB90];
	[tilespmem:$0x162B0] =	vst @p1 v25  }
0x13a: {  	s0 =	simm.s32 @p1 $0x0;
	s3 =	simm.s32 @p1 $0x16290;
	s4 =	simm.s32 @p1 $0x2;
	v24 =	vld @p1 [tilespmem:$0x12FA0];
	[tilespmem:$0x162C0] =	vst @p1 v26  }
0x13b: {  	v25 =	vld @p1 [tilespmem:$0x148B0];
	[hbm4b:s11+s0] =	stream.linear.scatter @p1 [tilespmem:s3], [sflag:$0x2], $0x40, $0x38;
	[tilespmem:$0x162D0] =	vst v63  }
0x13c: {  	_ =	swait.ge @p1 [sflag:s4], $0x40  }
0x13d: {  	[sflag:s4] =	ssyncset.done @p1 $0x0  }
0x13e: {  	[sflag:s4] =	ssyncadd.s32 @p1 $0xFFFFFFC0  }
0x13f: {  	[tilespmem:$0x16290] =	vst @p1 v27  }
0x140: {  	[tilespmem:$0x162A0] =	vst @p1 v28  }
0x141: {  	[tilespmem:$0x162B0] =	vst @p1 v29  }
0x142: {  	[tilespmem:$0x162C0] =	vst @p1 v23  }
0x143: {  	[hbm4b:s12+s0] =	stream.linear.scatter @p1 [tilespmem:s3], [sflag:$0x2], $0x40, $0x38;
	[tilespmem:$0x162D0] =	vst v63  }
0x144: {  	_ =	swait.ge @p1 [sflag:s4], $0x40  }
0x145: {  	[sflag:s4] =	ssyncset.done @p1 $0x0  }
0x146: {  	v23 =	vcvt.s32.f32 @p1 v25;
	[sflag:s4] =	ssyncadd.s32 @p1 $0xFFFFFFC0  }
0x147: {  	[tilespmem:$0x16290] =	vst @p1 v24  }
0x148: {  	[tilespmem:$0x162A0] =	vst @p1 v23;
	v23 =	vimm.f32 @p1 $0.0e+00  }
0x149: {  	[tilespmem:$0x162B0] =	vst @p1 v23  }
0x14a: {  	[tilespmem:$0x162C0] =	vst @p1 v23  }
0x14b: {  	[hbm4b:s13+s0] =	stream.linear.scatter @p1 [tilespmem:s3], [sflag:$0x2], $0x40, $0x38;
	[tilespmem:$0x162D0] =	vst v63  }
0x14c: {  	s0 =	simm.s32 $0x1  }
0x14d: {  	s0 =	simm.s32 @!p1 $0x0  }
0x14e: {  	p2 =	sle.s32 s22, s0  }
.Ltmp5:
0x14f: {  	_ = 	snop;
	(pc) =	sbr.rel @p2 .LBB2_10-.Ltmp5, $4  }
0x150: {  	_ = 	snop  }
0x151: {  	_ =	swait.ge @p1 [sflag:s4], $0x40  }
0x152: {  	[sflag:s4] =	ssyncset.done @p1 $0x0  }
0x153: {  	[sflag:s4] =	ssyncadd.s32 @p1 $0xFFFFFFC0  }
0x154: {  	s7 =	sshll.u32 s0, $0x6;
	s14 =	simm.s32 $0x1  }
0x155: {  	s4 =	sshrl.u32 s7, $0x2;
	s6 =	sor.u32 $0x6720, s7;
	s23 =	sor.u32 $0xCB80, s7  }
0x156: {  	s7 =	simm.s32 $0xFFFFFFFF;
	s3 =	sadd.s32 $0x148B0, s4;
	s4 =	sor.u32 $0x12FA0, s4  }
.LBB2_6:
0x157: {  	v23 =	vld [tilespmem:s4+$0x0];
	_ =	sdelay $0x4  }
0x158: {  	v23 =	vmax.f32 v23, $1.000000000e+00  }
0x159: {  	(erf) = vrcp.f32 v23;
	_ =	sdelay $0x5  }
0x15a: {  	v24 =	vld [tilespmem:s6+$0x0]  }
0x15b: {  	v23 =	vld [tilespmem:s23+$0xFFFFFFE0];
	_ =	sdelay $0x1  }
0x15c: {  	v25 =	vpop (erf)  }
0x15d: {  	v25 =	vmul.f32 v25, v12;
	_ =	sdelay $0x1  }
0x15e: {  	v23 =	vmul.f32 v23, v6;
	v24 =	vmul.f32 v25, v24;
	_ =	sdelay $0x1  }
0x15f: {  	v23 =	vadd.f32 v24, v23;
	_ =	sdelay $0x1  }
0x160: {  	v61 =	vld [tilespmem:s6+$0x10];
	[tilespmem:s6+$0x0] =	vst v23  }
0x161: {  	v23 =	vld [tilespmem:s23+$0xFFFFFFF0];
	_ =	sdelay $0x4  }
0x162: {  	v24 =	vmul.f32 v61, v25;
	v23 =	vmul.f32 v23, v6;
	_ =	sdelay $0x1  }
0x163: {  	v23 =	vadd.f32 v24, v23;
	_ =	sdelay $0x1  }
0x164: {  	v62 =	vld [tilespmem:s6+$0x20];
	[tilespmem:s6+$0x10] =	vst v23  }
0x165: {  	v23 =	vld [tilespmem:s23+$0x0];
	_ =	sdelay $0x4  }
0x166: {  	v24 =	vmul.f32 v62, v25;
	v23 =	vmul.f32 v23, v6;
	_ =	sdelay $0x1  }
0x167: {  	v23 =	vadd.f32 v24, v23;
	_ =	sdelay $0x1  }
0x168: {  	v63 =	vld [tilespmem:s6+$0x30];
	[tilespmem:s6+$0x20] =	vst v23  }
0x169: {  	v23 =	vld [tilespmem:s23+$0x10];
	_ =	sdelay $0x4  }
0x16a: {  	v24 =	vmul.f32 v63, v25;
	v23 =	vmul.f32 v23, v6;
	_ =	sdelay $0x1  }
0x16b: {  	v23 =	vadd.f32 v24, v23;
	_ =	sdelay $0x1  }
0x16c: {  	[tilespmem:s6+$0x30] =	vst v23  }
0x16d: {  	v23 =	vld [tilespmem:s3+$0x0];
	_ =	sdelay $0x4  }
0x16e: {  	(v2sf) =	vpush v23, $0x0;
	_ =	sdelay $0xb  }
0x16f: {  	s7 =	sadd.s32 $0x1, s7  }
0x170: {  	s16 =	sadd.s32 s7, s0  }
0x171: {  	s16 =	sadd.s32 $0x1, s16  }
0x172: {  	p1 =	slt.s32 s16, s22;
	s8 =	spop (v2sf)  }
.Ltmp6:
0x173: {  	s8 =	sshll.u32 s8, $0x3;
	(pc) =	sbr.rel @p1 .LBB2_6-.Ltmp6, $4  }
0x174: {  	s4 =	sadd.s32 $0x10, s4;
	s8 =	sand.u32 $0x1FFFFFF8, s8  }
0x175: {  	s23 =	sadd.s32 $0x40, s23;
	s3 =	sadd.s32 $0x10, s3;
	s8 =	sadd.s32 s9, s8  }
0x176: {  	[hbm4b:s8+s5] =	stream.linear.scatter [tilespmem:s6], [sflag:$0x1], $0x40, $0x38;
	[tilespmem:$0x162D0] =	vst v63  }
0x177: {  	s8 =	smov.u32 s14;
	s6 =	sadd.s32 $0x40, s6;
	s14 =	sadd.s32 $0x1, s14  }
0x178: {  	p1 =	sne.s32 s8, $0x1  }
.Ltmp7:
0x179: {  	_ = 	snop;
	(pc) =	sbr.rel @!p1 .LBB2_9-.Ltmp7, $3  }
0x17a: {  	_ =	sdelay $0x1  }
0x17b: {  	_ =	swait.ge [sflag:s26], $0x40  }
0x17c: {  	s0 =	sadd.s32 $0xFFFFFFFF, s8;
	[sflag:s26] =	ssyncset.done $0x0  }
.LBB2_8:
0x17d: {  	p1 =	sne.s32 s0, $0x1;
	s0 =	sadd.s32 $0xFFFFFFFF, s0;
	[sflag:s26] =	ssyncadd.s32 $0xFFFFFFC0  }
.Ltmp8:
0x17e: {  	(pc) =	sbr.rel @p1 .LBB2_8-.Ltmp8, $3  }
0x17f: {  	_ =	sdelay $0x1  }
0x180: {  	_ =	swait.ge [sflag:s26], $0x40  }
0x181: {  	[sflag:s26] =	ssyncset.done $0x0  }
.Ltmp9:
0x182: {  	_ = 	snop;
	(pc) =	sbr.rel .LBB2_9-.Ltmp9, $1  }
0x183: {  	_ =	sdelay $0x3  }
.LBB2_12:
0x184: {  	_ =	sfence.sel $0x180000  }
0x185: {  	[bflag:$0x0] =	sbarrier.arrive $0xFFFF  }
0x186: {  	_ =	strace $0x90000047  }
0x187: {  	s0 =	stileid.u32;
	[bflag:$0x2] =	sbarrier.arrive $0xFFFF  }
0x188: {  	p0 =	sne.s32 s0, $0x0;
	s0 =	rddreg [dreg:$0x5]  }
0x189: {  	s0 =	sadd.s32 @!p0 $0x100000, s0  }
0x18a: {  	[sflag:s0] =	ssyncadd.tile.s32 @!p0 $0x1;
	_ =	shalt  }
.Lfunc_end2:
_tile_overlayer_lowered:
.L_overlay_start_2:
0x18b: {  	(tag) =	ssettag $0x2  }
0x18c: {  	s0 =	rddreg [dreg:$0x0];
	s2 =	stileid.u32  }
0x18d: {  	s1 =	rddreg [dreg:$0x1];
	p0 =	sne.s32 s2, $0x0  }
0x18e: {  	s3 =	rddreg [dreg:$0x2];
	[bflag:$0x3] =	sbarrier.arrive $0xFFFF;
	s2 =	simm.s32 @!p0 $0x1C02  }
0x18f: {  	[timem:s3], [sflag:s2] =	dma.local @!p0 [hbm:s0], s1  }
0x190: {  	s0 =	simm.s32 @!p0 $0x2  }
0x191: {  	_ =	swait.ge @!p0 [sflag:s0], s1  }
0x192: {  	s1 =	ssub.s32 @!p0 $0x0, s1;
	[sflag:s0] =	ssyncset.done @!p0 $0x0  }
0x193: {  	[sflag:s0] =	ssyncadd.s32 @!p0 s1  }
0x194: {  	[bflag:$0x3] =	sbarrier.arrive $0xFFFF  }
0x195: {  	_ =	shalt  }

</sc_bundles>
